<compile_context>
chip_gen: v7x
topology: tpu7x:2x2x1
jax: 0.10.2.dev20260603
libtpu: 0.0.44.dev20260713+nightly
codegen_flags: <defaults>
</compile_context>

<pallas_src>
import functools

import jax
import jax.numpy as jnp
from jax import lax
from jax.experimental import pallas as pl
from jax.experimental.pallas import tpu as pltpu
from jax.experimental.pallas import tpu_sc as plsc

N_USERS = 5000
N_MOVIES = 5000
N = N_USERS + N_MOVIES
E = 160000
D = 128
B = 16384

NC = 2
NS = 16
NW = NC * NS
CHUNK = 128
NCHUNKS = E // CHUNK
NPW = 40
E_PAD = NW * NPW * CHUNK
NPAD = 10240
ROWS_PT = NPAD // NS
QCHUNK = 128
B2 = B // 2
QPER_W = B2 // NW
DEGW = D


@functools.lru_cache(maxsize=None)
def _mesh():
    return plsc.VectorSubcoreMesh(core_axis_name="c", subcore_axis_name="s",
                                  num_cores=NC, num_subcores=NS)


def _zero_acc(zrows_hbm, rows, acc, r0):
    pltpu.sync_copy(zrows_hbm, rows)
    for j in range(ROWS_PT // CHUNK):
        pltpu.sync_copy(rows, acc.at[pl.ds(r0 + j * CHUNK, CHUNK), :])


def _copy_out(acc, rows, out_hbm, cid, r0):
    for j in range(ROWS_PT // CHUNK):
        rr = r0 + j * CHUNK
        pltpu.sync_copy(acc.at[pl.ds(rr, CHUNK), :], rows)
        pltpu.sync_copy(rows, out_hbm.at[cid, pl.ds(rr, CHUNK), :])


def _sc_agg_body(src_hbm, dst_hbm, h_hbm, zrows_hbm,
                 agg_hbm,
                 sidx, didx, rows_a, rows_b, acc, sem_a, sem_b):
    cid = lax.axis_index("c")
    sid = lax.axis_index("s")
    wid = sid * NC + cid
    r0 = sid * ROWS_PT

    _zero_acc(zrows_hbm, rows_a, acc, r0)

    pltpu.sync_copy(src_hbm.at[pl.ds(wid * NPW, NPW), :], sidx)
    pltpu.sync_copy(dst_hbm.at[pl.ds(wid * NPW, NPW), :], didx)
    plsc.subcore_barrier()

    def start(i, rows, sem):
        return pltpu.async_copy(h_hbm.at[sidx.at[i]], rows, sem)

    def drain(i, rows):
        pltpu.sync_copy(rows, acc.at[didx.at[i]], add=True)

    start(0, rows_a, sem_a)

    def body(j, carry):
        start(2 * j + 1, rows_b, sem_b)
        pltpu.make_async_copy(h_hbm.at[sidx.at[2 * j]], rows_a, sem_a).wait()
        drain(2 * j, rows_a)

        @pl.when(j < NPW // 2 - 1)
        def _():
            start(2 * j + 2, rows_a, sem_a)

        pltpu.make_async_copy(h_hbm.at[sidx.at[2 * j + 1]], rows_b,
                              sem_b).wait()
        drain(2 * j + 1, rows_b)
        return carry

    lax.fori_loop(0, NPW // 2, body, 0)
    plsc.subcore_barrier()
    _copy_out(acc, rows_a, agg_hbm, cid, r0)


@functools.lru_cache(maxsize=None)
def _make_sc_agg():
    return pl.kernel(
        _sc_agg_body,
        out_type=jax.ShapeDtypeStruct((NC, NPAD, D), jnp.float32),
        mesh=_mesh(),
        scratch_types=(
            pltpu.VMEM((NPW, CHUNK), jnp.int32),
            pltpu.VMEM((NPW, CHUNK), jnp.int32),
            pltpu.VMEM((CHUNK, D), jnp.float32),
            pltpu.VMEM((CHUNK, D), jnp.float32),
            pltpu.VMEM_SHARED((NPAD, D), jnp.float32),
            pltpu.SemaphoreType.DMA,
            pltpu.SemaphoreType.DMA,
        ),
        name="sc_agg",
    )


def _sc_agg(*args):
    return _make_sc_agg()(*args)


def _sc_deg_body(dst_hbm, zrows_hbm, ones_hbm,
                 deg_hbm,
                 didx, rows, ones_v, dacc):
    cid = lax.axis_index("c")
    sid = lax.axis_index("s")
    wid = sid * NC + cid
    r0 = sid * ROWS_PT

    _zero_acc(zrows_hbm, rows, dacc, r0)
    pltpu.sync_copy(ones_hbm, ones_v)
    pltpu.sync_copy(dst_hbm.at[pl.ds(wid * NPW, NPW), :], didx)
    plsc.subcore_barrier()

    def body(i, carry):
        pltpu.sync_copy(ones_v, dacc.at[didx.at[i]], add=True)
        return carry

    lax.fori_loop(0, NPW, body, 0)
    plsc.subcore_barrier()
    _copy_out(dacc, rows, deg_hbm, cid, r0)


@functools.lru_cache(maxsize=None)
def _make_sc_deg():
    return pl.kernel(
        _sc_deg_body,
        out_type=jax.ShapeDtypeStruct((NC, NPAD, DEGW), jnp.float32),
        mesh=_mesh(),
        scratch_types=(
            pltpu.VMEM((NPW, CHUNK), jnp.int32),
            pltpu.VMEM((CHUNK, DEGW), jnp.float32),
            pltpu.VMEM((CHUNK, DEGW), jnp.float32),
            pltpu.VMEM_SHARED((NPAD, DEGW), jnp.float32),
        ),
        name="sc_deg",
    )


def _sc_deg(*args):
    return _make_sc_deg()(*args)


def _sc_qgather_body(uidx_hbm, midx_hbm, h_hbm, u_hbm, m_hbm,
                     idx_v, rows, sem):
    cid = lax.axis_index("c")
    sid = lax.axis_index("s")
    wid = sid * NC + cid
    base = wid * QPER_W
    for side_hbm, out_hbm in ((uidx_hbm, u_hbm), (midx_hbm, m_hbm)):
        for j in range(QPER_W // QCHUNK):
            off = base + j * QCHUNK
            pltpu.sync_copy(side_hbm.at[pl.ds(off, QCHUNK)], idx_v)
            pltpu.async_copy(h_hbm.at[idx_v], rows, sem).wait()
            pltpu.sync_copy(rows, out_hbm.at[pl.ds(off, QCHUNK), :])


@functools.lru_cache(maxsize=None)
def _make_sc_qgather():
    return pl.kernel(
        _sc_qgather_body,
        out_type=(jax.ShapeDtypeStruct((B2, D), jnp.float32),
                  jax.ShapeDtypeStruct((B2, D), jnp.float32)),
        mesh=_mesh(),
        scratch_types=(
            pltpu.VMEM((QCHUNK,), jnp.int32),
            pltpu.VMEM((QCHUNK, D), jnp.float32),
            pltpu.SemaphoreType.DMA,
        ),
        name="sc_qgather",
    )


def _sc_qgather(*args):
    return _make_sc_qgather()(*args)


def _bn_body(ut_ref, mt_ref, g_ref, be_ref, out_ref):
    g = g_ref[...]
    be = be_ref[...]
    for ref, off in ((ut_ref, 0), (mt_ref, N_USERS)):
        x = ref[...]
        mu = jnp.mean(x, axis=0, keepdims=True)
        xc = x - mu
        var = jnp.mean(xc * xc, axis=0, keepdims=True)
        y = g * xc * lax.rsqrt(var + 1e-5) + be
        out_ref[off:off + N_USERS, :] = y


def _bn(ut, mt, g, be):
    return pl.pallas_call(
        _bn_body,
        out_shape=jax.ShapeDtypeStruct((N, D), jnp.float32),
    )(ut, mt, g.reshape(1, D), be.reshape(1, D))


LR = 2000


def _layer_body(h_ref, ag_ref, dg_ref, h0_ref, ws_ref, wn_ref, b_ref, out_ref):
    deg = dg_ref[0, :, 0:1] + dg_ref[1, :, 0:1]
    scale = 1.0 / jnp.maximum(deg, 1.0)
    hn = (ag_ref[0] + ag_ref[1]) * scale
    acc = lax.dot_general(h_ref[...], ws_ref[...],
                          (((1,), (1,)), ((), ())),
                          preferred_element_type=jnp.float32)
    acc = acc + lax.dot_general(hn, wn_ref[...],
                                (((1,), (1,)), ((), ())),
                                preferred_element_type=jnp.float32)
    out = jnp.maximum(acc + b_ref[...], 0.0)
    out_ref[...] = jnp.maximum(out + h0_ref[...], 0.0)


def _layer(h, agg, deg, h0, ws, wn, b):
    grid = (N // LR,)
    return pl.pallas_call(
        _layer_body,
        grid=grid,
        in_specs=[
            pl.BlockSpec((LR, D), lambda i: (i, 0)),
            pl.BlockSpec((NC, LR, D), lambda i: (0, i, 0)),
            pl.BlockSpec((NC, LR, DEGW), lambda i: (0, i, 0)),
            pl.BlockSpec((LR, D), lambda i: (i, 0)),
            pl.BlockSpec((D, D), lambda i: (0, 0)),
            pl.BlockSpec((D, D), lambda i: (0, 0)),
            pl.BlockSpec((1, D), lambda i: (0, 0)),
        ],
        out_specs=pl.BlockSpec((LR, D), lambda i: (i, 0)),
        out_shape=jax.ShapeDtypeStruct((N, D), jnp.float32),
    )(h, agg, deg, h0, ws, wn, b.reshape(1, D))


MR = 2048


def _mlp_body(u_ref, m_ref, w1_ref, b1_ref, w2_ref, b2_ref, w3_ref, b3_ref,
              out_ref):
    w1 = w1_ref[...]
    z1 = lax.dot_general(u_ref[...], w1[:, 0:D],
                         (((1,), (1,)), ((), ())),
                         preferred_element_type=jnp.float32)
    z1 = z1 + lax.dot_general(m_ref[...], w1[:, D:2 * D],
                              (((1,), (1,)), ((), ())),
                              preferred_element_type=jnp.float32)
    z1 = jnp.maximum(z1 + b1_ref[...], 0.0)
    z2 = lax.dot_general(z1, w2_ref[...],
                         (((1,), (1,)), ((), ())),
                         preferred_element_type=jnp.float32)
    z2 = jnp.maximum(z2 + b2_ref[...], 0.0)
    pred = jnp.sum(z2 * w3_ref[...], axis=1) + b3_ref[0, 0]
    out_ref[...] = pred


def _mlp(u, m, w1, b1, w2, b2, w3, b3):
    grid = (B2 // MR,)
    return pl.pallas_call(
        _mlp_body,
        grid=grid,
        in_specs=[
            pl.BlockSpec((MR, D), lambda i: (i, 0)),
            pl.BlockSpec((MR, D), lambda i: (i, 0)),
            pl.BlockSpec((D, 2 * D), lambda i: (0, 0)),
            pl.BlockSpec((1, D), lambda i: (0, 0)),
            pl.BlockSpec((D // 2, D), lambda i: (0, 0)),
            pl.BlockSpec((1, D // 2), lambda i: (0, 0)),
            pl.BlockSpec((1, D // 2), lambda i: (0, 0)),
            pl.BlockSpec((1, 1), lambda i: (0, 0)),
        ],
        out_specs=pl.BlockSpec((MR,), lambda i: (i,)),
        out_shape=jax.ShapeDtypeStruct((B2,), jnp.float32),
    )(u, m, w1, b1.reshape(1, D), w2, b2.reshape(1, D // 2), w3,
      b3.reshape(1, 1))


def kernel(edge_index, user_indices, movie_indices, user_table, movie_table,
           bn_gamma, bn_beta, Wself0, Wneigh0, b0, Wself1, Wneigh1, b1,
           Wself2, Wneigh2, b2, Wp1, bp1, Wp2, bp2, Wp3, bp3):
    src = edge_index[0].astype(jnp.int32)
    dst = edge_index[1].astype(jnp.int32)
    uidx = user_indices.astype(jnp.int32)
    midx = (movie_indices + N_USERS).astype(jnp.int32)

    src2 = jnp.concatenate(
        [src, jnp.arange(E_PAD - E, dtype=jnp.int32) % N]
    ).reshape(-1, CHUNK)
    dst2 = jnp.concatenate(
        [dst, N + jnp.arange(E_PAD - E, dtype=jnp.int32) % (NPAD - N)]
    ).reshape(-1, CHUNK)

    zrows = jnp.zeros((CHUNK, D), jnp.float32)

    h0 = _bn(user_table, movie_table, bn_gamma, bn_beta)

    zdeg = jnp.zeros((CHUNK, DEGW), jnp.float32)
    onesdeg = jnp.ones((CHUNK, DEGW), jnp.float32)
    deg = _sc_deg(dst2, zdeg, onesdeg)
    agg = _sc_agg(src2, dst2, h0, zrows)
    h = _layer(h0, agg, deg, h0, Wself0, Wneigh0, b0)
    for ws, wn, bb in ((Wself1, Wneigh1, b1), (Wself2, Wneigh2, b2)):
        agg = _sc_agg(src2, dst2, h, zrows)
        h = _layer(h, agg, deg, h0, ws, wn, bb)

    preds = []
    for k in range(2):
        u, m = _sc_qgather(uidx[k * B2:(k + 1) * B2],
                           midx[k * B2:(k + 1) * B2], h)
        preds.append(_mlp(u, m, Wp1, bp1, Wp2, bp2, Wp3, bp3))
    return jnp.concatenate(preds)

# --- scband reference (transcript-rebuilt; emitter-appended) ---
"""Pipeline reference for scband-gnnrecommender-50525995270870 (READ-ONLY COPY).

The authoritative reference and input builder live on the scoring server;
editing this copy changes nothing except your own understanding.
"""

import jax, jax.numpy as jnp
import numpy as np

N_USERS = 5000
N_MOVIES = 5000
N = N_USERS + N_MOVIES
E = 160000
D = 128
B = 16384


def _xavier(key, shape):
    fan_in, fan_out = shape[1], shape[0]
    limit = float(np.sqrt(6.0 / (fan_in + fan_out)))
    return jax.random.uniform(key, shape, jnp.float32, -limit, limit)


def setup_inputs(seed: int = 0):
    key = jax.random.key(seed)
    ks = jax.random.split(key, 24)
    inp = {}
    inp['edge_index'] = jax.random.randint(ks[0], (2, E), 0, N)
    inp['user_indices'] = jax.random.randint(ks[1], (B,), 0, N_USERS)
    inp['movie_indices'] = jax.random.randint(ks[2], (B,), 0, N_MOVIES)
    inp['user_table'] = _xavier(ks[3], (N_USERS, D))
    inp['movie_table'] = _xavier(ks[4], (N_MOVIES, D))
    inp['bn_gamma'] = jnp.ones((D,), jnp.float32)
    inp['bn_beta'] = jnp.zeros((D,), jnp.float32)
    for i in range(3):
        inp['Wself%d' % i] = _xavier(ks[5 + 3 * i], (D, D))
        inp['Wneigh%d' % i] = _xavier(ks[6 + 3 * i], (D, D))
        inp['b%d' % i] = jnp.zeros((D,), jnp.float32)
    inp['Wp1'] = _xavier(ks[14], (D, 2 * D))
    inp['bp1'] = jnp.zeros((D,), jnp.float32)
    inp['Wp2'] = _xavier(ks[15], (D // 2, D))
    inp['bp2'] = jnp.zeros((D // 2,), jnp.float32)
    inp['Wp3'] = _xavier(ks[16], (1, D // 2))
    inp['bp3'] = jnp.zeros((1,), jnp.float32)
    return inp


def _batch_norm(x, gamma, beta):
    mu = jnp.mean(x, axis=0)
    var = jnp.var(x, axis=0)
    return gamma * (x - mu) / jnp.sqrt(var + 1e-5) + beta


def _sage_conv(h, src, dst, Wself, Wneigh, b):
    msg = jnp.take(h, src, axis=0)
    agg = jax.ops.segment_sum(msg, dst, num_segments=N)
    deg = jax.ops.segment_sum(jnp.ones((src.shape[0], 1), h.dtype), dst, num_segments=N)
    h_neigh = agg / jnp.clip(deg, 1.0)
    out = h @ Wself.T + h_neigh @ Wneigh.T + b
    return jax.nn.relu(out)


def reference(edge_index, user_indices, movie_indices, user_table, movie_table, bn_gamma, bn_beta, Wself0, Wneigh0, b0, Wself1, Wneigh1, b1, Wself2, Wneigh2, b2, Wp1, bp1, Wp2, bp2, Wp3, bp3):
    src, dst = edge_index[0], edge_index[1]
    ue = _batch_norm(user_table, bn_gamma, bn_beta)
    me = _batch_norm(movie_table, bn_gamma, bn_beta)
    h = jnp.concatenate([ue, me], axis=0)
    initial_h = h
    for Wself, Wneigh, b in ((Wself0, Wneigh0, b0), (Wself1, Wneigh1, b1), (Wself2, Wneigh2, b2)):
        h_new = _sage_conv(h, src, dst, Wself, Wneigh, b)
        h = jax.nn.relu(h_new + initial_h)
    u = jnp.take(h, user_indices, axis=0)
    m = jnp.take(h, movie_indices + N_USERS, axis=0)
    z = jnp.concatenate([u, m], axis=1)
    z = jax.nn.relu(z @ Wp1.T + bp1)
    z = jax.nn.relu(z @ Wp2.T + bp2)
    pred = z @ Wp3.T + bp3
    return pred.squeeze(-1)

if __name__ == "__main__":
    import jax
    _d = setup_inputs()
    print(jax.jit(kernel)(*tuple(_d.values())))

</pallas_src>

<mosaic_0001>
#map = affine_map<(d0, d1) -> (0, 0)>
#map1 = affine_map<(d0, d1) -> (0, 0, 0)>
module attributes {stable_mosaic.version = 14 : i64} {
  func.func @sc_deg(%arg0: i32, %arg1: i32, %arg2: memref<1280x128xi32, #tpu.memory_space<hbm>>, %arg3: memref<128x128xf32, #tpu.memory_space<hbm>>, %arg4: memref<128x128xf32, #tpu.memory_space<hbm>>, %arg5: memref<2x10240x128xf32, #tpu.memory_space<hbm>>, %arg6: memref<40x128xi32, #tpu.memory_space<vmem>>, %arg7: memref<128x128xf32, #tpu.memory_space<vmem>>, %arg8: memref<128x128xf32, #tpu.memory_space<vmem>>, %arg9: memref<10240x128xf32, #tpu.memory_space<vmem_shared>>) attributes {dimension_semantics = [#tpu.dimension_semantics<core_parallel>, #tpu.dimension_semantics<subcore_parallel>], iteration_bounds = array<i64: 2, 16>, scalar_prefetch = 0 : i64, scratch_operands = 4 : i64, tpu.core_type = #tpu.core_type<sc_vector_subcore>, window_params = [{transform_indices = #map}, {transform_indices = #map}, {transform_indices = #map}, {transform_indices = #map1}]} {
    %mul3A = arith.constant 2 : i32
    %mul3A_0 = arith.muli %arg1, %mul3A : i32
    %add3A = arith.addi %mul3A_0, %arg0 : i32
    %mul3A_1 = arith.constant 640 : i32
    %mul3A_2 = arith.muli %arg1, %mul3A_1 : i32
    "tpu.region"() ({
      %run_scoped3A = tpu.sem_alloc : memref<!tpu.dma_semaphore, #tpu.memory_space<semaphore_mem>>
      tpu.enqueue_dma source(%arg3 : memref<128x128xf32, #tpu.memory_space<hbm>>) target(%arg7 : memref<128x128xf32, #tpu.memory_space<vmem>>) target_semaphore(%run_scoped3A : memref<!tpu.dma_semaphore, #tpu.memory_space<semaphore_mem>>)
      tpu.wait_dma2 semaphore(%run_scoped3A : memref<!tpu.dma_semaphore, #tpu.memory_space<semaphore_mem>>) src(%arg3 : memref<128x128xf32, #tpu.memory_space<hbm>>) dst(%arg7 : memref<128x128xf32, #tpu.memory_space<vmem>>)
      tpu.yield
    }) : () -> ()
    %add3A_3 = arith.constant 0 : i32
    %add3A_4 = arith.addi %mul3A_2, %add3A_3 : i32
    "tpu.region"() ({
      %run_scoped3A = tpu.sem_alloc : memref<!tpu.dma_semaphore, #tpu.memory_space<semaphore_mem>>
      %dma_start3A = arith.constant 0 : i32
      %dma_start3A_31 = tpu.memref_slice %arg9[%add3A_4, %dma_start3A] : memref<10240x128xf32, #tpu.memory_space<vmem_shared>> -> memref<128x128xf32, #tpu.memory_space<vmem_shared>>
      %dma_start3A_32 = arith.constant 0 : i32
      %dma_start3A_33 = tpu.memref_slice %arg9[%add3A_4, %dma_start3A_32] : memref<10240x128xf32, #tpu.memory_space<vmem_shared>> -> memref<128x128xf32, #tpu.memory_space<vmem_shared>>
      tpu.enqueue_dma source(%arg7 : memref<128x128xf32, #tpu.memory_space<vmem>>) target(%dma_start3A_33 : memref<128x128xf32, #tpu.memory_space<vmem_shared>>) target_semaphore(%run_scoped3A : memref<!tpu.dma_semaphore, #tpu.memory_space<semaphore_mem>>)
      %dma_wait3A = arith.constant 0 : i32
      %dma_wait3A_34 = tpu.memref_slice %arg9[%add3A_4, %dma_wait3A] : memref<10240x128xf32, #tpu.memory_space<vmem_shared>> -> memref<128x128xf32, #tpu.memory_space<vmem_shared>>
      %dma_wait3A_35 = arith.constant 0 : i32
      %dma_wait3A_36 = tpu.memref_slice %arg9[%add3A_4, %dma_wait3A_35] : memref<10240x128xf32, #tpu.memory_space<vmem_shared>> -> memref<128x128xf32, #tpu.memory_space<vmem_shared>>
      tpu.wait_dma2 semaphore(%run_scoped3A : memref<!tpu.dma_semaphore, #tpu.memory_space<semaphore_mem>>) src(%arg7 : memref<128x128xf32, #tpu.memory_space<vmem>>) dst(%dma_wait3A_36 : memref<128x128xf32, #tpu.memory_space<vmem_shared>>)
      tpu.yield
    }) : () -> ()
    %add3A_5 = arith.constant 128 : i32
    %add3A_6 = arith.addi %mul3A_2, %add3A_5 : i32
    "tpu.region"() ({
      %run_scoped3A = tpu.sem_alloc : memref<!tpu.dma_semaphore, #tpu.memory_space<semaphore_mem>>
      %dma_start3A = arith.constant 0 : i32
      %dma_start3A_31 = tpu.memref_slice %arg9[%add3A_6, %dma_start3A] : memref<10240x128xf32, #tpu.memory_space<vmem_shared>> -> memref<128x128xf32, #tpu.memory_space<vmem_shared>>
      %dma_start3A_32 = arith.constant 0 : i32
      %dma_start3A_33 = tpu.memref_slice %arg9[%add3A_6, %dma_start3A_32] : memref<10240x128xf32, #tpu.memory_space<vmem_shared>> -> memref<128x128xf32, #tpu.memory_space<vmem_shared>>
      tpu.enqueue_dma source(%arg7 : memref<128x128xf32, #tpu.memory_space<vmem>>) target(%dma_start3A_33 : memref<128x128xf32, #tpu.memory_space<vmem_shared>>) target_semaphore(%run_scoped3A : memref<!tpu.dma_semaphore, #tpu.memory_space<semaphore_mem>>)
      %dma_wait3A = arith.constant 0 : i32
      %dma_wait3A_34 = tpu.memref_slice %arg9[%add3A_6, %dma_wait3A] : memref<10240x128xf32, #tpu.memory_space<vmem_shared>> -> memref<128x128xf32, #tpu.memory_space<vmem_shared>>
      %dma_wait3A_35 = arith.constant 0 : i32
      %dma_wait3A_36 = tpu.memref_slice %arg9[%add3A_6, %dma_wait3A_35] : memref<10240x128xf32, #tpu.memory_space<vmem_shared>> -> memref<128x128xf32, #tpu.memory_space<vmem_shared>>
      tpu.wait_dma2 semaphore(%run_scoped3A : memref<!tpu.dma_semaphore, #tpu.memory_space<semaphore_mem>>) src(%arg7 : memref<128x128xf32, #tpu.memory_space<vmem>>) dst(%dma_wait3A_36 : memref<128x128xf32, #tpu.memory_space<vmem_shared>>)
      tpu.yield
    }) : () -> ()
    %add3A_7 = arith.constant 256 : i32
    %add3A_8 = arith.addi %mul3A_2, %add3A_7 : i32
    "tpu.region"() ({
      %run_scoped3A = tpu.sem_alloc : memref<!tpu.dma_semaphore, #tpu.memory_space<semaphore_mem>>
      %dma_start3A = arith.constant 0 : i32
      %dma_start3A_31 = tpu.memref_slice %arg9[%add3A_8, %dma_start3A] : memref<10240x128xf32, #tpu.memory_space<vmem_shared>> -> memref<128x128xf32, #tpu.memory_space<vmem_shared>>
      %dma_start3A_32 = arith.constant 0 : i32
      %dma_start3A_33 = tpu.memref_slice %arg9[%add3A_8, %dma_start3A_32] : memref<10240x128xf32, #tpu.memory_space<vmem_shared>> -> memref<128x128xf32, #tpu.memory_space<vmem_shared>>
      tpu.enqueue_dma source(%arg7 : memref<128x128xf32, #tpu.memory_space<vmem>>) target(%dma_start3A_33 : memref<128x128xf32, #tpu.memory_space<vmem_shared>>) target_semaphore(%run_scoped3A : memref<!tpu.dma_semaphore, #tpu.memory_space<semaphore_mem>>)
      %dma_wait3A = arith.constant 0 : i32
      %dma_wait3A_34 = tpu.memref_slice %arg9[%add3A_8, %dma_wait3A] : memref<10240x128xf32, #tpu.memory_space<vmem_shared>> -> memref<128x128xf32, #tpu.memory_space<vmem_shared>>
      %dma_wait3A_35 = arith.constant 0 : i32
      %dma_wait3A_36 = tpu.memref_slice %arg9[%add3A_8, %dma_wait3A_35] : memref<10240x128xf32, #tpu.memory_space<vmem_shared>> -> memref<128x128xf32, #tpu.memory_space<vmem_shared>>
      tpu.wait_dma2 semaphore(%run_scoped3A : memref<!tpu.dma_semaphore, #tpu.memory_space<semaphore_mem>>) src(%arg7 : memref<128x128xf32, #tpu.memory_space<vmem>>) dst(%dma_wait3A_36 : memref<128x128xf32, #tpu.memory_space<vmem_shared>>)
      tpu.yield
    }) : () -> ()
    %add3A_9 = arith.constant 384 : i32
    %add3A_10 = arith.addi %mul3A_2, %add3A_9 : i32
    "tpu.region"() ({
      %run_scoped3A = tpu.sem_alloc : memref<!tpu.dma_semaphore, #tpu.memory_space<semaphore_mem>>
      %dma_start3A = arith.constant 0 : i32
      %dma_start3A_31 = tpu.memref_slice %arg9[%add3A_10, %dma_start3A] : memref<10240x128xf32, #tpu.memory_space<vmem_shared>> -> memref<128x128xf32, #tpu.memory_space<vmem_shared>>
      %dma_start3A_32 = arith.constant 0 : i32
      %dma_start3A_33 = tpu.memref_slice %arg9[%add3A_10, %dma_start3A_32] : memref<10240x128xf32, #tpu.memory_space<vmem_shared>> -> memref<128x128xf32, #tpu.memory_space<vmem_shared>>
      tpu.enqueue_dma source(%arg7 : memref<128x128xf32, #tpu.memory_space<vmem>>) target(%dma_start3A_33 : memref<128x128xf32, #tpu.memory_space<vmem_shared>>) target_semaphore(%run_scoped3A : memref<!tpu.dma_semaphore, #tpu.memory_space<semaphore_mem>>)
      %dma_wait3A = arith.constant 0 : i32
      %dma_wait3A_34 = tpu.memref_slice %arg9[%add3A_10, %dma_wait3A] : memref<10240x128xf32, #tpu.memory_space<vmem_shared>> -> memref<128x128xf32, #tpu.memory_space<vmem_shared>>
      %dma_wait3A_35 = arith.constant 0 : i32
      %dma_wait3A_36 = tpu.memref_slice %arg9[%add3A_10, %dma_wait3A_35] : memref<10240x128xf32, #tpu.memory_space<vmem_shared>> -> memref<128x128xf32, #tpu.memory_space<vmem_shared>>
      tpu.wait_dma2 semaphore(%run_scoped3A : memref<!tpu.dma_semaphore, #tpu.memory_space<semaphore_mem>>) src(%arg7 : memref<128x128xf32, #tpu.memory_space<vmem>>) dst(%dma_wait3A_36 : memref<128x128xf32, #tpu.memory_space<vmem_shared>>)
      tpu.yield
    }) : () -> ()
    %add3A_11 = arith.constant 512 : i32
    %add3A_12 = arith.addi %mul3A_2, %add3A_11 : i32
    "tpu.region"() ({
      %run_scoped3A = tpu.sem_alloc : memref<!tpu.dma_semaphore, #tpu.memory_space<semaphore_mem>>
      %dma_start3A = arith.constant 0 : i32
      %dma_start3A_31 = tpu.memref_slice %arg9[%add3A_12, %dma_start3A] : memref<10240x128xf32, #tpu.memory_space<vmem_shared>> -> memref<128x128xf32, #tpu.memory_space<vmem_shared>>
      %dma_start3A_32 = arith.constant 0 : i32
      %dma_start3A_33 = tpu.memref_slice %arg9[%add3A_12, %dma_start3A_32] : memref<10240x128xf32, #tpu.memory_space<vmem_shared>> -> memref<128x128xf32, #tpu.memory_space<vmem_shared>>
      tpu.enqueue_dma source(%arg7 : memref<128x128xf32, #tpu.memory_space<vmem>>) target(%dma_start3A_33 : memref<128x128xf32, #tpu.memory_space<vmem_shared>>) target_semaphore(%run_scoped3A : memref<!tpu.dma_semaphore, #tpu.memory_space<semaphore_mem>>)
      %dma_wait3A = arith.constant 0 : i32
      %dma_wait3A_34 = tpu.memref_slice %arg9[%add3A_12, %dma_wait3A] : memref<10240x128xf32, #tpu.memory_space<vmem_shared>> -> memref<128x128xf32, #tpu.memory_space<vmem_shared>>
      %dma_wait3A_35 = arith.constant 0 : i32
      %dma_wait3A_36 = tpu.memref_slice %arg9[%add3A_12, %dma_wait3A_35] : memref<10240x128xf32, #tpu.memory_space<vmem_shared>> -> memref<128x128xf32, #tpu.memory_space<vmem_shared>>
      tpu.wait_dma2 semaphore(%run_scoped3A : memref<!tpu.dma_semaphore, #tpu.memory_space<semaphore_mem>>) src(%arg7 : memref<128x128xf32, #tpu.memory_space<vmem>>) dst(%dma_wait3A_36 : memref<128x128xf32, #tpu.memory_space<vmem_shared>>)
      tpu.yield
    }) : () -> ()
    "tpu.region"() ({
      %run_scoped3A = tpu.sem_alloc : memref<!tpu.dma_semaphore, #tpu.memory_space<semaphore_mem>>
      tpu.enqueue_dma source(%arg4 : memref<128x128xf32, #tpu.memory_space<hbm>>) target(%arg8 : memref<128x128xf32, #tpu.memory_space<vmem>>) target_semaphore(%run_scoped3A : memref<!tpu.dma_semaphore, #tpu.memory_space<semaphore_mem>>)
      tpu.wait_dma2 semaphore(%run_scoped3A : memref<!tpu.dma_semaphore, #tpu.memory_space<semaphore_mem>>) src(%arg4 : memref<128x128xf32, #tpu.memory_space<hbm>>) dst(%arg8 : memref<128x128xf32, #tpu.memory_space<vmem>>)
      tpu.yield
    }) : () -> ()
    %mul3A_13 = arith.constant 40 : i32
    %mul3A_14 = arith.muli %add3A, %mul3A_13 : i32
    "tpu.region"() ({
      %run_scoped3A = tpu.sem_alloc : memref<!tpu.dma_semaphore, #tpu.memory_space<semaphore_mem>>
      %dma_start3A = arith.constant 0 : i32
      %dma_start3A_31 = tpu.memref_slice %arg2[%mul3A_14, %dma_start3A] : memref<1280x128xi32, #tpu.memory_space<hbm>> -> memref<40x128xi32, #tpu.memory_space<hbm>>
      %dma_start3A_32 = arith.constant 0 : i32
      %dma_start3A_33 = tpu.memref_slice %arg2[%mul3A_14, %dma_start3A_32] : memref<1280x128xi32, #tpu.memory_space<hbm>> -> memref<40x128xi32, #tpu.memory_space<hbm>>
      tpu.enqueue_dma source(%dma_start3A_33 : memref<40x128xi32, #tpu.memory_space<hbm>>) target(%arg6 : memref<40x128xi32, #tpu.memory_space<vmem>>) target_semaphore(%run_scoped3A : memref<!tpu.dma_semaphore, #tpu.memory_space<semaphore_mem>>)
      %dma_wait3A = arith.constant 0 : i32
      %dma_wait3A_34 = tpu.memref_slice %arg2[%mul3A_14, %dma_wait3A] : memref<1280x128xi32, #tpu.memory_space<hbm>> -> memref<40x128xi32, #tpu.memory_space<hbm>>
      %dma_wait3A_35 = arith.constant 0 : i32
      %dma_wait3A_36 = tpu.memref_slice %arg2[%mul3A_14, %dma_wait3A_35] : memref<1280x128xi32, #tpu.memory_space<hbm>> -> memref<40x128xi32, #tpu.memory_space<hbm>>
      tpu.wait_dma2 semaphore(%run_scoped3A : memref<!tpu.dma_semaphore, #tpu.memory_space<semaphore_mem>>) src(%dma_wait3A_36 : memref<40x128xi32, #tpu.memory_space<hbm>>) dst(%arg6 : memref<40x128xi32, #tpu.memory_space<vmem>>)
      tpu.yield
    }) : () -> ()
    %barrier3A = arith.constant 0 : index
    tpu.barrier barrier_id(%barrier3A)
    %scan3A = arith.constant 0 : i32
    %scan3A_15 = arith.constant 0 : i32
    %scan3A_16 = arith.constant 40 : i32
    %scan3A_17 = arith.addi %scan3A_15, %scan3A_16 : i32
    %scan3A_18 = arith.constant 1 : i32
    scf.for %scan3A_31 = %scan3A_15 to %scan3A_17 step %scan3A_18  : i32 {
      "tpu.region"() ({
        %run_scoped3A = tpu.sem_alloc : memref<!tpu.dma_semaphore, #tpu.memory_space<semaphore_mem>>
        %dma_start3A = arith.constant 0 : i32
        %dma_start3A_32 = tpu.memref_slice %arg6[%scan3A_31, %dma_start3A] : memref<40x128xi32, #tpu.memory_space<vmem>> -> memref<1x128xi32, #tpu.memory_space<vmem>>
        %dma_start3A_33 = tpu.memref_squeeze %dma_start3A_32 : memref<1x128xi32, #tpu.memory_space<vmem>> -> memref<128xi32, #tpu.memory_space<vmem>>
        %dma_start3A_34 = arith.constant 0 : i32
        %dma_start3A_35 = arith.constant 0 : i32
        %dma_start3A_36 = tpu.memref_slice %arg9[%dma_start3A_34, %dma_start3A_35] : memref<10240x128xf32, #tpu.memory_space<vmem_shared>> -> memref<10240x128xf32, #tpu.memory_space<vmem_shared>>
        tpu.enqueue_indirect_dma source(%arg8 : memref<128x128xf32, #tpu.memory_space<vmem>>) target(%dma_start3A_36 : memref<10240x128xf32, #tpu.memory_space<vmem_shared>>) offsets(%dma_start3A_33 : memref<128xi32, #tpu.memory_space<vmem>>) semaphore(%run_scoped3A : memref<!tpu.dma_semaphore, #tpu.memory_space<semaphore_mem>>) {add = true}
        %dma_wait3A = arith.constant 0 : i32
        %dma_wait3A_37 = tpu.memref_slice %arg6[%scan3A_31, %dma_wait3A] : memref<40x128xi32, #tpu.memory_space<vmem>> -> memref<1x128xi32, #tpu.memory_space<vmem>>
        %dma_wait3A_38 = tpu.memref_squeeze %dma_wait3A_37 : memref<1x128xi32, #tpu.memory_space<vmem>> -> memref<128xi32, #tpu.memory_space<vmem>>
        %dma_wait3A_39 = arith.constant 0 : i32
        %dma_wait3A_40 = arith.constant 0 : i32
        %dma_wait3A_41 = tpu.memref_slice %arg9[%dma_wait3A_39, %dma_wait3A_40] : memref<10240x128xf32, #tpu.memory_space<vmem_shared>> -> memref<10240x128xf32, #tpu.memory_space<vmem_shared>>
        tpu.wait_indirect_dma semaphore(%run_scoped3A : memref<!tpu.dma_semaphore, #tpu.memory_space<semaphore_mem>>) src(%arg8 : memref<128x128xf32, #tpu.memory_space<vmem>>) dst(%dma_wait3A_41 : memref<10240x128xf32, #tpu.memory_space<vmem_shared>>)
        tpu.yield
      }) : () -> ()
    }
    %scan3A_19 = arith.constant 40 : i32
    %barrier3A_20 = arith.constant 0 : index
    tpu.barrier barrier_id(%barrier3A_20)
    %add3A_21 = arith.constant 0 : i32
    %add3A_22 = arith.addi %mul3A_2, %add3A_21 : i32
    "tpu.region"() ({
      %run_scoped3A = tpu.sem_alloc : memref<!tpu.dma_semaphore, #tpu.memory_space<semaphore_mem>>
      %dma_start3A = arith.constant 0 : i32
      %dma_start3A_31 = tpu.memref_slice %arg9[%add3A_22, %dma_start3A] : memref<10240x128xf32, #tpu.memory_space<vmem_shared>> -> memref<128x128xf32, #tpu.memory_space<vmem_shared>>
      %dma_start3A_32 = arith.constant 0 : i32
      %dma_start3A_33 = tpu.memref_slice %arg9[%add3A_22, %dma_start3A_32] : memref<10240x128xf32, #tpu.memory_space<vmem_shared>> -> memref<128x128xf32, #tpu.memory_space<vmem_shared>>
      tpu.enqueue_dma source(%dma_start3A_33 : memref<128x128xf32, #tpu.memory_space<vmem_shared>>) target(%arg7 : memref<128x128xf32, #tpu.memory_space<vmem>>) target_semaphore(%run_scoped3A : memref<!tpu.dma_semaphore, #tpu.memory_space<semaphore_mem>>)
      %dma_wait3A = arith.constant 0 : i32
      %dma_wait3A_34 = tpu.memref_slice %arg9[%add3A_22, %dma_wait3A] : memref<10240x128xf32, #tpu.memory_space<vmem_shared>> -> memref<128x128xf32, #tpu.memory_space<vmem_shared>>
      %dma_wait3A_35 = arith.constant 0 : i32
      %dma_wait3A_36 = tpu.memref_slice %arg9[%add3A_22, %dma_wait3A_35] : memref<10240x128xf32, #tpu.memory_space<vmem_shared>> -> memref<128x128xf32, #tpu.memory_space<vmem_shared>>
      tpu.wait_dma2 semaphore(%run_scoped3A : memref<!tpu.dma_semaphore, #tpu.memory_space<semaphore_mem>>) src(%dma_wait3A_36 : memref<128x128xf32, #tpu.memory_space<vmem_shared>>) dst(%arg7 : memref<128x128xf32, #tpu.memory_space<vmem>>)
      tpu.yield
    }) : () -> ()
    "tpu.region"() ({
      %run_scoped3A = tpu.sem_alloc : memref<!tpu.dma_semaphore, #tpu.memory_space<semaphore_mem>>
      %dma_start3A = arith.constant 0 : i32
      %dma_start3A_31 = tpu.memref_slice %arg5[%arg0, %add3A_22, %dma_start3A] : memref<2x10240x128xf32, #tpu.memory_space<hbm>> -> memref<1x128x128xf32, #tpu.memory_space<hbm>>
      %dma_start3A_32 = tpu.memref_squeeze %dma_start3A_31 : memref<1x128x128xf32, #tpu.memory_space<hbm>> -> memref<128x128xf32, #tpu.memory_space<hbm>>
      %dma_start3A_33 = arith.constant 0 : i32
      %dma_start3A_34 = tpu.memref_slice %arg5[%arg0, %add3A_22, %dma_start3A_33] : memref<2x10240x128xf32, #tpu.memory_space<hbm>> -> memref<1x128x128xf32, #tpu.memory_space<hbm>>
      %dma_start3A_35 = tpu.memref_squeeze %dma_start3A_34 : memref<1x128x128xf32, #tpu.memory_space<hbm>> -> memref<128x128xf32, #tpu.memory_space<hbm>>
      tpu.enqueue_dma source(%arg7 : memref<128x128xf32, #tpu.memory_space<vmem>>) target(%dma_start3A_35 : memref<128x128xf32, #tpu.memory_space<hbm>>) target_semaphore(%run_scoped3A : memref<!tpu.dma_semaphore, #tpu.memory_space<semaphore_mem>>)
      %dma_wait3A = arith.constant 0 : i32
      %dma_wait3A_36 = tpu.memref_slice %arg5[%arg0, %add3A_22, %dma_wait3A] : memref<2x10240x128xf32, #tpu.memory_space<hbm>> -> memref<1x128x128xf32, #tpu.memory_space<hbm>>
      %dma_wait3A_37 = tpu.memref_squeeze %dma_wait3A_36 : memref<1x128x128xf32, #tpu.memory_space<hbm>> -> memref<128x128xf32, #tpu.memory_space<hbm>>
      %dma_wait3A_38 = arith.constant 0 : i32
      %dma_wait3A_39 = tpu.memref_slice %arg5[%arg0, %add3A_22, %dma_wait3A_38] : memref<2x10240x128xf32, #tpu.memory_space<hbm>> -> memref<1x128x128xf32, #tpu.memory_space<hbm>>
      %dma_wait3A_40 = tpu.memref_squeeze %dma_wait3A_39 : memref<1x128x128xf32, #tpu.memory_space<hbm>> -> memref<128x128xf32, #tpu.memory_space<hbm>>
      tpu.wait_dma2 semaphore(%run_scoped3A : memref<!tpu.dma_semaphore, #tpu.memory_space<semaphore_mem>>) src(%arg7 : memref<128x128xf32, #tpu.memory_space<vmem>>) dst(%dma_wait3A_40 : memref<128x128xf32, #tpu.memory_space<hbm>>)
      tpu.yield
    }) : () -> ()
    %add3A_23 = arith.constant 128 : i32
    %add3A_24 = arith.addi %mul3A_2, %add3A_23 : i32
    "tpu.region"() ({
      %run_scoped3A = tpu.sem_alloc : memref<!tpu.dma_semaphore, #tpu.memory_space<semaphore_mem>>
      %dma_start3A = arith.constant 0 : i32
      %dma_start3A_31 = tpu.memref_slice %arg9[%add3A_24, %dma_start3A] : memref<10240x128xf32, #tpu.memory_space<vmem_shared>> -> memref<128x128xf32, #tpu.memory_space<vmem_shared>>
      %dma_start3A_32 = arith.constant 0 : i32
      %dma_start3A_33 = tpu.memref_slice %arg9[%add3A_24, %dma_start3A_32] : memref<10240x128xf32, #tpu.memory_space<vmem_shared>> -> memref<128x128xf32, #tpu.memory_space<vmem_shared>>
      tpu.enqueue_dma source(%dma_start3A_33 : memref<128x128xf32, #tpu.memory_space<vmem_shared>>) target(%arg7 : memref<128x128xf32, #tpu.memory_space<vmem>>) target_semaphore(%run_scoped3A : memref<!tpu.dma_semaphore, #tpu.memory_space<semaphore_mem>>)
      %dma_wait3A = arith.constant 0 : i32
      %dma_wait3A_34 = tpu.memref_slice %arg9[%add3A_24, %dma_wait3A] : memref<10240x128xf32, #tpu.memory_space<vmem_shared>> -> memref<128x128xf32, #tpu.memory_space<vmem_shared>>
      %dma_wait3A_35 = arith.constant 0 : i32
      %dma_wait3A_36 = tpu.memref_slice %arg9[%add3A_24, %dma_wait3A_35] : memref<10240x128xf32, #tpu.memory_space<vmem_shared>> -> memref<128x128xf32, #tpu.memory_space<vmem_shared>>
      tpu.wait_dma2 semaphore(%run_scoped3A : memref<!tpu.dma_semaphore, #tpu.memory_space<semaphore_mem>>) src(%dma_wait3A_36 : memref<128x128xf32, #tpu.memory_space<vmem_shared>>) dst(%arg7 : memref<128x128xf32, #tpu.memory_space<vmem>>)
      tpu.yield
    }) : () -> ()
    "tpu.region"() ({
      %run_scoped3A = tpu.sem_alloc : memref<!tpu.dma_semaphore, #tpu.memory_space<semaphore_mem>>
      %dma_start3A = arith.constant 0 : i32
      %dma_start3A_31 = tpu.memref_slice %arg5[%arg0, %add3A_24, %dma_start3A] : memref<2x10240x128xf32, #tpu.memory_space<hbm>> -> memref<1x128x128xf32, #tpu.memory_space<hbm>>
      %dma_start3A_32 = tpu.memref_squeeze %dma_start3A_31 : memref<1x128x128xf32, #tpu.memory_space<hbm>> -> memref<128x128xf32, #tpu.memory_space<hbm>>
      %dma_start3A_33 = arith.constant 0 : i32
      %dma_start3A_34 = tpu.memref_slice %arg5[%arg0, %add3A_24, %dma_start3A_33] : memref<2x10240x128xf32, #tpu.memory_space<hbm>> -> memref<1x128x128xf32, #tpu.memory_space<hbm>>
      %dma_start3A_35 = tpu.memref_squeeze %dma_start3A_34 : memref<1x128x128xf32, #tpu.memory_space<hbm>> -> memref<128x128xf32, #tpu.memory_space<hbm>>
      tpu.enqueue_dma source(%arg7 : memref<128x128xf32, #tpu.memory_space<vmem>>) target(%dma_start3A_35 : memref<128x128xf32, #tpu.memory_space<hbm>>) target_semaphore(%run_scoped3A : memref<!tpu.dma_semaphore, #tpu.memory_space<semaphore_mem>>)
      %dma_wait3A = arith.constant 0 : i32
      %dma_wait3A_36 = tpu.memref_slice %arg5[%arg0, %add3A_24, %dma_wait3A] : memref<2x10240x128xf32, #tpu.memory_space<hbm>> -> memref<1x128x128xf32, #tpu.memory_space<hbm>>
      %dma_wait3A_37 = tpu.memref_squeeze %dma_wait3A_36 : memref<1x128x128xf32, #tpu.memory_space<hbm>> -> memref<128x128xf32, #tpu.memory_space<hbm>>
      %dma_wait3A_38 = arith.constant 0 : i32
      %dma_wait3A_39 = tpu.memref_slice %arg5[%arg0, %add3A_24, %dma_wait3A_38] : memref<2x10240x128xf32, #tpu.memory_space<hbm>> -> memref<1x128x128xf32, #tpu.memory_space<hbm>>
      %dma_wait3A_40 = tpu.memref_squeeze %dma_wait3A_39 : memref<1x128x128xf32, #tpu.memory_space<hbm>> -> memref<128x128xf32, #tpu.memory_space<hbm>>
      tpu.wait_dma2 semaphore(%run_scoped3A : memref<!tpu.dma_semaphore, #tpu.memory_space<semaphore_mem>>) src(%arg7 : memref<128x128xf32, #tpu.memory_space<vmem>>) dst(%dma_wait3A_40 : memref<128x128xf32, #tpu.memory_space<hbm>>)
      tpu.yield
    }) : () -> ()
    %add3A_25 = arith.constant 256 : i32
    %add3A_26 = arith.addi %mul3A_2, %add3A_25 : i32
    "tpu.region"() ({
      %run_scoped3A = tpu.sem_alloc : memref<!tpu.dma_semaphore, #tpu.memory_space<semaphore_mem>>
      %dma_start3A = arith.constant 0 : i32
      %dma_start3A_31 = tpu.memref_slice %arg9[%add3A_26, %dma_start3A] : memref<10240x128xf32, #tpu.memory_space<vmem_shared>> -> memref<128x128xf32, #tpu.memory_space<vmem_shared>>
      %dma_start3A_32 = arith.constant 0 : i32
      %dma_start3A_33 = tpu.memref_slice %arg9[%add3A_26, %dma_start3A_32] : memref<10240x128xf32, #tpu.memory_space<vmem_shared>> -> memref<128x128xf32, #tpu.memory_space<vmem_shared>>
      tpu.enqueue_dma source(%dma_start3A_33 : memref<128x128xf32, #tpu.memory_space<vmem_shared>>) target(%arg7 : memref<128x128xf32, #tpu.memory_space<vmem>>) target_semaphore(%run_scoped3A : memref<!tpu.dma_semaphore, #tpu.memory_space<semaphore_mem>>)
      %dma_wait3A = arith.constant 0 : i32
      %dma_wait3A_34 = tpu.memref_slice %arg9[%add3A_26, %dma_wait3A] : memref<10240x128xf32, #tpu.memory_space<vmem_shared>> -> memref<128x128xf32, #tpu.memory_space<vmem_shared>>
      %dma_wait3A_35 = arith.constant 0 : i32
      %dma_wait3A_36 = tpu.memref_slice %arg9[%add3A_26, %dma_wait3A_35] : memref<10240x128xf32, #tpu.memory_space<vmem_shared>> -> memref<128x128xf32, #tpu.memory_space<vmem_shared>>
      tpu.wait_dma2 semaphore(%run_scoped3A : memref<!tpu.dma_semaphore, #tpu.memory_space<semaphore_mem>>) src(%dma_wait3A_36 : memref<128x128xf32, #tpu.memory_space<vmem_shared>>) dst(%arg7 : memref<128x128xf32, #tpu.memory_space<vmem>>)
      tpu.yield
    }) : () -> ()
    "tpu.region"() ({
      %run_scoped3A = tpu.sem_alloc : memref<!tpu.dma_semaphore, #tpu.memory_space<semaphore_mem>>
      %dma_start3A = arith.constant 0 : i32
      %dma_start3A_31 = tpu.memref_slice %arg5[%arg0, %add3A_26, %dma_start3A] : memref<2x10240x128xf32, #tpu.memory_space<hbm>> -> memref<1x128x128xf32, #tpu.memory_space<hbm>>
      %dma_start3A_32 = tpu.memref_squeeze %dma_start3A_31 : memref<1x128x128xf32, #tpu.memory_space<hbm>> -> memref<128x128xf32, #tpu.memory_space<hbm>>
      %dma_start3A_33 = arith.constant 0 : i32
      %dma_start3A_34 = tpu.memref_slice %arg5[%arg0, %add3A_26, %dma_start3A_33] : memref<2x10240x128xf32, #tpu.memory_space<hbm>> -> memref<1x128x128xf32, #tpu.memory_space<hbm>>
      %dma_start3A_35 = tpu.memref_squeeze %dma_start3A_34 : memref<1x128x128xf32, #tpu.memory_space<hbm>> -> memref<128x128xf32, #tpu.memory_space<hbm>>
      tpu.enqueue_dma source(%arg7 : memref<128x128xf32, #tpu.memory_space<vmem>>) target(%dma_start3A_35 : memref<128x128xf32, #tpu.memory_space<hbm>>) target_semaphore(%run_scoped3A : memref<!tpu.dma_semaphore, #tpu.memory_space<semaphore_mem>>)
      %dma_wait3A = arith.constant 0 : i32
      %dma_wait3A_36 = tpu.memref_slice %arg5[%arg0, %add3A_26, %dma_wait3A] : memref<2x10240x128xf32, #tpu.memory_space<hbm>> -> memref<1x128x128xf32, #tpu.memory_space<hbm>>
      %dma_wait3A_37 = tpu.memref_squeeze %dma_wait3A_36 : memref<1x128x128xf32, #tpu.memory_space<hbm>> -> memref<128x128xf32, #tpu.memory_space<hbm>>
      %dma_wait3A_38 = arith.constant 0 : i32
      %dma_wait3A_39 = tpu.memref_slice %arg5[%arg0, %add3A_26, %dma_wait3A_38] : memref<2x10240x128xf32, #tpu.memory_space<hbm>> -> memref<1x128x128xf32, #tpu.memory_space<hbm>>
      %dma_wait3A_40 = tpu.memref_squeeze %dma_wait3A_39 : memref<1x128x128xf32, #tpu.memory_space<hbm>> -> memref<128x128xf32, #tpu.memory_space<hbm>>
      tpu.wait_dma2 semaphore(%run_scoped3A : memref<!tpu.dma_semaphore, #tpu.memory_space<semaphore_mem>>) src(%arg7 : memref<128x128xf32, #tpu.memory_space<vmem>>) dst(%dma_wait3A_40 : memref<128x128xf32, #tpu.memory_space<hbm>>)
      tpu.yield
    }) : () -> ()
    %add3A_27 = arith.constant 384 : i32
    %add3A_28 = arith.addi %mul3A_2, %add3A_27 : i32
    "tpu.region"() ({
      %run_scoped3A = tpu.sem_alloc : memref<!tpu.dma_semaphore, #tpu.memory_space<semaphore_mem>>
      %dma_start3A = arith.constant 0 : i32
      %dma_start3A_31 = tpu.memref_slice %arg9[%add3A_28, %dma_start3A] : memref<10240x128xf32, #tpu.memory_space<vmem_shared>> -> memref<128x128xf32, #tpu.memory_space<vmem_shared>>
      %dma_start3A_32 = arith.constant 0 : i32
      %dma_start3A_33 = tpu.memref_slice %arg9[%add3A_28, %dma_start3A_32] : memref<10240x128xf32, #tpu.memory_space<vmem_shared>> -> memref<128x128xf32, #tpu.memory_space<vmem_shared>>
      tpu.enqueue_dma source(%dma_start3A_33 : memref<128x128xf32, #tpu.memory_space<vmem_shared>>) target(%arg7 : memref<128x128xf32, #tpu.memory_space<vmem>>) target_semaphore(%run_scoped3A : memref<!tpu.dma_semaphore, #tpu.memory_space<semaphore_mem>>)
      %dma_wait3A = arith.constant 0 : i32
      %dma_wait3A_34 = tpu.memref_slice %arg9[%add3A_28, %dma_wait3A] : memref<10240x128xf32, #tpu.memory_space<vmem_shared>> -> memref<128x128xf32, #tpu.memory_space<vmem_shared>>
      %dma_wait3A_35 = arith.constant 0 : i32
      %dma_wait3A_36 = tpu.memref_slice %arg9[%add3A_28, %dma_wait3A_35] : memref<10240x128xf32, #tpu.memory_space<vmem_shared>> -> memref<128x128xf32, #tpu.memory_space<vmem_shared>>
      tpu.wait_dma2 semaphore(%run_scoped3A : memref<!tpu.dma_semaphore, #tpu.memory_space<semaphore_mem>>) src(%dma_wait3A_36 : memref<128x128xf32, #tpu.memory_space<vmem_shared>>) dst(%arg7 : memref<128x128xf32, #tpu.memory_space<vmem>>)
      tpu.yield
    }) : () -> ()
    "tpu.region"() ({
      %run_scoped3A = tpu.sem_alloc : memref<!tpu.dma_semaphore, #tpu.memory_space<semaphore_mem>>
      %dma_start3A = arith.constant 0 : i32
      %dma_start3A_31 = tpu.memref_slice %arg5[%arg0, %add3A_28, %dma_start3A] : memref<2x10240x128xf32, #tpu.memory_space<hbm>> -> memref<1x128x128xf32, #tpu.memory_space<hbm>>
      %dma_start3A_32 = tpu.memref_squeeze %dma_start3A_31 : memref<1x128x128xf32, #tpu.memory_space<hbm>> -> memref<128x128xf32, #tpu.memory_space<hbm>>
      %dma_start3A_33 = arith.constant 0 : i32
      %dma_start3A_34 = tpu.memref_slice %arg5[%arg0, %add3A_28, %dma_start3A_33] : memref<2x10240x128xf32, #tpu.memory_space<hbm>> -> memref<1x128x128xf32, #tpu.memory_space<hbm>>
      %dma_start3A_35 = tpu.memref_squeeze %dma_start3A_34 : memref<1x128x128xf32, #tpu.memory_space<hbm>> -> memref<128x128xf32, #tpu.memory_space<hbm>>
      tpu.enqueue_dma source(%arg7 : memref<128x128xf32, #tpu.memory_space<vmem>>) target(%dma_start3A_35 : memref<128x128xf32, #tpu.memory_space<hbm>>) target_semaphore(%run_scoped3A : memref<!tpu.dma_semaphore, #tpu.memory_space<semaphore_mem>>)
      %dma_wait3A = arith.constant 0 : i32
      %dma_wait3A_36 = tpu.memref_slice %arg5[%arg0, %add3A_28, %dma_wait3A] : memref<2x10240x128xf32, #tpu.memory_space<hbm>> -> memref<1x128x128xf32, #tpu.memory_space<hbm>>
      %dma_wait3A_37 = tpu.memref_squeeze %dma_wait3A_36 : memref<1x128x128xf32, #tpu.memory_space<hbm>> -> memref<128x128xf32, #tpu.memory_space<hbm>>
      %dma_wait3A_38 = arith.constant 0 : i32
      %dma_wait3A_39 = tpu.memref_slice %arg5[%arg0, %add3A_28, %dma_wait3A_38] : memref<2x10240x128xf32, #tpu.memory_space<hbm>> -> memref<1x128x128xf32, #tpu.memory_space<hbm>>
      %dma_wait3A_40 = tpu.memref_squeeze %dma_wait3A_39 : memref<1x128x128xf32, #tpu.memory_space<hbm>> -> memref<128x128xf32, #tpu.memory_space<hbm>>
      tpu.wait_dma2 semaphore(%run_scoped3A : memref<!tpu.dma_semaphore, #tpu.memory_space<semaphore_mem>>) src(%arg7 : memref<128x128xf32, #tpu.memory_space<vmem>>) dst(%dma_wait3A_40 : memref<128x128xf32, #tpu.memory_space<hbm>>)
      tpu.yield
    }) : () -> ()
    %add3A_29 = arith.constant 512 : i32
    %add3A_30 = arith.addi %mul3A_2, %add3A_29 : i32
    "tpu.region"() ({
      %run_scoped3A = tpu.sem_alloc : memref<!tpu.dma_semaphore, #tpu.memory_space<semaphore_mem>>
      %dma_start3A = arith.constant 0 : i32
      %dma_start3A_31 = tpu.memref_slice %arg9[%add3A_30, %dma_start3A] : memref<10240x128xf32, #tpu.memory_space<vmem_shared>> -> memref<128x128xf32, #tpu.memory_space<vmem_shared>>
      %dma_start3A_32 = arith.constant 0 : i32
      %dma_start3A_33 = tpu.memref_slice %arg9[%add3A_30, %dma_start3A_32] : memref<10240x128xf32, #tpu.memory_space<vmem_shared>> -> memref<128x128xf32, #tpu.memory_space<vmem_shared>>
      tpu.enqueue_dma source(%dma_start3A_33 : memref<128x128xf32, #tpu.memory_space<vmem_shared>>) target(%arg7 : memref<128x128xf32, #tpu.memory_space<vmem>>) target_semaphore(%run_scoped3A : memref<!tpu.dma_semaphore, #tpu.memory_space<semaphore_mem>>)
      %dma_wait3A = arith.constant 0 : i32
      %dma_wait3A_34 = tpu.memref_slice %arg9[%add3A_30, %dma_wait3A] : memref<10240x128xf32, #tpu.memory_space<vmem_shared>> -> memref<128x128xf32, #tpu.memory_space<vmem_shared>>
      %dma_wait3A_35 = arith.constant 0 : i32
      %dma_wait3A_36 = tpu.memref_slice %arg9[%add3A_30, %dma_wait3A_35] : memref<10240x128xf32, #tpu.memory_space<vmem_shared>> -> memref<128x128xf32, #tpu.memory_space<vmem_shared>>
      tpu.wait_dma2 semaphore(%run_scoped3A : memref<!tpu.dma_semaphore, #tpu.memory_space<semaphore_mem>>) src(%dma_wait3A_36 : memref<128x128xf32, #tpu.memory_space<vmem_shared>>) dst(%arg7 : memref<128x128xf32, #tpu.memory_space<vmem>>)
      tpu.yield
    }) : () -> ()
    "tpu.region"() ({
      %run_scoped3A = tpu.sem_alloc : memref<!tpu.dma_semaphore, #tpu.memory_space<semaphore_mem>>
      %dma_start3A = arith.constant 0 : i32
      %dma_start3A_31 = tpu.memref_slice %arg5[%arg0, %add3A_30, %dma_start3A] : memref<2x10240x128xf32, #tpu.memory_space<hbm>> -> memref<1x128x128xf32, #tpu.memory_space<hbm>>
      %dma_start3A_32 = tpu.memref_squeeze %dma_start3A_31 : memref<1x128x128xf32, #tpu.memory_space<hbm>> -> memref<128x128xf32, #tpu.memory_space<hbm>>
      %dma_start3A_33 = arith.constant 0 : i32
      %dma_start3A_34 = tpu.memref_slice %arg5[%arg0, %add3A_30, %dma_start3A_33] : memref<2x10240x128xf32, #tpu.memory_space<hbm>> -> memref<1x128x128xf32, #tpu.memory_space<hbm>>
      %dma_start3A_35 = tpu.memref_squeeze %dma_start3A_34 : memref<1x128x128xf32, #tpu.memory_space<hbm>> -> memref<128x128xf32, #tpu.memory_space<hbm>>
      tpu.enqueue_dma source(%arg7 : memref<128x128xf32, #tpu.memory_space<vmem>>) target(%dma_start3A_35 : memref<128x128xf32, #tpu.memory_space<hbm>>) target_semaphore(%run_scoped3A : memref<!tpu.dma_semaphore, #tpu.memory_space<semaphore_mem>>)
      %dma_wait3A = arith.constant 0 : i32
      %dma_wait3A_36 = tpu.memref_slice %arg5[%arg0, %add3A_30, %dma_wait3A] : memref<2x10240x128xf32, #tpu.memory_space<hbm>> -> memref<1x128x128xf32, #tpu.memory_space<hbm>>
      %dma_wait3A_37 = tpu.memref_squeeze %dma_wait3A_36 : memref<1x128x128xf32, #tpu.memory_space<hbm>> -> memref<128x128xf32, #tpu.memory_space<hbm>>
      %dma_wait3A_38 = arith.constant 0 : i32
      %dma_wait3A_39 = tpu.memref_slice %arg5[%arg0, %add3A_30, %dma_wait3A_38] : memref<2x10240x128xf32, #tpu.memory_space<hbm>> -> memref<1x128x128xf32, #tpu.memory_space<hbm>>
      %dma_wait3A_40 = tpu.memref_squeeze %dma_wait3A_39 : memref<1x128x128xf32, #tpu.memory_space<hbm>> -> memref<128x128xf32, #tpu.memory_space<hbm>>
      tpu.wait_dma2 semaphore(%run_scoped3A : memref<!tpu.dma_semaphore, #tpu.memory_space<semaphore_mem>>) src(%arg7 : memref<128x128xf32, #tpu.memory_space<vmem>>) dst(%dma_wait3A_40 : memref<128x128xf32, #tpu.memory_space<hbm>>)
      tpu.yield
    }) : () -> ()
    return
  }
}

#map = affine_map<(d0, d1) -> (0, 0)>
#map1 = affine_map<(d0, d1) -> (0, 0, 0)>
module attributes {stable_mosaic.version = 14 : i64} {
  func.func @sc_agg(%arg0: i32, %arg1: i32, %arg2: memref<1280x128xi32, #tpu.memory_space<hbm>>, %arg3: memref<1280x128xi32, #tpu.memory_space<hbm>>, %arg4: memref<10000x128xf32, #tpu.memory_space<hbm>>, %arg5: memref<128x128xf32, #tpu.memory_space<hbm>>, %arg6: memref<2x10240x128xf32, #tpu.memory_space<hbm>>, %arg7: memref<40x128xi32, #tpu.memory_space<vmem>>, %arg8: memref<40x128xi32, #tpu.memory_space<vmem>>, %arg9: memref<128x128xf32, #tpu.memory_space<vmem>>, %arg10: memref<128x128xf32, #tpu.memory_space<vmem>>, %arg11: memref<10240x128xf32, #tpu.memory_space<vmem_shared>>, %arg12: memref<!tpu.dma_semaphore, #tpu.memory_space<semaphore_mem>>, %arg13: memref<!tpu.dma_semaphore, #tpu.memory_space<semaphore_mem>>) attributes {dimension_semantics = [#tpu.dimension_semantics<core_parallel>, #tpu.dimension_semantics<subcore_parallel>], iteration_bounds = array<i64: 2, 16>, scalar_prefetch = 0 : i64, scratch_operands = 7 : i64, tpu.core_type = #tpu.core_type<sc_vector_subcore>, window_params = [{transform_indices = #map}, {transform_indices = #map}, {transform_indices = #map}, {transform_indices = #map}, {transform_indices = #map1}]} {
    %mul3A = arith.constant 2 : i32
    %mul3A_0 = arith.muli %arg1, %mul3A : i32
    %add3A = arith.addi %mul3A_0, %arg0 : i32
    %mul3A_1 = arith.constant 640 : i32
    %mul3A_2 = arith.muli %arg1, %mul3A_1 : i32
    "tpu.region"() ({
      %run_scoped3A = tpu.sem_alloc : memref<!tpu.dma_semaphore, #tpu.memory_space<semaphore_mem>>
      tpu.enqueue_dma source(%arg5 : memref<128x128xf32, #tpu.memory_space<hbm>>) target(%arg9 : memref<128x128xf32, #tpu.memory_space<vmem>>) target_semaphore(%run_scoped3A : memref<!tpu.dma_semaphore, #tpu.memory_space<semaphore_mem>>)
      tpu.wait_dma2 semaphore(%run_scoped3A : memref<!tpu.dma_semaphore, #tpu.memory_space<semaphore_mem>>) src(%arg5 : memref<128x128xf32, #tpu.memory_space<hbm>>) dst(%arg9 : memref<128x128xf32, #tpu.memory_space<vmem>>)
      tpu.yield
    }) : () -> ()
    %add3A_3 = arith.constant 0 : i32
    %add3A_4 = arith.addi %mul3A_2, %add3A_3 : i32
    "tpu.region"() ({
      %run_scoped3A = tpu.sem_alloc : memref<!tpu.dma_semaphore, #tpu.memory_space<semaphore_mem>>
      %dma_start3A_39 = arith.constant 0 : i32
      %dma_start3A_40 = tpu.memref_slice %arg11[%add3A_4, %dma_start3A_39] : memref<10240x128xf32, #tpu.memory_space<vmem_shared>> -> memref<128x128xf32, #tpu.memory_space<vmem_shared>>
      %dma_start3A_41 = arith.constant 0 : i32
      %dma_start3A_42 = tpu.memref_slice %arg11[%add3A_4, %dma_start3A_41] : memref<10240x128xf32, #tpu.memory_space<vmem_shared>> -> memref<128x128xf32, #tpu.memory_space<vmem_shared>>
      tpu.enqueue_dma source(%arg9 : memref<128x128xf32, #tpu.memory_space<vmem>>) target(%dma_start3A_42 : memref<128x128xf32, #tpu.memory_space<vmem_shared>>) target_semaphore(%run_scoped3A : memref<!tpu.dma_semaphore, #tpu.memory_space<semaphore_mem>>)
      %dma_wait3A = arith.constant 0 : i32
      %dma_wait3A_43 = tpu.memref_slice %arg11[%add3A_4, %dma_wait3A] : memref<10240x128xf32, #tpu.memory_space<vmem_shared>> -> memref<128x128xf32, #tpu.memory_space<vmem_shared>>
      %dma_wait3A_44 = arith.constant 0 : i32
      %dma_wait3A_45 = tpu.memref_slice %arg11[%add3A_4, %dma_wait3A_44] : memref<10240x128xf32, #tpu.memory_space<vmem_shared>> -> memref<128x128xf32, #tpu.memory_space<vmem_shared>>
      tpu.wait_dma2 semaphore(%run_scoped3A : memref<!tpu.dma_semaphore, #tpu.memory_space<semaphore_mem>>) src(%arg9 : memref<128x128xf32, #tpu.memory_space<vmem>>) dst(%dma_wait3A_45 : memref<128x128xf32, #tpu.memory_space<vmem_shared>>)
      tpu.yield
    }) : () -> ()
    %add3A_5 = arith.constant 128 : i32
    %add3A_6 = arith.addi %mul3A_2, %add3A_5 : i32
    "tpu.region"() ({
      %run_scoped3A = tpu.sem_alloc : memref<!tpu.dma_semaphore, #tpu.memory_space<semaphore_mem>>
      %dma_start3A_39 = arith.constant 0 : i32
      %dma_start3A_40 = tpu.memref_slice %arg11[%add3A_6, %dma_start3A_39] : memref<10240x128xf32, #tpu.memory_space<vmem_shared>> -> memref<128x128xf32, #tpu.memory_space<vmem_shared>>
      %dma_start3A_41 = arith.constant 0 : i32
      %dma_start3A_42 = tpu.memref_slice %arg11[%add3A_6, %dma_start3A_41] : memref<10240x128xf32, #tpu.memory_space<vmem_shared>> -> memref<128x128xf32, #tpu.memory_space<vmem_shared>>
      tpu.enqueue_dma source(%arg9 : memref<128x128xf32, #tpu.memory_space<vmem>>) target(%dma_start3A_42 : memref<128x128xf32, #tpu.memory_space<vmem_shared>>) target_semaphore(%run_scoped3A : memref<!tpu.dma_semaphore, #tpu.memory_space<semaphore_mem>>)
      %dma_wait3A = arith.constant 0 : i32
      %dma_wait3A_43 = tpu.memref_slice %arg11[%add3A_6, %dma_wait3A] : memref<10240x128xf32, #tpu.memory_space<vmem_shared>> -> memref<128x128xf32, #tpu.memory_space<vmem_shared>>
      %dma_wait3A_44 = arith.constant 0 : i32
      %dma_wait3A_45 = tpu.memref_slice %arg11[%add3A_6, %dma_wait3A_44] : memref<10240x128xf32, #tpu.memory_space<vmem_shared>> -> memref<128x128xf32, #tpu.memory_space<vmem_shared>>
      tpu.wait_dma2 semaphore(%run_scoped3A : memref<!tpu.dma_semaphore, #tpu.memory_space<semaphore_mem>>) src(%arg9 : memref<128x128xf32, #tpu.memory_space<vmem>>) dst(%dma_wait3A_45 : memref<128x128xf32, #tpu.memory_space<vmem_shared>>)
      tpu.yield
    }) : () -> ()
    %add3A_7 = arith.constant 256 : i32
    %add3A_8 = arith.addi %mul3A_2, %add3A_7 : i32
    "tpu.region"() ({
      %run_scoped3A = tpu.sem_alloc : memref<!tpu.dma_semaphore, #tpu.memory_space<semaphore_mem>>
      %dma_start3A_39 = arith.constant 0 : i32
      %dma_start3A_40 = tpu.memref_slice %arg11[%add3A_8, %dma_start3A_39] : memref<10240x128xf32, #tpu.memory_space<vmem_shared>> -> memref<128x128xf32, #tpu.memory_space<vmem_shared>>
      %dma_start3A_41 = arith.constant 0 : i32
      %dma_start3A_42 = tpu.memref_slice %arg11[%add3A_8, %dma_start3A_41] : memref<10240x128xf32, #tpu.memory_space<vmem_shared>> -> memref<128x128xf32, #tpu.memory_space<vmem_shared>>
      tpu.enqueue_dma source(%arg9 : memref<128x128xf32, #tpu.memory_space<vmem>>) target(%dma_start3A_42 : memref<128x128xf32, #tpu.memory_space<vmem_shared>>) target_semaphore(%run_scoped3A : memref<!tpu.dma_semaphore, #tpu.memory_space<semaphore_mem>>)
      %dma_wait3A = arith.constant 0 : i32
      %dma_wait3A_43 = tpu.memref_slice %arg11[%add3A_8, %dma_wait3A] : memref<10240x128xf32, #tpu.memory_space<vmem_shared>> -> memref<128x128xf32, #tpu.memory_space<vmem_shared>>
      %dma_wait3A_44 = arith.constant 0 : i32
      %dma_wait3A_45 = tpu.memref_slice %arg11[%add3A_8, %dma_wait3A_44] : memref<10240x128xf32, #tpu.memory_space<vmem_shared>> -> memref<128x128xf32, #tpu.memory_space<vmem_shared>>
      tpu.wait_dma2 semaphore(%run_scoped3A : memref<!tpu.dma_semaphore, #tpu.memory_space<semaphore_mem>>) src(%arg9 : memref<128x128xf32, #tpu.memory_space<vmem>>) dst(%dma_wait3A_45 : memref<128x128xf32, #tpu.memory_space<vmem_shared>>)
      tpu.yield
    }) : () -> ()
    %add3A_9 = arith.constant 384 : i32
    %add3A_10 = arith.addi %mul3A_2, %add3A_9 : i32
    "tpu.region"() ({
      %run_scoped3A = tpu.sem_alloc : memref<!tpu.dma_semaphore, #tpu.memory_space<semaphore_mem>>
      %dma_start3A_39 = arith.constant 0 : i32
      %dma_start3A_40 = tpu.memref_slice %arg11[%add3A_10, %dma_start3A_39] : memref<10240x128xf32, #tpu.memory_space<vmem_shared>> -> memref<128x128xf32, #tpu.memory_space<vmem_shared>>
      %dma_start3A_41 = arith.constant 0 : i32
      %dma_start3A_42 = tpu.memref_slice %arg11[%add3A_10, %dma_start3A_41] : memref<10240x128xf32, #tpu.memory_space<vmem_shared>> -> memref<128x128xf32, #tpu.memory_space<vmem_shared>>
      tpu.enqueue_dma source(%arg9 : memref<128x128xf32, #tpu.memory_space<vmem>>) target(%dma_start3A_42 : memref<128x128xf32, #tpu.memory_space<vmem_shared>>) target_semaphore(%run_scoped3A : memref<!tpu.dma_semaphore, #tpu.memory_space<semaphore_mem>>)
      %dma_wait3A = arith.constant 0 : i32
      %dma_wait3A_43 = tpu.memref_slice %arg11[%add3A_10, %dma_wait3A] : memref<10240x128xf32, #tpu.memory_space<vmem_shared>> -> memref<128x128xf32, #tpu.memory_space<vmem_shared>>
      %dma_wait3A_44 = arith.constant 0 : i32
      %dma_wait3A_45 = tpu.memref_slice %arg11[%add3A_10, %dma_wait3A_44] : memref<10240x128xf32, #tpu.memory_space<vmem_shared>> -> memref<128x128xf32, #tpu.memory_space<vmem_shared>>
      tpu.wait_dma2 semaphore(%run_scoped3A : memref<!tpu.dma_semaphore, #tpu.memory_space<semaphore_mem>>) src(%arg9 : memref<128x128xf32, #tpu.memory_space<vmem>>) dst(%dma_wait3A_45 : memref<128x128xf32, #tpu.memory_space<vmem_shared>>)
      tpu.yield
    }) : () -> ()
    %add3A_11 = arith.constant 512 : i32
    %add3A_12 = arith.addi %mul3A_2, %add3A_11 : i32
    "tpu.region"() ({
      %run_scoped3A = tpu.sem_alloc : memref<!tpu.dma_semaphore, #tpu.memory_space<semaphore_mem>>
      %dma_start3A_39 = arith.constant 0 : i32
      %dma_start3A_40 = tpu.memref_slice %arg11[%add3A_12, %dma_start3A_39] : memref<10240x128xf32, #tpu.memory_space<vmem_shared>> -> memref<128x128xf32, #tpu.memory_space<vmem_shared>>
      %dma_start3A_41 = arith.constant 0 : i32
      %dma_start3A_42 = tpu.memref_slice %arg11[%add3A_12, %dma_start3A_41] : memref<10240x128xf32, #tpu.memory_space<vmem_shared>> -> memref<128x128xf32, #tpu.memory_space<vmem_shared>>
      tpu.enqueue_dma source(%arg9 : memref<128x128xf32, #tpu.memory_space<vmem>>) target(%dma_start3A_42 : memref<128x128xf32, #tpu.memory_space<vmem_shared>>) target_semaphore(%run_scoped3A : memref<!tpu.dma_semaphore, #tpu.memory_space<semaphore_mem>>)
      %dma_wait3A = arith.constant 0 : i32
      %dma_wait3A_43 = tpu.memref_slice %arg11[%add3A_12, %dma_wait3A] : memref<10240x128xf32, #tpu.memory_space<vmem_shared>> -> memref<128x128xf32, #tpu.memory_space<vmem_shared>>
      %dma_wait3A_44 = arith.constant 0 : i32
      %dma_wait3A_45 = tpu.memref_slice %arg11[%add3A_12, %dma_wait3A_44] : memref<10240x128xf32, #tpu.memory_space<vmem_shared>> -> memref<128x128xf32, #tpu.memory_space<vmem_shared>>
      tpu.wait_dma2 semaphore(%run_scoped3A : memref<!tpu.dma_semaphore, #tpu.memory_space<semaphore_mem>>) src(%arg9 : memref<128x128xf32, #tpu.memory_space<vmem>>) dst(%dma_wait3A_45 : memref<128x128xf32, #tpu.memory_space<vmem_shared>>)
      tpu.yield
    }) : () -> ()
    %mul3A_13 = arith.constant 40 : i32
    %mul3A_14 = arith.muli %add3A, %mul3A_13 : i32
    "tpu.region"() ({
      %run_scoped3A = tpu.sem_alloc : memref<!tpu.dma_semaphore, #tpu.memory_space<semaphore_mem>>
      %dma_start3A_39 = arith.constant 0 : i32
      %dma_start3A_40 = tpu.memref_slice %arg2[%mul3A_14, %dma_start3A_39] : memref<1280x128xi32, #tpu.memory_space<hbm>> -> memref<40x128xi32, #tpu.memory_space<hbm>>
      %dma_start3A_41 = arith.constant 0 : i32
      %dma_start3A_42 = tpu.memref_slice %arg2[%mul3A_14, %dma_start3A_41] : memref<1280x128xi32, #tpu.memory_space<hbm>> -> memref<40x128xi32, #tpu.memory_space<hbm>>
      tpu.enqueue_dma source(%dma_start3A_42 : memref<40x128xi32, #tpu.memory_space<hbm>>) target(%arg7 : memref<40x128xi32, #tpu.memory_space<vmem>>) target_semaphore(%run_scoped3A : memref<!tpu.dma_semaphore, #tpu.memory_space<semaphore_mem>>)
      %dma_wait3A = arith.constant 0 : i32
      %dma_wait3A_43 = tpu.memref_slice %arg2[%mul3A_14, %dma_wait3A] : memref<1280x128xi32, #tpu.memory_space<hbm>> -> memref<40x128xi32, #tpu.memory_space<hbm>>
      %dma_wait3A_44 = arith.constant 0 : i32
      %dma_wait3A_45 = tpu.memref_slice %arg2[%mul3A_14, %dma_wait3A_44] : memref<1280x128xi32, #tpu.memory_space<hbm>> -> memref<40x128xi32, #tpu.memory_space<hbm>>
      tpu.wait_dma2 semaphore(%run_scoped3A : memref<!tpu.dma_semaphore, #tpu.memory_space<semaphore_mem>>) src(%dma_wait3A_45 : memref<40x128xi32, #tpu.memory_space<hbm>>) dst(%arg7 : memref<40x128xi32, #tpu.memory_space<vmem>>)
      tpu.yield
    }) : () -> ()
    %mul3A_15 = arith.constant 40 : i32
    %mul3A_16 = arith.muli %add3A, %mul3A_15 : i32
    "tpu.region"() ({
      %run_scoped3A = tpu.sem_alloc : memref<!tpu.dma_semaphore, #tpu.memory_space<semaphore_mem>>
      %dma_start3A_39 = arith.constant 0 : i32
      %dma_start3A_40 = tpu.memref_slice %arg3[%mul3A_16, %dma_start3A_39] : memref<1280x128xi32, #tpu.memory_space<hbm>> -> memref<40x128xi32, #tpu.memory_space<hbm>>
      %dma_start3A_41 = arith.constant 0 : i32
      %dma_start3A_42 = tpu.memref_slice %arg3[%mul3A_16, %dma_start3A_41] : memref<1280x128xi32, #tpu.memory_space<hbm>> -> memref<40x128xi32, #tpu.memory_space<hbm>>
      tpu.enqueue_dma source(%dma_start3A_42 : memref<40x128xi32, #tpu.memory_space<hbm>>) target(%arg8 : memref<40x128xi32, #tpu.memory_space<vmem>>) target_semaphore(%run_scoped3A : memref<!tpu.dma_semaphore, #tpu.memory_space<semaphore_mem>>)
      %dma_wait3A = arith.constant 0 : i32
      %dma_wait3A_43 = tpu.memref_slice %arg3[%mul3A_16, %dma_wait3A] : memref<1280x128xi32, #tpu.memory_space<hbm>> -> memref<40x128xi32, #tpu.memory_space<hbm>>
      %dma_wait3A_44 = arith.constant 0 : i32
      %dma_wait3A_45 = tpu.memref_slice %arg3[%mul3A_16, %dma_wait3A_44] : memref<1280x128xi32, #tpu.memory_space<hbm>> -> memref<40x128xi32, #tpu.memory_space<hbm>>
      tpu.wait_dma2 semaphore(%run_scoped3A : memref<!tpu.dma_semaphore, #tpu.memory_space<semaphore_mem>>) src(%dma_wait3A_45 : memref<40x128xi32, #tpu.memory_space<hbm>>) dst(%arg8 : memref<40x128xi32, #tpu.memory_space<vmem>>)
      tpu.yield
    }) : () -> ()
    %barrier3A = arith.constant 0 : index
    tpu.barrier barrier_id(%barrier3A)
    %dma_start3A = arith.constant 0 : i32
    %dma_start3A_17 = arith.constant 0 : i32
    %dma_start3A_18 = tpu.memref_slice %arg7[%dma_start3A, %dma_start3A_17] : memref<40x128xi32, #tpu.memory_space<vmem>> -> memref<1x128xi32, #tpu.memory_space<vmem>>
    %dma_start3A_19 = tpu.memref_squeeze %dma_start3A_18 : memref<1x128xi32, #tpu.memory_space<vmem>> -> memref<128xi32, #tpu.memory_space<vmem>>
    %dma_start3A_20 = arith.constant 0 : i32
    %dma_start3A_21 = arith.constant 0 : i32
    %dma_start3A_22 = tpu.memref_slice %arg4[%dma_start3A_20, %dma_start3A_21] : memref<10000x128xf32, #tpu.memory_space<hbm>> -> memref<10000x128xf32, #tpu.memory_space<hbm>>
    tpu.enqueue_indirect_dma source(%dma_start3A_22 : memref<10000x128xf32, #tpu.memory_space<hbm>>) target(%arg9 : memref<128x128xf32, #tpu.memory_space<vmem>>) offsets(%dma_start3A_19 : memref<128xi32, #tpu.memory_space<vmem>>) semaphore(%arg12 : memref<!tpu.dma_semaphore, #tpu.memory_space<semaphore_mem>>)
    %scan3A = arith.constant 0 : i32
    %scan3A_23 = arith.constant 0 : i32
    %scan3A_24 = arith.constant 20 : i32
    %scan3A_25 = arith.addi %scan3A_23, %scan3A_24 : i32
    %scan3A_26 = arith.constant 1 : i32
    scf.for %scan3A_39 = %scan3A_23 to %scan3A_25 step %scan3A_26  : i32 {
      %mul3A_40 = arith.constant 2 : i32
      %mul3A_41 = arith.muli %mul3A_40, %scan3A_39 : i32
      %add3A_42 = arith.constant 1 : i32
      %add3A_43 = arith.addi %mul3A_41, %add3A_42 : i32
      %dma_start3A_44 = arith.constant 0 : i32
      %dma_start3A_45 = tpu.memref_slice %arg7[%add3A_43, %dma_start3A_44] : memref<40x128xi32, #tpu.memory_space<vmem>> -> memref<1x128xi32, #tpu.memory_space<vmem>>
      %dma_start3A_46 = tpu.memref_squeeze %dma_start3A_45 : memref<1x128xi32, #tpu.memory_space<vmem>> -> memref<128xi32, #tpu.memory_space<vmem>>
      %dma_start3A_47 = arith.constant 0 : i32
      %dma_start3A_48 = arith.constant 0 : i32
      %dma_start3A_49 = tpu.memref_slice %arg4[%dma_start3A_47, %dma_start3A_48] : memref<10000x128xf32, #tpu.memory_space<hbm>> -> memref<10000x128xf32, #tpu.memory_space<hbm>>
      tpu.enqueue_indirect_dma source(%dma_start3A_49 : memref<10000x128xf32, #tpu.memory_space<hbm>>) target(%arg10 : memref<128x128xf32, #tpu.memory_space<vmem>>) offsets(%dma_start3A_46 : memref<128xi32, #tpu.memory_space<vmem>>) semaphore(%arg13 : memref<!tpu.dma_semaphore, #tpu.memory_space<semaphore_mem>>)
      %mul3A_50 = arith.constant 2 : i32
      %mul3A_51 = arith.muli %mul3A_50, %scan3A_39 : i32
      %dma_wait3A = arith.constant 0 : i32
      %dma_wait3A_52 = tpu.memref_slice %arg7[%mul3A_51, %dma_wait3A] : memref<40x128xi32, #tpu.memory_space<vmem>> -> memref<1x128xi32, #tpu.memory_space<vmem>>
      %dma_wait3A_53 = tpu.memref_squeeze %dma_wait3A_52 : memref<1x128xi32, #tpu.memory_space<vmem>> -> memref<128xi32, #tpu.memory_space<vmem>>
      %dma_wait3A_54 = arith.constant 0 : i32
      %dma_wait3A_55 = arith.constant 0 : i32
      %dma_wait3A_56 = tpu.memref_slice %arg4[%dma_wait3A_54, %dma_wait3A_55] : memref<10000x128xf32, #tpu.memory_space<hbm>> -> memref<10000x128xf32, #tpu.memory_space<hbm>>
      tpu.wait_indirect_dma semaphore(%arg12 : memref<!tpu.dma_semaphore, #tpu.memory_space<semaphore_mem>>) src(%dma_wait3A_56 : memref<10000x128xf32, #tpu.memory_space<hbm>>) dst(%arg9 : memref<128x128xf32, #tpu.memory_space<vmem>>)
      %mul3A_57 = arith.constant 2 : i32
      %mul3A_58 = arith.muli %mul3A_57, %scan3A_39 : i32
      "tpu.region"() ({
        %run_scoped3A = tpu.sem_alloc : memref<!tpu.dma_semaphore, #tpu.memory_space<semaphore_mem>>
        %dma_start3A_75 = arith.constant 0 : i32
        %dma_start3A_76 = tpu.memref_slice %arg8[%mul3A_58, %dma_start3A_75] : memref<40x128xi32, #tpu.memory_space<vmem>> -> memref<1x128xi32, #tpu.memory_space<vmem>>
        %dma_start3A_77 = tpu.memref_squeeze %dma_start3A_76 : memref<1x128xi32, #tpu.memory_space<vmem>> -> memref<128xi32, #tpu.memory_space<vmem>>
        %dma_start3A_78 = arith.constant 0 : i32
        %dma_start3A_79 = arith.constant 0 : i32
        %dma_start3A_80 = tpu.memref_slice %arg11[%dma_start3A_78, %dma_start3A_79] : memref<10240x128xf32, #tpu.memory_space<vmem_shared>> -> memref<10240x128xf32, #tpu.memory_space<vmem_shared>>
        tpu.enqueue_indirect_dma source(%arg9 : memref<128x128xf32, #tpu.memory_space<vmem>>) target(%dma_start3A_80 : memref<10240x128xf32, #tpu.memory_space<vmem_shared>>) offsets(%dma_start3A_77 : memref<128xi32, #tpu.memory_space<vmem>>) semaphore(%run_scoped3A : memref<!tpu.dma_semaphore, #tpu.memory_space<semaphore_mem>>) {add = true}
        %dma_wait3A_81 = arith.constant 0 : i32
        %dma_wait3A_82 = tpu.memref_slice %arg8[%mul3A_58, %dma_wait3A_81] : memref<40x128xi32, #tpu.memory_space<vmem>> -> memref<1x128xi32, #tpu.memory_space<vmem>>
        %dma_wait3A_83 = tpu.memref_squeeze %dma_wait3A_82 : memref<1x128xi32, #tpu.memory_space<vmem>> -> memref<128xi32, #tpu.memory_space<vmem>>
        %dma_wait3A_84 = arith.constant 0 : i32
        %dma_wait3A_85 = arith.constant 0 : i32
        %dma_wait3A_86 = tpu.memref_slice %arg11[%dma_wait3A_84, %dma_wait3A_85] : memref<10240x128xf32, #tpu.memory_space<vmem_shared>> -> memref<10240x128xf32, #tpu.memory_space<vmem_shared>>
        tpu.wait_indirect_dma semaphore(%run_scoped3A : memref<!tpu.dma_semaphore, #tpu.memory_space<semaphore_mem>>) src(%arg9 : memref<128x128xf32, #tpu.memory_space<vmem>>) dst(%dma_wait3A_86 : memref<10240x128xf32, #tpu.memory_space<vmem_shared>>)
        tpu.yield
      }) : () -> ()
      %lt3A = arith.constant 19 : i32
      %lt3A_59 = arith.cmpi slt, %scan3A_39, %lt3A : i32
      %convert_element_type3A = arith.extui %lt3A_59 : i1 to i32
      %cond3A = arith.constant 0 : i32
      %cond3A_60 = arith.cmpi ne, %convert_element_type3A, %cond3A : i32
      scf.if %cond3A_60 {
        %mul3A_75 = arith.constant 2 : i32
        %mul3A_76 = arith.muli %mul3A_75, %scan3A_39 : i32
        %add3A_77 = arith.constant 2 : i32
        %add3A_78 = arith.addi %mul3A_76, %add3A_77 : i32
        %dma_start3A_79 = arith.constant 0 : i32
        %dma_start3A_80 = tpu.memref_slice %arg7[%add3A_78, %dma_start3A_79] : memref<40x128xi32, #tpu.memory_space<vmem>> -> memref<1x128xi32, #tpu.memory_space<vmem>>
        %dma_start3A_81 = tpu.memref_squeeze %dma_start3A_80 : memref<1x128xi32, #tpu.memory_space<vmem>> -> memref<128xi32, #tpu.memory_space<vmem>>
        %dma_start3A_82 = arith.constant 0 : i32
        %dma_start3A_83 = arith.constant 0 : i32
        %dma_start3A_84 = tpu.memref_slice %arg4[%dma_start3A_82, %dma_start3A_83] : memref<10000x128xf32, #tpu.memory_space<hbm>> -> memref<10000x128xf32, #tpu.memory_space<hbm>>
        tpu.enqueue_indirect_dma source(%dma_start3A_84 : memref<10000x128xf32, #tpu.memory_space<hbm>>) target(%arg9 : memref<128x128xf32, #tpu.memory_space<vmem>>) offsets(%dma_start3A_81 : memref<128xi32, #tpu.memory_space<vmem>>) semaphore(%arg12 : memref<!tpu.dma_semaphore, #tpu.memory_space<semaphore_mem>>)
      } else {
      }
      %mul3A_61 = arith.constant 2 : i32
      %mul3A_62 = arith.muli %mul3A_61, %scan3A_39 : i32
      %add3A_63 = arith.constant 1 : i32
      %add3A_64 = arith.addi %mul3A_62, %add3A_63 : i32
      %dma_wait3A_65 = arith.constant 0 : i32
      %dma_wait3A_66 = tpu.memref_slice %arg7[%add3A_64, %dma_wait3A_65] : memref<40x128xi32, #tpu.memory_space<vmem>> -> memref<1x128xi32, #tpu.memory_space<vmem>>
      %dma_wait3A_67 = tpu.memref_squeeze %dma_wait3A_66 : memref<1x128xi32, #tpu.memory_space<vmem>> -> memref<128xi32, #tpu.memory_space<vmem>>
      %dma_wait3A_68 = arith.constant 0 : i32
      %dma_wait3A_69 = arith.constant 0 : i32
      %dma_wait3A_70 = tpu.memref_slice %arg4[%dma_wait3A_68, %dma_wait3A_69] : memref<10000x128xf32, #tpu.memory_space<hbm>> -> memref<10000x128xf32, #tpu.memory_space<hbm>>
      tpu.wait_indirect_dma semaphore(%arg13 : memref<!tpu.dma_semaphore, #tpu.memory_space<semaphore_mem>>) src(%dma_wait3A_70 : memref<10000x128xf32, #tpu.memory_space<hbm>>) dst(%arg10 : memref<128x128xf32, #tpu.memory_space<vmem>>)
      %mul3A_71 = arith.constant 2 : i32
      %mul3A_72 = arith.muli %mul3A_71, %scan3A_39 : i32
      %add3A_73 = arith.constant 1 : i32
      %add3A_74 = arith.addi %mul3A_72, %add3A_73 : i32
      "tpu.region"() ({
        %run_scoped3A = tpu.sem_alloc : memref<!tpu.dma_semaphore, #tpu.memory_space<semaphore_mem>>
        %dma_start3A_75 = arith.constant 0 : i32
        %dma_start3A_76 = tpu.memref_slice %arg8[%add3A_74, %dma_start3A_75] : memref<40x128xi32, #tpu.memory_space<vmem>> -> memref<1x128xi32, #tpu.memory_space<vmem>>
        %dma_start3A_77 = tpu.memref_squeeze %dma_start3A_76 : memref<1x128xi32, #tpu.memory_space<vmem>> -> memref<128xi32, #tpu.memory_space<vmem>>
        %dma_start3A_78 = arith.constant 0 : i32
        %dma_start3A_79 = arith.constant 0 : i32
        %dma_start3A_80 = tpu.memref_slice %arg11[%dma_start3A_78, %dma_start3A_79] : memref<10240x128xf32, #tpu.memory_space<vmem_shared>> -> memref<10240x128xf32, #tpu.memory_space<vmem_shared>>
        tpu.enqueue_indirect_dma source(%arg10 : memref<128x128xf32, #tpu.memory_space<vmem>>) target(%dma_start3A_80 : memref<10240x128xf32, #tpu.memory_space<vmem_shared>>) offsets(%dma_start3A_77 : memref<128xi32, #tpu.memory_space<vmem>>) semaphore(%run_scoped3A : memref<!tpu.dma_semaphore, #tpu.memory_space<semaphore_mem>>) {add = true}
        %dma_wait3A_81 = arith.constant 0 : i32
        %dma_wait3A_82 = tpu.memref_slice %arg8[%add3A_74, %dma_wait3A_81] : memref<40x128xi32, #tpu.memory_space<vmem>> -> memref<1x128xi32, #tpu.memory_space<vmem>>
        %dma_wait3A_83 = tpu.memref_squeeze %dma_wait3A_82 : memref<1x128xi32, #tpu.memory_space<vmem>> -> memref<128xi32, #tpu.memory_space<vmem>>
        %dma_wait3A_84 = arith.constant 0 : i32
        %dma_wait3A_85 = arith.constant 0 : i32
        %dma_wait3A_86 = tpu.memref_slice %arg11[%dma_wait3A_84, %dma_wait3A_85] : memref<10240x128xf32, #tpu.memory_space<vmem_shared>> -> memref<10240x128xf32, #tpu.memory_space<vmem_shared>>
        tpu.wait_indirect_dma semaphore(%run_scoped3A : memref<!tpu.dma_semaphore, #tpu.memory_space<semaphore_mem>>) src(%arg10 : memref<128x128xf32, #tpu.memory_space<vmem>>) dst(%dma_wait3A_86 : memref<10240x128xf32, #tpu.memory_space<vmem_shared>>)
        tpu.yield
      }) : () -> ()
    }
    %scan3A_27 = arith.constant 20 : i32
    %barrier3A_28 = arith.constant 0 : index
    tpu.barrier barrier_id(%barrier3A_28)
    %add3A_29 = arith.constant 0 : i32
    %add3A_30 = arith.addi %mul3A_2, %add3A_29 : i32
    "tpu.region"() ({
      %run_scoped3A = tpu.sem_alloc : memref<!tpu.dma_semaphore, #tpu.memory_space<semaphore_mem>>
      %dma_start3A_39 = arith.constant 0 : i32
      %dma_start3A_40 = tpu.memref_slice %arg11[%add3A_30, %dma_start3A_39] : memref<10240x128xf32, #tpu.memory_space<vmem_shared>> -> memref<128x128xf32, #tpu.memory_space<vmem_shared>>
      %dma_start3A_41 = arith.constant 0 : i32
      %dma_start3A_42 = tpu.memref_slice %arg11[%add3A_30, %dma_start3A_41] : memref<10240x128xf32, #tpu.memory_space<vmem_shared>> -> memref<128x128xf32, #tpu.memory_space<vmem_shared>>
      tpu.enqueue_dma source(%dma_start3A_42 : memref<128x128xf32, #tpu.memory_space<vmem_shared>>) target(%arg9 : memref<128x128xf32, #tpu.memory_space<vmem>>) target_semaphore(%run_scoped3A : memref<!tpu.dma_semaphore, #tpu.memory_space<semaphore_mem>>)
      %dma_wait3A = arith.constant 0 : i32
      %dma_wait3A_43 = tpu.memref_slice %arg11[%add3A_30, %dma_wait3A] : memref<10240x128xf32, #tpu.memory_space<vmem_shared>> -> memref<128x128xf32, #tpu.memory_space<vmem_shared>>
      %dma_wait3A_44 = arith.constant 0 : i32
      %dma_wait3A_45 = tpu.memref_slice %arg11[%add3A_30, %dma_wait3A_44] : memref<10240x128xf32, #tpu.memory_space<vmem_shared>> -> memref<128x128xf32, #tpu.memory_space<vmem_shared>>
      tpu.wait_dma2 semaphore(%run_scoped3A : memref<!tpu.dma_semaphore, #tpu.memory_space<semaphore_mem>>) src(%dma_wait3A_45 : memref<128x128xf32, #tpu.memory_space<vmem_shared>>) dst(%arg9 : memref<128x128xf32, #tpu.memory_space<vmem>>)
      tpu.yield
    }) : () -> ()
    "tpu.region"() ({
      %run_scoped3A = tpu.sem_alloc : memref<!tpu.dma_semaphore, #tpu.memory_space<semaphore_mem>>
      %dma_start3A_39 = arith.constant 0 : i32
      %dma_start3A_40 = tpu.memref_slice %arg6[%arg0, %add3A_30, %dma_start3A_39] : memref<2x10240x128xf32, #tpu.memory_space<hbm>> -> memref<1x128x128xf32, #tpu.memory_space<hbm>>
      %dma_start3A_41 = tpu.memref_squeeze %dma_start3A_40 : memref<1x128x128xf32, #tpu.memory_space<hbm>> -> memref<128x128xf32, #tpu.memory_space<hbm>>
      %dma_start3A_42 = arith.constant 0 : i32
      %dma_start3A_43 = tpu.memref_slice %arg6[%arg0, %add3A_30, %dma_start3A_42] : memref<2x10240x128xf32, #tpu.memory_space<hbm>> -> memref<1x128x128xf32, #tpu.memory_space<hbm>>
      %dma_start3A_44 = tpu.memref_squeeze %dma_start3A_43 : memref<1x128x128xf32, #tpu.memory_space<hbm>> -> memref<128x128xf32, #tpu.memory_space<hbm>>
      tpu.enqueue_dma source(%arg9 : memref<128x128xf32, #tpu.memory_space<vmem>>) target(%dma_start3A_44 : memref<128x128xf32, #tpu.memory_space<hbm>>) target_semaphore(%run_scoped3A : memref<!tpu.dma_semaphore, #tpu.memory_space<semaphore_mem>>)
      %dma_wait3A = arith.constant 0 : i32
      %dma_wait3A_45 = tpu.memref_slice %arg6[%arg0, %add3A_30, %dma_wait3A] : memref<2x10240x128xf32, #tpu.memory_space<hbm>> -> memref<1x128x128xf32, #tpu.memory_space<hbm>>
      %dma_wait3A_46 = tpu.memref_squeeze %dma_wait3A_45 : memref<1x128x128xf32, #tpu.memory_space<hbm>> -> memref<128x128xf32, #tpu.memory_space<hbm>>
      %dma_wait3A_47 = arith.constant 0 : i32
      %dma_wait3A_48 = tpu.memref_slice %arg6[%arg0, %add3A_30, %dma_wait3A_47] : memref<2x10240x128xf32, #tpu.memory_space<hbm>> -> memref<1x128x128xf32, #tpu.memory_space<hbm>>
      %dma_wait3A_49 = tpu.memref_squeeze %dma_wait3A_48 : memref<1x128x128xf32, #tpu.memory_space<hbm>> -> memref<128x128xf32, #tpu.memory_space<hbm>>
      tpu.wait_dma2 semaphore(%run_scoped3A : memref<!tpu.dma_semaphore, #tpu.memory_space<semaphore_mem>>) src(%arg9 : memref<128x128xf32, #tpu.memory_space<vmem>>) dst(%dma_wait3A_49 : memref<128x128xf32, #tpu.memory_space<hbm>>)
      tpu.yield
    }) : () -> ()
    %add3A_31 = arith.constant 128 : i32
    %add3A_32 = arith.addi %mul3A_2, %add3A_31 : i32
    "tpu.region"() ({
      %run_scoped3A = tpu.sem_alloc : memref<!tpu.dma_semaphore, #tpu.memory_space<semaphore_mem>>
      %dma_start3A_39 = arith.constant 0 : i32
      %dma_start3A_40 = tpu.memref_slice %arg11[%add3A_32, %dma_start3A_39] : memref<10240x128xf32, #tpu.memory_space<vmem_shared>> -> memref<128x128xf32, #tpu.memory_space<vmem_shared>>
      %dma_start3A_41 = arith.constant 0 : i32
      %dma_start3A_42 = tpu.memref_slice %arg11[%add3A_32, %dma_start3A_41] : memref<10240x128xf32, #tpu.memory_space<vmem_shared>> -> memref<128x128xf32, #tpu.memory_space<vmem_shared>>
      tpu.enqueue_dma source(%dma_start3A_42 : memref<128x128xf32, #tpu.memory_space<vmem_shared>>) target(%arg9 : memref<128x128xf32, #tpu.memory_space<vmem>>) target_semaphore(%run_scoped3A : memref<!tpu.dma_semaphore, #tpu.memory_space<semaphore_mem>>)
      %dma_wait3A = arith.constant 0 : i32
      %dma_wait3A_43 = tpu.memref_slice %arg11[%add3A_32, %dma_wait3A] : memref<10240x128xf32, #tpu.memory_space<vmem_shared>> -> memref<128x128xf32, #tpu.memory_space<vmem_shared>>
      %dma_wait3A_44 = arith.constant 0 : i32
      %dma_wait3A_45 = tpu.memref_slice %arg11[%add3A_32, %dma_wait3A_44] : memref<10240x128xf32, #tpu.memory_space<vmem_shared>> -> memref<128x128xf32, #tpu.memory_space<vmem_shared>>
      tpu.wait_dma2 semaphore(%run_scoped3A : memref<!tpu.dma_semaphore, #tpu.memory_space<semaphore_mem>>) src(%dma_wait3A_45 : memref<128x128xf32, #tpu.memory_space<vmem_shared>>) dst(%arg9 : memref<128x128xf32, #tpu.memory_space<vmem>>)
      tpu.yield
    }) : () -> ()
    "tpu.region"() ({
      %run_scoped3A = tpu.sem_alloc : memref<!tpu.dma_semaphore, #tpu.memory_space<semaphore_mem>>
      %dma_start3A_39 = arith.constant 0 : i32
      %dma_start3A_40 = tpu.memref_slice %arg6[%arg0, %add3A_32, %dma_start3A_39] : memref<2x10240x128xf32, #tpu.memory_space<hbm>> -> memref<1x128x128xf32, #tpu.memory_space<hbm>>
      %dma_start3A_41 = tpu.memref_squeeze %dma_start3A_40 : memref<1x128x128xf32, #tpu.memory_space<hbm>> -> memref<128x128xf32, #tpu.memory_space<hbm>>
      %dma_start3A_42 = arith.constant 0 : i32
      %dma_start3A_43 = tpu.memref_slice %arg6[%arg0, %add3A_32, %dma_start3A_42] : memref<2x10240x128xf32, #tpu.memory_space<hbm>> -> memref<1x128x128xf32, #tpu.memory_space<hbm>>
      %dma_start3A_44 = tpu.memref_squeeze %dma_start3A_43 : memref<1x128x128xf32, #tpu.memory_space<hbm>> -> memref<128x128xf32, #tpu.memory_space<hbm>>
      tpu.enqueue_dma source(%arg9 : memref<128x128xf32, #tpu.memory_space<vmem>>) target(%dma_start3A_44 : memref<128x128xf32, #tpu.memory_space<hbm>>) target_semaphore(%run_scoped3A : memref<!tpu.dma_semaphore, #tpu.memory_space<semaphore_mem>>)
      %dma_wait3A = arith.constant 0 : i32
      %dma_wait3A_45 = tpu.memref_slice %arg6[%arg0, %add3A_32, %dma_wait3A] : memref<2x10240x128xf32, #tpu.memory_space<hbm>> -> memref<1x128x128xf32, #tpu.memory_space<hbm>>
      %dma_wait3A_46 = tpu.memref_squeeze %dma_wait3A_45 : memref<1x128x128xf32, #tpu.memory_space<hbm>> -> memref<128x128xf32, #tpu.memory_space<hbm>>
      %dma_wait3A_47 = arith.constant 0 : i32
      %dma_wait3A_48 = tpu.memref_slice %arg6[%arg0, %add3A_32, %dma_wait3A_47] : memref<2x10240x128xf32, #tpu.memory_space<hbm>> -> memref<1x128x128xf32, #tpu.memory_space<hbm>>
      %dma_wait3A_49 = tpu.memref_squeeze %dma_wait3A_48 : memref<1x128x128xf32, #tpu.memory_space<hbm>> -> memref<128x128xf32, #tpu.memory_space<hbm>>
      tpu.wait_dma2 semaphore(%run_scoped3A : memref<!tpu.dma_semaphore, #tpu.memory_space<semaphore_mem>>) src(%arg9 : memref<128x128xf32, #tpu.memory_space<vmem>>) dst(%dma_wait3A_49 : memref<128x128xf32, #tpu.memory_space<hbm>>)
      tpu.yield
    }) : () -> ()
    %add3A_33 = arith.constant 256 : i32
    %add3A_34 = arith.addi %mul3A_2, %add3A_33 : i32
    "tpu.region"() ({
      %run_scoped3A = tpu.sem_alloc : memref<!tpu.dma_semaphore, #tpu.memory_space<semaphore_mem>>
      %dma_start3A_39 = arith.constant 0 : i32
      %dma_start3A_40 = tpu.memref_slice %arg11[%add3A_34, %dma_start3A_39] : memref<10240x128xf32, #tpu.memory_space<vmem_shared>> -> memref<128x128xf32, #tpu.memory_space<vmem_shared>>
      %dma_start3A_41 = arith.constant 0 : i32
      %dma_start3A_42 = tpu.memref_slice %arg11[%add3A_34, %dma_start3A_41] : memref<10240x128xf32, #tpu.memory_space<vmem_shared>> -> memref<128x128xf32, #tpu.memory_space<vmem_shared>>
      tpu.enqueue_dma source(%dma_start3A_42 : memref<128x128xf32, #tpu.memory_space<vmem_shared>>) target(%arg9 : memref<128x128xf32, #tpu.memory_space<vmem>>) target_semaphore(%run_scoped3A : memref<!tpu.dma_semaphore, #tpu.memory_space<semaphore_mem>>)
      %dma_wait3A = arith.constant 0 : i32
      %dma_wait3A_43 = tpu.memref_slice %arg11[%add3A_34, %dma_wait3A] : memref<10240x128xf32, #tpu.memory_space<vmem_shared>> -> memref<128x128xf32, #tpu.memory_space<vmem_shared>>
      %dma_wait3A_44 = arith.constant 0 : i32
      %dma_wait3A_45 = tpu.memref_slice %arg11[%add3A_34, %dma_wait3A_44] : memref<10240x128xf32, #tpu.memory_space<vmem_shared>> -> memref<128x128xf32, #tpu.memory_space<vmem_shared>>
      tpu.wait_dma2 semaphore(%run_scoped3A : memref<!tpu.dma_semaphore, #tpu.memory_space<semaphore_mem>>) src(%dma_wait3A_45 : memref<128x128xf32, #tpu.memory_space<vmem_shared>>) dst(%arg9 : memref<128x128xf32, #tpu.memory_space<vmem>>)
      tpu.yield
    }) : () -> ()
    "tpu.region"() ({
      %run_scoped3A = tpu.sem_alloc : memref<!tpu.dma_semaphore, #tpu.memory_space<semaphore_mem>>
      %dma_start3A_39 = arith.constant 0 : i32
      %dma_start3A_40 = tpu.memref_slice %arg6[%arg0, %add3A_34, %dma_start3A_39] : memref<2x10240x128xf32, #tpu.memory_space<hbm>> -> memref<1x128x128xf32, #tpu.memory_space<hbm>>
      %dma_start3A_41 = tpu.memref_squeeze %dma_start3A_40 : memref<1x128x128xf32, #tpu.memory_space<hbm>> -> memref<128x128xf32, #tpu.memory_space<hbm>>
      %dma_start3A_42 = arith.constant 0 : i32
      %dma_start3A_43 = tpu.memref_slice %arg6[%arg0, %add3A_34, %dma_start3A_42] : memref<2x10240x128xf32, #tpu.memory_space<hbm>> -> memref<1x128x128xf32, #tpu.memory_space<hbm>>
      %dma_start3A_44 = tpu.memref_squeeze %dma_start3A_43 : memref<1x128x128xf32, #tpu.memory_space<hbm>> -> memref<128x128xf32, #tpu.memory_space<hbm>>
      tpu.enqueue_dma source(%arg9 : memref<128x128xf32, #tpu.memory_space<vmem>>) target(%dma_start3A_44 : memref<128x128xf32, #tpu.memory_space<hbm>>) target_semaphore(%run_scoped3A : memref<!tpu.dma_semaphore, #tpu.memory_space<semaphore_mem>>)
      %dma_wait3A = arith.constant 0 : i32
      %dma_wait3A_45 = tpu.memref_slice %arg6[%arg0, %add3A_34, %dma_wait3A] : memref<2x10240x128xf32, #tpu.memory_space<hbm>> -> memref<1x128x128xf32, #tpu.memory_space<hbm>>
      %dma_wait3A_46 = tpu.memref_squeeze %dma_wait3A_45 : memref<1x128x128xf32, #tpu.memory_space<hbm>> -> memref<128x128xf32, #tpu.memory_space<hbm>>
      %dma_wait3A_47 = arith.constant 0 : i32
      %dma_wait3A_48 = tpu.memref_slice %arg6[%arg0, %add3A_34, %dma_wait3A_47] : memref<2x10240x128xf32, #tpu.memory_space<hbm>> -> memref<1x128x128xf32, #tpu.memory_space<hbm>>
      %dma_wait3A_49 = tpu.memref_squeeze %dma_wait3A_48 : memref<1x128x128xf32, #tpu.memory_space<hbm>> -> memref<128x128xf32, #tpu.memory_space<hbm>>
      tpu.wait_dma2 semaphore(%run_scoped3A : memref<!tpu.dma_semaphore, #tpu.memory_space<semaphore_mem>>) src(%arg9 : memref<128x128xf32, #tpu.memory_space<vmem>>) dst(%dma_wait3A_49 : memref<128x128xf32, #tpu.memory_space<hbm>>)
      tpu.yield
    }) : () -> ()
    %add3A_35 = arith.constant 384 : i32
    %add3A_36 = arith.addi %mul3A_2, %add3A_35 : i32
    "tpu.region"() ({
      %run_scoped3A = tpu.sem_alloc : memref<!tpu.dma_semaphore, #tpu.memory_space<semaphore_mem>>
      %dma_start3A_39 = arith.constant 0 : i32
      %dma_start3A_40 = tpu.memref_slice %arg11[%add3A_36, %dma_start3A_39] : memref<10240x128xf32, #tpu.memory_space<vmem_shared>> -> memref<128x128xf32, #tpu.memory_space<vmem_shared>>
      %dma_start3A_41 = arith.constant 0 : i32
      %dma_start3A_42 = tpu.memref_slice %arg11[%add3A_36, %dma_start3A_41] : memref<10240x128xf32, #tpu.memory_space<vmem_shared>> -> memref<128x128xf32, #tpu.memory_space<vmem_shared>>
      tpu.enqueue_dma source(%dma_start3A_42 : memref<128x128xf32, #tpu.memory_space<vmem_shared>>) target(%arg9 : memref<128x128xf32, #tpu.memory_space<vmem>>) target_semaphore(%run_scoped3A : memref<!tpu.dma_semaphore, #tpu.memory_space<semaphore_mem>>)
      %dma_wait3A = arith.constant 0 : i32
      %dma_wait3A_43 = tpu.memref_slice %arg11[%add3A_36, %dma_wait3A] : memref<10240x128xf32, #tpu.memory_space<vmem_shared>> -> memref<128x128xf32, #tpu.memory_space<vmem_shared>>
      %dma_wait3A_44 = arith.constant 0 : i32
      %dma_wait3A_45 = tpu.memref_slice %arg11[%add3A_36, %dma_wait3A_44] : memref<10240x128xf32, #tpu.memory_space<vmem_shared>> -> memref<128x128xf32, #tpu.memory_space<vmem_shared>>
      tpu.wait_dma2 semaphore(%run_scoped3A : memref<!tpu.dma_semaphore, #tpu.memory_space<semaphore_mem>>) src(%dma_wait3A_45 : memref<128x128xf32, #tpu.memory_space<vmem_shared>>) dst(%arg9 : memref<128x128xf32, #tpu.memory_space<vmem>>)
      tpu.yield
    }) : () -> ()
    "tpu.region"() ({
      %run_scoped3A = tpu.sem_alloc : memref<!tpu.dma_semaphore, #tpu.memory_space<semaphore_mem>>
      %dma_start3A_39 = arith.constant 0 : i32
      %dma_start3A_40 = tpu.memref_slice %arg6[%arg0, %add3A_36, %dma_start3A_39] : memref<2x10240x128xf32, #tpu.memory_space<hbm>> -> memref<1x128x128xf32, #tpu.memory_space<hbm>>
      %dma_start3A_41 = tpu.memref_squeeze %dma_start3A_40 : memref<1x128x128xf32, #tpu.memory_space<hbm>> -> memref<128x128xf32, #tpu.memory_space<hbm>>
      %dma_start3A_42 = arith.constant 0 : i32
      %dma_start3A_43 = tpu.memref_slice %arg6[%arg0, %add3A_36, %dma_start3A_42] : memref<2x10240x128xf32, #tpu.memory_space<hbm>> -> memref<1x128x128xf32, #tpu.memory_space<hbm>>
      %dma_start3A_44 = tpu.memref_squeeze %dma_start3A_43 : memref<1x128x128xf32, #tpu.memory_space<hbm>> -> memref<128x128xf32, #tpu.memory_space<hbm>>
      tpu.enqueue_dma source(%arg9 : memref<128x128xf32, #tpu.memory_space<vmem>>) target(%dma_start3A_44 : memref<128x128xf32, #tpu.memory_space<hbm>>) target_semaphore(%run_scoped3A : memref<!tpu.dma_semaphore, #tpu.memory_space<semaphore_mem>>)
      %dma_wait3A = arith.constant 0 : i32
      %dma_wait3A_45 = tpu.memref_slice %arg6[%arg0, %add3A_36, %dma_wait3A] : memref<2x10240x128xf32, #tpu.memory_space<hbm>> -> memref<1x128x128xf32, #tpu.memory_space<hbm>>
      %dma_wait3A_46 = tpu.memref_squeeze %dma_wait3A_45 : memref<1x128x128xf32, #tpu.memory_space<hbm>> -> memref<128x128xf32, #tpu.memory_space<hbm>>
      %dma_wait3A_47 = arith.constant 0 : i32
      %dma_wait3A_48 = tpu.memref_slice %arg6[%arg0, %add3A_36, %dma_wait3A_47] : memref<2x10240x128xf32, #tpu.memory_space<hbm>> -> memref<1x128x128xf32, #tpu.memory_space<hbm>>
      %dma_wait3A_49 = tpu.memref_squeeze %dma_wait3A_48 : memref<1x128x128xf32, #tpu.memory_space<hbm>> -> memref<128x128xf32, #tpu.memory_space<hbm>>
      tpu.wait_dma2 semaphore(%run_scoped3A : memref<!tpu.dma_semaphore, #tpu.memory_space<semaphore_mem>>) src(%arg9 : memref<128x128xf32, #tpu.memory_space<vmem>>) dst(%dma_wait3A_49 : memref<128x128xf32, #tpu.memory_space<hbm>>)
      tpu.yield
    }) : () -> ()
    %add3A_37 = arith.constant 512 : i32
    %add3A_38 = arith.addi %mul3A_2, %add3A_37 : i32
    "tpu.region"() ({
      %run_scoped3A = tpu.sem_alloc : memref<!tpu.dma_semaphore, #tpu.memory_space<semaphore_mem>>
      %dma_start3A_39 = arith.constant 0 : i32
      %dma_start3A_40 = tpu.memref_slice %arg11[%add3A_38, %dma_start3A_39] : memref<10240x128xf32, #tpu.memory_space<vmem_shared>> -> memref<128x128xf32, #tpu.memory_space<vmem_shared>>
      %dma_start3A_41 = arith.constant 0 : i32
      %dma_start3A_42 = tpu.memref_slice %arg11[%add3A_38, %dma_start3A_41] : memref<10240x128xf32, #tpu.memory_space<vmem_shared>> -> memref<128x128xf32, #tpu.memory_space<vmem_shared>>
      tpu.enqueue_dma source(%dma_start3A_42 : memref<128x128xf32, #tpu.memory_space<vmem_shared>>) target(%arg9 : memref<128x128xf32, #tpu.memory_space<vmem>>) target_semaphore(%run_scoped3A : memref<!tpu.dma_semaphore, #tpu.memory_space<semaphore_mem>>)
      %dma_wait3A = arith.constant 0 : i32
      %dma_wait3A_43 = tpu.memref_slice %arg11[%add3A_38, %dma_wait3A] : memref<10240x128xf32, #tpu.memory_space<vmem_shared>> -> memref<128x128xf32, #tpu.memory_space<vmem_shared>>
      %dma_wait3A_44 = arith.constant 0 : i32
      %dma_wait3A_45 = tpu.memref_slice %arg11[%add3A_38, %dma_wait3A_44] : memref<10240x128xf32, #tpu.memory_space<vmem_shared>> -> memref<128x128xf32, #tpu.memory_space<vmem_shared>>
      tpu.wait_dma2 semaphore(%run_scoped3A : memref<!tpu.dma_semaphore, #tpu.memory_space<semaphore_mem>>) src(%dma_wait3A_45 : memref<128x128xf32, #tpu.memory_space<vmem_shared>>) dst(%arg9 : memref<128x128xf32, #tpu.memory_space<vmem>>)
      tpu.yield
    }) : () -> ()
    "tpu.region"() ({
      %run_scoped3A = tpu.sem_alloc : memref<!tpu.dma_semaphore, #tpu.memory_space<semaphore_mem>>
      %dma_start3A_39 = arith.constant 0 : i32
      %dma_start3A_40 = tpu.memref_slice %arg6[%arg0, %add3A_38, %dma_start3A_39] : memref<2x10240x128xf32, #tpu.memory_space<hbm>> -> memref<1x128x128xf32, #tpu.memory_space<hbm>>
      %dma_start3A_41 = tpu.memref_squeeze %dma_start3A_40 : memref<1x128x128xf32, #tpu.memory_space<hbm>> -> memref<128x128xf32, #tpu.memory_space<hbm>>
      %dma_start3A_42 = arith.constant 0 : i32
      %dma_start3A_43 = tpu.memref_slice %arg6[%arg0, %add3A_38, %dma_start3A_42] : memref<2x10240x128xf32, #tpu.memory_space<hbm>> -> memref<1x128x128xf32, #tpu.memory_space<hbm>>
      %dma_start3A_44 = tpu.memref_squeeze %dma_start3A_43 : memref<1x128x128xf32, #tpu.memory_space<hbm>> -> memref<128x128xf32, #tpu.memory_space<hbm>>
      tpu.enqueue_dma source(%arg9 : memref<128x128xf32, #tpu.memory_space<vmem>>) target(%dma_start3A_44 : memref<128x128xf32, #tpu.memory_space<hbm>>) target_semaphore(%run_scoped3A : memref<!tpu.dma_semaphore, #tpu.memory_space<semaphore_mem>>)
      %dma_wait3A = arith.constant 0 : i32
      %dma_wait3A_45 = tpu.memref_slice %arg6[%arg0, %add3A_38, %dma_wait3A] : memref<2x10240x128xf32, #tpu.memory_space<hbm>> -> memref<1x128x128xf32, #tpu.memory_space<hbm>>
      %dma_wait3A_46 = tpu.memref_squeeze %dma_wait3A_45 : memref<1x128x128xf32, #tpu.memory_space<hbm>> -> memref<128x128xf32, #tpu.memory_space<hbm>>
      %dma_wait3A_47 = arith.constant 0 : i32
      %dma_wait3A_48 = tpu.memref_slice %arg6[%arg0, %add3A_38, %dma_wait3A_47] : memref<2x10240x128xf32, #tpu.memory_space<hbm>> -> memref<1x128x128xf32, #tpu.memory_space<hbm>>
      %dma_wait3A_49 = tpu.memref_squeeze %dma_wait3A_48 : memref<1x128x128xf32, #tpu.memory_space<hbm>> -> memref<128x128xf32, #tpu.memory_space<hbm>>
      tpu.wait_dma2 semaphore(%run_scoped3A : memref<!tpu.dma_semaphore, #tpu.memory_space<semaphore_mem>>) src(%arg9 : memref<128x128xf32, #tpu.memory_space<vmem>>) dst(%dma_wait3A_49 : memref<128x128xf32, #tpu.memory_space<hbm>>)
      tpu.yield
    }) : () -> ()
    return
  }
}

#map = affine_map<(d0, d1) -> (0, 0)>
#map1 = affine_map<(d0, d1) -> (0, 0, 0)>
module attributes {stable_mosaic.version = 14 : i64} {
  func.func @sc_agg(%arg0: i32, %arg1: i32, %arg2: memref<1280x128xi32, #tpu.memory_space<hbm>>, %arg3: memref<1280x128xi32, #tpu.memory_space<hbm>>, %arg4: memref<10000x128xf32, #tpu.memory_space<hbm>>, %arg5: memref<128x128xf32, #tpu.memory_space<hbm>>, %arg6: memref<2x10240x128xf32, #tpu.memory_space<hbm>>, %arg7: memref<40x128xi32, #tpu.memory_space<vmem>>, %arg8: memref<40x128xi32, #tpu.memory_space<vmem>>, %arg9: memref<128x128xf32, #tpu.memory_space<vmem>>, %arg10: memref<128x128xf32, #tpu.memory_space<vmem>>, %arg11: memref<10240x128xf32, #tpu.memory_space<vmem_shared>>, %arg12: memref<!tpu.dma_semaphore, #tpu.memory_space<semaphore_mem>>, %arg13: memref<!tpu.dma_semaphore, #tpu.memory_space<semaphore_mem>>) attributes {dimension_semantics = [#tpu.dimension_semantics<core_parallel>, #tpu.dimension_semantics<subcore_parallel>], iteration_bounds = array<i64: 2, 16>, scalar_prefetch = 0 : i64, scratch_operands = 7 : i64, tpu.core_type = #tpu.core_type<sc_vector_subcore>, window_params = [{transform_indices = #map}, {transform_indices = #map}, {transform_indices = #map}, {transform_indices = #map}, {transform_indices = #map1}]} {
    %mul3A = arith.constant 2 : i32
    %mul3A_0 = arith.muli %arg1, %mul3A : i32
    %add3A = arith.addi %mul3A_0, %arg0 : i32
    %mul3A_1 = arith.constant 640 : i32
    %mul3A_2 = arith.muli %arg1, %mul3A_1 : i32
    "tpu.region"() ({
      %run_scoped3A = tpu.sem_alloc : memref<!tpu.dma_semaphore, #tpu.memory_space<semaphore_mem>>
      tpu.enqueue_dma source(%arg5 : memref<128x128xf32, #tpu.memory_space<hbm>>) target(%arg9 : memref<128x128xf32, #tpu.memory_space<vmem>>) target_semaphore(%run_scoped3A : memref<!tpu.dma_semaphore, #tpu.memory_space<semaphore_mem>>)
      tpu.wait_dma2 semaphore(%run_scoped3A : memref<!tpu.dma_semaphore, #tpu.memory_space<semaphore_mem>>) src(%arg5 : memref<128x128xf32, #tpu.memory_space<hbm>>) dst(%arg9 : memref<128x128xf32, #tpu.memory_space<vmem>>)
      tpu.yield
    }) : () -> ()
    %add3A_3 = arith.constant 0 : i32
    %add3A_4 = arith.addi %mul3A_2, %add3A_3 : i32
    "tpu.region"() ({
      %run_scoped3A = tpu.sem_alloc : memref<!tpu.dma_semaphore, #tpu.memory_space<semaphore_mem>>
      %dma_start3A_39 = arith.constant 0 : i32
      %dma_start3A_40 = tpu.memref_slice %arg11[%add3A_4, %dma_start3A_39] : memref<10240x128xf32, #tpu.memory_space<vmem_shared>> -> memref<128x128xf32, #tpu.memory_space<vmem_shared>>
      %dma_start3A_41 = arith.constant 0 : i32
      %dma_start3A_42 = tpu.memref_slice %arg11[%add3A_4, %dma_start3A_41] : memref<10240x128xf32, #tpu.memory_space<vmem_shared>> -> memref<128x128xf32, #tpu.memory_space<vmem_shared>>
      tpu.enqueue_dma source(%arg9 : memref<128x128xf32, #tpu.memory_space<vmem>>) target(%dma_start3A_42 : memref<128x128xf32, #tpu.memory_space<vmem_shared>>) target_semaphore(%run_scoped3A : memref<!tpu.dma_semaphore, #tpu.memory_space<semaphore_mem>>)
      %dma_wait3A = arith.constant 0 : i32
      %dma_wait3A_43 = tpu.memref_slice %arg11[%add3A_4, %dma_wait3A] : memref<10240x128xf32, #tpu.memory_space<vmem_shared>> -> memref<128x128xf32, #tpu.memory_space<vmem_shared>>
      %dma_wait3A_44 = arith.constant 0 : i32
      %dma_wait3A_45 = tpu.memref_slice %arg11[%add3A_4, %dma_wait3A_44] : memref<10240x128xf32, #tpu.memory_space<vmem_shared>> -> memref<128x128xf32, #tpu.memory_space<vmem_shared>>
      tpu.wait_dma2 semaphore(%run_scoped3A : memref<!tpu.dma_semaphore, #tpu.memory_space<semaphore_mem>>) src(%arg9 : memref<128x128xf32, #tpu.memory_space<vmem>>) dst(%dma_wait3A_45 : memref<128x128xf32, #tpu.memory_space<vmem_shared>>)
      tpu.yield
    }) : () -> ()
    %add3A_5 = arith.constant 128 : i32
    %add3A_6 = arith.addi %mul3A_2, %add3A_5 : i32
    "tpu.region"() ({
      %run_scoped3A = tpu.sem_alloc : memref<!tpu.dma_semaphore, #tpu.memory_space<semaphore_mem>>
      %dma_start3A_39 = arith.constant 0 : i32
      %dma_start3A_40 = tpu.memref_slice %arg11[%add3A_6, %dma_start3A_39] : memref<10240x128xf32, #tpu.memory_space<vmem_shared>> -> memref<128x128xf32, #tpu.memory_space<vmem_shared>>
      %dma_start3A_41 = arith.constant 0 : i32
      %dma_start3A_42 = tpu.memref_slice %arg11[%add3A_6, %dma_start3A_41] : memref<10240x128xf32, #tpu.memory_space<vmem_shared>> -> memref<128x128xf32, #tpu.memory_space<vmem_shared>>
      tpu.enqueue_dma source(%arg9 : memref<128x128xf32, #tpu.memory_space<vmem>>) target(%dma_start3A_42 : memref<128x128xf32, #tpu.memory_space<vmem_shared>>) target_semaphore(%run_scoped3A : memref<!tpu.dma_semaphore, #tpu.memory_space<semaphore_mem>>)
      %dma_wait3A = arith.constant 0 : i32
      %dma_wait3A_43 = tpu.memref_slice %arg11[%add3A_6, %dma_wait3A] : memref<10240x128xf32, #tpu.memory_space<vmem_shared>> -> memref<128x128xf32, #tpu.memory_space<vmem_shared>>
      %dma_wait3A_44 = arith.constant 0 : i32
      %dma_wait3A_45 = tpu.memref_slice %arg11[%add3A_6, %dma_wait3A_44] : memref<10240x128xf32, #tpu.memory_space<vmem_shared>> -> memref<128x128xf32, #tpu.memory_space<vmem_shared>>
      tpu.wait_dma2 semaphore(%run_scoped3A : memref<!tpu.dma_semaphore, #tpu.memory_space<semaphore_mem>>) src(%arg9 : memref<128x128xf32, #tpu.memory_space<vmem>>) dst(%dma_wait3A_45 : memref<128x128xf32, #tpu.memory_space<vmem_shared>>)
      tpu.yield
    }) : () -> ()
    %add3A_7 = arith.constant 256 : i32
    %add3A_8 = arith.addi %mul3A_2, %add3A_7 : i32
    "tpu.region"() ({
      %run_scoped3A = tpu.sem_alloc : memref<!tpu.dma_semaphore, #tpu.memory_space<semaphore_mem>>
      %dma_start3A_39 = arith.constant 0 : i32
      %dma_start3A_40 = tpu.memref_slice %arg11[%add3A_8, %dma_start3A_39] : memref<10240x128xf32, #tpu.memory_space<vmem_shared>> -> memref<128x128xf32, #tpu.memory_space<vmem_shared>>
      %dma_start3A_41 = arith.constant 0 : i32
      %dma_start3A_42 = tpu.memref_slice %arg11[%add3A_8, %dma_start3A_41] : memref<10240x128xf32, #tpu.memory_space<vmem_shared>> -> memref<128x128xf32, #tpu.memory_space<vmem_shared>>
      tpu.enqueue_dma source(%arg9 : memref<128x128xf32, #tpu.memory_space<vmem>>) target(%dma_start3A_42 : memref<128x128xf32, #tpu.memory_space<vmem_shared>>) target_semaphore(%run_scoped3A : memref<!tpu.dma_semaphore, #tpu.memory_space<semaphore_mem>>)
      %dma_wait3A = arith.constant 0 : i32
      %dma_wait3A_43 = tpu.memref_slice %arg11[%add3A_8, %dma_wait3A] : memref<10240x128xf32, #tpu.memory_space<vmem_shared>> -> memref<128x128xf32, #tpu.memory_space<vmem_shared>>
      %dma_wait3A_44 = arith.constant 0 : i32
      %dma_wait3A_45 = tpu.memref_slice %arg11[%add3A_8, %dma_wait3A_44] : memref<10240x128xf32, #tpu.memory_space<vmem_shared>> -> memref<128x128xf32, #tpu.memory_space<vmem_shared>>
      tpu.wait_dma2 semaphore(%run_scoped3A : memref<!tpu.dma_semaphore, #tpu.memory_space<semaphore_mem>>) src(%arg9 : memref<128x128xf32, #tpu.memory_space<vmem>>) dst(%dma_wait3A_45 : memref<128x128xf32, #tpu.memory_space<vmem_shared>>)
      tpu.yield
    }) : () -> ()
    %add3A_9 = arith.constant 384 : i32
    %add3A_10 = arith.addi %mul3A_2, %add3A_9 : i32
    "tpu.region"() ({
      %run_scoped3A = tpu.sem_alloc : memref<!tpu.dma_semaphore, #tpu.memory_space<semaphore_mem>>
      %dma_start3A_39 = arith.constant 0 : i32
      %dma_start3A_40 = tpu.memref_slice %arg11[%add3A_10, %dma_start3A_39] : memref<10240x128xf32, #tpu.memory_space<vmem_shared>> -> memref<128x128xf32, #tpu.memory_space<vmem_shared>>
      %dma_start3A_41 = arith.constant 0 : i32
      %dma_start3A_42 = tpu.memref_slice %arg11[%add3A_10, %dma_start3A_41] : memref<10240x128xf32, #tpu.memory_space<vmem_shared>> -> memref<128x128xf32, #tpu.memory_space<vmem_shared>>
      tpu.enqueue_dma source(%arg9 : memref<128x128xf32, #tpu.memory_space<vmem>>) target(%dma_start3A_42 : memref<128x128xf32, #tpu.memory_space<vmem_shared>>) target_semaphore(%run_scoped3A : memref<!tpu.dma_semaphore, #tpu.memory_space<semaphore_mem>>)
      %dma_wait3A = arith.constant 0 : i32
      %dma_wait3A_43 = tpu.memref_slice %arg11[%add3A_10, %dma_wait3A] : memref<10240x128xf32, #tpu.memory_space<vmem_shared>> -> memref<128x128xf32, #tpu.memory_space<vmem_shared>>
      %dma_wait3A_44 = arith.constant 0 : i32
      %dma_wait3A_45 = tpu.memref_slice %arg11[%add3A_10, %dma_wait3A_44] : memref<10240x128xf32, #tpu.memory_space<vmem_shared>> -> memref<128x128xf32, #tpu.memory_space<vmem_shared>>
      tpu.wait_dma2 semaphore(%run_scoped3A : memref<!tpu.dma_semaphore, #tpu.memory_space<semaphore_mem>>) src(%arg9 : memref<128x128xf32, #tpu.memory_space<vmem>>) dst(%dma_wait3A_45 : memref<128x128xf32, #tpu.memory_space<vmem_shared>>)
      tpu.yield
    }) : () -> ()
    %add3A_11 = arith.constant 512 : i32
    %add3A_12 = arith.addi %mul3A_2, %add3A_11 : i32
    "tpu.region"() ({
      %run_scoped3A = tpu.sem_alloc : memref<!tpu.dma_semaphore, #tpu.memory_space<semaphore_mem>>
      %dma_start3A_39 = arith.constant 0 : i32
      %dma_start3A_40 = tpu.memref_slice %arg11[%add3A_12, %dma_start3A_39] : memref<10240x128xf32, #tpu.memory_space<vmem_shared>> -> memref<128x128xf32, #tpu.memory_space<vmem_shared>>
      %dma_start3A_41 = arith.constant 0 : i32
      %dma_start3A_42 = tpu.memref_slice %arg11[%add3A_12, %dma_start3A_41] : memref<10240x128xf32, #tpu.memory_space<vmem_shared>> -> memref<128x128xf32, #tpu.memory_space<vmem_shared>>
      tpu.enqueue_dma source(%arg9 : memref<128x128xf32, #tpu.memory_space<vmem>>) target(%dma_start3A_42 : memref<128x128xf32, #tpu.memory_space<vmem_shared>>) target_semaphore(%run_scoped3A : memref<!tpu.dma_semaphore, #tpu.memory_space<semaphore_mem>>)
      %dma_wait3A = arith.constant 0 : i32
      %dma_wait3A_43 = tpu.memref_slice %arg11[%add3A_12, %dma_wait3A] : memref<10240x128xf32, #tpu.memory_space<vmem_shared>> -> memref<128x128xf32, #tpu.memory_space<vmem_shared>>
      %dma_wait3A_44 = arith.constant 0 : i32
      %dma_wait3A_45 = tpu.memref_slice %arg11[%add3A_12, %dma_wait3A_44] : memref<10240x128xf32, #tpu.memory_space<vmem_shared>> -> memref<128x128xf32, #tpu.memory_space<vmem_shared>>
      tpu.wait_dma2 semaphore(%run_scoped3A : memref<!tpu.dma_semaphore, #tpu.memory_space<semaphore_mem>>) src(%arg9 : memref<128x128xf32, #tpu.memory_space<vmem>>) dst(%dma_wait3A_45 : memref<128x128xf32, #tpu.memory_space<vmem_shared>>)
      tpu.yield
    }) : () -> ()
    %mul3A_13 = arith.constant 40 : i32
    %mul3A_14 = arith.muli %add3A, %mul3A_13 : i32
    "tpu.region"() ({
      %run_scoped3A = tpu.sem_alloc : memref<!tpu.dma_semaphore, #tpu.memory_space<semaphore_mem>>
      %dma_start3A_39 = arith.constant 0 : i32
      %dma_start3A_40 = tpu.memref_slice %arg2[%mul3A_14, %dma_start3A_39] : memref<1280x128xi32, #tpu.memory_space<hbm>> -> memref<40x128xi32, #tpu.memory_space<hbm>>
      %dma_start3A_41 = arith.constant 0 : i32
      %dma_start3A_42 = tpu.memref_slice %arg2[%mul3A_14, %dma_start3A_41] : memref<1280x128xi32, #tpu.memory_space<hbm>> -> memref<40x128xi32, #tpu.memory_space<hbm>>
      tpu.enqueue_dma source(%dma_start3A_42 : memref<40x128xi32, #tpu.memory_space<hbm>>) target(%arg7 : memref<40x128xi32, #tpu.memory_space<vmem>>) target_semaphore(%run_scoped3A : memref<!tpu.dma_semaphore, #tpu.memory_space<semaphore_mem>>)
      %dma_wait3A = arith.constant 0 : i32
      %dma_wait3A_43 = tpu.memref_slice %arg2[%mul3A_14, %dma_wait3A] : memref<1280x128xi32, #tpu.memory_space<hbm>> -> memref<40x128xi32, #tpu.memory_space<hbm>>
      %dma_wait3A_44 = arith.constant 0 : i32
      %dma_wait3A_45 = tpu.memref_slice %arg2[%mul3A_14, %dma_wait3A_44] : memref<1280x128xi32, #tpu.memory_space<hbm>> -> memref<40x128xi32, #tpu.memory_space<hbm>>
      tpu.wait_dma2 semaphore(%run_scoped3A : memref<!tpu.dma_semaphore, #tpu.memory_space<semaphore_mem>>) src(%dma_wait3A_45 : memref<40x128xi32, #tpu.memory_space<hbm>>) dst(%arg7 : memref<40x128xi32, #tpu.memory_space<vmem>>)
      tpu.yield
    }) : () -> ()
    %mul3A_15 = arith.constant 40 : i32
    %mul3A_16 = arith.muli %add3A, %mul3A_15 : i32
    "tpu.region"() ({
      %run_scoped3A = tpu.sem_alloc : memref<!tpu.dma_semaphore, #tpu.memory_space<semaphore_mem>>
      %dma_start3A_39 = arith.constant 0 : i32
      %dma_start3A_40 = tpu.memref_slice %arg3[%mul3A_16, %dma_start3A_39] : memref<1280x128xi32, #tpu.memory_space<hbm>> -> memref<40x128xi32, #tpu.memory_space<hbm>>
      %dma_start3A_41 = arith.constant 0 : i32
      %dma_start3A_42 = tpu.memref_slice %arg3[%mul3A_16, %dma_start3A_41] : memref<1280x128xi32, #tpu.memory_space<hbm>> -> memref<40x128xi32, #tpu.memory_space<hbm>>
      tpu.enqueue_dma source(%dma_start3A_42 : memref<40x128xi32, #tpu.memory_space<hbm>>) target(%arg8 : memref<40x128xi32, #tpu.memory_space<vmem>>) target_semaphore(%run_scoped3A : memref<!tpu.dma_semaphore, #tpu.memory_space<semaphore_mem>>)
      %dma_wait3A = arith.constant 0 : i32
      %dma_wait3A_43 = tpu.memref_slice %arg3[%mul3A_16, %dma_wait3A] : memref<1280x128xi32, #tpu.memory_space<hbm>> -> memref<40x128xi32, #tpu.memory_space<hbm>>
      %dma_wait3A_44 = arith.constant 0 : i32
      %dma_wait3A_45 = tpu.memref_slice %arg3[%mul3A_16, %dma_wait3A_44] : memref<1280x128xi32, #tpu.memory_space<hbm>> -> memref<40x128xi32, #tpu.memory_space<hbm>>
      tpu.wait_dma2 semaphore(%run_scoped3A : memref<!tpu.dma_semaphore, #tpu.memory_space<semaphore_mem>>) src(%dma_wait3A_45 : memref<40x128xi32, #tpu.memory_space<hbm>>) dst(%arg8 : memref<40x128xi32, #tpu.memory_space<vmem>>)
      tpu.yield
    }) : () -> ()
    %barrier3A = arith.constant 0 : index
    tpu.barrier barrier_id(%barrier3A)
    %dma_start3A = arith.constant 0 : i32
    %dma_start3A_17 = arith.constant 0 : i32
    %dma_start3A_18 = tpu.memref_slice %arg7[%dma_start3A, %dma_start3A_17] : memref<40x128xi32, #tpu.memory_space<vmem>> -> memref<1x128xi32, #tpu.memory_space<vmem>>
    %dma_start3A_19 = tpu.memref_squeeze %dma_start3A_18 : memref<1x128xi32, #tpu.memory_space<vmem>> -> memref<128xi32, #tpu.memory_space<vmem>>
    %dma_start3A_20 = arith.constant 0 : i32
    %dma_start3A_21 = arith.constant 0 : i32
    %dma_start3A_22 = tpu.memref_slice %arg4[%dma_start3A_20, %dma_start3A_21] : memref<10000x128xf32, #tpu.memory_space<hbm>> -> memref<10000x128xf32, #tpu.memory_space<hbm>>
    tpu.enqueue_indirect_dma source(%dma_start3A_22 : memref<10000x128xf32, #tpu.memory_space<hbm>>) target(%arg9 : memref<128x128xf32, #tpu.memory_space<vmem>>) offsets(%dma_start3A_19 : memref<128xi32, #tpu.memory_space<vmem>>) semaphore(%arg12 : memref<!tpu.dma_semaphore, #tpu.memory_space<semaphore_mem>>)
    %scan3A = arith.constant 0 : i32
    %scan3A_23 = arith.constant 0 : i32
    %scan3A_24 = arith.constant 20 : i32
    %scan3A_25 = arith.addi %scan3A_23, %scan3A_24 : i32
    %scan3A_26 = arith.constant 1 : i32
    scf.for %scan3A_39 = %scan3A_23 to %scan3A_25 step %scan3A_26  : i32 {
      %mul3A_40 = arith.constant 2 : i32
      %mul3A_41 = arith.muli %mul3A_40, %scan3A_39 : i32
      %add3A_42 = arith.constant 1 : i32
      %add3A_43 = arith.addi %mul3A_41, %add3A_42 : i32
      %dma_start3A_44 = arith.constant 0 : i32
      %dma_start3A_45 = tpu.memref_slice %arg7[%add3A_43, %dma_start3A_44] : memref<40x128xi32, #tpu.memory_space<vmem>> -> memref<1x128xi32, #tpu.memory_space<vmem>>
      %dma_start3A_46 = tpu.memref_squeeze %dma_start3A_45 : memref<1x128xi32, #tpu.memory_space<vmem>> -> memref<128xi32, #tpu.memory_space<vmem>>
      %dma_start3A_47 = arith.constant 0 : i32
      %dma_start3A_48 = arith.constant 0 : i32
      %dma_start3A_49 = tpu.memref_slice %arg4[%dma_start3A_47, %dma_start3A_48] : memref<10000x128xf32, #tpu.memory_space<hbm>> -> memref<10000x128xf32, #tpu.memory_space<hbm>>
      tpu.enqueue_indirect_dma source(%dma_start3A_49 : memref<10000x128xf32, #tpu.memory_space<hbm>>) target(%arg10 : memref<128x128xf32, #tpu.memory_space<vmem>>) offsets(%dma_start3A_46 : memref<128xi32, #tpu.memory_space<vmem>>) semaphore(%arg13 : memref<!tpu.dma_semaphore, #tpu.memory_space<semaphore_mem>>)
      %mul3A_50 = arith.constant 2 : i32
      %mul3A_51 = arith.muli %mul3A_50, %scan3A_39 : i32
      %dma_wait3A = arith.constant 0 : i32
      %dma_wait3A_52 = tpu.memref_slice %arg7[%mul3A_51, %dma_wait3A] : memref<40x128xi32, #tpu.memory_space<vmem>> -> memref<1x128xi32, #tpu.memory_space<vmem>>
      %dma_wait3A_53 = tpu.memref_squeeze %dma_wait3A_52 : memref<1x128xi32, #tpu.memory_space<vmem>> -> memref<128xi32, #tpu.memory_space<vmem>>
      %dma_wait3A_54 = arith.constant 0 : i32
      %dma_wait3A_55 = arith.constant 0 : i32
      %dma_wait3A_56 = tpu.memref_slice %arg4[%dma_wait3A_54, %dma_wait3A_55] : memref<10000x128xf32, #tpu.memory_space<hbm>> -> memref<10000x128xf32, #tpu.memory_space<hbm>>
      tpu.wait_indirect_dma semaphore(%arg12 : memref<!tpu.dma_semaphore, #tpu.memory_space<semaphore_mem>>) src(%dma_wait3A_56 : memref<10000x128xf32, #tpu.memory_space<hbm>>) dst(%arg9 : memref<128x128xf32, #tpu.memory_space<vmem>>)
      %mul3A_57 = arith.constant 2 : i32
      %mul3A_58 = arith.muli %mul3A_57, %scan3A_39 : i32
      "tpu.region"() ({
        %run_scoped3A = tpu.sem_alloc : memref<!tpu.dma_semaphore, #tpu.memory_space<semaphore_mem>>
        %dma_start3A_75 = arith.constant 0 : i32
        %dma_start3A_76 = tpu.memref_slice %arg8[%mul3A_58, %dma_start3A_75] : memref<40x128xi32, #tpu.memory_space<vmem>> -> memref<1x128xi32, #tpu.memory_space<vmem>>
        %dma_start3A_77 = tpu.memref_squeeze %dma_start3A_76 : memref<1x128xi32, #tpu.memory_space<vmem>> -> memref<128xi32, #tpu.memory_space<vmem>>
        %dma_start3A_78 = arith.constant 0 : i32
        %dma_start3A_79 = arith.constant 0 : i32
        %dma_start3A_80 = tpu.memref_slice %arg11[%dma_start3A_78, %dma_start3A_79] : memref<10240x128xf32, #tpu.memory_space<vmem_shared>> -> memref<10240x128xf32, #tpu.memory_space<vmem_shared>>
        tpu.enqueue_indirect_dma source(%arg9 : memref<128x128xf32, #tpu.memory_space<vmem>>) target(%dma_start3A_80 : memref<10240x128xf32, #tpu.memory_space<vmem_shared>>) offsets(%dma_start3A_77 : memref<128xi32, #tpu.memory_space<vmem>>) semaphore(%run_scoped3A : memref<!tpu.dma_semaphore, #tpu.memory_space<semaphore_mem>>) {add = true}
        %dma_wait3A_81 = arith.constant 0 : i32
        %dma_wait3A_82 = tpu.memref_slice %arg8[%mul3A_58, %dma_wait3A_81] : memref<40x128xi32, #tpu.memory_space<vmem>> -> memref<1x128xi32, #tpu.memory_space<vmem>>
        %dma_wait3A_83 = tpu.memref_squeeze %dma_wait3A_82 : memref<1x128xi32, #tpu.memory_space<vmem>> -> memref<128xi32, #tpu.memory_space<vmem>>
        %dma_wait3A_84 = arith.constant 0 : i32
        %dma_wait3A_85 = arith.constant 0 : i32
        %dma_wait3A_86 = tpu.memref_slice %arg11[%dma_wait3A_84, %dma_wait3A_85] : memref<10240x128xf32, #tpu.memory_space<vmem_shared>> -> memref<10240x128xf32, #tpu.memory_space<vmem_shared>>
        tpu.wait_indirect_dma semaphore(%run_scoped3A : memref<!tpu.dma_semaphore, #tpu.memory_space<semaphore_mem>>) src(%arg9 : memref<128x128xf32, #tpu.memory_space<vmem>>) dst(%dma_wait3A_86 : memref<10240x128xf32, #tpu.memory_space<vmem_shared>>)
        tpu.yield
      }) : () -> ()
      %lt3A = arith.constant 19 : i32
      %lt3A_59 = arith.cmpi slt, %scan3A_39, %lt3A : i32
      %convert_element_type3A = arith.extui %lt3A_59 : i1 to i32
      %cond3A = arith.constant 0 : i32
      %cond3A_60 = arith.cmpi ne, %convert_element_type3A, %cond3A : i32
      scf.if %cond3A_60 {
        %mul3A_75 = arith.constant 2 : i32
        %mul3A_76 = arith.muli %mul3A_75, %scan3A_39 : i32
        %add3A_77 = arith.constant 2 : i32
        %add3A_78 = arith.addi %mul3A_76, %add3A_77 : i32
        %dma_start3A_79 = arith.constant 0 : i32
        %dma_start3A_80 = tpu.memref_slice %arg7[%add3A_78, %dma_start3A_79] : memref<40x128xi32, #tpu.memory_space<vmem>> -> memref<1x128xi32, #tpu.memory_space<vmem>>
        %dma_start3A_81 = tpu.memref_squeeze %dma_start3A_80 : memref<1x128xi32, #tpu.memory_space<vmem>> -> memref<128xi32, #tpu.memory_space<vmem>>
        %dma_start3A_82 = arith.constant 0 : i32
        %dma_start3A_83 = arith.constant 0 : i32
        %dma_start3A_84 = tpu.memref_slice %arg4[%dma_start3A_82, %dma_start3A_83] : memref<10000x128xf32, #tpu.memory_space<hbm>> -> memref<10000x128xf32, #tpu.memory_space<hbm>>
        tpu.enqueue_indirect_dma source(%dma_start3A_84 : memref<10000x128xf32, #tpu.memory_space<hbm>>) target(%arg9 : memref<128x128xf32, #tpu.memory_space<vmem>>) offsets(%dma_start3A_81 : memref<128xi32, #tpu.memory_space<vmem>>) semaphore(%arg12 : memref<!tpu.dma_semaphore, #tpu.memory_space<semaphore_mem>>)
      } else {
      }
      %mul3A_61 = arith.constant 2 : i32
      %mul3A_62 = arith.muli %mul3A_61, %scan3A_39 : i32
      %add3A_63 = arith.constant 1 : i32
      %add3A_64 = arith.addi %mul3A_62, %add3A_63 : i32
      %dma_wait3A_65 = arith.constant 0 : i32
      %dma_wait3A_66 = tpu.memref_slice %arg7[%add3A_64, %dma_wait3A_65] : memref<40x128xi32, #tpu.memory_space<vmem>> -> memref<1x128xi32, #tpu.memory_space<vmem>>
      %dma_wait3A_67 = tpu.memref_squeeze %dma_wait3A_66 : memref<1x128xi32, #tpu.memory_space<vmem>> -> memref<128xi32, #tpu.memory_space<vmem>>
      %dma_wait3A_68 = arith.constant 0 : i32
      %dma_wait3A_69 = arith.constant 0 : i32
      %dma_wait3A_70 = tpu.memref_slice %arg4[%dma_wait3A_68, %dma_wait3A_69] : memref<10000x128xf32, #tpu.memory_space<hbm>> -> memref<10000x128xf32, #tpu.memory_space<hbm>>
      tpu.wait_indirect_dma semaphore(%arg13 : memref<!tpu.dma_semaphore, #tpu.memory_space<semaphore_mem>>) src(%dma_wait3A_70 : memref<10000x128xf32, #tpu.memory_space<hbm>>) dst(%arg10 : memref<128x128xf32, #tpu.memory_space<vmem>>)
      %mul3A_71 = arith.constant 2 : i32
      %mul3A_72 = arith.muli %mul3A_71, %scan3A_39 : i32
      %add3A_73 = arith.constant 1 : i32
      %add3A_74 = arith.addi %mul3A_72, %add3A_73 : i32
      "tpu.region"() ({
        %run_scoped3A = tpu.sem_alloc : memref<!tpu.dma_semaphore, #tpu.memory_space<semaphore_mem>>
        %dma_start3A_75 = arith.constant 0 : i32
        %dma_start3A_76 = tpu.memref_slice %arg8[%add3A_74, %dma_start3A_75] : memref<40x128xi32, #tpu.memory_space<vmem>> -> memref<1x128xi32, #tpu.memory_space<vmem>>
        %dma_start3A_77 = tpu.memref_squeeze %dma_start3A_76 : memref<1x128xi32, #tpu.memory_space<vmem>> -> memref<128xi32, #tpu.memory_space<vmem>>
        %dma_start3A_78 = arith.constant 0 : i32
        %dma_start3A_79 = arith.constant 0 : i32
        %dma_start3A_80 = tpu.memref_slice %arg11[%dma_start3A_78, %dma_start3A_79] : memref<10240x128xf32, #tpu.memory_space<vmem_shared>> -> memref<10240x128xf32, #tpu.memory_space<vmem_shared>>
        tpu.enqueue_indirect_dma source(%arg10 : memref<128x128xf32, #tpu.memory_space<vmem>>) target(%dma_start3A_80 : memref<10240x128xf32, #tpu.memory_space<vmem_shared>>) offsets(%dma_start3A_77 : memref<128xi32, #tpu.memory_space<vmem>>) semaphore(%run_scoped3A : memref<!tpu.dma_semaphore, #tpu.memory_space<semaphore_mem>>) {add = true}
        %dma_wait3A_81 = arith.constant 0 : i32
        %dma_wait3A_82 = tpu.memref_slice %arg8[%add3A_74, %dma_wait3A_81] : memref<40x128xi32, #tpu.memory_space<vmem>> -> memref<1x128xi32, #tpu.memory_space<vmem>>
        %dma_wait3A_83 = tpu.memref_squeeze %dma_wait3A_82 : memref<1x128xi32, #tpu.memory_space<vmem>> -> memref<128xi32, #tpu.memory_space<vmem>>
        %dma_wait3A_84 = arith.constant 0 : i32
        %dma_wait3A_85 = arith.constant 0 : i32
        %dma_wait3A_86 = tpu.memref_slice %arg11[%dma_wait3A_84, %dma_wait3A_85] : memref<10240x128xf32, #tpu.memory_space<vmem_shared>> -> memref<10240x128xf32, #tpu.memory_space<vmem_shared>>
        tpu.wait_indirect_dma semaphore(%run_scoped3A : memref<!tpu.dma_semaphore, #tpu.memory_space<semaphore_mem>>) src(%arg10 : memref<128x128xf32, #tpu.memory_space<vmem>>) dst(%dma_wait3A_86 : memref<10240x128xf32, #tpu.memory_space<vmem_shared>>)
        tpu.yield
      }) : () -> ()
    }
    %scan3A_27 = arith.constant 20 : i32
    %barrier3A_28 = arith.constant 0 : index
    tpu.barrier barrier_id(%barrier3A_28)
    %add3A_29 = arith.constant 0 : i32
    %add3A_30 = arith.addi %mul3A_2, %add3A_29 : i32
    "tpu.region"() ({
      %run_scoped3A = tpu.sem_alloc : memref<!tpu.dma_semaphore, #tpu.memory_space<semaphore_mem>>
      %dma_start3A_39 = arith.constant 0 : i32
      %dma_start3A_40 = tpu.memref_slice %arg11[%add3A_30, %dma_start3A_39] : memref<10240x128xf32, #tpu.memory_space<vmem_shared>> -> memref<128x128xf32, #tpu.memory_space<vmem_shared>>
      %dma_start3A_41 = arith.constant 0 : i32
      %dma_start3A_42 = tpu.memref_slice %arg11[%add3A_30, %dma_start3A_41] : memref<10240x128xf32, #tpu.memory_space<vmem_shared>> -> memref<128x128xf32, #tpu.memory_space<vmem_shared>>
      tpu.enqueue_dma source(%dma_start3A_42 : memref<128x128xf32, #tpu.memory_space<vmem_shared>>) target(%arg9 : memref<128x128xf32, #tpu.memory_space<vmem>>) target_semaphore(%run_scoped3A : memref<!tpu.dma_semaphore, #tpu.memory_space<semaphore_mem>>)
      %dma_wait3A = arith.constant 0 : i32
      %dma_wait3A_43 = tpu.memref_slice %arg11[%add3A_30, %dma_wait3A] : memref<10240x128xf32, #tpu.memory_space<vmem_shared>> -> memref<128x128xf32, #tpu.memory_space<vmem_shared>>
      %dma_wait3A_44 = arith.constant 0 : i32
      %dma_wait3A_45 = tpu.memref_slice %arg11[%add3A_30, %dma_wait3A_44] : memref<10240x128xf32, #tpu.memory_space<vmem_shared>> -> memref<128x128xf32, #tpu.memory_space<vmem_shared>>
      tpu.wait_dma2 semaphore(%run_scoped3A : memref<!tpu.dma_semaphore, #tpu.memory_space<semaphore_mem>>) src(%dma_wait3A_45 : memref<128x128xf32, #tpu.memory_space<vmem_shared>>) dst(%arg9 : memref<128x128xf32, #tpu.memory_space<vmem>>)
      tpu.yield
    }) : () -> ()
    "tpu.region"() ({
      %run_scoped3A = tpu.sem_alloc : memref<!tpu.dma_semaphore, #tpu.memory_space<semaphore_mem>>
      %dma_start3A_39 = arith.constant 0 : i32
      %dma_start3A_40 = tpu.memref_slice %arg6[%arg0, %add3A_30, %dma_start3A_39] : memref<2x10240x128xf32, #tpu.memory_space<hbm>> -> memref<1x128x128xf32, #tpu.memory_space<hbm>>
      %dma_start3A_41 = tpu.memref_squeeze %dma_start3A_40 : memref<1x128x128xf32, #tpu.memory_space<hbm>> -> memref<128x128xf32, #tpu.memory_space<hbm>>
      %dma_start3A_42 = arith.constant 0 : i32
      %dma_start3A_43 = tpu.memref_slice %arg6[%arg0, %add3A_30, %dma_start3A_42] : memref<2x10240x128xf32, #tpu.memory_space<hbm>> -> memref<1x128x128xf32, #tpu.memory_space<hbm>>
      %dma_start3A_44 = tpu.memref_squeeze %dma_start3A_43 : memref<1x128x128xf32, #tpu.memory_space<hbm>> -> memref<128x128xf32, #tpu.memory_space<hbm>>
      tpu.enqueue_dma source(%arg9 : memref<128x128xf32, #tpu.memory_space<vmem>>) target(%dma_start3A_44 : memref<128x128xf32, #tpu.memory_space<hbm>>) target_semaphore(%run_scoped3A : memref<!tpu.dma_semaphore, #tpu.memory_space<semaphore_mem>>)
      %dma_wait3A = arith.constant 0 : i32
      %dma_wait3A_45 = tpu.memref_slice %arg6[%arg0, %add3A_30, %dma_wait3A] : memref<2x10240x128xf32, #tpu.memory_space<hbm>> -> memref<1x128x128xf32, #tpu.memory_space<hbm>>
      %dma_wait3A_46 = tpu.memref_squeeze %dma_wait3A_45 : memref<1x128x128xf32, #tpu.memory_space<hbm>> -> memref<128x128xf32, #tpu.memory_space<hbm>>
      %dma_wait3A_47 = arith.constant 0 : i32
      %dma_wait3A_48 = tpu.memref_slice %arg6[%arg0, %add3A_30, %dma_wait3A_47] : memref<2x10240x128xf32, #tpu.memory_space<hbm>> -> memref<1x128x128xf32, #tpu.memory_space<hbm>>
      %dma_wait3A_49 = tpu.memref_squeeze %dma_wait3A_48 : memref<1x128x128xf32, #tpu.memory_space<hbm>> -> memref<128x128xf32, #tpu.memory_space<hbm>>
      tpu.wait_dma2 semaphore(%run_scoped3A : memref<!tpu.dma_semaphore, #tpu.memory_space<semaphore_mem>>) src(%arg9 : memref<128x128xf32, #tpu.memory_space<vmem>>) dst(%dma_wait3A_49 : memref<128x128xf32, #tpu.memory_space<hbm>>)
      tpu.yield
    }) : () -> ()
    %add3A_31 = arith.constant 128 : i32
    %add3A_32 = arith.addi %mul3A_2, %add3A_31 : i32
    "tpu.region"() ({
      %run_scoped3A = tpu.sem_alloc : memref<!tpu.dma_semaphore, #tpu.memory_space<semaphore_mem>>
      %dma_start3A_39 = arith.constant 0 : i32
      %dma_start3A_40 = tpu.memref_slice %arg11[%add3A_32, %dma_start3A_39] : memref<10240x128xf32, #tpu.memory_space<vmem_shared>> -> memref<128x128xf32, #tpu.memory_space<vmem_shared>>
      %dma_start3A_41 = arith.constant 0 : i32
      %dma_start3A_42 = tpu.memref_slice %arg11[%add3A_32, %dma_start3A_41] : memref<10240x128xf32, #tpu.memory_space<vmem_shared>> -> memref<128x128xf32, #tpu.memory_space<vmem_shared>>
      tpu.enqueue_dma source(%dma_start3A_42 : memref<128x128xf32, #tpu.memory_space<vmem_shared>>) target(%arg9 : memref<128x128xf32, #tpu.memory_space<vmem>>) target_semaphore(%run_scoped3A : memref<!tpu.dma_semaphore, #tpu.memory_space<semaphore_mem>>)
      %dma_wait3A = arith.constant 0 : i32
      %dma_wait3A_43 = tpu.memref_slice %arg11[%add3A_32, %dma_wait3A] : memref<10240x128xf32, #tpu.memory_space<vmem_shared>> -> memref<128x128xf32, #tpu.memory_space<vmem_shared>>
      %dma_wait3A_44 = arith.constant 0 : i32
      %dma_wait3A_45 = tpu.memref_slice %arg11[%add3A_32, %dma_wait3A_44] : memref<10240x128xf32, #tpu.memory_space<vmem_shared>> -> memref<128x128xf32, #tpu.memory_space<vmem_shared>>
      tpu.wait_dma2 semaphore(%run_scoped3A : memref<!tpu.dma_semaphore, #tpu.memory_space<semaphore_mem>>) src(%dma_wait3A_45 : memref<128x128xf32, #tpu.memory_space<vmem_shared>>) dst(%arg9 : memref<128x128xf32, #tpu.memory_space<vmem>>)
      tpu.yield
    }) : () -> ()
    "tpu.region"() ({
      %run_scoped3A = tpu.sem_alloc : memref<!tpu.dma_semaphore, #tpu.memory_space<semaphore_mem>>
      %dma_start3A_39 = arith.constant 0 : i32
      %dma_start3A_40 = tpu.memref_slice %arg6[%arg0, %add3A_32, %dma_start3A_39] : memref<2x10240x128xf32, #tpu.memory_space<hbm>> -> memref<1x128x128xf32, #tpu.memory_space<hbm>>
      %dma_start3A_41 = tpu.memref_squeeze %dma_start3A_40 : memref<1x128x128xf32, #tpu.memory_space<hbm>> -> memref<128x128xf32, #tpu.memory_space<hbm>>
      %dma_start3A_42 = arith.constant 0 : i32
      %dma_start3A_43 = tpu.memref_slice %arg6[%arg0, %add3A_32, %dma_start3A_42] : memref<2x10240x128xf32, #tpu.memory_space<hbm>> -> memref<1x128x128xf32, #tpu.memory_space<hbm>>
      %dma_start3A_44 = tpu.memref_squeeze %dma_start3A_43 : memref<1x128x128xf32, #tpu.memory_space<hbm>> -> memref<128x128xf32, #tpu.memory_space<hbm>>
      tpu.enqueue_dma source(%arg9 : memref<128x128xf32, #tpu.memory_space<vmem>>) target(%dma_start3A_44 : memref<128x128xf32, #tpu.memory_space<hbm>>) target_semaphore(%run_scoped3A : memref<!tpu.dma_semaphore, #tpu.memory_space<semaphore_mem>>)
      %dma_wait3A = arith.constant 0 : i32
      %dma_wait3A_45 = tpu.memref_slice %arg6[%arg0, %add3A_32, %dma_wait3A] : memref<2x10240x128xf32, #tpu.memory_space<hbm>> -> memref<1x128x128xf32, #tpu.memory_space<hbm>>
      %dma_wait3A_46 = tpu.memref_squeeze %dma_wait3A_45 : memref<1x128x128xf32, #tpu.memory_space<hbm>> -> memref<128x128xf32, #tpu.memory_space<hbm>>
      %dma_wait3A_47 = arith.constant 0 : i32
      %dma_wait3A_48 = tpu.memref_slice %arg6[%arg0, %add3A_32, %dma_wait3A_47] : memref<2x10240x128xf32, #tpu.memory_space<hbm>> -> memref<1x128x128xf32, #tpu.memory_space<hbm>>
      %dma_wait3A_49 = tpu.memref_squeeze %dma_wait3A_48 : memref<1x128x128xf32, #tpu.memory_space<hbm>> -> memref<128x128xf32, #tpu.memory_space<hbm>>
      tpu.wait_dma2 semaphore(%run_scoped3A : memref<!tpu.dma_semaphore, #tpu.memory_space<semaphore_mem>>) src(%arg9 : memref<128x128xf32, #tpu.memory_space<vmem>>) dst(%dma_wait3A_49 : memref<128x128xf32, #tpu.memory_space<hbm>>)
      tpu.yield
    }) : () -> ()
    %add3A_33 = arith.constant 256 : i32
    %add3A_34 = arith.addi %mul3A_2, %add3A_33 : i32
    "tpu.region"() ({
      %run_scoped3A = tpu.sem_alloc : memref<!tpu.dma_semaphore, #tpu.memory_space<semaphore_mem>>
      %dma_start3A_39 = arith.constant 0 : i32
      %dma_start3A_40 = tpu.memref_slice %arg11[%add3A_34, %dma_start3A_39] : memref<10240x128xf32, #tpu.memory_space<vmem_shared>> -> memref<128x128xf32, #tpu.memory_space<vmem_shared>>
      %dma_start3A_41 = arith.constant 0 : i32
      %dma_start3A_42 = tpu.memref_slice %arg11[%add3A_34, %dma_start3A_41] : memref<10240x128xf32, #tpu.memory_space<vmem_shared>> -> memref<128x128xf32, #tpu.memory_space<vmem_shared>>
      tpu.enqueue_dma source(%dma_start3A_42 : memref<128x128xf32, #tpu.memory_space<vmem_shared>>) target(%arg9 : memref<128x128xf32, #tpu.memory_space<vmem>>) target_semaphore(%run_scoped3A : memref<!tpu.dma_semaphore, #tpu.memory_space<semaphore_mem>>)
      %dma_wait3A = arith.constant 0 : i32
      %dma_wait3A_43 = tpu.memref_slice %arg11[%add3A_34, %dma_wait3A] : memref<10240x128xf32, #tpu.memory_space<vmem_shared>> -> memref<128x128xf32, #tpu.memory_space<vmem_shared>>
      %dma_wait3A_44 = arith.constant 0 : i32
      %dma_wait3A_45 = tpu.memref_slice %arg11[%add3A_34, %dma_wait3A_44] : memref<10240x128xf32, #tpu.memory_space<vmem_shared>> -> memref<128x128xf32, #tpu.memory_space<vmem_shared>>
      tpu.wait_dma2 semaphore(%run_scoped3A : memref<!tpu.dma_semaphore, #tpu.memory_space<semaphore_mem>>) src(%dma_wait3A_45 : memref<128x128xf32, #tpu.memory_space<vmem_shared>>) dst(%arg9 : memref<128x128xf32, #tpu.memory_space<vmem>>)
      tpu.yield
    }) : () -> ()
    "tpu.region"() ({
      %run_scoped3A = tpu.sem_alloc : memref<!tpu.dma_semaphore, #tpu.memory_space<semaphore_mem>>
      %dma_start3A_39 = arith.constant 0 : i32
      %dma_start3A_40 = tpu.memref_slice %arg6[%arg0, %add3A_34, %dma_start3A_39] : memref<2x10240x128xf32, #tpu.memory_space<hbm>> -> memref<1x128x128xf32, #tpu.memory_space<hbm>>
      %dma_start3A_41 = tpu.memref_squeeze %dma_start3A_40 : memref<1x128x128xf32, #tpu.memory_space<hbm>> -> memref<128x128xf32, #tpu.memory_space<hbm>>
      %dma_start3A_42 = arith.constant 0 : i32
      %dma_start3A_43 = tpu.memref_slice %arg6[%arg0, %add3A_34, %dma_start3A_42] : memref<2x10240x128xf32, #tpu.memory_space<hbm>> -> memref<1x128x128xf32, #tpu.memory_space<hbm>>
      %dma_start3A_44 = tpu.memref_squeeze %dma_start3A_43 : memref<1x128x128xf32, #tpu.memory_space<hbm>> -> memref<128x128xf32, #tpu.memory_space<hbm>>
      tpu.enqueue_dma source(%arg9 : memref<128x128xf32, #tpu.memory_space<vmem>>) target(%dma_start3A_44 : memref<128x128xf32, #tpu.memory_space<hbm>>) target_semaphore(%run_scoped3A : memref<!tpu.dma_semaphore, #tpu.memory_space<semaphore_mem>>)
      %dma_wait3A = arith.constant 0 : i32
      %dma_wait3A_45 = tpu.memref_slice %arg6[%arg0, %add3A_34, %dma_wait3A] : memref<2x10240x128xf32, #tpu.memory_space<hbm>> -> memref<1x128x128xf32, #tpu.memory_space<hbm>>
      %dma_wait3A_46 = tpu.memref_squeeze %dma_wait3A_45 : memref<1x128x128xf32, #tpu.memory_space<hbm>> -> memref<128x128xf32, #tpu.memory_space<hbm>>
      %dma_wait3A_47 = arith.constant 0 : i32
      %dma_wait3A_48 = tpu.memref_slice %arg6[%arg0, %add3A_34, %dma_wait3A_47] : memref<2x10240x128xf32, #tpu.memory_space<hbm>> -> memref<1x128x128xf32, #tpu.memory_space<hbm>>
      %dma_wait3A_49 = tpu.memref_squeeze %dma_wait3A_48 : memref<1x128x128xf32, #tpu.memory_space<hbm>> -> memref<128x128xf32, #tpu.memory_space<hbm>>
      tpu.wait_dma2 semaphore(%run_scoped3A : memref<!tpu.dma_semaphore, #tpu.memory_space<semaphore_mem>>) src(%arg9 : memref<128x128xf32, #tpu.memory_space<vmem>>) dst(%dma_wait3A_49 : memref<128x128xf32, #tpu.memory_space<hbm>>)
      tpu.yield
    }) : () -> ()
    %add3A_35 = arith.constant 384 : i32
    %add3A_36 = arith.addi %mul3A_2, %add3A_35 : i32
    "tpu.region"() ({
      %run_scoped3A = tpu.sem_alloc : memref<!tpu.dma_semaphore, #tpu.memory_space<semaphore_mem>>
      %dma_start3A_39 = arith.constant 0 : i32
      %dma_start3A_40 = tpu.memref_slice %arg11[%add3A_36, %dma_start3A_39] : memref<10240x128xf32, #tpu.memory_space<vmem_shared>> -> memref<128x128xf32, #tpu.memory_space<vmem_shared>>
      %dma_start3A_41 = arith.constant 0 : i32
      %dma_start3A_42 = tpu.memref_slice %arg11[%add3A_36, %dma_start3A_41] : memref<10240x128xf32, #tpu.memory_space<vmem_shared>> -> memref<128x128xf32, #tpu.memory_space<vmem_shared>>
      tpu.enqueue_dma source(%dma_start3A_42 : memref<128x128xf32, #tpu.memory_space<vmem_shared>>) target(%arg9 : memref<128x128xf32, #tpu.memory_space<vmem>>) target_semaphore(%run_scoped3A : memref<!tpu.dma_semaphore, #tpu.memory_space<semaphore_mem>>)
      %dma_wait3A = arith.constant 0 : i32
      %dma_wait3A_43 = tpu.memref_slice %arg11[%add3A_36, %dma_wait3A] : memref<10240x128xf32, #tpu.memory_space<vmem_shared>> -> memref<128x128xf32, #tpu.memory_space<vmem_shared>>
      %dma_wait3A_44 = arith.constant 0 : i32
      %dma_wait3A_45 = tpu.memref_slice %arg11[%add3A_36, %dma_wait3A_44] : memref<10240x128xf32, #tpu.memory_space<vmem_shared>> -> memref<128x128xf32, #tpu.memory_space<vmem_shared>>
      tpu.wait_dma2 semaphore(%run_scoped3A : memref<!tpu.dma_semaphore, #tpu.memory_space<semaphore_mem>>) src(%dma_wait3A_45 : memref<128x128xf32, #tpu.memory_space<vmem_shared>>) dst(%arg9 : memref<128x128xf32, #tpu.memory_space<vmem>>)
      tpu.yield
    }) : () -> ()
    "tpu.region"() ({
      %run_scoped3A = tpu.sem_alloc : memref<!tpu.dma_semaphore, #tpu.memory_space<semaphore_mem>>
      %dma_start3A_39 = arith.constant 0 : i32
      %dma_start3A_40 = tpu.memref_slice %arg6[%arg0, %add3A_36, %dma_start3A_39] : memref<2x10240x128xf32, #tpu.memory_space<hbm>> -> memref<1x128x128xf32, #tpu.memory_space<hbm>>
      %dma_start3A_41 = tpu.memref_squeeze %dma_start3A_40 : memref<1x128x128xf32, #tpu.memory_space<hbm>> -> memref<128x128xf32, #tpu.memory_space<hbm>>
      %dma_start3A_42 = arith.constant 0 : i32
      %dma_start3A_43 = tpu.memref_slice %arg6[%arg0, %add3A_36, %dma_start3A_42] : memref<2x10240x128xf32, #tpu.memory_space<hbm>> -> memref<1x128x128xf32, #tpu.memory_space<hbm>>
      %dma_start3A_44 = tpu.memref_squeeze %dma_start3A_43 : memref<1x128x128xf32, #tpu.memory_space<hbm>> -> memref<128x128xf32, #tpu.memory_space<hbm>>
      tpu.enqueue_dma source(%arg9 : memref<128x128xf32, #tpu.memory_space<vmem>>) target(%dma_start3A_44 : memref<128x128xf32, #tpu.memory_space<hbm>>) target_semaphore(%run_scoped3A : memref<!tpu.dma_semaphore, #tpu.memory_space<semaphore_mem>>)
      %dma_wait3A = arith.constant 0 : i32
      %dma_wait3A_45 = tpu.memref_slice %arg6[%arg0, %add3A_36, %dma_wait3A] : memref<2x10240x128xf32, #tpu.memory_space<hbm>> -> memref<1x128x128xf32, #tpu.memory_space<hbm>>
      %dma_wait3A_46 = tpu.memref_squeeze %dma_wait3A_45 : memref<1x128x128xf32, #tpu.memory_space<hbm>> -> memref<128x128xf32, #tpu.memory_space<hbm>>
      %dma_wait3A_47 = arith.constant 0 : i32
      %dma_wait3A_48 = tpu.memref_slice %arg6[%arg0, %add3A_36, %dma_wait3A_47] : memref<2x10240x128xf32, #tpu.memory_space<hbm>> -> memref<1x128x128xf32, #tpu.memory_space<hbm>>
      %dma_wait3A_49 = tpu.memref_squeeze %dma_wait3A_48 : memref<1x128x128xf32, #tpu.memory_space<hbm>> -> memref<128x128xf32, #tpu.memory_space<hbm>>
      tpu.wait_dma2 semaphore(%run_scoped3A : memref<!tpu.dma_semaphore, #tpu.memory_space<semaphore_mem>>) src(%arg9 : memref<128x128xf32, #tpu.memory_space<vmem>>) dst(%dma_wait3A_49 : memref<128x128xf32, #tpu.memory_space<hbm>>)
      tpu.yield
    }) : () -> ()
    %add3A_37 = arith.constant 512 : i32
    %add3A_38 = arith.addi %mul3A_2, %add3A_37 : i32
    "tpu.region"() ({
      %run_scoped3A = tpu.sem_alloc : memref<!tpu.dma_semaphore, #tpu.memory_space<semaphore_mem>>
      %dma_start3A_39 = arith.constant 0 : i32
      %dma_start3A_40 = tpu.memref_slice %arg11[%add3A_38, %dma_start3A_39] : memref<10240x128xf32, #tpu.memory_space<vmem_shared>> -> memref<128x128xf32, #tpu.memory_space<vmem_shared>>
      %dma_start3A_41 = arith.constant 0 : i32
      %dma_start3A_42 = tpu.memref_slice %arg11[%add3A_38, %dma_start3A_41] : memref<10240x128xf32, #tpu.memory_space<vmem_shared>> -> memref<128x128xf32, #tpu.memory_space<vmem_shared>>
      tpu.enqueue_dma source(%dma_start3A_42 : memref<128x128xf32, #tpu.memory_space<vmem_shared>>) target(%arg9 : memref<128x128xf32, #tpu.memory_space<vmem>>) target_semaphore(%run_scoped3A : memref<!tpu.dma_semaphore, #tpu.memory_space<semaphore_mem>>)
      %dma_wait3A = arith.constant 0 : i32
      %dma_wait3A_43 = tpu.memref_slice %arg11[%add3A_38, %dma_wait3A] : memref<10240x128xf32, #tpu.memory_space<vmem_shared>> -> memref<128x128xf32, #tpu.memory_space<vmem_shared>>
      %dma_wait3A_44 = arith.constant 0 : i32
      %dma_wait3A_45 = tpu.memref_slice %arg11[%add3A_38, %dma_wait3A_44] : memref<10240x128xf32, #tpu.memory_space<vmem_shared>> -> memref<128x128xf32, #tpu.memory_space<vmem_shared>>
      tpu.wait_dma2 semaphore(%run_scoped3A : memref<!tpu.dma_semaphore, #tpu.memory_space<semaphore_mem>>) src(%dma_wait3A_45 : memref<128x128xf32, #tpu.memory_space<vmem_shared>>) dst(%arg9 : memref<128x128xf32, #tpu.memory_space<vmem>>)
      tpu.yield
    }) : () -> ()
    "tpu.region"() ({
      %run_scoped3A = tpu.sem_alloc : memref<!tpu.dma_semaphore, #tpu.memory_space<semaphore_mem>>
      %dma_start3A_39 = arith.constant 0 : i32
      %dma_start3A_40 = tpu.memref_slice %arg6[%arg0, %add3A_38, %dma_start3A_39] : memref<2x10240x128xf32, #tpu.memory_space<hbm>> -> memref<1x128x128xf32, #tpu.memory_space<hbm>>
      %dma_start3A_41 = tpu.memref_squeeze %dma_start3A_40 : memref<1x128x128xf32, #tpu.memory_space<hbm>> -> memref<128x128xf32, #tpu.memory_space<hbm>>
      %dma_start3A_42 = arith.constant 0 : i32
      %dma_start3A_43 = tpu.memref_slice %arg6[%arg0, %add3A_38, %dma_start3A_42] : memref<2x10240x128xf32, #tpu.memory_space<hbm>> -> memref<1x128x128xf32, #tpu.memory_space<hbm>>
      %dma_start3A_44 = tpu.memref_squeeze %dma_start3A_43 : memref<1x128x128xf32, #tpu.memory_space<hbm>> -> memref<128x128xf32, #tpu.memory_space<hbm>>
      tpu.enqueue_dma source(%arg9 : memref<128x128xf32, #tpu.memory_space<vmem>>) target(%dma_start3A_44 : memref<128x128xf32, #tpu.memory_space<hbm>>) target_semaphore(%run_scoped3A : memref<!tpu.dma_semaphore, #tpu.memory_space<semaphore_mem>>)
      %dma_wait3A = arith.constant 0 : i32
      %dma_wait3A_45 = tpu.memref_slice %arg6[%arg0, %add3A_38, %dma_wait3A] : memref<2x10240x128xf32, #tpu.memory_space<hbm>> -> memref<1x128x128xf32, #tpu.memory_space<hbm>>
      %dma_wait3A_46 = tpu.memref_squeeze %dma_wait3A_45 : memref<1x128x128xf32, #tpu.memory_space<hbm>> -> memref<128x128xf32, #tpu.memory_space<hbm>>
      %dma_wait3A_47 = arith.constant 0 : i32
      %dma_wait3A_48 = tpu.memref_slice %arg6[%arg0, %add3A_38, %dma_wait3A_47] : memref<2x10240x128xf32, #tpu.memory_space<hbm>> -> memref<1x128x128xf32, #tpu.memory_space<hbm>>
      %dma_wait3A_49 = tpu.memref_squeeze %dma_wait3A_48 : memref<1x128x128xf32, #tpu.memory_space<hbm>> -> memref<128x128xf32, #tpu.memory_space<hbm>>
      tpu.wait_dma2 semaphore(%run_scoped3A : memref<!tpu.dma_semaphore, #tpu.memory_space<semaphore_mem>>) src(%arg9 : memref<128x128xf32, #tpu.memory_space<vmem>>) dst(%dma_wait3A_49 : memref<128x128xf32, #tpu.memory_space<hbm>>)
      tpu.yield
    }) : () -> ()
    return
  }
}

#map = affine_map<(d0, d1) -> (0, 0)>
#map1 = affine_map<(d0, d1) -> (0, 0, 0)>
module attributes {stable_mosaic.version = 14 : i64} {
  func.func @sc_agg(%arg0: i32, %arg1: i32, %arg2: memref<1280x128xi32, #tpu.memory_space<hbm>>, %arg3: memref<1280x128xi32, #tpu.memory_space<hbm>>, %arg4: memref<10000x128xf32, #tpu.memory_space<hbm>>, %arg5: memref<128x128xf32, #tpu.memory_space<hbm>>, %arg6: memref<2x10240x128xf32, #tpu.memory_space<hbm>>, %arg7: memref<40x128xi32, #tpu.memory_space<vmem>>, %arg8: memref<40x128xi32, #tpu.memory_space<vmem>>, %arg9: memref<128x128xf32, #tpu.memory_space<vmem>>, %arg10: memref<128x128xf32, #tpu.memory_space<vmem>>, %arg11: memref<10240x128xf32, #tpu.memory_space<vmem_shared>>, %arg12: memref<!tpu.dma_semaphore, #tpu.memory_space<semaphore_mem>>, %arg13: memref<!tpu.dma_semaphore, #tpu.memory_space<semaphore_mem>>) attributes {dimension_semantics = [#tpu.dimension_semantics<core_parallel>, #tpu.dimension_semantics<subcore_parallel>], iteration_bounds = array<i64: 2, 16>, scalar_prefetch = 0 : i64, scratch_operands = 7 : i64, tpu.core_type = #tpu.core_type<sc_vector_subcore>, window_params = [{transform_indices = #map}, {transform_indices = #map}, {transform_indices = #map}, {transform_indices = #map}, {transform_indices = #map1}]} {
    %mul3A = arith.constant 2 : i32
    %mul3A_0 = arith.muli %arg1, %mul3A : i32
    %add3A = arith.addi %mul3A_0, %arg0 : i32
    %mul3A_1 = arith.constant 640 : i32
    %mul3A_2 = arith.muli %arg1, %mul3A_1 : i32
    "tpu.region"() ({
      %run_scoped3A = tpu.sem_alloc : memref<!tpu.dma_semaphore, #tpu.memory_space<semaphore_mem>>
      tpu.enqueue_dma source(%arg5 : memref<128x128xf32, #tpu.memory_space<hbm>>) target(%arg9 : memref<128x128xf32, #tpu.memory_space<vmem>>) target_semaphore(%run_scoped3A : memref<!tpu.dma_semaphore, #tpu.memory_space<semaphore_mem>>)
      tpu.wait_dma2 semaphore(%run_scoped3A : memref<!tpu.dma_semaphore, #tpu.memory_space<semaphore_mem>>) src(%arg5 : memref<128x128xf32, #tpu.memory_space<hbm>>) dst(%arg9 : memref<128x128xf32, #tpu.memory_space<vmem>>)
      tpu.yield
    }) : () -> ()
    %add3A_3 = arith.constant 0 : i32
    %add3A_4 = arith.addi %mul3A_2, %add3A_3 : i32
    "tpu.region"() ({
      %run_scoped3A = tpu.sem_alloc : memref<!tpu.dma_semaphore, #tpu.memory_space<semaphore_mem>>
      %dma_start3A_39 = arith.constant 0 : i32
      %dma_start3A_40 = tpu.memref_slice %arg11[%add3A_4, %dma_start3A_39] : memref<10240x128xf32, #tpu.memory_space<vmem_shared>> -> memref<128x128xf32, #tpu.memory_space<vmem_shared>>
      %dma_start3A_41 = arith.constant 0 : i32
      %dma_start3A_42 = tpu.memref_slice %arg11[%add3A_4, %dma_start3A_41] : memref<10240x128xf32, #tpu.memory_space<vmem_shared>> -> memref<128x128xf32, #tpu.memory_space<vmem_shared>>
      tpu.enqueue_dma source(%arg9 : memref<128x128xf32, #tpu.memory_space<vmem>>) target(%dma_start3A_42 : memref<128x128xf32, #tpu.memory_space<vmem_shared>>) target_semaphore(%run_scoped3A : memref<!tpu.dma_semaphore, #tpu.memory_space<semaphore_mem>>)
      %dma_wait3A = arith.constant 0 : i32
      %dma_wait3A_43 = tpu.memref_slice %arg11[%add3A_4, %dma_wait3A] : memref<10240x128xf32, #tpu.memory_space<vmem_shared>> -> memref<128x128xf32, #tpu.memory_space<vmem_shared>>
      %dma_wait3A_44 = arith.constant 0 : i32
      %dma_wait3A_45 = tpu.memref_slice %arg11[%add3A_4, %dma_wait3A_44] : memref<10240x128xf32, #tpu.memory_space<vmem_shared>> -> memref<128x128xf32, #tpu.memory_space<vmem_shared>>
      tpu.wait_dma2 semaphore(%run_scoped3A : memref<!tpu.dma_semaphore, #tpu.memory_space<semaphore_mem>>) src(%arg9 : memref<128x128xf32, #tpu.memory_space<vmem>>) dst(%dma_wait3A_45 : memref<128x128xf32, #tpu.memory_space<vmem_shared>>)
      tpu.yield
    }) : () -> ()
    %add3A_5 = arith.constant 128 : i32
    %add3A_6 = arith.addi %mul3A_2, %add3A_5 : i32
    "tpu.region"() ({
      %run_scoped3A = tpu.sem_alloc : memref<!tpu.dma_semaphore, #tpu.memory_space<semaphore_mem>>
      %dma_start3A_39 = arith.constant 0 : i32
      %dma_start3A_40 = tpu.memref_slice %arg11[%add3A_6, %dma_start3A_39] : memref<10240x128xf32, #tpu.memory_space<vmem_shared>> -> memref<128x128xf32, #tpu.memory_space<vmem_shared>>
      %dma_start3A_41 = arith.constant 0 : i32
      %dma_start3A_42 = tpu.memref_slice %arg11[%add3A_6, %dma_start3A_41] : memref<10240x128xf32, #tpu.memory_space<vmem_shared>> -> memref<128x128xf32, #tpu.memory_space<vmem_shared>>
      tpu.enqueue_dma source(%arg9 : memref<128x128xf32, #tpu.memory_space<vmem>>) target(%dma_start3A_42 : memref<128x128xf32, #tpu.memory_space<vmem_shared>>) target_semaphore(%run_scoped3A : memref<!tpu.dma_semaphore, #tpu.memory_space<semaphore_mem>>)
      %dma_wait3A = arith.constant 0 : i32
      %dma_wait3A_43 = tpu.memref_slice %arg11[%add3A_6, %dma_wait3A] : memref<10240x128xf32, #tpu.memory_space<vmem_shared>> -> memref<128x128xf32, #tpu.memory_space<vmem_shared>>
      %dma_wait3A_44 = arith.constant 0 : i32
      %dma_wait3A_45 = tpu.memref_slice %arg11[%add3A_6, %dma_wait3A_44] : memref<10240x128xf32, #tpu.memory_space<vmem_shared>> -> memref<128x128xf32, #tpu.memory_space<vmem_shared>>
      tpu.wait_dma2 semaphore(%run_scoped3A : memref<!tpu.dma_semaphore, #tpu.memory_space<semaphore_mem>>) src(%arg9 : memref<128x128xf32, #tpu.memory_space<vmem>>) dst(%dma_wait3A_45 : memref<128x128xf32, #tpu.memory_space<vmem_shared>>)
      tpu.yield
    }) : () -> ()
    %add3A_7 = arith.constant 256 : i32
    %add3A_8 = arith.addi %mul3A_2, %add3A_7 : i32
    "tpu.region"() ({
      %run_scoped3A = tpu.sem_alloc : memref<!tpu.dma_semaphore, #tpu.memory_space<semaphore_mem>>
      %dma_start3A_39 = arith.constant 0 : i32
      %dma_start3A_40 = tpu.memref_slice %arg11[%add3A_8, %dma_start3A_39] : memref<10240x128xf32, #tpu.memory_space<vmem_shared>> -> memref<128x128xf32, #tpu.memory_space<vmem_shared>>
      %dma_start3A_41 = arith.constant 0 : i32
      %dma_start3A_42 = tpu.memref_slice %arg11[%add3A_8, %dma_start3A_41] : memref<10240x128xf32, #tpu.memory_space<vmem_shared>> -> memref<128x128xf32, #tpu.memory_space<vmem_shared>>
      tpu.enqueue_dma source(%arg9 : memref<128x128xf32, #tpu.memory_space<vmem>>) target(%dma_start3A_42 : memref<128x128xf32, #tpu.memory_space<vmem_shared>>) target_semaphore(%run_scoped3A : memref<!tpu.dma_semaphore, #tpu.memory_space<semaphore_mem>>)
      %dma_wait3A = arith.constant 0 : i32
      %dma_wait3A_43 = tpu.memref_slice %arg11[%add3A_8, %dma_wait3A] : memref<10240x128xf32, #tpu.memory_space<vmem_shared>> -> memref<128x128xf32, #tpu.memory_space<vmem_shared>>
      %dma_wait3A_44 = arith.constant 0 : i32
      %dma_wait3A_45 = tpu.memref_slice %arg11[%add3A_8, %dma_wait3A_44] : memref<10240x128xf32, #tpu.memory_space<vmem_shared>> -> memref<128x128xf32, #tpu.memory_space<vmem_shared>>
      tpu.wait_dma2 semaphore(%run_scoped3A : memref<!tpu.dma_semaphore, #tpu.memory_space<semaphore_mem>>) src(%arg9 : memref<128x128xf32, #tpu.memory_space<vmem>>) dst(%dma_wait3A_45 : memref<128x128xf32, #tpu.memory_space<vmem_shared>>)
      tpu.yield
    }) : () -> ()
    %add3A_9 = arith.constant 384 : i32
    %add3A_10 = arith.addi %mul3A_2, %add3A_9 : i32
    "tpu.region"() ({
      %run_scoped3A = tpu.sem_alloc : memref<!tpu.dma_semaphore, #tpu.memory_space<semaphore_mem>>
      %dma_start3A_39 = arith.constant 0 : i32
      %dma_start3A_40 = tpu.memref_slice %arg11[%add3A_10, %dma_start3A_39] : memref<10240x128xf32, #tpu.memory_space<vmem_shared>> -> memref<128x128xf32, #tpu.memory_space<vmem_shared>>
      %dma_start3A_41 = arith.constant 0 : i32
      %dma_start3A_42 = tpu.memref_slice %arg11[%add3A_10, %dma_start3A_41] : memref<10240x128xf32, #tpu.memory_space<vmem_shared>> -> memref<128x128xf32, #tpu.memory_space<vmem_shared>>
      tpu.enqueue_dma source(%arg9 : memref<128x128xf32, #tpu.memory_space<vmem>>) target(%dma_start3A_42 : memref<128x128xf32, #tpu.memory_space<vmem_shared>>) target_semaphore(%run_scoped3A : memref<!tpu.dma_semaphore, #tpu.memory_space<semaphore_mem>>)
      %dma_wait3A = arith.constant 0 : i32
      %dma_wait3A_43 = tpu.memref_slice %arg11[%add3A_10, %dma_wait3A] : memref<10240x128xf32, #tpu.memory_space<vmem_shared>> -> memref<128x128xf32, #tpu.memory_space<vmem_shared>>
      %dma_wait3A_44 = arith.constant 0 : i32
      %dma_wait3A_45 = tpu.memref_slice %arg11[%add3A_10, %dma_wait3A_44] : memref<10240x128xf32, #tpu.memory_space<vmem_shared>> -> memref<128x128xf32, #tpu.memory_space<vmem_shared>>
      tpu.wait_dma2 semaphore(%run_scoped3A : memref<!tpu.dma_semaphore, #tpu.memory_space<semaphore_mem>>) src(%arg9 : memref<128x128xf32, #tpu.memory_space<vmem>>) dst(%dma_wait3A_45 : memref<128x128xf32, #tpu.memory_space<vmem_shared>>)
      tpu.yield
    }) : () -> ()
    %add3A_11 = arith.constant 512 : i32
    %add3A_12 = arith.addi %mul3A_2, %add3A_11 : i32
    "tpu.region"() ({
      %run_scoped3A = tpu.sem_alloc : memref<!tpu.dma_semaphore, #tpu.memory_space<semaphore_mem>>
      %dma_start3A_39 = arith.constant 0 : i32
      %dma_start3A_40 = tpu.memref_slice %arg11[%add3A_12, %dma_start3A_39] : memref<10240x128xf32, #tpu.memory_space<vmem_shared>> -> memref<128x128xf32, #tpu.memory_space<vmem_shared>>
      %dma_start3A_41 = arith.constant 0 : i32
      %dma_start3A_42 = tpu.memref_slice %arg11[%add3A_12, %dma_start3A_41] : memref<10240x128xf32, #tpu.memory_space<vmem_shared>> -> memref<128x128xf32, #tpu.memory_space<vmem_shared>>
      tpu.enqueue_dma source(%arg9 : memref<128x128xf32, #tpu.memory_space<vmem>>) target(%dma_start3A_42 : memref<128x128xf32, #tpu.memory_space<vmem_shared>>) target_semaphore(%run_scoped3A : memref<!tpu.dma_semaphore, #tpu.memory_space<semaphore_mem>>)
      %dma_wait3A = arith.constant 0 : i32
      %dma_wait3A_43 = tpu.memref_slice %arg11[%add3A_12, %dma_wait3A] : memref<10240x128xf32, #tpu.memory_space<vmem_shared>> -> memref<128x128xf32, #tpu.memory_space<vmem_shared>>
      %dma_wait3A_44 = arith.constant 0 : i32
      %dma_wait3A_45 = tpu.memref_slice %arg11[%add3A_12, %dma_wait3A_44] : memref<10240x128xf32, #tpu.memory_space<vmem_shared>> -> memref<128x128xf32, #tpu.memory_space<vmem_shared>>
      tpu.wait_dma2 semaphore(%run_scoped3A : memref<!tpu.dma_semaphore, #tpu.memory_space<semaphore_mem>>) src(%arg9 : memref<128x128xf32, #tpu.memory_space<vmem>>) dst(%dma_wait3A_45 : memref<128x128xf32, #tpu.memory_space<vmem_shared>>)
      tpu.yield
    }) : () -> ()
    %mul3A_13 = arith.constant 40 : i32
    %mul3A_14 = arith.muli %add3A, %mul3A_13 : i32
    "tpu.region"() ({
      %run_scoped3A = tpu.sem_alloc : memref<!tpu.dma_semaphore, #tpu.memory_space<semaphore_mem>>
      %dma_start3A_39 = arith.constant 0 : i32
      %dma_start3A_40 = tpu.memref_slice %arg2[%mul3A_14, %dma_start3A_39] : memref<1280x128xi32, #tpu.memory_space<hbm>> -> memref<40x128xi32, #tpu.memory_space<hbm>>
      %dma_start3A_41 = arith.constant 0 : i32
      %dma_start3A_42 = tpu.memref_slice %arg2[%mul3A_14, %dma_start3A_41] : memref<1280x128xi32, #tpu.memory_space<hbm>> -> memref<40x128xi32, #tpu.memory_space<hbm>>
      tpu.enqueue_dma source(%dma_start3A_42 : memref<40x128xi32, #tpu.memory_space<hbm>>) target(%arg7 : memref<40x128xi32, #tpu.memory_space<vmem>>) target_semaphore(%run_scoped3A : memref<!tpu.dma_semaphore, #tpu.memory_space<semaphore_mem>>)
      %dma_wait3A = arith.constant 0 : i32
      %dma_wait3A_43 = tpu.memref_slice %arg2[%mul3A_14, %dma_wait3A] : memref<1280x128xi32, #tpu.memory_space<hbm>> -> memref<40x128xi32, #tpu.memory_space<hbm>>
      %dma_wait3A_44 = arith.constant 0 : i32
      %dma_wait3A_45 = tpu.memref_slice %arg2[%mul3A_14, %dma_wait3A_44] : memref<1280x128xi32, #tpu.memory_space<hbm>> -> memref<40x128xi32, #tpu.memory_space<hbm>>
      tpu.wait_dma2 semaphore(%run_scoped3A : memref<!tpu.dma_semaphore, #tpu.memory_space<semaphore_mem>>) src(%dma_wait3A_45 : memref<40x128xi32, #tpu.memory_space<hbm>>) dst(%arg7 : memref<40x128xi32, #tpu.memory_space<vmem>>)
      tpu.yield
    }) : () -> ()
    %mul3A_15 = arith.constant 40 : i32
    %mul3A_16 = arith.muli %add3A, %mul3A_15 : i32
    "tpu.region"() ({
      %run_scoped3A = tpu.sem_alloc : memref<!tpu.dma_semaphore, #tpu.memory_space<semaphore_mem>>
      %dma_start3A_39 = arith.constant 0 : i32
      %dma_start3A_40 = tpu.memref_slice %arg3[%mul3A_16, %dma_start3A_39] : memref<1280x128xi32, #tpu.memory_space<hbm>> -> memref<40x128xi32, #tpu.memory_space<hbm>>
      %dma_start3A_41 = arith.constant 0 : i32
      %dma_start3A_42 = tpu.memref_slice %arg3[%mul3A_16, %dma_start3A_41] : memref<1280x128xi32, #tpu.memory_space<hbm>> -> memref<40x128xi32, #tpu.memory_space<hbm>>
      tpu.enqueue_dma source(%dma_start3A_42 : memref<40x128xi32, #tpu.memory_space<hbm>>) target(%arg8 : memref<40x128xi32, #tpu.memory_space<vmem>>) target_semaphore(%run_scoped3A : memref<!tpu.dma_semaphore, #tpu.memory_space<semaphore_mem>>)
      %dma_wait3A = arith.constant 0 : i32
      %dma_wait3A_43 = tpu.memref_slice %arg3[%mul3A_16, %dma_wait3A] : memref<1280x128xi32, #tpu.memory_space<hbm>> -> memref<40x128xi32, #tpu.memory_space<hbm>>
      %dma_wait3A_44 = arith.constant 0 : i32
      %dma_wait3A_45 = tpu.memref_slice %arg3[%mul3A_16, %dma_wait3A_44] : memref<1280x128xi32, #tpu.memory_space<hbm>> -> memref<40x128xi32, #tpu.memory_space<hbm>>
      tpu.wait_dma2 semaphore(%run_scoped3A : memref<!tpu.dma_semaphore, #tpu.memory_space<semaphore_mem>>) src(%dma_wait3A_45 : memref<40x128xi32, #tpu.memory_space<hbm>>) dst(%arg8 : memref<40x128xi32, #tpu.memory_space<vmem>>)
      tpu.yield
    }) : () -> ()
    %barrier3A = arith.constant 0 : index
    tpu.barrier barrier_id(%barrier3A)
    %dma_start3A = arith.constant 0 : i32
    %dma_start3A_17 = arith.constant 0 : i32
    %dma_start3A_18 = tpu.memref_slice %arg7[%dma_start3A, %dma_start3A_17] : memref<40x128xi32, #tpu.memory_space<vmem>> -> memref<1x128xi32, #tpu.memory_space<vmem>>
    %dma_start3A_19 = tpu.memref_squeeze %dma_start3A_18 : memref<1x128xi32, #tpu.memory_space<vmem>> -> memref<128xi32, #tpu.memory_space<vmem>>
    %dma_start3A_20 = arith.constant 0 : i32
    %dma_start3A_21 = arith.constant 0 : i32
    %dma_start3A_22 = tpu.memref_slice %arg4[%dma_start3A_20, %dma_start3A_21] : memref<10000x128xf32, #tpu.memory_space<hbm>> -> memref<10000x128xf32, #tpu.memory_space<hbm>>
    tpu.enqueue_indirect_dma source(%dma_start3A_22 : memref<10000x128xf32, #tpu.memory_space<hbm>>) target(%arg9 : memref<128x128xf32, #tpu.memory_space<vmem>>) offsets(%dma_start3A_19 : memref<128xi32, #tpu.memory_space<vmem>>) semaphore(%arg12 : memref<!tpu.dma_semaphore, #tpu.memory_space<semaphore_mem>>)
    %scan3A = arith.constant 0 : i32
    %scan3A_23 = arith.constant 0 : i32
    %scan3A_24 = arith.constant 20 : i32
    %scan3A_25 = arith.addi %scan3A_23, %scan3A_24 : i32
    %scan3A_26 = arith.constant 1 : i32
    scf.for %scan3A_39 = %scan3A_23 to %scan3A_25 step %scan3A_26  : i32 {
      %mul3A_40 = arith.constant 2 : i32
      %mul3A_41 = arith.muli %mul3A_40, %scan3A_39 : i32
      %add3A_42 = arith.constant 1 : i32
      %add3A_43 = arith.addi %mul3A_41, %add3A_42 : i32
      %dma_start3A_44 = arith.constant 0 : i32
      %dma_start3A_45 = tpu.memref_slice %arg7[%add3A_43, %dma_start3A_44] : memref<40x128xi32, #tpu.memory_space<vmem>> -> memref<1x128xi32, #tpu.memory_space<vmem>>
      %dma_start3A_46 = tpu.memref_squeeze %dma_start3A_45 : memref<1x128xi32, #tpu.memory_space<vmem>> -> memref<128xi32, #tpu.memory_space<vmem>>
      %dma_start3A_47 = arith.constant 0 : i32
      %dma_start3A_48 = arith.constant 0 : i32
      %dma_start3A_49 = tpu.memref_slice %arg4[%dma_start3A_47, %dma_start3A_48] : memref<10000x128xf32, #tpu.memory_space<hbm>> -> memref<10000x128xf32, #tpu.memory_space<hbm>>
      tpu.enqueue_indirect_dma source(%dma_start3A_49 : memref<10000x128xf32, #tpu.memory_space<hbm>>) target(%arg10 : memref<128x128xf32, #tpu.memory_space<vmem>>) offsets(%dma_start3A_46 : memref<128xi32, #tpu.memory_space<vmem>>) semaphore(%arg13 : memref<!tpu.dma_semaphore, #tpu.memory_space<semaphore_mem>>)
      %mul3A_50 = arith.constant 2 : i32
      %mul3A_51 = arith.muli %mul3A_50, %scan3A_39 : i32
      %dma_wait3A = arith.constant 0 : i32
      %dma_wait3A_52 = tpu.memref_slice %arg7[%mul3A_51, %dma_wait3A] : memref<40x128xi32, #tpu.memory_space<vmem>> -> memref<1x128xi32, #tpu.memory_space<vmem>>
      %dma_wait3A_53 = tpu.memref_squeeze %dma_wait3A_52 : memref<1x128xi32, #tpu.memory_space<vmem>> -> memref<128xi32, #tpu.memory_space<vmem>>
      %dma_wait3A_54 = arith.constant 0 : i32
      %dma_wait3A_55 = arith.constant 0 : i32
      %dma_wait3A_56 = tpu.memref_slice %arg4[%dma_wait3A_54, %dma_wait3A_55] : memref<10000x128xf32, #tpu.memory_space<hbm>> -> memref<10000x128xf32, #tpu.memory_space<hbm>>
      tpu.wait_indirect_dma semaphore(%arg12 : memref<!tpu.dma_semaphore, #tpu.memory_space<semaphore_mem>>) src(%dma_wait3A_56 : memref<10000x128xf32, #tpu.memory_space<hbm>>) dst(%arg9 : memref<128x128xf32, #tpu.memory_space<vmem>>)
      %mul3A_57 = arith.constant 2 : i32
      %mul3A_58 = arith.muli %mul3A_57, %scan3A_39 : i32
      "tpu.region"() ({
        %run_scoped3A = tpu.sem_alloc : memref<!tpu.dma_semaphore, #tpu.memory_space<semaphore_mem>>
        %dma_start3A_75 = arith.constant 0 : i32
        %dma_start3A_76 = tpu.memref_slice %arg8[%mul3A_58, %dma_start3A_75] : memref<40x128xi32, #tpu.memory_space<vmem>> -> memref<1x128xi32, #tpu.memory_space<vmem>>
        %dma_start3A_77 = tpu.memref_squeeze %dma_start3A_76 : memref<1x128xi32, #tpu.memory_space<vmem>> -> memref<128xi32, #tpu.memory_space<vmem>>
        %dma_start3A_78 = arith.constant 0 : i32
        %dma_start3A_79 = arith.constant 0 : i32
        %dma_start3A_80 = tpu.memref_slice %arg11[%dma_start3A_78, %dma_start3A_79] : memref<10240x128xf32, #tpu.memory_space<vmem_shared>> -> memref<10240x128xf32, #tpu.memory_space<vmem_shared>>
        tpu.enqueue_indirect_dma source(%arg9 : memref<128x128xf32, #tpu.memory_space<vmem>>) target(%dma_start3A_80 : memref<10240x128xf32, #tpu.memory_space<vmem_shared>>) offsets(%dma_start3A_77 : memref<128xi32, #tpu.memory_space<vmem>>) semaphore(%run_scoped3A : memref<!tpu.dma_semaphore, #tpu.memory_space<semaphore_mem>>) {add = true}
        %dma_wait3A_81 = arith.constant 0 : i32
        %dma_wait3A_82 = tpu.memref_slice %arg8[%mul3A_58, %dma_wait3A_81] : memref<40x128xi32, #tpu.memory_space<vmem>> -> memref<1x128xi32, #tpu.memory_space<vmem>>
        %dma_wait3A_83 = tpu.memref_squeeze %dma_wait3A_82 : memref<1x128xi32, #tpu.memory_space<vmem>> -> memref<128xi32, #tpu.memory_space<vmem>>
        %dma_wait3A_84 = arith.constant 0 : i32
        %dma_wait3A_85 = arith.constant 0 : i32
        %dma_wait3A_86 = tpu.memref_slice %arg11[%dma_wait3A_84, %dma_wait3A_85] : memref<10240x128xf32, #tpu.memory_space<vmem_shared>> -> memref<10240x128xf32, #tpu.memory_space<vmem_shared>>
        tpu.wait_indirect_dma semaphore(%run_scoped3A : memref<!tpu.dma_semaphore, #tpu.memory_space<semaphore_mem>>) src(%arg9 : memref<128x128xf32, #tpu.memory_space<vmem>>) dst(%dma_wait3A_86 : memref<10240x128xf32, #tpu.memory_space<vmem_shared>>)
        tpu.yield
      }) : () -> ()
      %lt3A = arith.constant 19 : i32
      %lt3A_59 = arith.cmpi slt, %scan3A_39, %lt3A : i32
      %convert_element_type3A = arith.extui %lt3A_59 : i1 to i32
      %cond3A = arith.constant 0 : i32
      %cond3A_60 = arith.cmpi ne, %convert_element_type3A, %cond3A : i32
      scf.if %cond3A_60 {
        %mul3A_75 = arith.constant 2 : i32
        %mul3A_76 = arith.muli %mul3A_75, %scan3A_39 : i32
        %add3A_77 = arith.constant 2 : i32
        %add3A_78 = arith.addi %mul3A_76, %add3A_77 : i32
        %dma_start3A_79 = arith.constant 0 : i32
        %dma_start3A_80 = tpu.memref_slice %arg7[%add3A_78, %dma_start3A_79] : memref<40x128xi32, #tpu.memory_space<vmem>> -> memref<1x128xi32, #tpu.memory_space<vmem>>
        %dma_start3A_81 = tpu.memref_squeeze %dma_start3A_80 : memref<1x128xi32, #tpu.memory_space<vmem>> -> memref<128xi32, #tpu.memory_space<vmem>>
        %dma_start3A_82 = arith.constant 0 : i32
        %dma_start3A_83 = arith.constant 0 : i32
        %dma_start3A_84 = tpu.memref_slice %arg4[%dma_start3A_82, %dma_start3A_83] : memref<10000x128xf32, #tpu.memory_space<hbm>> -> memref<10000x128xf32, #tpu.memory_space<hbm>>
        tpu.enqueue_indirect_dma source(%dma_start3A_84 : memref<10000x128xf32, #tpu.memory_space<hbm>>) target(%arg9 : memref<128x128xf32, #tpu.memory_space<vmem>>) offsets(%dma_start3A_81 : memref<128xi32, #tpu.memory_space<vmem>>) semaphore(%arg12 : memref<!tpu.dma_semaphore, #tpu.memory_space<semaphore_mem>>)
      } else {
      }
      %mul3A_61 = arith.constant 2 : i32
      %mul3A_62 = arith.muli %mul3A_61, %scan3A_39 : i32
      %add3A_63 = arith.constant 1 : i32
      %add3A_64 = arith.addi %mul3A_62, %add3A_63 : i32
      %dma_wait3A_65 = arith.constant 0 : i32
      %dma_wait3A_66 = tpu.memref_slice %arg7[%add3A_64, %dma_wait3A_65] : memref<40x128xi32, #tpu.memory_space<vmem>> -> memref<1x128xi32, #tpu.memory_space<vmem>>
      %dma_wait3A_67 = tpu.memref_squeeze %dma_wait3A_66 : memref<1x128xi32, #tpu.memory_space<vmem>> -> memref<128xi32, #tpu.memory_space<vmem>>
      %dma_wait3A_68 = arith.constant 0 : i32
      %dma_wait3A_69 = arith.constant 0 : i32
      %dma_wait3A_70 = tpu.memref_slice %arg4[%dma_wait3A_68, %dma_wait3A_69] : memref<10000x128xf32, #tpu.memory_space<hbm>> -> memref<10000x128xf32, #tpu.memory_space<hbm>>
      tpu.wait_indirect_dma semaphore(%arg13 : memref<!tpu.dma_semaphore, #tpu.memory_space<semaphore_mem>>) src(%dma_wait3A_70 : memref<10000x128xf32, #tpu.memory_space<hbm>>) dst(%arg10 : memref<128x128xf32, #tpu.memory_space<vmem>>)
      %mul3A_71 = arith.constant 2 : i32
      %mul3A_72 = arith.muli %mul3A_71, %scan3A_39 : i32
      %add3A_73 = arith.constant 1 : i32
      %add3A_74 = arith.addi %mul3A_72, %add3A_73 : i32
      "tpu.region"() ({
        %run_scoped3A = tpu.sem_alloc : memref<!tpu.dma_semaphore, #tpu.memory_space<semaphore_mem>>
        %dma_start3A_75 = arith.constant 0 : i32
        %dma_start3A_76 = tpu.memref_slice %arg8[%add3A_74, %dma_start3A_75] : memref<40x128xi32, #tpu.memory_space<vmem>> -> memref<1x128xi32, #tpu.memory_space<vmem>>
        %dma_start3A_77 = tpu.memref_squeeze %dma_start3A_76 : memref<1x128xi32, #tpu.memory_space<vmem>> -> memref<128xi32, #tpu.memory_space<vmem>>
        %dma_start3A_78 = arith.constant 0 : i32
        %dma_start3A_79 = arith.constant 0 : i32
        %dma_start3A_80 = tpu.memref_slice %arg11[%dma_start3A_78, %dma_start3A_79] : memref<10240x128xf32, #tpu.memory_space<vmem_shared>> -> memref<10240x128xf32, #tpu.memory_space<vmem_shared>>
        tpu.enqueue_indirect_dma source(%arg10 : memref<128x128xf32, #tpu.memory_space<vmem>>) target(%dma_start3A_80 : memref<10240x128xf32, #tpu.memory_space<vmem_shared>>) offsets(%dma_start3A_77 : memref<128xi32, #tpu.memory_space<vmem>>) semaphore(%run_scoped3A : memref<!tpu.dma_semaphore, #tpu.memory_space<semaphore_mem>>) {add = true}
        %dma_wait3A_81 = arith.constant 0 : i32
        %dma_wait3A_82 = tpu.memref_slice %arg8[%add3A_74, %dma_wait3A_81] : memref<40x128xi32, #tpu.memory_space<vmem>> -> memref<1x128xi32, #tpu.memory_space<vmem>>
        %dma_wait3A_83 = tpu.memref_squeeze %dma_wait3A_82 : memref<1x128xi32, #tpu.memory_space<vmem>> -> memref<128xi32, #tpu.memory_space<vmem>>
        %dma_wait3A_84 = arith.constant 0 : i32
        %dma_wait3A_85 = arith.constant 0 : i32
        %dma_wait3A_86 = tpu.memref_slice %arg11[%dma_wait3A_84, %dma_wait3A_85] : memref<10240x128xf32, #tpu.memory_space<vmem_shared>> -> memref<10240x128xf32, #tpu.memory_space<vmem_shared>>
        tpu.wait_indirect_dma semaphore(%run_scoped3A : memref<!tpu.dma_semaphore, #tpu.memory_space<semaphore_mem>>) src(%arg10 : memref<128x128xf32, #tpu.memory_space<vmem>>) dst(%dma_wait3A_86 : memref<10240x128xf32, #tpu.memory_space<vmem_shared>>)
        tpu.yield
      }) : () -> ()
    }
    %scan3A_27 = arith.constant 20 : i32
    %barrier3A_28 = arith.constant 0 : index
    tpu.barrier barrier_id(%barrier3A_28)
    %add3A_29 = arith.constant 0 : i32
    %add3A_30 = arith.addi %mul3A_2, %add3A_29 : i32
    "tpu.region"() ({
      %run_scoped3A = tpu.sem_alloc : memref<!tpu.dma_semaphore, #tpu.memory_space<semaphore_mem>>
      %dma_start3A_39 = arith.constant 0 : i32
      %dma_start3A_40 = tpu.memref_slice %arg11[%add3A_30, %dma_start3A_39] : memref<10240x128xf32, #tpu.memory_space<vmem_shared>> -> memref<128x128xf32, #tpu.memory_space<vmem_shared>>
      %dma_start3A_41 = arith.constant 0 : i32
      %dma_start3A_42 = tpu.memref_slice %arg11[%add3A_30, %dma_start3A_41] : memref<10240x128xf32, #tpu.memory_space<vmem_shared>> -> memref<128x128xf32, #tpu.memory_space<vmem_shared>>
      tpu.enqueue_dma source(%dma_start3A_42 : memref<128x128xf32, #tpu.memory_space<vmem_shared>>) target(%arg9 : memref<128x128xf32, #tpu.memory_space<vmem>>) target_semaphore(%run_scoped3A : memref<!tpu.dma_semaphore, #tpu.memory_space<semaphore_mem>>)
      %dma_wait3A = arith.constant 0 : i32
      %dma_wait3A_43 = tpu.memref_slice %arg11[%add3A_30, %dma_wait3A] : memref<10240x128xf32, #tpu.memory_space<vmem_shared>> -> memref<128x128xf32, #tpu.memory_space<vmem_shared>>
      %dma_wait3A_44 = arith.constant 0 : i32
      %dma_wait3A_45 = tpu.memref_slice %arg11[%add3A_30, %dma_wait3A_44] : memref<10240x128xf32, #tpu.memory_space<vmem_shared>> -> memref<128x128xf32, #tpu.memory_space<vmem_shared>>
      tpu.wait_dma2 semaphore(%run_scoped3A : memref<!tpu.dma_semaphore, #tpu.memory_space<semaphore_mem>>) src(%dma_wait3A_45 : memref<128x128xf32, #tpu.memory_space<vmem_shared>>) dst(%arg9 : memref<128x128xf32, #tpu.memory_space<vmem>>)
      tpu.yield
    }) : () -> ()
    "tpu.region"() ({
      %run_scoped3A = tpu.sem_alloc : memref<!tpu.dma_semaphore, #tpu.memory_space<semaphore_mem>>
      %dma_start3A_39 = arith.constant 0 : i32
      %dma_start3A_40 = tpu.memref_slice %arg6[%arg0, %add3A_30, %dma_start3A_39] : memref<2x10240x128xf32, #tpu.memory_space<hbm>> -> memref<1x128x128xf32, #tpu.memory_space<hbm>>
      %dma_start3A_41 = tpu.memref_squeeze %dma_start3A_40 : memref<1x128x128xf32, #tpu.memory_space<hbm>> -> memref<128x128xf32, #tpu.memory_space<hbm>>
      %dma_start3A_42 = arith.constant 0 : i32
      %dma_start3A_43 = tpu.memref_slice %arg6[%arg0, %add3A_30, %dma_start3A_42] : memref<2x10240x128xf32, #tpu.memory_space<hbm>> -> memref<1x128x128xf32, #tpu.memory_space<hbm>>
      %dma_start3A_44 = tpu.memref_squeeze %dma_start3A_43 : memref<1x128x128xf32, #tpu.memory_space<hbm>> -> memref<128x128xf32, #tpu.memory_space<hbm>>
      tpu.enqueue_dma source(%arg9 : memref<128x128xf32, #tpu.memory_space<vmem>>) target(%dma_start3A_44 : memref<128x128xf32, #tpu.memory_space<hbm>>) target_semaphore(%run_scoped3A : memref<!tpu.dma_semaphore, #tpu.memory_space<semaphore_mem>>)
      %dma_wait3A = arith.constant 0 : i32
      %dma_wait3A_45 = tpu.memref_slice %arg6[%arg0, %add3A_30, %dma_wait3A] : memref<2x10240x128xf32, #tpu.memory_space<hbm>> -> memref<1x128x128xf32, #tpu.memory_space<hbm>>
      %dma_wait3A_46 = tpu.memref_squeeze %dma_wait3A_45 : memref<1x128x128xf32, #tpu.memory_space<hbm>> -> memref<128x128xf32, #tpu.memory_space<hbm>>
      %dma_wait3A_47 = arith.constant 0 : i32
      %dma_wait3A_48 = tpu.memref_slice %arg6[%arg0, %add3A_30, %dma_wait3A_47] : memref<2x10240x128xf32, #tpu.memory_space<hbm>> -> memref<1x128x128xf32, #tpu.memory_space<hbm>>
      %dma_wait3A_49 = tpu.memref_squeeze %dma_wait3A_48 : memref<1x128x128xf32, #tpu.memory_space<hbm>> -> memref<128x128xf32, #tpu.memory_space<hbm>>
      tpu.wait_dma2 semaphore(%run_scoped3A : memref<!tpu.dma_semaphore, #tpu.memory_space<semaphore_mem>>) src(%arg9 : memref<128x128xf32, #tpu.memory_space<vmem>>) dst(%dma_wait3A_49 : memref<128x128xf32, #tpu.memory_space<hbm>>)
      tpu.yield
    }) : () -> ()
    %add3A_31 = arith.constant 128 : i32
    %add3A_32 = arith.addi %mul3A_2, %add3A_31 : i32
    "tpu.region"() ({
      %run_scoped3A = tpu.sem_alloc : memref<!tpu.dma_semaphore, #tpu.memory_space<semaphore_mem>>
      %dma_start3A_39 = arith.constant 0 : i32
      %dma_start3A_40 = tpu.memref_slice %arg11[%add3A_32, %dma_start3A_39] : memref<10240x128xf32, #tpu.memory_space<vmem_shared>> -> memref<128x128xf32, #tpu.memory_space<vmem_shared>>
      %dma_start3A_41 = arith.constant 0 : i32
      %dma_start3A_42 = tpu.memref_slice %arg11[%add3A_32, %dma_start3A_41] : memref<10240x128xf32, #tpu.memory_space<vmem_shared>> -> memref<128x128xf32, #tpu.memory_space<vmem_shared>>
      tpu.enqueue_dma source(%dma_start3A_42 : memref<128x128xf32, #tpu.memory_space<vmem_shared>>) target(%arg9 : memref<128x128xf32, #tpu.memory_space<vmem>>) target_semaphore(%run_scoped3A : memref<!tpu.dma_semaphore, #tpu.memory_space<semaphore_mem>>)
      %dma_wait3A = arith.constant 0 : i32
      %dma_wait3A_43 = tpu.memref_slice %arg11[%add3A_32, %dma_wait3A] : memref<10240x128xf32, #tpu.memory_space<vmem_shared>> -> memref<128x128xf32, #tpu.memory_space<vmem_shared>>
      %dma_wait3A_44 = arith.constant 0 : i32
      %dma_wait3A_45 = tpu.memref_slice %arg11[%add3A_32, %dma_wait3A_44] : memref<10240x128xf32, #tpu.memory_space<vmem_shared>> -> memref<128x128xf32, #tpu.memory_space<vmem_shared>>
      tpu.wait_dma2 semaphore(%run_scoped3A : memref<!tpu.dma_semaphore, #tpu.memory_space<semaphore_mem>>) src(%dma_wait3A_45 : memref<128x128xf32, #tpu.memory_space<vmem_shared>>) dst(%arg9 : memref<128x128xf32, #tpu.memory_space<vmem>>)
      tpu.yield
    }) : () -> ()
    "tpu.region"() ({
      %run_scoped3A = tpu.sem_alloc : memref<!tpu.dma_semaphore, #tpu.memory_space<semaphore_mem>>
      %dma_start3A_39 = arith.constant 0 : i32
      %dma_start3A_40 = tpu.memref_slice %arg6[%arg0, %add3A_32, %dma_start3A_39] : memref<2x10240x128xf32, #tpu.memory_space<hbm>> -> memref<1x128x128xf32, #tpu.memory_space<hbm>>
      %dma_start3A_41 = tpu.memref_squeeze %dma_start3A_40 : memref<1x128x128xf32, #tpu.memory_space<hbm>> -> memref<128x128xf32, #tpu.memory_space<hbm>>
      %dma_start3A_42 = arith.constant 0 : i32
      %dma_start3A_43 = tpu.memref_slice %arg6[%arg0, %add3A_32, %dma_start3A_42] : memref<2x10240x128xf32, #tpu.memory_space<hbm>> -> memref<1x128x128xf32, #tpu.memory_space<hbm>>
      %dma_start3A_44 = tpu.memref_squeeze %dma_start3A_43 : memref<1x128x128xf32, #tpu.memory_space<hbm>> -> memref<128x128xf32, #tpu.memory_space<hbm>>
      tpu.enqueue_dma source(%arg9 : memref<128x128xf32, #tpu.memory_space<vmem>>) target(%dma_start3A_44 : memref<128x128xf32, #tpu.memory_space<hbm>>) target_semaphore(%run_scoped3A : memref<!tpu.dma_semaphore, #tpu.memory_space<semaphore_mem>>)
      %dma_wait3A = arith.constant 0 : i32
      %dma_wait3A_45 = tpu.memref_slice %arg6[%arg0, %add3A_32, %dma_wait3A] : memref<2x10240x128xf32, #tpu.memory_space<hbm>> -> memref<1x128x128xf32, #tpu.memory_space<hbm>>
      %dma_wait3A_46 = tpu.memref_squeeze %dma_wait3A_45 : memref<1x128x128xf32, #tpu.memory_space<hbm>> -> memref<128x128xf32, #tpu.memory_space<hbm>>
      %dma_wait3A_47 = arith.constant 0 : i32
      %dma_wait3A_48 = tpu.memref_slice %arg6[%arg0, %add3A_32, %dma_wait3A_47] : memref<2x10240x128xf32, #tpu.memory_space<hbm>> -> memref<1x128x128xf32, #tpu.memory_space<hbm>>
      %dma_wait3A_49 = tpu.memref_squeeze %dma_wait3A_48 : memref<1x128x128xf32, #tpu.memory_space<hbm>> -> memref<128x128xf32, #tpu.memory_space<hbm>>
      tpu.wait_dma2 semaphore(%run_scoped3A : memref<!tpu.dma_semaphore, #tpu.memory_space<semaphore_mem>>) src(%arg9 : memref<128x128xf32, #tpu.memory_space<vmem>>) dst(%dma_wait3A_49 : memref<128x128xf32, #tpu.memory_space<hbm>>)
      tpu.yield
    }) : () -> ()
    %add3A_33 = arith.constant 256 : i32
    %add3A_34 = arith.addi %mul3A_2, %add3A_33 : i32
    "tpu.region"() ({
      %run_scoped3A = tpu.sem_alloc : memref<!tpu.dma_semaphore, #tpu.memory_space<semaphore_mem>>
      %dma_start3A_39 = arith.constant 0 : i32
      %dma_start3A_40 = tpu.memref_slice %arg11[%add3A_34, %dma_start3A_39] : memref<10240x128xf32, #tpu.memory_space<vmem_shared>> -> memref<128x128xf32, #tpu.memory_space<vmem_shared>>
      %dma_start3A_41 = arith.constant 0 : i32
      %dma_start3A_42 = tpu.memref_slice %arg11[%add3A_34, %dma_start3A_41] : memref<10240x128xf32, #tpu.memory_space<vmem_shared>> -> memref<128x128xf32, #tpu.memory_space<vmem_shared>>
      tpu.enqueue_dma source(%dma_start3A_42 : memref<128x128xf32, #tpu.memory_space<vmem_shared>>) target(%arg9 : memref<128x128xf32, #tpu.memory_space<vmem>>) target_semaphore(%run_scoped3A : memref<!tpu.dma_semaphore, #tpu.memory_space<semaphore_mem>>)
      %dma_wait3A = arith.constant 0 : i32
      %dma_wait3A_43 = tpu.memref_slice %arg11[%add3A_34, %dma_wait3A] : memref<10240x128xf32, #tpu.memory_space<vmem_shared>> -> memref<128x128xf32, #tpu.memory_space<vmem_shared>>
      %dma_wait3A_44 = arith.constant 0 : i32
      %dma_wait3A_45 = tpu.memref_slice %arg11[%add3A_34, %dma_wait3A_44] : memref<10240x128xf32, #tpu.memory_space<vmem_shared>> -> memref<128x128xf32, #tpu.memory_space<vmem_shared>>
      tpu.wait_dma2 semaphore(%run_scoped3A : memref<!tpu.dma_semaphore, #tpu.memory_space<semaphore_mem>>) src(%dma_wait3A_45 : memref<128x128xf32, #tpu.memory_space<vmem_shared>>) dst(%arg9 : memref<128x128xf32, #tpu.memory_space<vmem>>)
      tpu.yield
    }) : () -> ()
    "tpu.region"() ({
      %run_scoped3A = tpu.sem_alloc : memref<!tpu.dma_semaphore, #tpu.memory_space<semaphore_mem>>
      %dma_start3A_39 = arith.constant 0 : i32
      %dma_start3A_40 = tpu.memref_slice %arg6[%arg0, %add3A_34, %dma_start3A_39] : memref<2x10240x128xf32, #tpu.memory_space<hbm>> -> memref<1x128x128xf32, #tpu.memory_space<hbm>>
      %dma_start3A_41 = tpu.memref_squeeze %dma_start3A_40 : memref<1x128x128xf32, #tpu.memory_space<hbm>> -> memref<128x128xf32, #tpu.memory_space<hbm>>
      %dma_start3A_42 = arith.constant 0 : i32
      %dma_start3A_43 = tpu.memref_slice %arg6[%arg0, %add3A_34, %dma_start3A_42] : memref<2x10240x128xf32, #tpu.memory_space<hbm>> -> memref<1x128x128xf32, #tpu.memory_space<hbm>>
      %dma_start3A_44 = tpu.memref_squeeze %dma_start3A_43 : memref<1x128x128xf32, #tpu.memory_space<hbm>> -> memref<128x128xf32, #tpu.memory_space<hbm>>
      tpu.enqueue_dma source(%arg9 : memref<128x128xf32, #tpu.memory_space<vmem>>) target(%dma_start3A_44 : memref<128x128xf32, #tpu.memory_space<hbm>>) target_semaphore(%run_scoped3A : memref<!tpu.dma_semaphore, #tpu.memory_space<semaphore_mem>>)
      %dma_wait3A = arith.constant 0 : i32
      %dma_wait3A_45 = tpu.memref_slice %arg6[%arg0, %add3A_34, %dma_wait3A] : memref<2x10240x128xf32, #tpu.memory_space<hbm>> -> memref<1x128x128xf32, #tpu.memory_space<hbm>>
      %dma_wait3A_46 = tpu.memref_squeeze %dma_wait3A_45 : memref<1x128x128xf32, #tpu.memory_space<hbm>> -> memref<128x128xf32, #tpu.memory_space<hbm>>
      %dma_wait3A_47 = arith.constant 0 : i32
      %dma_wait3A_48 = tpu.memref_slice %arg6[%arg0, %add3A_34, %dma_wait3A_47] : memref<2x10240x128xf32, #tpu.memory_space<hbm>> -> memref<1x128x128xf32, #tpu.memory_space<hbm>>
      %dma_wait3A_49 = tpu.memref_squeeze %dma_wait3A_48 : memref<1x128x128xf32, #tpu.memory_space<hbm>> -> memref<128x128xf32, #tpu.memory_space<hbm>>
      tpu.wait_dma2 semaphore(%run_scoped3A : memref<!tpu.dma_semaphore, #tpu.memory_space<semaphore_mem>>) src(%arg9 : memref<128x128xf32, #tpu.memory_space<vmem>>) dst(%dma_wait3A_49 : memref<128x128xf32, #tpu.memory_space<hbm>>)
      tpu.yield
    }) : () -> ()
    %add3A_35 = arith.constant 384 : i32
    %add3A_36 = arith.addi %mul3A_2, %add3A_35 : i32
    "tpu.region"() ({
      %run_scoped3A = tpu.sem_alloc : memref<!tpu.dma_semaphore, #tpu.memory_space<semaphore_mem>>
      %dma_start3A_39 = arith.constant 0 : i32
      %dma_start3A_40 = tpu.memref_slice %arg11[%add3A_36, %dma_start3A_39] : memref<10240x128xf32, #tpu.memory_space<vmem_shared>> -> memref<128x128xf32, #tpu.memory_space<vmem_shared>>
      %dma_start3A_41 = arith.constant 0 : i32
      %dma_start3A_42 = tpu.memref_slice %arg11[%add3A_36, %dma_start3A_41] : memref<10240x128xf32, #tpu.memory_space<vmem_shared>> -> memref<128x128xf32, #tpu.memory_space<vmem_shared>>
      tpu.enqueue_dma source(%dma_start3A_42 : memref<128x128xf32, #tpu.memory_space<vmem_shared>>) target(%arg9 : memref<128x128xf32, #tpu.memory_space<vmem>>) target_semaphore(%run_scoped3A : memref<!tpu.dma_semaphore, #tpu.memory_space<semaphore_mem>>)
      %dma_wait3A = arith.constant 0 : i32
      %dma_wait3A_43 = tpu.memref_slice %arg11[%add3A_36, %dma_wait3A] : memref<10240x128xf32, #tpu.memory_space<vmem_shared>> -> memref<128x128xf32, #tpu.memory_space<vmem_shared>>
      %dma_wait3A_44 = arith.constant 0 : i32
      %dma_wait3A_45 = tpu.memref_slice %arg11[%add3A_36, %dma_wait3A_44] : memref<10240x128xf32, #tpu.memory_space<vmem_shared>> -> memref<128x128xf32, #tpu.memory_space<vmem_shared>>
      tpu.wait_dma2 semaphore(%run_scoped3A : memref<!tpu.dma_semaphore, #tpu.memory_space<semaphore_mem>>) src(%dma_wait3A_45 : memref<128x128xf32, #tpu.memory_space<vmem_shared>>) dst(%arg9 : memref<128x128xf32, #tpu.memory_space<vmem>>)
      tpu.yield
    }) : () -> ()
    "tpu.region"() ({
      %run_scoped3A = tpu.sem_alloc : memref<!tpu.dma_semaphore, #tpu.memory_space<semaphore_mem>>
      %dma_start3A_39 = arith.constant 0 : i32
      %dma_start3A_40 = tpu.memref_slice %arg6[%arg0, %add3A_36, %dma_start3A_39] : memref<2x10240x128xf32, #tpu.memory_space<hbm>> -> memref<1x128x128xf32, #tpu.memory_space<hbm>>
      %dma_start3A_41 = tpu.memref_squeeze %dma_start3A_40 : memref<1x128x128xf32, #tpu.memory_space<hbm>> -> memref<128x128xf32, #tpu.memory_space<hbm>>
      %dma_start3A_42 = arith.constant 0 : i32
      %dma_start3A_43 = tpu.memref_slice %arg6[%arg0, %add3A_36, %dma_start3A_42] : memref<2x10240x128xf32, #tpu.memory_space<hbm>> -> memref<1x128x128xf32, #tpu.memory_space<hbm>>
      %dma_start3A_44 = tpu.memref_squeeze %dma_start3A_43 : memref<1x128x128xf32, #tpu.memory_space<hbm>> -> memref<128x128xf32, #tpu.memory_space<hbm>>
      tpu.enqueue_dma source(%arg9 : memref<128x128xf32, #tpu.memory_space<vmem>>) target(%dma_start3A_44 : memref<128x128xf32, #tpu.memory_space<hbm>>) target_semaphore(%run_scoped3A : memref<!tpu.dma_semaphore, #tpu.memory_space<semaphore_mem>>)
      %dma_wait3A = arith.constant 0 : i32
      %dma_wait3A_45 = tpu.memref_slice %arg6[%arg0, %add3A_36, %dma_wait3A] : memref<2x10240x128xf32, #tpu.memory_space<hbm>> -> memref<1x128x128xf32, #tpu.memory_space<hbm>>
      %dma_wait3A_46 = tpu.memref_squeeze %dma_wait3A_45 : memref<1x128x128xf32, #tpu.memory_space<hbm>> -> memref<128x128xf32, #tpu.memory_space<hbm>>
      %dma_wait3A_47 = arith.constant 0 : i32
      %dma_wait3A_48 = tpu.memref_slice %arg6[%arg0, %add3A_36, %dma_wait3A_47] : memref<2x10240x128xf32, #tpu.memory_space<hbm>> -> memref<1x128x128xf32, #tpu.memory_space<hbm>>
      %dma_wait3A_49 = tpu.memref_squeeze %dma_wait3A_48 : memref<1x128x128xf32, #tpu.memory_space<hbm>> -> memref<128x128xf32, #tpu.memory_space<hbm>>
      tpu.wait_dma2 semaphore(%run_scoped3A : memref<!tpu.dma_semaphore, #tpu.memory_space<semaphore_mem>>) src(%arg9 : memref<128x128xf32, #tpu.memory_space<vmem>>) dst(%dma_wait3A_49 : memref<128x128xf32, #tpu.memory_space<hbm>>)
      tpu.yield
    }) : () -> ()
    %add3A_37 = arith.constant 512 : i32
    %add3A_38 = arith.addi %mul3A_2, %add3A_37 : i32
    "tpu.region"() ({
      %run_scoped3A = tpu.sem_alloc : memref<!tpu.dma_semaphore, #tpu.memory_space<semaphore_mem>>
      %dma_start3A_39 = arith.constant 0 : i32
      %dma_start3A_40 = tpu.memref_slice %arg11[%add3A_38, %dma_start3A_39] : memref<10240x128xf32, #tpu.memory_space<vmem_shared>> -> memref<128x128xf32, #tpu.memory_space<vmem_shared>>
      %dma_start3A_41 = arith.constant 0 : i32
      %dma_start3A_42 = tpu.memref_slice %arg11[%add3A_38, %dma_start3A_41] : memref<10240x128xf32, #tpu.memory_space<vmem_shared>> -> memref<128x128xf32, #tpu.memory_space<vmem_shared>>
      tpu.enqueue_dma source(%dma_start3A_42 : memref<128x128xf32, #tpu.memory_space<vmem_shared>>) target(%arg9 : memref<128x128xf32, #tpu.memory_space<vmem>>) target_semaphore(%run_scoped3A : memref<!tpu.dma_semaphore, #tpu.memory_space<semaphore_mem>>)
      %dma_wait3A = arith.constant 0 : i32
      %dma_wait3A_43 = tpu.memref_slice %arg11[%add3A_38, %dma_wait3A] : memref<10240x128xf32, #tpu.memory_space<vmem_shared>> -> memref<128x128xf32, #tpu.memory_space<vmem_shared>>
      %dma_wait3A_44 = arith.constant 0 : i32
      %dma_wait3A_45 = tpu.memref_slice %arg11[%add3A_38, %dma_wait3A_44] : memref<10240x128xf32, #tpu.memory_space<vmem_shared>> -> memref<128x128xf32, #tpu.memory_space<vmem_shared>>
      tpu.wait_dma2 semaphore(%run_scoped3A : memref<!tpu.dma_semaphore, #tpu.memory_space<semaphore_mem>>) src(%dma_wait3A_45 : memref<128x128xf32, #tpu.memory_space<vmem_shared>>) dst(%arg9 : memref<128x128xf32, #tpu.memory_space<vmem>>)
      tpu.yield
    }) : () -> ()
    "tpu.region"() ({
      %run_scoped3A = tpu.sem_alloc : memref<!tpu.dma_semaphore, #tpu.memory_space<semaphore_mem>>
      %dma_start3A_39 = arith.constant 0 : i32
      %dma_start3A_40 = tpu.memref_slice %arg6[%arg0, %add3A_38, %dma_start3A_39] : memref<2x10240x128xf32, #tpu.memory_space<hbm>> -> memref<1x128x128xf32, #tpu.memory_space<hbm>>
      %dma_start3A_41 = tpu.memref_squeeze %dma_start3A_40 : memref<1x128x128xf32, #tpu.memory_space<hbm>> -> memref<128x128xf32, #tpu.memory_space<hbm>>
      %dma_start3A_42 = arith.constant 0 : i32
      %dma_start3A_43 = tpu.memref_slice %arg6[%arg0, %add3A_38, %dma_start3A_42] : memref<2x10240x128xf32, #tpu.memory_space<hbm>> -> memref<1x128x128xf32, #tpu.memory_space<hbm>>
      %dma_start3A_44 = tpu.memref_squeeze %dma_start3A_43 : memref<1x128x128xf32, #tpu.memory_space<hbm>> -> memref<128x128xf32, #tpu.memory_space<hbm>>
      tpu.enqueue_dma source(%arg9 : memref<128x128xf32, #tpu.memory_space<vmem>>) target(%dma_start3A_44 : memref<128x128xf32, #tpu.memory_space<hbm>>) target_semaphore(%run_scoped3A : memref<!tpu.dma_semaphore, #tpu.memory_space<semaphore_mem>>)
      %dma_wait3A = arith.constant 0 : i32
      %dma_wait3A_45 = tpu.memref_slice %arg6[%arg0, %add3A_38, %dma_wait3A] : memref<2x10240x128xf32, #tpu.memory_space<hbm>> -> memref<1x128x128xf32, #tpu.memory_space<hbm>>
      %dma_wait3A_46 = tpu.memref_squeeze %dma_wait3A_45 : memref<1x128x128xf32, #tpu.memory_space<hbm>> -> memref<128x128xf32, #tpu.memory_space<hbm>>
      %dma_wait3A_47 = arith.constant 0 : i32
      %dma_wait3A_48 = tpu.memref_slice %arg6[%arg0, %add3A_38, %dma_wait3A_47] : memref<2x10240x128xf32, #tpu.memory_space<hbm>> -> memref<1x128x128xf32, #tpu.memory_space<hbm>>
      %dma_wait3A_49 = tpu.memref_squeeze %dma_wait3A_48 : memref<1x128x128xf32, #tpu.memory_space<hbm>> -> memref<128x128xf32, #tpu.memory_space<hbm>>
      tpu.wait_dma2 semaphore(%run_scoped3A : memref<!tpu.dma_semaphore, #tpu.memory_space<semaphore_mem>>) src(%arg9 : memref<128x128xf32, #tpu.memory_space<vmem>>) dst(%dma_wait3A_49 : memref<128x128xf32, #tpu.memory_space<hbm>>)
      tpu.yield
    }) : () -> ()
    return
  }
}

#map = affine_map<(d0, d1) -> (0)>
#map1 = affine_map<(d0, d1) -> (0, 0)>
module attributes {stable_mosaic.version = 14 : i64} {
  func.func @sc_qgather(%arg0: i32, %arg1: i32, %arg2: memref<8192xi32, #tpu.memory_space<hbm>>, %arg3: memref<8192xi32, #tpu.memory_space<hbm>>, %arg4: memref<10000x128xf32, #tpu.memory_space<hbm>>, %arg5: memref<8192x128xf32, #tpu.memory_space<hbm>>, %arg6: memref<8192x128xf32, #tpu.memory_space<hbm>>, %arg7: memref<128xi32, #tpu.memory_space<vmem>>, %arg8: memref<128x128xf32, #tpu.memory_space<vmem>>, %arg9: memref<!tpu.dma_semaphore, #tpu.memory_space<semaphore_mem>>) attributes {dimension_semantics = [#tpu.dimension_semantics<core_parallel>, #tpu.dimension_semantics<subcore_parallel>], iteration_bounds = array<i64: 2, 16>, scalar_prefetch = 0 : i64, scratch_operands = 3 : i64, tpu.core_type = #tpu.core_type<sc_vector_subcore>, window_params = [{transform_indices = #map}, {transform_indices = #map}, {transform_indices = #map1}, {transform_indices = #map1}, {transform_indices = #map1}]} {
    %mul3A = arith.constant 2 : i32
    %mul3A_0 = arith.muli %arg1, %mul3A : i32
    %add3A = arith.addi %mul3A_0, %arg0 : i32
    %mul3A_1 = arith.constant 256 : i32
    %mul3A_2 = arith.muli %add3A, %mul3A_1 : i32
    %add3A_3 = arith.constant 0 : i32
    %add3A_4 = arith.addi %mul3A_2, %add3A_3 : i32
    "tpu.region"() ({
      %run_scoped3A = tpu.sem_alloc : memref<!tpu.dma_semaphore, #tpu.memory_space<semaphore_mem>>
      %dma_start3A_33 = tpu.memref_slice %arg2[%add3A_4] : memref<8192xi32, #tpu.memory_space<hbm>> -> memref<128xi32, #tpu.memory_space<hbm>>
      %dma_start3A_34 = tpu.memref_slice %arg2[%add3A_4] : memref<8192xi32, #tpu.memory_space<hbm>> -> memref<128xi32, #tpu.memory_space<hbm>>
      tpu.enqueue_dma source(%dma_start3A_34 : memref<128xi32, #tpu.memory_space<hbm>>) target(%arg7 : memref<128xi32, #tpu.memory_space<vmem>>) target_semaphore(%run_scoped3A : memref<!tpu.dma_semaphore, #tpu.memory_space<semaphore_mem>>)
      %dma_wait3A_35 = tpu.memref_slice %arg2[%add3A_4] : memref<8192xi32, #tpu.memory_space<hbm>> -> memref<128xi32, #tpu.memory_space<hbm>>
      %dma_wait3A_36 = tpu.memref_slice %arg2[%add3A_4] : memref<8192xi32, #tpu.memory_space<hbm>> -> memref<128xi32, #tpu.memory_space<hbm>>
      tpu.wait_dma2 semaphore(%run_scoped3A : memref<!tpu.dma_semaphore, #tpu.memory_space<semaphore_mem>>) src(%dma_wait3A_36 : memref<128xi32, #tpu.memory_space<hbm>>) dst(%arg7 : memref<128xi32, #tpu.memory_space<vmem>>)
      tpu.yield
    }) : () -> ()
    %dma_start3A = arith.constant 0 : i32
    %dma_start3A_5 = arith.constant 0 : i32
    %dma_start3A_6 = tpu.memref_slice %arg4[%dma_start3A, %dma_start3A_5] : memref<10000x128xf32, #tpu.memory_space<hbm>> -> memref<10000x128xf32, #tpu.memory_space<hbm>>
    tpu.enqueue_indirect_dma source(%dma_start3A_6 : memref<10000x128xf32, #tpu.memory_space<hbm>>) target(%arg8 : memref<128x128xf32, #tpu.memory_space<vmem>>) offsets(%arg7 : memref<128xi32, #tpu.memory_space<vmem>>) semaphore(%arg9 : memref<!tpu.dma_semaphore, #tpu.memory_space<semaphore_mem>>)
    %dma_wait3A = arith.constant 0 : i32
    %dma_wait3A_7 = arith.constant 0 : i32
    %dma_wait3A_8 = tpu.memref_slice %arg4[%dma_wait3A, %dma_wait3A_7] : memref<10000x128xf32, #tpu.memory_space<hbm>> -> memref<10000x128xf32, #tpu.memory_space<hbm>>
    tpu.wait_indirect_dma semaphore(%arg9 : memref<!tpu.dma_semaphore, #tpu.memory_space<semaphore_mem>>) src(%dma_wait3A_8 : memref<10000x128xf32, #tpu.memory_space<hbm>>) dst(%arg8 : memref<128x128xf32, #tpu.memory_space<vmem>>)
    "tpu.region"() ({
      %run_scoped3A = tpu.sem_alloc : memref<!tpu.dma_semaphore, #tpu.memory_space<semaphore_mem>>
      %dma_start3A_33 = arith.constant 0 : i32
      %dma_start3A_34 = tpu.memref_slice %arg5[%add3A_4, %dma_start3A_33] : memref<8192x128xf32, #tpu.memory_space<hbm>> -> memref<128x128xf32, #tpu.memory_space<hbm>>
      %dma_start3A_35 = arith.constant 0 : i32
      %dma_start3A_36 = tpu.memref_slice %arg5[%add3A_4, %dma_start3A_35] : memref<8192x128xf32, #tpu.memory_space<hbm>> -> memref<128x128xf32, #tpu.memory_space<hbm>>
      tpu.enqueue_dma source(%arg8 : memref<128x128xf32, #tpu.memory_space<vmem>>) target(%dma_start3A_36 : memref<128x128xf32, #tpu.memory_space<hbm>>) target_semaphore(%run_scoped3A : memref<!tpu.dma_semaphore, #tpu.memory_space<semaphore_mem>>)
      %dma_wait3A_37 = arith.constant 0 : i32
      %dma_wait3A_38 = tpu.memref_slice %arg5[%add3A_4, %dma_wait3A_37] : memref<8192x128xf32, #tpu.memory_space<hbm>> -> memref<128x128xf32, #tpu.memory_space<hbm>>
      %dma_wait3A_39 = arith.constant 0 : i32
      %dma_wait3A_40 = tpu.memref_slice %arg5[%add3A_4, %dma_wait3A_39] : memref<8192x128xf32, #tpu.memory_space<hbm>> -> memref<128x128xf32, #tpu.memory_space<hbm>>
      tpu.wait_dma2 semaphore(%run_scoped3A : memref<!tpu.dma_semaphore, #tpu.memory_space<semaphore_mem>>) src(%arg8 : memref<128x128xf32, #tpu.memory_space<vmem>>) dst(%dma_wait3A_40 : memref<128x128xf32, #tpu.memory_space<hbm>>)
      tpu.yield
    }) : () -> ()
    %add3A_9 = arith.constant 128 : i32
    %add3A_10 = arith.addi %mul3A_2, %add3A_9 : i32
    "tpu.region"() ({
      %run_scoped3A = tpu.sem_alloc : memref<!tpu.dma_semaphore, #tpu.memory_space<semaphore_mem>>
      %dma_start3A_33 = tpu.memref_slice %arg2[%add3A_10] : memref<8192xi32, #tpu.memory_space<hbm>> -> memref<128xi32, #tpu.memory_space<hbm>>
      %dma_start3A_34 = tpu.memref_slice %arg2[%add3A_10] : memref<8192xi32, #tpu.memory_space<hbm>> -> memref<128xi32, #tpu.memory_space<hbm>>
      tpu.enqueue_dma source(%dma_start3A_34 : memref<128xi32, #tpu.memory_space<hbm>>) target(%arg7 : memref<128xi32, #tpu.memory_space<vmem>>) target_semaphore(%run_scoped3A : memref<!tpu.dma_semaphore, #tpu.memory_space<semaphore_mem>>)
      %dma_wait3A_35 = tpu.memref_slice %arg2[%add3A_10] : memref<8192xi32, #tpu.memory_space<hbm>> -> memref<128xi32, #tpu.memory_space<hbm>>
      %dma_wait3A_36 = tpu.memref_slice %arg2[%add3A_10] : memref<8192xi32, #tpu.memory_space<hbm>> -> memref<128xi32, #tpu.memory_space<hbm>>
      tpu.wait_dma2 semaphore(%run_scoped3A : memref<!tpu.dma_semaphore, #tpu.memory_space<semaphore_mem>>) src(%dma_wait3A_36 : memref<128xi32, #tpu.memory_space<hbm>>) dst(%arg7 : memref<128xi32, #tpu.memory_space<vmem>>)
      tpu.yield
    }) : () -> ()
    %dma_start3A_11 = arith.constant 0 : i32
    %dma_start3A_12 = arith.constant 0 : i32
    %dma_start3A_13 = tpu.memref_slice %arg4[%dma_start3A_11, %dma_start3A_12] : memref<10000x128xf32, #tpu.memory_space<hbm>> -> memref<10000x128xf32, #tpu.memory_space<hbm>>
    tpu.enqueue_indirect_dma source(%dma_start3A_13 : memref<10000x128xf32, #tpu.memory_space<hbm>>) target(%arg8 : memref<128x128xf32, #tpu.memory_space<vmem>>) offsets(%arg7 : memref<128xi32, #tpu.memory_space<vmem>>) semaphore(%arg9 : memref<!tpu.dma_semaphore, #tpu.memory_space<semaphore_mem>>)
    %dma_wait3A_14 = arith.constant 0 : i32
    %dma_wait3A_15 = arith.constant 0 : i32
    %dma_wait3A_16 = tpu.memref_slice %arg4[%dma_wait3A_14, %dma_wait3A_15] : memref<10000x128xf32, #tpu.memory_space<hbm>> -> memref<10000x128xf32, #tpu.memory_space<hbm>>
    tpu.wait_indirect_dma semaphore(%arg9 : memref<!tpu.dma_semaphore, #tpu.memory_space<semaphore_mem>>) src(%dma_wait3A_16 : memref<10000x128xf32, #tpu.memory_space<hbm>>) dst(%arg8 : memref<128x128xf32, #tpu.memory_space<vmem>>)
    "tpu.region"() ({
      %run_scoped3A = tpu.sem_alloc : memref<!tpu.dma_semaphore, #tpu.memory_space<semaphore_mem>>
      %dma_start3A_33 = arith.constant 0 : i32
      %dma_start3A_34 = tpu.memref_slice %arg5[%add3A_10, %dma_start3A_33] : memref<8192x128xf32, #tpu.memory_space<hbm>> -> memref<128x128xf32, #tpu.memory_space<hbm>>
      %dma_start3A_35 = arith.constant 0 : i32
      %dma_start3A_36 = tpu.memref_slice %arg5[%add3A_10, %dma_start3A_35] : memref<8192x128xf32, #tpu.memory_space<hbm>> -> memref<128x128xf32, #tpu.memory_space<hbm>>
      tpu.enqueue_dma source(%arg8 : memref<128x128xf32, #tpu.memory_space<vmem>>) target(%dma_start3A_36 : memref<128x128xf32, #tpu.memory_space<hbm>>) target_semaphore(%run_scoped3A : memref<!tpu.dma_semaphore, #tpu.memory_space<semaphore_mem>>)
      %dma_wait3A_37 = arith.constant 0 : i32
      %dma_wait3A_38 = tpu.memref_slice %arg5[%add3A_10, %dma_wait3A_37] : memref<8192x128xf32, #tpu.memory_space<hbm>> -> memref<128x128xf32, #tpu.memory_space<hbm>>
      %dma_wait3A_39 = arith.constant 0 : i32
      %dma_wait3A_40 = tpu.memref_slice %arg5[%add3A_10, %dma_wait3A_39] : memref<8192x128xf32, #tpu.memory_space<hbm>> -> memref<128x128xf32, #tpu.memory_space<hbm>>
      tpu.wait_dma2 semaphore(%run_scoped3A : memref<!tpu.dma_semaphore, #tpu.memory_space<semaphore_mem>>) src(%arg8 : memref<128x128xf32, #tpu.memory_space<vmem>>) dst(%dma_wait3A_40 : memref<128x128xf32, #tpu.memory_space<hbm>>)
      tpu.yield
    }) : () -> ()
    %add3A_17 = arith.constant 0 : i32
    %add3A_18 = arith.addi %mul3A_2, %add3A_17 : i32
    "tpu.region"() ({
      %run_scoped3A = tpu.sem_alloc : memref<!tpu.dma_semaphore, #tpu.memory_space<semaphore_mem>>
      %dma_start3A_33 = tpu.memref_slice %arg3[%add3A_18] : memref<8192xi32, #tpu.memory_space<hbm>> -> memref<128xi32, #tpu.memory_space<hbm>>
      %dma_start3A_34 = tpu.memref_slice %arg3[%add3A_18] : memref<8192xi32, #tpu.memory_space<hbm>> -> memref<128xi32, #tpu.memory_space<hbm>>
      tpu.enqueue_dma source(%dma_start3A_34 : memref<128xi32, #tpu.memory_space<hbm>>) target(%arg7 : memref<128xi32, #tpu.memory_space<vmem>>) target_semaphore(%run_scoped3A : memref<!tpu.dma_semaphore, #tpu.memory_space<semaphore_mem>>)
      %dma_wait3A_35 = tpu.memref_slice %arg3[%add3A_18] : memref<8192xi32, #tpu.memory_space<hbm>> -> memref<128xi32, #tpu.memory_space<hbm>>
      %dma_wait3A_36 = tpu.memref_slice %arg3[%add3A_18] : memref<8192xi32, #tpu.memory_space<hbm>> -> memref<128xi32, #tpu.memory_space<hbm>>
      tpu.wait_dma2 semaphore(%run_scoped3A : memref<!tpu.dma_semaphore, #tpu.memory_space<semaphore_mem>>) src(%dma_wait3A_36 : memref<128xi32, #tpu.memory_space<hbm>>) dst(%arg7 : memref<128xi32, #tpu.memory_space<vmem>>)
      tpu.yield
    }) : () -> ()
    %dma_start3A_19 = arith.constant 0 : i32
    %dma_start3A_20 = arith.constant 0 : i32
    %dma_start3A_21 = tpu.memref_slice %arg4[%dma_start3A_19, %dma_start3A_20] : memref<10000x128xf32, #tpu.memory_space<hbm>> -> memref<10000x128xf32, #tpu.memory_space<hbm>>
    tpu.enqueue_indirect_dma source(%dma_start3A_21 : memref<10000x128xf32, #tpu.memory_space<hbm>>) target(%arg8 : memref<128x128xf32, #tpu.memory_space<vmem>>) offsets(%arg7 : memref<128xi32, #tpu.memory_space<vmem>>) semaphore(%arg9 : memref<!tpu.dma_semaphore, #tpu.memory_space<semaphore_mem>>)
    %dma_wait3A_22 = arith.constant 0 : i32
    %dma_wait3A_23 = arith.constant 0 : i32
    %dma_wait3A_24 = tpu.memref_slice %arg4[%dma_wait3A_22, %dma_wait3A_23] : memref<10000x128xf32, #tpu.memory_space<hbm>> -> memref<10000x128xf32, #tpu.memory_space<hbm>>
    tpu.wait_indirect_dma semaphore(%arg9 : memref<!tpu.dma_semaphore, #tpu.memory_space<semaphore_mem>>) src(%dma_wait3A_24 : memref<10000x128xf32, #tpu.memory_space<hbm>>) dst(%arg8 : memref<128x128xf32, #tpu.memory_space<vmem>>)
    "tpu.region"() ({
      %run_scoped3A = tpu.sem_alloc : memref<!tpu.dma_semaphore, #tpu.memory_space<semaphore_mem>>
      %dma_start3A_33 = arith.constant 0 : i32
      %dma_start3A_34 = tpu.memref_slice %arg6[%add3A_18, %dma_start3A_33] : memref<8192x128xf32, #tpu.memory_space<hbm>> -> memref<128x128xf32, #tpu.memory_space<hbm>>
      %dma_start3A_35 = arith.constant 0 : i32
      %dma_start3A_36 = tpu.memref_slice %arg6[%add3A_18, %dma_start3A_35] : memref<8192x128xf32, #tpu.memory_space<hbm>> -> memref<128x128xf32, #tpu.memory_space<hbm>>
      tpu.enqueue_dma source(%arg8 : memref<128x128xf32, #tpu.memory_space<vmem>>) target(%dma_start3A_36 : memref<128x128xf32, #tpu.memory_space<hbm>>) target_semaphore(%run_scoped3A : memref<!tpu.dma_semaphore, #tpu.memory_space<semaphore_mem>>)
      %dma_wait3A_37 = arith.constant 0 : i32
      %dma_wait3A_38 = tpu.memref_slice %arg6[%add3A_18, %dma_wait3A_37] : memref<8192x128xf32, #tpu.memory_space<hbm>> -> memref<128x128xf32, #tpu.memory_space<hbm>>
      %dma_wait3A_39 = arith.constant 0 : i32
      %dma_wait3A_40 = tpu.memref_slice %arg6[%add3A_18, %dma_wait3A_39] : memref<8192x128xf32, #tpu.memory_space<hbm>> -> memref<128x128xf32, #tpu.memory_space<hbm>>
      tpu.wait_dma2 semaphore(%run_scoped3A : memref<!tpu.dma_semaphore, #tpu.memory_space<semaphore_mem>>) src(%arg8 : memref<128x128xf32, #tpu.memory_space<vmem>>) dst(%dma_wait3A_40 : memref<128x128xf32, #tpu.memory_space<hbm>>)
      tpu.yield
    }) : () -> ()
    %add3A_25 = arith.constant 128 : i32
    %add3A_26 = arith.addi %mul3A_2, %add3A_25 : i32
    "tpu.region"() ({
      %run_scoped3A = tpu.sem_alloc : memref<!tpu.dma_semaphore, #tpu.memory_space<semaphore_mem>>
      %dma_start3A_33 = tpu.memref_slice %arg3[%add3A_26] : memref<8192xi32, #tpu.memory_space<hbm>> -> memref<128xi32, #tpu.memory_space<hbm>>
      %dma_start3A_34 = tpu.memref_slice %arg3[%add3A_26] : memref<8192xi32, #tpu.memory_space<hbm>> -> memref<128xi32, #tpu.memory_space<hbm>>
      tpu.enqueue_dma source(%dma_start3A_34 : memref<128xi32, #tpu.memory_space<hbm>>) target(%arg7 : memref<128xi32, #tpu.memory_space<vmem>>) target_semaphore(%run_scoped3A : memref<!tpu.dma_semaphore, #tpu.memory_space<semaphore_mem>>)
      %dma_wait3A_35 = tpu.memref_slice %arg3[%add3A_26] : memref<8192xi32, #tpu.memory_space<hbm>> -> memref<128xi32, #tpu.memory_space<hbm>>
      %dma_wait3A_36 = tpu.memref_slice %arg3[%add3A_26] : memref<8192xi32, #tpu.memory_space<hbm>> -> memref<128xi32, #tpu.memory_space<hbm>>
      tpu.wait_dma2 semaphore(%run_scoped3A : memref<!tpu.dma_semaphore, #tpu.memory_space<semaphore_mem>>) src(%dma_wait3A_36 : memref<128xi32, #tpu.memory_space<hbm>>) dst(%arg7 : memref<128xi32, #tpu.memory_space<vmem>>)
      tpu.yield
    }) : () -> ()
    %dma_start3A_27 = arith.constant 0 : i32
    %dma_start3A_28 = arith.constant 0 : i32
    %dma_start3A_29 = tpu.memref_slice %arg4[%dma_start3A_27, %dma_start3A_28] : memref<10000x128xf32, #tpu.memory_space<hbm>> -> memref<10000x128xf32, #tpu.memory_space<hbm>>
    tpu.enqueue_indirect_dma source(%dma_start3A_29 : memref<10000x128xf32, #tpu.memory_space<hbm>>) target(%arg8 : memref<128x128xf32, #tpu.memory_space<vmem>>) offsets(%arg7 : memref<128xi32, #tpu.memory_space<vmem>>) semaphore(%arg9 : memref<!tpu.dma_semaphore, #tpu.memory_space<semaphore_mem>>)
    %dma_wait3A_30 = arith.constant 0 : i32
    %dma_wait3A_31 = arith.constant 0 : i32
    %dma_wait3A_32 = tpu.memref_slice %arg4[%dma_wait3A_30, %dma_wait3A_31] : memref<10000x128xf32, #tpu.memory_space<hbm>> -> memref<10000x128xf32, #tpu.memory_space<hbm>>
    tpu.wait_indirect_dma semaphore(%arg9 : memref<!tpu.dma_semaphore, #tpu.memory_space<semaphore_mem>>) src(%dma_wait3A_32 : memref<10000x128xf32, #tpu.memory_space<hbm>>) dst(%arg8 : memref<128x128xf32, #tpu.memory_space<vmem>>)
    "tpu.region"() ({
      %run_scoped3A = tpu.sem_alloc : memref<!tpu.dma_semaphore, #tpu.memory_space<semaphore_mem>>
      %dma_start3A_33 = arith.constant 0 : i32
      %dma_start3A_34 = tpu.memref_slice %arg6[%add3A_26, %dma_start3A_33] : memref<8192x128xf32, #tpu.memory_space<hbm>> -> memref<128x128xf32, #tpu.memory_space<hbm>>
      %dma_start3A_35 = arith.constant 0 : i32
      %dma_start3A_36 = tpu.memref_slice %arg6[%add3A_26, %dma_start3A_35] : memref<8192x128xf32, #tpu.memory_space<hbm>> -> memref<128x128xf32, #tpu.memory_space<hbm>>
      tpu.enqueue_dma source(%arg8 : memref<128x128xf32, #tpu.memory_space<vmem>>) target(%dma_start3A_36 : memref<128x128xf32, #tpu.memory_space<hbm>>) target_semaphore(%run_scoped3A : memref<!tpu.dma_semaphore, #tpu.memory_space<semaphore_mem>>)
      %dma_wait3A_37 = arith.constant 0 : i32
      %dma_wait3A_38 = tpu.memref_slice %arg6[%add3A_26, %dma_wait3A_37] : memref<8192x128xf32, #tpu.memory_space<hbm>> -> memref<128x128xf32, #tpu.memory_space<hbm>>
      %dma_wait3A_39 = arith.constant 0 : i32
      %dma_wait3A_40 = tpu.memref_slice %arg6[%add3A_26, %dma_wait3A_39] : memref<8192x128xf32, #tpu.memory_space<hbm>> -> memref<128x128xf32, #tpu.memory_space<hbm>>
      tpu.wait_dma2 semaphore(%run_scoped3A : memref<!tpu.dma_semaphore, #tpu.memory_space<semaphore_mem>>) src(%arg8 : memref<128x128xf32, #tpu.memory_space<vmem>>) dst(%dma_wait3A_40 : memref<128x128xf32, #tpu.memory_space<hbm>>)
      tpu.yield
    }) : () -> ()
    return
  }
}

#map = affine_map<(d0, d1) -> (0)>
#map1 = affine_map<(d0, d1) -> (0, 0)>
module attributes {stable_mosaic.version = 14 : i64} {
  func.func @sc_qgather(%arg0: i32, %arg1: i32, %arg2: memref<8192xi32, #tpu.memory_space<hbm>>, %arg3: memref<8192xi32, #tpu.memory_space<hbm>>, %arg4: memref<10000x128xf32, #tpu.memory_space<hbm>>, %arg5: memref<8192x128xf32, #tpu.memory_space<hbm>>, %arg6: memref<8192x128xf32, #tpu.memory_space<hbm>>, %arg7: memref<128xi32, #tpu.memory_space<vmem>>, %arg8: memref<128x128xf32, #tpu.memory_space<vmem>>, %arg9: memref<!tpu.dma_semaphore, #tpu.memory_space<semaphore_mem>>) attributes {dimension_semantics = [#tpu.dimension_semantics<core_parallel>, #tpu.dimension_semantics<subcore_parallel>], iteration_bounds = array<i64: 2, 16>, scalar_prefetch = 0 : i64, scratch_operands = 3 : i64, tpu.core_type = #tpu.core_type<sc_vector_subcore>, window_params = [{transform_indices = #map}, {transform_indices = #map}, {transform_indices = #map1}, {transform_indices = #map1}, {transform_indices = #map1}]} {
    %mul3A = arith.constant 2 : i32
    %mul3A_0 = arith.muli %arg1, %mul3A : i32
    %add3A = arith.addi %mul3A_0, %arg0 : i32
    %mul3A_1 = arith.constant 256 : i32
    %mul3A_2 = arith.muli %add3A, %mul3A_1 : i32
    %add3A_3 = arith.constant 0 : i32
    %add3A_4 = arith.addi %mul3A_2, %add3A_3 : i32
    "tpu.region"() ({
      %run_scoped3A = tpu.sem_alloc : memref<!tpu.dma_semaphore, #tpu.memory_space<semaphore_mem>>
      %dma_start3A_33 = tpu.memref_slice %arg2[%add3A_4] : memref<8192xi32, #tpu.memory_space<hbm>> -> memref<128xi32, #tpu.memory_space<hbm>>
      %dma_start3A_34 = tpu.memref_slice %arg2[%add3A_4] : memref<8192xi32, #tpu.memory_space<hbm>> -> memref<128xi32, #tpu.memory_space<hbm>>
      tpu.enqueue_dma source(%dma_start3A_34 : memref<128xi32, #tpu.memory_space<hbm>>) target(%arg7 : memref<128xi32, #tpu.memory_space<vmem>>) target_semaphore(%run_scoped3A : memref<!tpu.dma_semaphore, #tpu.memory_space<semaphore_mem>>)
      %dma_wait3A_35 = tpu.memref_slice %arg2[%add3A_4] : memref<8192xi32, #tpu.memory_space<hbm>> -> memref<128xi32, #tpu.memory_space<hbm>>
      %dma_wait3A_36 = tpu.memref_slice %arg2[%add3A_4] : memref<8192xi32, #tpu.memory_space<hbm>> -> memref<128xi32, #tpu.memory_space<hbm>>
      tpu.wait_dma2 semaphore(%run_scoped3A : memref<!tpu.dma_semaphore, #tpu.memory_space<semaphore_mem>>) src(%dma_wait3A_36 : memref<128xi32, #tpu.memory_space<hbm>>) dst(%arg7 : memref<128xi32, #tpu.memory_space<vmem>>)
      tpu.yield
    }) : () -> ()
    %dma_start3A = arith.constant 0 : i32
    %dma_start3A_5 = arith.constant 0 : i32
    %dma_start3A_6 = tpu.memref_slice %arg4[%dma_start3A, %dma_start3A_5] : memref<10000x128xf32, #tpu.memory_space<hbm>> -> memref<10000x128xf32, #tpu.memory_space<hbm>>
    tpu.enqueue_indirect_dma source(%dma_start3A_6 : memref<10000x128xf32, #tpu.memory_space<hbm>>) target(%arg8 : memref<128x128xf32, #tpu.memory_space<vmem>>) offsets(%arg7 : memref<128xi32, #tpu.memory_space<vmem>>) semaphore(%arg9 : memref<!tpu.dma_semaphore, #tpu.memory_space<semaphore_mem>>)
    %dma_wait3A = arith.constant 0 : i32
    %dma_wait3A_7 = arith.constant 0 : i32
    %dma_wait3A_8 = tpu.memref_slice %arg4[%dma_wait3A, %dma_wait3A_7] : memref<10000x128xf32, #tpu.memory_space<hbm>> -> memref<10000x128xf32, #tpu.memory_space<hbm>>
    tpu.wait_indirect_dma semaphore(%arg9 : memref<!tpu.dma_semaphore, #tpu.memory_space<semaphore_mem>>) src(%dma_wait3A_8 : memref<10000x128xf32, #tpu.memory_space<hbm>>) dst(%arg8 : memref<128x128xf32, #tpu.memory_space<vmem>>)
    "tpu.region"() ({
      %run_scoped3A = tpu.sem_alloc : memref<!tpu.dma_semaphore, #tpu.memory_space<semaphore_mem>>
      %dma_start3A_33 = arith.constant 0 : i32
      %dma_start3A_34 = tpu.memref_slice %arg5[%add3A_4, %dma_start3A_33] : memref<8192x128xf32, #tpu.memory_space<hbm>> -> memref<128x128xf32, #tpu.memory_space<hbm>>
      %dma_start3A_35 = arith.constant 0 : i32
      %dma_start3A_36 = tpu.memref_slice %arg5[%add3A_4, %dma_start3A_35] : memref<8192x128xf32, #tpu.memory_space<hbm>> -> memref<128x128xf32, #tpu.memory_space<hbm>>
      tpu.enqueue_dma source(%arg8 : memref<128x128xf32, #tpu.memory_space<vmem>>) target(%dma_start3A_36 : memref<128x128xf32, #tpu.memory_space<hbm>>) target_semaphore(%run_scoped3A : memref<!tpu.dma_semaphore, #tpu.memory_space<semaphore_mem>>)
      %dma_wait3A_37 = arith.constant 0 : i32
      %dma_wait3A_38 = tpu.memref_slice %arg5[%add3A_4, %dma_wait3A_37] : memref<8192x128xf32, #tpu.memory_space<hbm>> -> memref<128x128xf32, #tpu.memory_space<hbm>>
      %dma_wait3A_39 = arith.constant 0 : i32
      %dma_wait3A_40 = tpu.memref_slice %arg5[%add3A_4, %dma_wait3A_39] : memref<8192x128xf32, #tpu.memory_space<hbm>> -> memref<128x128xf32, #tpu.memory_space<hbm>>
      tpu.wait_dma2 semaphore(%run_scoped3A : memref<!tpu.dma_semaphore, #tpu.memory_space<semaphore_mem>>) src(%arg8 : memref<128x128xf32, #tpu.memory_space<vmem>>) dst(%dma_wait3A_40 : memref<128x128xf32, #tpu.memory_space<hbm>>)
      tpu.yield
    }) : () -> ()
    %add3A_9 = arith.constant 128 : i32
    %add3A_10 = arith.addi %mul3A_2, %add3A_9 : i32
    "tpu.region"() ({
      %run_scoped3A = tpu.sem_alloc : memref<!tpu.dma_semaphore, #tpu.memory_space<semaphore_mem>>
      %dma_start3A_33 = tpu.memref_slice %arg2[%add3A_10] : memref<8192xi32, #tpu.memory_space<hbm>> -> memref<128xi32, #tpu.memory_space<hbm>>
      %dma_start3A_34 = tpu.memref_slice %arg2[%add3A_10] : memref<8192xi32, #tpu.memory_space<hbm>> -> memref<128xi32, #tpu.memory_space<hbm>>
      tpu.enqueue_dma source(%dma_start3A_34 : memref<128xi32, #tpu.memory_space<hbm>>) target(%arg7 : memref<128xi32, #tpu.memory_space<vmem>>) target_semaphore(%run_scoped3A : memref<!tpu.dma_semaphore, #tpu.memory_space<semaphore_mem>>)
      %dma_wait3A_35 = tpu.memref_slice %arg2[%add3A_10] : memref<8192xi32, #tpu.memory_space<hbm>> -> memref<128xi32, #tpu.memory_space<hbm>>
      %dma_wait3A_36 = tpu.memref_slice %arg2[%add3A_10] : memref<8192xi32, #tpu.memory_space<hbm>> -> memref<128xi32, #tpu.memory_space<hbm>>
      tpu.wait_dma2 semaphore(%run_scoped3A : memref<!tpu.dma_semaphore, #tpu.memory_space<semaphore_mem>>) src(%dma_wait3A_36 : memref<128xi32, #tpu.memory_space<hbm>>) dst(%arg7 : memref<128xi32, #tpu.memory_space<vmem>>)
      tpu.yield
    }) : () -> ()
    %dma_start3A_11 = arith.constant 0 : i32
    %dma_start3A_12 = arith.constant 0 : i32
    %dma_start3A_13 = tpu.memref_slice %arg4[%dma_start3A_11, %dma_start3A_12] : memref<10000x128xf32, #tpu.memory_space<hbm>> -> memref<10000x128xf32, #tpu.memory_space<hbm>>
    tpu.enqueue_indirect_dma source(%dma_start3A_13 : memref<10000x128xf32, #tpu.memory_space<hbm>>) target(%arg8 : memref<128x128xf32, #tpu.memory_space<vmem>>) offsets(%arg7 : memref<128xi32, #tpu.memory_space<vmem>>) semaphore(%arg9 : memref<!tpu.dma_semaphore, #tpu.memory_space<semaphore_mem>>)
    %dma_wait3A_14 = arith.constant 0 : i32
    %dma_wait3A_15 = arith.constant 0 : i32
    %dma_wait3A_16 = tpu.memref_slice %arg4[%dma_wait3A_14, %dma_wait3A_15] : memref<10000x128xf32, #tpu.memory_space<hbm>> -> memref<10000x128xf32, #tpu.memory_space<hbm>>
    tpu.wait_indirect_dma semaphore(%arg9 : memref<!tpu.dma_semaphore, #tpu.memory_space<semaphore_mem>>) src(%dma_wait3A_16 : memref<10000x128xf32, #tpu.memory_space<hbm>>) dst(%arg8 : memref<128x128xf32, #tpu.memory_space<vmem>>)
    "tpu.region"() ({
      %run_scoped3A = tpu.sem_alloc : memref<!tpu.dma_semaphore, #tpu.memory_space<semaphore_mem>>
      %dma_start3A_33 = arith.constant 0 : i32
      %dma_start3A_34 = tpu.memref_slice %arg5[%add3A_10, %dma_start3A_33] : memref<8192x128xf32, #tpu.memory_space<hbm>> -> memref<128x128xf32, #tpu.memory_space<hbm>>
      %dma_start3A_35 = arith.constant 0 : i32
      %dma_start3A_36 = tpu.memref_slice %arg5[%add3A_10, %dma_start3A_35] : memref<8192x128xf32, #tpu.memory_space<hbm>> -> memref<128x128xf32, #tpu.memory_space<hbm>>
      tpu.enqueue_dma source(%arg8 : memref<128x128xf32, #tpu.memory_space<vmem>>) target(%dma_start3A_36 : memref<128x128xf32, #tpu.memory_space<hbm>>) target_semaphore(%run_scoped3A : memref<!tpu.dma_semaphore, #tpu.memory_space<semaphore_mem>>)
      %dma_wait3A_37 = arith.constant 0 : i32
      %dma_wait3A_38 = tpu.memref_slice %arg5[%add3A_10, %dma_wait3A_37] : memref<8192x128xf32, #tpu.memory_space<hbm>> -> memref<128x128xf32, #tpu.memory_space<hbm>>
      %dma_wait3A_39 = arith.constant 0 : i32
      %dma_wait3A_40 = tpu.memref_slice %arg5[%add3A_10, %dma_wait3A_39] : memref<8192x128xf32, #tpu.memory_space<hbm>> -> memref<128x128xf32, #tpu.memory_space<hbm>>
      tpu.wait_dma2 semaphore(%run_scoped3A : memref<!tpu.dma_semaphore, #tpu.memory_space<semaphore_mem>>) src(%arg8 : memref<128x128xf32, #tpu.memory_space<vmem>>) dst(%dma_wait3A_40 : memref<128x128xf32, #tpu.memory_space<hbm>>)
      tpu.yield
    }) : () -> ()
    %add3A_17 = arith.constant 0 : i32
    %add3A_18 = arith.addi %mul3A_2, %add3A_17 : i32
    "tpu.region"() ({
      %run_scoped3A = tpu.sem_alloc : memref<!tpu.dma_semaphore, #tpu.memory_space<semaphore_mem>>
      %dma_start3A_33 = tpu.memref_slice %arg3[%add3A_18] : memref<8192xi32, #tpu.memory_space<hbm>> -> memref<128xi32, #tpu.memory_space<hbm>>
      %dma_start3A_34 = tpu.memref_slice %arg3[%add3A_18] : memref<8192xi32, #tpu.memory_space<hbm>> -> memref<128xi32, #tpu.memory_space<hbm>>
      tpu.enqueue_dma source(%dma_start3A_34 : memref<128xi32, #tpu.memory_space<hbm>>) target(%arg7 : memref<128xi32, #tpu.memory_space<vmem>>) target_semaphore(%run_scoped3A : memref<!tpu.dma_semaphore, #tpu.memory_space<semaphore_mem>>)
      %dma_wait3A_35 = tpu.memref_slice %arg3[%add3A_18] : memref<8192xi32, #tpu.memory_space<hbm>> -> memref<128xi32, #tpu.memory_space<hbm>>
      %dma_wait3A_36 = tpu.memref_slice %arg3[%add3A_18] : memref<8192xi32, #tpu.memory_space<hbm>> -> memref<128xi32, #tpu.memory_space<hbm>>
      tpu.wait_dma2 semaphore(%run_scoped3A : memref<!tpu.dma_semaphore, #tpu.memory_space<semaphore_mem>>) src(%dma_wait3A_36 : memref<128xi32, #tpu.memory_space<hbm>>) dst(%arg7 : memref<128xi32, #tpu.memory_space<vmem>>)
      tpu.yield
    }) : () -> ()
    %dma_start3A_19 = arith.constant 0 : i32
    %dma_start3A_20 = arith.constant 0 : i32
    %dma_start3A_21 = tpu.memref_slice %arg4[%dma_start3A_19, %dma_start3A_20] : memref<10000x128xf32, #tpu.memory_space<hbm>> -> memref<10000x128xf32, #tpu.memory_space<hbm>>
    tpu.enqueue_indirect_dma source(%dma_start3A_21 : memref<10000x128xf32, #tpu.memory_space<hbm>>) target(%arg8 : memref<128x128xf32, #tpu.memory_space<vmem>>) offsets(%arg7 : memref<128xi32, #tpu.memory_space<vmem>>) semaphore(%arg9 : memref<!tpu.dma_semaphore, #tpu.memory_space<semaphore_mem>>)
    %dma_wait3A_22 = arith.constant 0 : i32
    %dma_wait3A_23 = arith.constant 0 : i32
    %dma_wait3A_24 = tpu.memref_slice %arg4[%dma_wait3A_22, %dma_wait3A_23] : memref<10000x128xf32, #tpu.memory_space<hbm>> -> memref<10000x128xf32, #tpu.memory_space<hbm>>
    tpu.wait_indirect_dma semaphore(%arg9 : memref<!tpu.dma_semaphore, #tpu.memory_space<semaphore_mem>>) src(%dma_wait3A_24 : memref<10000x128xf32, #tpu.memory_space<hbm>>) dst(%arg8 : memref<128x128xf32, #tpu.memory_space<vmem>>)
    "tpu.region"() ({
      %run_scoped3A = tpu.sem_alloc : memref<!tpu.dma_semaphore, #tpu.memory_space<semaphore_mem>>
      %dma_start3A_33 = arith.constant 0 : i32
      %dma_start3A_34 = tpu.memref_slice %arg6[%add3A_18, %dma_start3A_33] : memref<8192x128xf32, #tpu.memory_space<hbm>> -> memref<128x128xf32, #tpu.memory_space<hbm>>
      %dma_start3A_35 = arith.constant 0 : i32
      %dma_start3A_36 = tpu.memref_slice %arg6[%add3A_18, %dma_start3A_35] : memref<8192x128xf32, #tpu.memory_space<hbm>> -> memref<128x128xf32, #tpu.memory_space<hbm>>
      tpu.enqueue_dma source(%arg8 : memref<128x128xf32, #tpu.memory_space<vmem>>) target(%dma_start3A_36 : memref<128x128xf32, #tpu.memory_space<hbm>>) target_semaphore(%run_scoped3A : memref<!tpu.dma_semaphore, #tpu.memory_space<semaphore_mem>>)
      %dma_wait3A_37 = arith.constant 0 : i32
      %dma_wait3A_38 = tpu.memref_slice %arg6[%add3A_18, %dma_wait3A_37] : memref<8192x128xf32, #tpu.memory_space<hbm>> -> memref<128x128xf32, #tpu.memory_space<hbm>>
      %dma_wait3A_39 = arith.constant 0 : i32
      %dma_wait3A_40 = tpu.memref_slice %arg6[%add3A_18, %dma_wait3A_39] : memref<8192x128xf32, #tpu.memory_space<hbm>> -> memref<128x128xf32, #tpu.memory_space<hbm>>
      tpu.wait_dma2 semaphore(%run_scoped3A : memref<!tpu.dma_semaphore, #tpu.memory_space<semaphore_mem>>) src(%arg8 : memref<128x128xf32, #tpu.memory_space<vmem>>) dst(%dma_wait3A_40 : memref<128x128xf32, #tpu.memory_space<hbm>>)
      tpu.yield
    }) : () -> ()
    %add3A_25 = arith.constant 128 : i32
    %add3A_26 = arith.addi %mul3A_2, %add3A_25 : i32
    "tpu.region"() ({
      %run_scoped3A = tpu.sem_alloc : memref<!tpu.dma_semaphore, #tpu.memory_space<semaphore_mem>>
      %dma_start3A_33 = tpu.memref_slice %arg3[%add3A_26] : memref<8192xi32, #tpu.memory_space<hbm>> -> memref<128xi32, #tpu.memory_space<hbm>>
      %dma_start3A_34 = tpu.memref_slice %arg3[%add3A_26] : memref<8192xi32, #tpu.memory_space<hbm>> -> memref<128xi32, #tpu.memory_space<hbm>>
      tpu.enqueue_dma source(%dma_start3A_34 : memref<128xi32, #tpu.memory_space<hbm>>) target(%arg7 : memref<128xi32, #tpu.memory_space<vmem>>) target_semaphore(%run_scoped3A : memref<!tpu.dma_semaphore, #tpu.memory_space<semaphore_mem>>)
      %dma_wait3A_35 = tpu.memref_slice %arg3[%add3A_26] : memref<8192xi32, #tpu.memory_space<hbm>> -> memref<128xi32, #tpu.memory_space<hbm>>
      %dma_wait3A_36 = tpu.memref_slice %arg3[%add3A_26] : memref<8192xi32, #tpu.memory_space<hbm>> -> memref<128xi32, #tpu.memory_space<hbm>>
      tpu.wait_dma2 semaphore(%run_scoped3A : memref<!tpu.dma_semaphore, #tpu.memory_space<semaphore_mem>>) src(%dma_wait3A_36 : memref<128xi32, #tpu.memory_space<hbm>>) dst(%arg7 : memref<128xi32, #tpu.memory_space<vmem>>)
      tpu.yield
    }) : () -> ()
    %dma_start3A_27 = arith.constant 0 : i32
    %dma_start3A_28 = arith.constant 0 : i32
    %dma_start3A_29 = tpu.memref_slice %arg4[%dma_start3A_27, %dma_start3A_28] : memref<10000x128xf32, #tpu.memory_space<hbm>> -> memref<10000x128xf32, #tpu.memory_space<hbm>>
    tpu.enqueue_indirect_dma source(%dma_start3A_29 : memref<10000x128xf32, #tpu.memory_space<hbm>>) target(%arg8 : memref<128x128xf32, #tpu.memory_space<vmem>>) offsets(%arg7 : memref<128xi32, #tpu.memory_space<vmem>>) semaphore(%arg9 : memref<!tpu.dma_semaphore, #tpu.memory_space<semaphore_mem>>)
    %dma_wait3A_30 = arith.constant 0 : i32
    %dma_wait3A_31 = arith.constant 0 : i32
    %dma_wait3A_32 = tpu.memref_slice %arg4[%dma_wait3A_30, %dma_wait3A_31] : memref<10000x128xf32, #tpu.memory_space<hbm>> -> memref<10000x128xf32, #tpu.memory_space<hbm>>
    tpu.wait_indirect_dma semaphore(%arg9 : memref<!tpu.dma_semaphore, #tpu.memory_space<semaphore_mem>>) src(%dma_wait3A_32 : memref<10000x128xf32, #tpu.memory_space<hbm>>) dst(%arg8 : memref<128x128xf32, #tpu.memory_space<vmem>>)
    "tpu.region"() ({
      %run_scoped3A = tpu.sem_alloc : memref<!tpu.dma_semaphore, #tpu.memory_space<semaphore_mem>>
      %dma_start3A_33 = arith.constant 0 : i32
      %dma_start3A_34 = tpu.memref_slice %arg6[%add3A_26, %dma_start3A_33] : memref<8192x128xf32, #tpu.memory_space<hbm>> -> memref<128x128xf32, #tpu.memory_space<hbm>>
      %dma_start3A_35 = arith.constant 0 : i32
      %dma_start3A_36 = tpu.memref_slice %arg6[%add3A_26, %dma_start3A_35] : memref<8192x128xf32, #tpu.memory_space<hbm>> -> memref<128x128xf32, #tpu.memory_space<hbm>>
      tpu.enqueue_dma source(%arg8 : memref<128x128xf32, #tpu.memory_space<vmem>>) target(%dma_start3A_36 : memref<128x128xf32, #tpu.memory_space<hbm>>) target_semaphore(%run_scoped3A : memref<!tpu.dma_semaphore, #tpu.memory_space<semaphore_mem>>)
      %dma_wait3A_37 = arith.constant 0 : i32
      %dma_wait3A_38 = tpu.memref_slice %arg6[%add3A_26, %dma_wait3A_37] : memref<8192x128xf32, #tpu.memory_space<hbm>> -> memref<128x128xf32, #tpu.memory_space<hbm>>
      %dma_wait3A_39 = arith.constant 0 : i32
      %dma_wait3A_40 = tpu.memref_slice %arg6[%add3A_26, %dma_wait3A_39] : memref<8192x128xf32, #tpu.memory_space<hbm>> -> memref<128x128xf32, #tpu.memory_space<hbm>>
      tpu.wait_dma2 semaphore(%run_scoped3A : memref<!tpu.dma_semaphore, #tpu.memory_space<semaphore_mem>>) src(%arg8 : memref<128x128xf32, #tpu.memory_space<vmem>>) dst(%dma_wait3A_40 : memref<128x128xf32, #tpu.memory_space<hbm>>)
      tpu.yield
    }) : () -> ()
    return
  }
}

module attributes {stable_mosaic.version = 14 : i64} {
  func.func @_layer_body(%arg0: i32, %arg1: memref<2000x128xf32, #tpu.memory_space<vmem>>, %arg2: memref<2x2000x128xf32, #tpu.memory_space<vmem>>, %arg3: memref<2x2000x128xf32, #tpu.memory_space<vmem>>, %arg4: memref<2000x128xf32, #tpu.memory_space<vmem>>, %arg5: memref<128x128xf32, #tpu.memory_space<vmem>>, %arg6: memref<128x128xf32, #tpu.memory_space<vmem>>, %arg7: memref<1x128xf32, #tpu.memory_space<vmem>>, %arg8: memref<2000x128xf32, #tpu.memory_space<vmem>>) attributes {dimension_semantics = [#tpu.dimension_semantics<arbitrary>], iteration_bounds = array<i64: 5>, scalar_prefetch = 0 : i64, scratch_operands = 0 : i64, tpu.core_type = #tpu.core_type<tc>, window_params = [{transform_indices = @transform_0, window_bounds = array<i64: 2000, 128>}, {transform_indices = @transform_1, window_bounds = array<i64: 2, 2000, 128>}, {transform_indices = @transform_2, window_bounds = array<i64: 2, 2000, 128>}, {transform_indices = @transform_3, window_bounds = array<i64: 2000, 128>}, {pipeline_mode = #tpu.pipeline_mode<synchronous>, transform_indices = @transform_4, window_bounds = array<i64: 128, 128>}, {pipeline_mode = #tpu.pipeline_mode<synchronous>, transform_indices = @transform_5, window_bounds = array<i64: 128, 128>}, {pipeline_mode = #tpu.pipeline_mode<synchronous>, transform_indices = @transform_6, window_bounds = array<i64: 1, 128>}, {transform_indices = @transform_7, window_bounds = array<i64: 2000, 128>}]} {
    %get3A = arith.constant 0 : index
    %get3A_0 = arith.constant 0 : index
    %get3A_1 = arith.constant 0 : index
    %get3A_2 = vector.load %arg3[%get3A, %get3A_0, %get3A_1] : memref<2x2000x128xf32, #tpu.memory_space<vmem>>, vector<1x2000x1xf32>
    %get3A_3 = vector.shape_cast %get3A_2 : vector<1x2000x1xf32> to vector<2000x1xf32>
    %get3A_4 = arith.constant 1 : index
    %get3A_5 = arith.constant 0 : index
    %get3A_6 = arith.constant 0 : index
    %get3A_7 = vector.load %arg3[%get3A_4, %get3A_5, %get3A_6] : memref<2x2000x128xf32, #tpu.memory_space<vmem>>, vector<1x2000x1xf32>
    %get3A_8 = vector.shape_cast %get3A_7 : vector<1x2000x1xf32> to vector<2000x1xf32>
    %add3A = arith.addf %get3A_3, %get3A_8 : vector<2000x1xf32>
    %max3A = arith.constant 1.000000e+00 : f32
    %max3A_9 = vector.broadcast %max3A : f32 to vector<2000x1xf32>
    %max3A_10 = arith.maximumf %add3A, %max3A_9 : vector<2000x1xf32>
    %div3A = arith.constant 1.000000e+00 : f32
    %div3A_11 = vector.broadcast %div3A : f32 to vector<2000x1xf32>
    %div3A_12 = arith.divf %div3A_11, %max3A_10 : vector<2000x1xf32>
    %get3A_13 = arith.constant 0 : index
    %get3A_14 = arith.constant 0 : index
    %get3A_15 = arith.constant 0 : index
    %get3A_16 = vector.load %arg2[%get3A_13, %get3A_14, %get3A_15] : memref<2x2000x128xf32, #tpu.memory_space<vmem>>, vector<1x2000x128xf32>
    %get3A_17 = vector.shape_cast %get3A_16 : vector<1x2000x128xf32> to vector<2000x128xf32>
    %get3A_18 = arith.constant 1 : index
    %get3A_19 = arith.constant 0 : index
    %get3A_20 = arith.constant 0 : index
    %get3A_21 = vector.load %arg2[%get3A_18, %get3A_19, %get3A_20] : memref<2x2000x128xf32, #tpu.memory_space<vmem>>, vector<1x2000x128xf32>
    %get3A_22 = vector.shape_cast %get3A_21 : vector<1x2000x128xf32> to vector<2000x128xf32>
    %add3A_23 = arith.addf %get3A_17, %get3A_22 : vector<2000x128xf32>
    %mul3A = vector.broadcast %div3A_12 : vector<2000x1xf32> to vector<2000x128xf32>
    %mul3A_24 = arith.mulf %add3A_23, %mul3A : vector<2000x128xf32>
    %get3A_25 = arith.constant 0 : index
    %get3A_26 = arith.constant 0 : index
    %get3A_27 = vector.load %arg1[%get3A_25, %get3A_26] : memref<2000x128xf32, #tpu.memory_space<vmem>>, vector<2000x128xf32>
    %get3A_28 = arith.constant 0 : index
    %get3A_29 = arith.constant 0 : index
    %get3A_30 = vector.load %arg5[%get3A_28, %get3A_29] : memref<128x128xf32, #tpu.memory_space<vmem>>, vector<128x128xf32>
    %dot_general3A = arith.constant dense<0.000000e+00> : vector<2000x128xf32>
    %dot_general3A_31 = tpu.matmul %get3A_27, %get3A_30, %dot_general3A {dimension_numbers = #tpu.dot_dimension_numbers<[1], [1], [0], [0], [0, 0, 1, 0], [], []>, transpose_lhs_hint = false} : vector<2000x128xf32>, vector<128x128xf32>, vector<2000x128xf32> -> vector<2000x128xf32>
    %get3A_32 = arith.constant 0 : index
    %get3A_33 = arith.constant 0 : index
    %get3A_34 = vector.load %arg6[%get3A_32, %get3A_33] : memref<128x128xf32, #tpu.memory_space<vmem>>, vector<128x128xf32>
    %dot_general3A_35 = arith.constant dense<0.000000e+00> : vector<2000x128xf32>
    %dot_general3A_36 = tpu.matmul %mul3A_24, %get3A_34, %dot_general3A_35 {dimension_numbers = #tpu.dot_dimension_numbers<[1], [1], [0], [0], [0, 0, 1, 0], [], []>, transpose_lhs_hint = false} : vector<2000x128xf32>, vector<128x128xf32>, vector<2000x128xf32> -> vector<2000x128xf32>
    %add3A_37 = arith.addf %dot_general3A_31, %dot_general3A_36 : vector<2000x128xf32>
    %get3A_38 = arith.constant 0 : index
    %get3A_39 = arith.constant 0 : index
    %get3A_40 = vector.load %arg7[%get3A_38, %get3A_39] : memref<1x128xf32, #tpu.memory_space<vmem>>, vector<1x128xf32>
    %add3A_41 = vector.broadcast %get3A_40 : vector<1x128xf32> to vector<2000x128xf32>
    %add3A_42 = arith.addf %add3A_37, %add3A_41 : vector<2000x128xf32>
    %max3A_43 = arith.constant 0.000000e+00 : f32
    %max3A_44 = vector.broadcast %max3A_43 : f32 to vector<2000x128xf32>
    %max3A_45 = arith.maximumf %add3A_42, %max3A_44 : vector<2000x128xf32>
    %get3A_46 = arith.constant 0 : index
    %get3A_47 = arith.constant 0 : index
    %get3A_48 = vector.load %arg4[%get3A_46, %get3A_47] : memref<2000x128xf32, #tpu.memory_space<vmem>>, vector<2000x128xf32>
    %add3A_49 = arith.addf %max3A_45, %get3A_48 : vector<2000x128xf32>
    %max3A_50 = arith.constant 0.000000e+00 : f32
    %max3A_51 = vector.broadcast %max3A_50 : f32 to vector<2000x128xf32>
    %max3A_52 = arith.maximumf %add3A_49, %max3A_51 : vector<2000x128xf32>
    %swap3A = arith.constant 0 : index
    %swap3A_53 = arith.constant 0 : index
    %swap3A_54 = vector.load %arg8[%swap3A, %swap3A_53] : memref<2000x128xf32, #tpu.memory_space<vmem>>, vector<2000x128xf32>
    tpu.vector_store %arg8[%swap3A, %swap3A_53], %max3A_52 {strides = array<i32>} : memref<2000x128xf32, #tpu.memory_space<vmem>>, vector<2000x128xf32>,
    return
  }
  func.func @transform_0(%arg0: i32) -> (i32, i32) {
    %c0_i32 = arith.constant 0 : i32
    %c0_i32_0 = arith.constant 0 : i32
    return %arg0, %c0_i32 : i32, i32
  }
  func.func @transform_1(%arg0: i32) -> (i32, i32, i32) {
    %c0_i32 = arith.constant 0 : i32
    %c0_i32_0 = arith.constant 0 : i32
    %c0_i32_1 = arith.constant 0 : i32
    return %c0_i32, %arg0, %c0_i32_0 : i32, i32, i32
  }
  func.func @transform_2(%arg0: i32) -> (i32, i32, i32) {
    %c0_i32 = arith.constant 0 : i32
    %c0_i32_0 = arith.constant 0 : i32
    %c0_i32_1 = arith.constant 0 : i32
    return %c0_i32, %arg0, %c0_i32_0 : i32, i32, i32
  }
  func.func @transform_3(%arg0: i32) -> (i32, i32) {
    %c0_i32 = arith.constant 0 : i32
    %c0_i32_0 = arith.constant 0 : i32
    return %arg0, %c0_i32 : i32, i32
  }
  func.func @transform_4(%arg0: i32) -> (i32, i32) {
    %c0_i32 = arith.constant 0 : i32
    %c0_i32_0 = arith.constant 0 : i32
    %c0_i32_1 = arith.constant 0 : i32
    return %c0_i32, %c0_i32_0 : i32, i32
  }
  func.func @transform_5(%arg0: i32) -> (i32, i32) {
    %c0_i32 = arith.constant 0 : i32
    %c0_i32_0 = arith.constant 0 : i32
    %c0_i32_1 = arith.constant 0 : i32
    return %c0_i32, %c0_i32_0 : i32, i32
  }
  func.func @transform_6(%arg0: i32) -> (i32, i32) {
    %c0_i32 = arith.constant 0 : i32
    %c0_i32_0 = arith.constant 0 : i32
    %c0_i32_1 = arith.constant 0 : i32
    return %c0_i32, %c0_i32_0 : i32, i32
  }
  func.func @transform_7(%arg0: i32) -> (i32, i32) {
    %c0_i32 = arith.constant 0 : i32
    %c0_i32_0 = arith.constant 0 : i32
    return %arg0, %c0_i32 : i32, i32
  }
}

module attributes {stable_mosaic.version = 14 : i64} {
  func.func @_bn_body(%arg0: memref<5000x128xf32, #tpu.memory_space<vmem>>, %arg1: memref<5000x128xf32, #tpu.memory_space<vmem>>, %arg2: memref<1x128xf32, #tpu.memory_space<vmem>>, %arg3: memref<1x128xf32, #tpu.memory_space<vmem>>, %arg4: memref<10000x128xf32, #tpu.memory_space<vmem>>) attributes {dimension_semantics = [], scalar_prefetch = 0 : i64, scratch_operands = 0 : i64, tpu.core_type = #tpu.core_type<tc>} {
    %get3A = arith.constant 0 : index
    %get3A_0 = arith.constant 0 : index
    %get3A_1 = vector.load %arg2[%get3A, %get3A_0] : memref<1x128xf32, #tpu.memory_space<vmem>>, vector<1x128xf32>
    %get3A_2 = arith.constant 0 : index
    %get3A_3 = arith.constant 0 : index
    %get3A_4 = vector.load %arg3[%get3A_2, %get3A_3] : memref<1x128xf32, #tpu.memory_space<vmem>>, vector<1x128xf32>
    %get3A_5 = arith.constant 0 : index
    %get3A_6 = arith.constant 0 : index
    %get3A_7 = vector.load %arg0[%get3A_5, %get3A_6] : memref<5000x128xf32, #tpu.memory_space<vmem>>, vector<5000x128xf32>
    %reduce_sum3A = arith.constant dense<0.000000e+00> : vector<128xf32>
    %reduce_sum3A_8 = vector.multi_reduction <add>, %get3A_7, %reduce_sum3A [0] : vector<5000x128xf32> to vector<128xf32>
    %broadcast_in_dim3A = vector.shape_cast %reduce_sum3A_8 : vector<128xf32> to vector<1x128xf32>
    %div3A = arith.constant 5.000000e+03 : f32
    %div3A_9 = vector.broadcast %div3A : f32 to vector<1x128xf32>
    %div3A_10 = arith.divf %broadcast_in_dim3A, %div3A_9 : vector<1x128xf32>
    %sub3A = vector.broadcast %div3A_10 : vector<1x128xf32> to vector<5000x128xf32>
    %sub3A_11 = arith.subf %get3A_7, %sub3A : vector<5000x128xf32>
    %mul3A = arith.mulf %sub3A_11, %sub3A_11 : vector<5000x128xf32>
    %reduce_sum3A_12 = arith.constant dense<0.000000e+00> : vector<128xf32>
    %reduce_sum3A_13 = vector.multi_reduction <add>, %mul3A, %reduce_sum3A_12 [0] : vector<5000x128xf32> to vector<128xf32>
    %broadcast_in_dim3A_14 = vector.shape_cast %reduce_sum3A_13 : vector<128xf32> to vector<1x128xf32>
    %div3A_15 = arith.constant 5.000000e+03 : f32
    %div3A_16 = vector.broadcast %div3A_15 : f32 to vector<1x128xf32>
    %div3A_17 = arith.divf %broadcast_in_dim3A_14, %div3A_16 : vector<1x128xf32>
    %mul3A_18 = vector.broadcast %get3A_1 : vector<1x128xf32> to vector<5000x128xf32>
    %mul3A_19 = arith.mulf %mul3A_18, %sub3A_11 : vector<5000x128xf32>
    %add3A = arith.constant 9.99999974E-6 : f32
    %add3A_20 = vector.broadcast %add3A : f32 to vector<1x128xf32>
    %add3A_21 = arith.addf %div3A_17, %add3A_20 : vector<1x128xf32>
    %rsqrt3A = math.rsqrt %add3A_21 : vector<1x128xf32>
    %mul3A_22 = vector.broadcast %rsqrt3A : vector<1x128xf32> to vector<5000x128xf32>
    %mul3A_23 = arith.mulf %mul3A_19, %mul3A_22 : vector<5000x128xf32>
    %add3A_24 = vector.broadcast %get3A_4 : vector<1x128xf32> to vector<5000x128xf32>
    %add3A_25 = arith.addf %mul3A_23, %add3A_24 : vector<5000x128xf32>
    %swap3A = arith.constant 0 : index
    %swap3A_26 = arith.constant 0 : index
    %swap3A_27 = vector.load %arg4[%swap3A, %swap3A_26] : memref<10000x128xf32, #tpu.memory_space<vmem>>, vector<5000x128xf32>
    tpu.vector_store %arg4[%swap3A, %swap3A_26], %add3A_25 {strides = array<i32>} : memref<10000x128xf32, #tpu.memory_space<vmem>>, vector<5000x128xf32>,
    %get3A_28 = arith.constant 0 : index
    %get3A_29 = arith.constant 0 : index
    %get3A_30 = vector.load %arg1[%get3A_28, %get3A_29] : memref<5000x128xf32, #tpu.memory_space<vmem>>, vector<5000x128xf32>
    %reduce_sum3A_31 = arith.constant dense<0.000000e+00> : vector<128xf32>
    %reduce_sum3A_32 = vector.multi_reduction <add>, %get3A_30, %reduce_sum3A_31 [0] : vector<5000x128xf32> to vector<128xf32>
    %broadcast_in_dim3A_33 = vector.shape_cast %reduce_sum3A_32 : vector<128xf32> to vector<1x128xf32>
    %div3A_34 = arith.constant 5.000000e+03 : f32
    %div3A_35 = vector.broadcast %div3A_34 : f32 to vector<1x128xf32>
    %div3A_36 = arith.divf %broadcast_in_dim3A_33, %div3A_35 : vector<1x128xf32>
    %sub3A_37 = vector.broadcast %div3A_36 : vector<1x128xf32> to vector<5000x128xf32>
    %sub3A_38 = arith.subf %get3A_30, %sub3A_37 : vector<5000x128xf32>
    %mul3A_39 = arith.mulf %sub3A_38, %sub3A_38 : vector<5000x128xf32>
    %reduce_sum3A_40 = arith.constant dense<0.000000e+00> : vector<128xf32>
    %reduce_sum3A_41 = vector.multi_reduction <add>, %mul3A_39, %reduce_sum3A_40 [0] : vector<5000x128xf32> to vector<128xf32>
    %broadcast_in_dim3A_42 = vector.shape_cast %reduce_sum3A_41 : vector<128xf32> to vector<1x128xf32>
    %div3A_43 = arith.constant 5.000000e+03 : f32
    %div3A_44 = vector.broadcast %div3A_43 : f32 to vector<1x128xf32>
    %div3A_45 = arith.divf %broadcast_in_dim3A_42, %div3A_44 : vector<1x128xf32>
    %mul3A_46 = vector.broadcast %get3A_1 : vector<1x128xf32> to vector<5000x128xf32>
    %mul3A_47 = arith.mulf %mul3A_46, %sub3A_38 : vector<5000x128xf32>
    %add3A_48 = arith.constant 9.99999974E-6 : f32
    %add3A_49 = vector.broadcast %add3A_48 : f32 to vector<1x128xf32>
    %add3A_50 = arith.addf %div3A_45, %add3A_49 : vector<1x128xf32>
    %rsqrt3A_51 = math.rsqrt %add3A_50 : vector<1x128xf32>
    %mul3A_52 = vector.broadcast %rsqrt3A_51 : vector<1x128xf32> to vector<5000x128xf32>
    %mul3A_53 = arith.mulf %mul3A_47, %mul3A_52 : vector<5000x128xf32>
    %add3A_54 = vector.broadcast %get3A_4 : vector<1x128xf32> to vector<5000x128xf32>
    %add3A_55 = arith.addf %mul3A_53, %add3A_54 : vector<5000x128xf32>
    %swap3A_56 = arith.constant 5000 : index
    %swap3A_57 = arith.constant 0 : index
    %swap3A_58 = vector.load %arg4[%swap3A_56, %swap3A_57] : memref<10000x128xf32, #tpu.memory_space<vmem>>, vector<5000x128xf32>
    tpu.vector_store %arg4[%swap3A_56, %swap3A_57], %add3A_55 {strides = array<i32>} : memref<10000x128xf32, #tpu.memory_space<vmem>>, vector<5000x128xf32>,
    return
  }
}

module attributes {stable_mosaic.version = 14 : i64} {
  func.func @_layer_body(%arg0: i32, %arg1: memref<2000x128xf32, #tpu.memory_space<vmem>>, %arg2: memref<2x2000x128xf32, #tpu.memory_space<vmem>>, %arg3: memref<2x2000x128xf32, #tpu.memory_space<vmem>>, %arg4: memref<2000x128xf32, #tpu.memory_space<vmem>>, %arg5: memref<128x128xf32, #tpu.memory_space<vmem>>, %arg6: memref<128x128xf32, #tpu.memory_space<vmem>>, %arg7: memref<1x128xf32, #tpu.memory_space<vmem>>, %arg8: memref<2000x128xf32, #tpu.memory_space<vmem>>) attributes {dimension_semantics = [#tpu.dimension_semantics<arbitrary>], iteration_bounds = array<i64: 5>, scalar_prefetch = 0 : i64, scratch_operands = 0 : i64, tpu.core_type = #tpu.core_type<tc>, window_params = [{transform_indices = @transform_0, window_bounds = array<i64: 2000, 128>}, {transform_indices = @transform_1, window_bounds = array<i64: 2, 2000, 128>}, {transform_indices = @transform_2, window_bounds = array<i64: 2, 2000, 128>}, {transform_indices = @transform_3, window_bounds = array<i64: 2000, 128>}, {pipeline_mode = #tpu.pipeline_mode<synchronous>, transform_indices = @transform_4, window_bounds = array<i64: 128, 128>}, {pipeline_mode = #tpu.pipeline_mode<synchronous>, transform_indices = @transform_5, window_bounds = array<i64: 128, 128>}, {pipeline_mode = #tpu.pipeline_mode<synchronous>, transform_indices = @transform_6, window_bounds = array<i64: 1, 128>}, {transform_indices = @transform_7, window_bounds = array<i64: 2000, 128>}]} {
    %get3A = arith.constant 0 : index
    %get3A_0 = arith.constant 0 : index
    %get3A_1 = arith.constant 0 : index
    %get3A_2 = vector.load %arg3[%get3A, %get3A_0, %get3A_1] : memref<2x2000x128xf32, #tpu.memory_space<vmem>>, vector<1x2000x1xf32>
    %get3A_3 = vector.shape_cast %get3A_2 : vector<1x2000x1xf32> to vector<2000x1xf32>
    %get3A_4 = arith.constant 1 : index
    %get3A_5 = arith.constant 0 : index
    %get3A_6 = arith.constant 0 : index
    %get3A_7 = vector.load %arg3[%get3A_4, %get3A_5, %get3A_6] : memref<2x2000x128xf32, #tpu.memory_space<vmem>>, vector<1x2000x1xf32>
    %get3A_8 = vector.shape_cast %get3A_7 : vector<1x2000x1xf32> to vector<2000x1xf32>
    %add3A = arith.addf %get3A_3, %get3A_8 : vector<2000x1xf32>
    %max3A = arith.constant 1.000000e+00 : f32
    %max3A_9 = vector.broadcast %max3A : f32 to vector<2000x1xf32>
    %max3A_10 = arith.maximumf %add3A, %max3A_9 : vector<2000x1xf32>
    %div3A = arith.constant 1.000000e+00 : f32
    %div3A_11 = vector.broadcast %div3A : f32 to vector<2000x1xf32>
    %div3A_12 = arith.divf %div3A_11, %max3A_10 : vector<2000x1xf32>
    %get3A_13 = arith.constant 0 : index
    %get3A_14 = arith.constant 0 : index
    %get3A_15 = arith.constant 0 : index
    %get3A_16 = vector.load %arg2[%get3A_13, %get3A_14, %get3A_15] : memref<2x2000x128xf32, #tpu.memory_space<vmem>>, vector<1x2000x128xf32>
    %get3A_17 = vector.shape_cast %get3A_16 : vector<1x2000x128xf32> to vector<2000x128xf32>
    %get3A_18 = arith.constant 1 : index
    %get3A_19 = arith.constant 0 : index
    %get3A_20 = arith.constant 0 : index
    %get3A_21 = vector.load %arg2[%get3A_18, %get3A_19, %get3A_20] : memref<2x2000x128xf32, #tpu.memory_space<vmem>>, vector<1x2000x128xf32>
    %get3A_22 = vector.shape_cast %get3A_21 : vector<1x2000x128xf32> to vector<2000x128xf32>
    %add3A_23 = arith.addf %get3A_17, %get3A_22 : vector<2000x128xf32>
    %mul3A = vector.broadcast %div3A_12 : vector<2000x1xf32> to vector<2000x128xf32>
    %mul3A_24 = arith.mulf %add3A_23, %mul3A : vector<2000x128xf32>
    %get3A_25 = arith.constant 0 : index
    %get3A_26 = arith.constant 0 : index
    %get3A_27 = vector.load %arg1[%get3A_25, %get3A_26] : memref<2000x128xf32, #tpu.memory_space<vmem>>, vector<2000x128xf32>
    %get3A_28 = arith.constant 0 : index
    %get3A_29 = arith.constant 0 : index
    %get3A_30 = vector.load %arg5[%get3A_28, %get3A_29] : memref<128x128xf32, #tpu.memory_space<vmem>>, vector<128x128xf32>
    %dot_general3A = arith.constant dense<0.000000e+00> : vector<2000x128xf32>
    %dot_general3A_31 = tpu.matmul %get3A_27, %get3A_30, %dot_general3A {dimension_numbers = #tpu.dot_dimension_numbers<[1], [1], [0], [0], [0, 0, 1, 0], [], []>, transpose_lhs_hint = false} : vector<2000x128xf32>, vector<128x128xf32>, vector<2000x128xf32> -> vector<2000x128xf32>
    %get3A_32 = arith.constant 0 : index
    %get3A_33 = arith.constant 0 : index
    %get3A_34 = vector.load %arg6[%get3A_32, %get3A_33] : memref<128x128xf32, #tpu.memory_space<vmem>>, vector<128x128xf32>
    %dot_general3A_35 = arith.constant dense<0.000000e+00> : vector<2000x128xf32>
    %dot_general3A_36 = tpu.matmul %mul3A_24, %get3A_34, %dot_general3A_35 {dimension_numbers = #tpu.dot_dimension_numbers<[1], [1], [0], [0], [0, 0, 1, 0], [], []>, transpose_lhs_hint = false} : vector<2000x128xf32>, vector<128x128xf32>, vector<2000x128xf32> -> vector<2000x128xf32>
    %add3A_37 = arith.addf %dot_general3A_31, %dot_general3A_36 : vector<2000x128xf32>
    %get3A_38 = arith.constant 0 : index
    %get3A_39 = arith.constant 0 : index
    %get3A_40 = vector.load %arg7[%get3A_38, %get3A_39] : memref<1x128xf32, #tpu.memory_space<vmem>>, vector<1x128xf32>
    %add3A_41 = vector.broadcast %get3A_40 : vector<1x128xf32> to vector<2000x128xf32>
    %add3A_42 = arith.addf %add3A_37, %add3A_41 : vector<2000x128xf32>
    %max3A_43 = arith.constant 0.000000e+00 : f32
    %max3A_44 = vector.broadcast %max3A_43 : f32 to vector<2000x128xf32>
    %max3A_45 = arith.maximumf %add3A_42, %max3A_44 : vector<2000x128xf32>
    %get3A_46 = arith.constant 0 : index
    %get3A_47 = arith.constant 0 : index
    %get3A_48 = vector.load %arg4[%get3A_46, %get3A_47] : memref<2000x128xf32, #tpu.memory_space<vmem>>, vector<2000x128xf32>
    %add3A_49 = arith.addf %max3A_45, %get3A_48 : vector<2000x128xf32>
    %max3A_50 = arith.constant 0.000000e+00 : f32
    %max3A_51 = vector.broadcast %max3A_50 : f32 to vector<2000x128xf32>
    %max3A_52 = arith.maximumf %add3A_49, %max3A_51 : vector<2000x128xf32>
    %swap3A = arith.constant 0 : index
    %swap3A_53 = arith.constant 0 : index
    %swap3A_54 = vector.load %arg8[%swap3A, %swap3A_53] : memref<2000x128xf32, #tpu.memory_space<vmem>>, vector<2000x128xf32>
    tpu.vector_store %arg8[%swap3A, %swap3A_53], %max3A_52 {strides = array<i32>} : memref<2000x128xf32, #tpu.memory_space<vmem>>, vector<2000x128xf32>,
    return
  }
  func.func @transform_0(%arg0: i32) -> (i32, i32) {
    %c0_i32 = arith.constant 0 : i32
    %c0_i32_0 = arith.constant 0 : i32
    return %arg0, %c0_i32 : i32, i32
  }
  func.func @transform_1(%arg0: i32) -> (i32, i32, i32) {
    %c0_i32 = arith.constant 0 : i32
    %c0_i32_0 = arith.constant 0 : i32
    %c0_i32_1 = arith.constant 0 : i32
    return %c0_i32, %arg0, %c0_i32_0 : i32, i32, i32
  }
  func.func @transform_2(%arg0: i32) -> (i32, i32, i32) {
    %c0_i32 = arith.constant 0 : i32
    %c0_i32_0 = arith.constant 0 : i32
    %c0_i32_1 = arith.constant 0 : i32
    return %c0_i32, %arg0, %c0_i32_0 : i32, i32, i32
  }
  func.func @transform_3(%arg0: i32) -> (i32, i32) {
    %c0_i32 = arith.constant 0 : i32
    %c0_i32_0 = arith.constant 0 : i32
    return %arg0, %c0_i32 : i32, i32
  }
  func.func @transform_4(%arg0: i32) -> (i32, i32) {
    %c0_i32 = arith.constant 0 : i32
    %c0_i32_0 = arith.constant 0 : i32
    %c0_i32_1 = arith.constant 0 : i32
    return %c0_i32, %c0_i32_0 : i32, i32
  }
  func.func @transform_5(%arg0: i32) -> (i32, i32) {
    %c0_i32 = arith.constant 0 : i32
    %c0_i32_0 = arith.constant 0 : i32
    %c0_i32_1 = arith.constant 0 : i32
    return %c0_i32, %c0_i32_0 : i32, i32
  }
  func.func @transform_6(%arg0: i32) -> (i32, i32) {
    %c0_i32 = arith.constant 0 : i32
    %c0_i32_0 = arith.constant 0 : i32
    %c0_i32_1 = arith.constant 0 : i32
    return %c0_i32, %c0_i32_0 : i32, i32
  }
  func.func @transform_7(%arg0: i32) -> (i32, i32) {
    %c0_i32 = arith.constant 0 : i32
    %c0_i32_0 = arith.constant 0 : i32
    return %arg0, %c0_i32 : i32, i32
  }
}

module attributes {stable_mosaic.version = 14 : i64} {
  func.func @_mlp_body(%arg0: i32, %arg1: memref<2048x128xf32, #tpu.memory_space<vmem>>, %arg2: memref<2048x128xf32, #tpu.memory_space<vmem>>, %arg3: memref<128x256xf32, #tpu.memory_space<vmem>>, %arg4: memref<1x128xf32, #tpu.memory_space<vmem>>, %arg5: memref<64x128xf32, #tpu.memory_space<vmem>>, %arg6: memref<1x64xf32, #tpu.memory_space<vmem>>, %arg7: memref<1x64xf32, #tpu.memory_space<vmem>>, %arg8: memref<1x1xf32, #tpu.memory_space<vmem>>, %arg9: memref<2048xf32, #tpu.memory_space<vmem>>) attributes {dimension_semantics = [#tpu.dimension_semantics<arbitrary>], iteration_bounds = array<i64: 4>, scalar_prefetch = 0 : i64, scratch_operands = 0 : i64, tpu.core_type = #tpu.core_type<tc>, window_params = [{transform_indices = @transform_0, window_bounds = array<i64: 2048, 128>}, {transform_indices = @transform_1, window_bounds = array<i64: 2048, 128>}, {pipeline_mode = #tpu.pipeline_mode<synchronous>, transform_indices = @transform_2, window_bounds = array<i64: 128, 256>}, {pipeline_mode = #tpu.pipeline_mode<synchronous>, transform_indices = @transform_3, window_bounds = array<i64: 1, 128>}, {pipeline_mode = #tpu.pipeline_mode<synchronous>, transform_indices = @transform_4, window_bounds = array<i64: 64, 128>}, {pipeline_mode = #tpu.pipeline_mode<synchronous>, transform_indices = @transform_5, window_bounds = array<i64: 1, 64>}, {pipeline_mode = #tpu.pipeline_mode<synchronous>, transform_indices = @transform_6, window_bounds = array<i64: 1, 64>}, {pipeline_mode = #tpu.pipeline_mode<synchronous>, transform_indices = @transform_7, window_bounds = array<i64: 1, 1>}, {transform_indices = @transform_8, window_bounds = array<i64: 2048>}]} {
    %get3A = arith.constant 0 : index
    %get3A_0 = arith.constant 0 : index
    %get3A_1 = vector.load %arg3[%get3A, %get3A_0] : memref<128x256xf32, #tpu.memory_space<vmem>>, vector<128x256xf32>
    %get3A_2 = arith.constant 0 : index
    %get3A_3 = arith.constant 0 : index
    %get3A_4 = vector.load %arg1[%get3A_2, %get3A_3] : memref<2048x128xf32, #tpu.memory_space<vmem>>, vector<2048x128xf32>
    %slice3A = vector.extract_strided_slice %get3A_1 {offsets = [0, 0], sizes = [128, 128], strides = [1, 1]} : vector<128x256xf32> to vector<128x128xf32>
    %dot_general3A = arith.constant dense<0.000000e+00> : vector<2048x128xf32>
    %dot_general3A_5 = tpu.matmul %get3A_4, %slice3A, %dot_general3A {dimension_numbers = #tpu.dot_dimension_numbers<[1], [1], [0], [0], [0, 0, 1, 0], [], []>, transpose_lhs_hint = false} : vector<2048x128xf32>, vector<128x128xf32>, vector<2048x128xf32> -> vector<2048x128xf32>
    %get3A_6 = arith.constant 0 : index
    %get3A_7 = arith.constant 0 : index
    %get3A_8 = vector.load %arg2[%get3A_6, %get3A_7] : memref<2048x128xf32, #tpu.memory_space<vmem>>, vector<2048x128xf32>
    %slice3A_9 = vector.extract_strided_slice %get3A_1 {offsets = [0, 128], sizes = [128, 128], strides = [1, 1]} : vector<128x256xf32> to vector<128x128xf32>
    %dot_general3A_10 = arith.constant dense<0.000000e+00> : vector<2048x128xf32>
    %dot_general3A_11 = tpu.matmul %get3A_8, %slice3A_9, %dot_general3A_10 {dimension_numbers = #tpu.dot_dimension_numbers<[1], [1], [0], [0], [0, 0, 1, 0], [], []>, transpose_lhs_hint = false} : vector<2048x128xf32>, vector<128x128xf32>, vector<2048x128xf32> -> vector<2048x128xf32>
    %add3A = arith.addf %dot_general3A_5, %dot_general3A_11 : vector<2048x128xf32>
    %get3A_12 = arith.constant 0 : index
    %get3A_13 = arith.constant 0 : index
    %get3A_14 = vector.load %arg4[%get3A_12, %get3A_13] : memref<1x128xf32, #tpu.memory_space<vmem>>, vector<1x128xf32>
    %add3A_15 = vector.broadcast %get3A_14 : vector<1x128xf32> to vector<2048x128xf32>
    %add3A_16 = arith.addf %add3A, %add3A_15 : vector<2048x128xf32>
    %max3A = arith.constant 0.000000e+00 : f32
    %max3A_17 = vector.broadcast %max3A : f32 to vector<2048x128xf32>
    %max3A_18 = arith.maximumf %add3A_16, %max3A_17 : vector<2048x128xf32>
    %get3A_19 = arith.constant 0 : index
    %get3A_20 = arith.constant 0 : index
    %get3A_21 = vector.load %arg5[%get3A_19, %get3A_20] : memref<64x128xf32, #tpu.memory_space<vmem>>, vector<64x128xf32>
    %dot_general3A_22 = arith.constant dense<0.000000e+00> : vector<2048x64xf32>
    %dot_general3A_23 = tpu.matmul %max3A_18, %get3A_21, %dot_general3A_22 {dimension_numbers = #tpu.dot_dimension_numbers<[1], [1], [0], [0], [0, 0, 1, 0], [], []>, transpose_lhs_hint = false} : vector<2048x128xf32>, vector<64x128xf32>, vector<2048x64xf32> -> vector<2048x64xf32>
    %get3A_24 = arith.constant 0 : index
    %get3A_25 = arith.constant 0 : index
    %get3A_26 = vector.load %arg6[%get3A_24, %get3A_25] : memref<1x64xf32, #tpu.memory_space<vmem>>, vector<1x64xf32>
    %add3A_27 = vector.broadcast %get3A_26 : vector<1x64xf32> to vector<2048x64xf32>
    %add3A_28 = arith.addf %dot_general3A_23, %add3A_27 : vector<2048x64xf32>
    %max3A_29 = arith.constant 0.000000e+00 : f32
    %max3A_30 = vector.broadcast %max3A_29 : f32 to vector<2048x64xf32>
    %max3A_31 = arith.maximumf %add3A_28, %max3A_30 : vector<2048x64xf32>
    %get3A_32 = arith.constant 0 : index
    %get3A_33 = arith.constant 0 : index
    %get3A_34 = vector.load %arg7[%get3A_32, %get3A_33] : memref<1x64xf32, #tpu.memory_space<vmem>>, vector<1x64xf32>
    %mul3A = vector.broadcast %get3A_34 : vector<1x64xf32> to vector<2048x64xf32>
    %mul3A_35 = arith.mulf %max3A_31, %mul3A : vector<2048x64xf32>
    %reduce_sum3A = arith.constant dense<0.000000e+00> : vector<2048xf32>
    %reduce_sum3A_36 = vector.multi_reduction <add>, %mul3A_35, %reduce_sum3A [1] : vector<2048x64xf32> to vector<2048xf32>
    %get3A_37 = arith.constant 0 : index
    %get3A_38 = arith.constant 0 : index
    %get3A_39 = vector.load %arg8[%get3A_37, %get3A_38] : memref<1x1xf32, #tpu.memory_space<vmem>>, vector<1x1xf32>
    %get3A_40 = vector.extract %get3A_39[0, 0] : f32 from vector<1x1xf32>
    %add3A_41 = vector.broadcast %get3A_40 : f32 to vector<2048xf32>
    %add3A_42 = arith.addf %reduce_sum3A_36, %add3A_41 : vector<2048xf32>
    %swap3A = arith.constant 0 : index
    %swap3A_43 = vector.load %arg9[%swap3A] : memref<2048xf32, #tpu.memory_space<vmem>>, vector<2048xf32>
    tpu.vector_store %arg9[%swap3A], %add3A_42 {strides = array<i32>} : memref<2048xf32, #tpu.memory_space<vmem>>, vector<2048xf32>,
    return
  }
  func.func @transform_0(%arg0: i32) -> (i32, i32) {
    %c0_i32 = arith.constant 0 : i32
    %c0_i32_0 = arith.constant 0 : i32
    return %arg0, %c0_i32 : i32, i32
  }
  func.func @transform_1(%arg0: i32) -> (i32, i32) {
    %c0_i32 = arith.constant 0 : i32
    %c0_i32_0 = arith.constant 0 : i32
    return %arg0, %c0_i32 : i32, i32
  }
  func.func @transform_2(%arg0: i32) -> (i32, i32) {
    %c0_i32 = arith.constant 0 : i32
    %c0_i32_0 = arith.constant 0 : i32
    %c0_i32_1 = arith.constant 0 : i32
    return %c0_i32, %c0_i32_0 : i32, i32
  }
  func.func @transform_3(%arg0: i32) -> (i32, i32) {
    %c0_i32 = arith.constant 0 : i32
    %c0_i32_0 = arith.constant 0 : i32
    %c0_i32_1 = arith.constant 0 : i32
    return %c0_i32, %c0_i32_0 : i32, i32
  }
  func.func @transform_4(%arg0: i32) -> (i32, i32) {
    %c0_i32 = arith.constant 0 : i32
    %c0_i32_0 = arith.constant 0 : i32
    %c0_i32_1 = arith.constant 0 : i32
    return %c0_i32, %c0_i32_0 : i32, i32
  }
  func.func @transform_5(%arg0: i32) -> (i32, i32) {
    %c0_i32 = arith.constant 0 : i32
    %c0_i32_0 = arith.constant 0 : i32
    %c0_i32_1 = arith.constant 0 : i32
    return %c0_i32, %c0_i32_0 : i32, i32
  }
  func.func @transform_6(%arg0: i32) -> (i32, i32) {
    %c0_i32 = arith.constant 0 : i32
    %c0_i32_0 = arith.constant 0 : i32
    %c0_i32_1 = arith.constant 0 : i32
    return %c0_i32, %c0_i32_0 : i32, i32
  }
  func.func @transform_7(%arg0: i32) -> (i32, i32) {
    %c0_i32 = arith.constant 0 : i32
    %c0_i32_0 = arith.constant 0 : i32
    %c0_i32_1 = arith.constant 0 : i32
    return %c0_i32, %c0_i32_0 : i32, i32
  }
  func.func @transform_8(%arg0: i32) -> i32 {
    %c0_i32 = arith.constant 0 : i32
    return %arg0 : i32
  }
}

</mosaic_0001>

<sc_bundles>
// kernel: sc_agg.11.cloned.1.call-start
scs
__scs_entry_jumppad:
0x0: {  	(pc) =	sbr.rel $0x88, $3  }
0x1: {  	(tag) =	ssettag $0x0;
	lr =	simm.s32 $0x1  }
0x2: {  	[smem:$0x3F8B] =	sst lr;
	_ =	strace $0xD0000000  }
0x3: {  	_ = 	snop  }
0x4: {  	_ = 	snop  }
0x5: {  	_ = 	snop  }
0x6: {  	_ = 	snop  }
0x7: {  	_ = 	snop  }
__scs_overlays_trampoline_lowered:
0x8: {  	[smem:$0x3F9A] =	sst s0  }
0x9: {  	[smem:$0x3F9B] =	sst s1  }
0xa: {  	[smem:$0x3F9C] =	sst s2  }
0xb: {  	[smem:$0x3F9D] =	sst s3  }
0xc: {  	[smem:$0x3F9E] =	sst s4  }
0xd: {  	[smem:$0x3F9F] =	sst s5  }
0xe: {  	[smem:$0x3FA0] =	sst s6  }
0xf: {  	[smem:$0x3FA1] =	sst s7  }
0x10: {  	[smem:$0x3FA2] =	sst s8  }
0x11: {  	[smem:$0x3FA3] =	sst s9;
	s0 =	simm.s32 @!p0 $0x0  }
0x12: {  	s1 =	sld [smem:$0x3F89];
	s0 =	simm.s32 @p0 $0x1  }
0x13: {  	[smem:$0x3FA4] =	sst s0;
	s0 =	simm.s32 @!p1 $0x0  }
0x14: {  	s2 =	sld [smem:$0x3F88];
	s0 =	simm.s32 @p1 $0x1  }
0x15: {  	[smem:$0x3FA5] =	sst s0;
	s0 =	simm.s32 @!p2 $0x0  }
0x16: {  	s3 =	sld [smem:$0x3FDB];
	s0 =	simm.s32 @p2 $0x1  }
0x17: {  	s4 =	simm.s32 $0x1BF5;
	[smem:$0x3FA7] =	sst s0  }
0x18: {  	s0 =	sld [smem:$0x3F8A];
	_ =	swait.ge [sflag:s4], $0x0  }
0x19: {  	s7 =	sld [smem:$0x3F8B]  }
0x1a: {  	s8 =	sadd.s32 $0xFFFFE003, lr  }
0x1b: {  	s9 =	sadd.s32 $0xFFFFFEF7, lr;
	s5 =	simm.s32 $0xFFFFFFFF;
	p2 =	slt.u32 s8, $0xFFFFF086  }
0x1c: {  	p1 =	slt.u32 s9, $0xF7A;
	s5 =	simm.s32 @!p2 $0x0  }
0x1d: {  	s5 =	simm.s32 @p1 $0x1;
	p0 =	seq.s32 s7, s2  }
0x1e: {  	s7 =	smul.u32 @!p0 $0xF7A, s2;
	p2 =	seq.s32 @!p0 s5, $0x0  }
0x1f: {  	s9 =	smul.u32 $0xF7A, s1;
	s8 =	simm.s32 @!p0 $0x1BF5;
	p2 =	por !p2, p0  }
0x20: {  	[sflag:s8] =	ssyncset.s32 @!p0 $0xFFFFF086;
	s6 =	sadd.s32 @!p0 s3, s7;
	s7 =	simm.s32 @!p0 $0x108  }
0x21: {  	s3 =	sadd.s32 s3, s9;
	s6 =	sadd.s32 @!p0 $0x88, s6;
	s7 =	simm.s32 @p2 $0x1082  }
0x22: {  	[simem:s7], [sflag:s8] =	dma.local @!p0 [hbm:s6], $0xF7A  }
0x23: {  	s9 =	sor.u32 $0xD0000000, s2;
	s6 =	simm.s32 $0x108;
	_ =	swait.ge @!p0 [sflag:s8], $0x0  }
0x24: {  	s3 =	sadd.s32 $0x88, s3;
	s6 =	simm.s32 @!p1 $0x1082;
	[sflag:s4] =	ssyncset.s32 $0xFFFFF086  }
0x25: {  	[simem:s6], [sflag:s4] =	dma.local [hbm:s3], $0xF7A  }
0x26: {  	[smem:$0x3F8B] =	sst s1;
	(tag) =	ssettag s2;
	_ =	strace s9  }
0x27: {  	s1 =	sld [smem:$0x3F9B]  }
0x28: {  	s2 =	sld [smem:$0x3F9C]  }
0x29: {  	s4 =	sld [smem:$0x3F9E]  }
0x2a: {  	p0 =	seq.s32 s5, $0x0;
	s5 =	sld [smem:$0x3F9F]  }
0x2b: {  	s6 =	sld [smem:$0x3FA0]  }
0x2c: {  	s7 =	sld [smem:$0x3FA1]  }
0x2d: {  	s3 =	simm.s32 $0x108;
	s8 =	sld [smem:$0x3FA2]  }
0x2e: {  	s3 =	simm.s32 @!p0 $0x1082;
	s9 =	sld [smem:$0x3FA3]  }
0x2f: {  	lr =	sadd.s32 s0, s3;
	s0 =	sld [smem:$0x3F9A]  }
0x30: {  	s3 =	sld [smem:$0x3F9D]  }
0x31: {  	[smem:$0x3FA6] =	sst s10  }
0x32: {  	s10 =	sld [smem:$0x3FA4];
	_ =	sdelay $0x3  }
0x33: {  	p0 =	seq.s32 s10, $0x1;
	s10 =	sld [smem:$0x3FA6];
	_ =	sdelay $0x3  }
0x34: {  	[smem:$0x3FA6] =	sst s10  }
0x35: {  	s10 =	sld [smem:$0x3FA5];
	_ =	sdelay $0x3  }
0x36: {  	p1 =	seq.s32 s10, $0x1;
	s10 =	sld [smem:$0x3FA6];
	_ =	sdelay $0x3  }
0x37: {  	[smem:$0x3FA6] =	sst s10  }
0x38: {  	s10 =	sld [smem:$0x3FA7]  }
0x39: {  	_ = 	snop;
	(pc) =	sbr.ind lr, $3  }
0x3a: {  	_ = 	snop  }
0x3b: {  	_ = 	snop  }
0x3c: {  	p2 =	seq.s32 s10, $0x1;
	s10 =	sld [smem:$0x3FA6]  }
0x3d: {  	_ =	shalt  }
0x3e: {  	_ =	shalt  }
0x3f: {  	_ =	shalt  }
0x40: {  	_ =	shalt  }
0x41: {  	_ =	shalt  }
0x42: {  	_ =	shalt  }
0x43: {  	_ =	shalt  }
0x44: {  	_ =	shalt  }
0x45: {  	_ =	shalt  }
0x46: {  	_ =	shalt  }
0x47: {  	_ =	shalt  }
0x48: {  	_ =	shalt  }
0x49: {  	_ =	shalt  }
0x4a: {  	_ =	shalt  }
0x4b: {  	_ =	shalt  }
0x4c: {  	_ =	shalt  }
0x4d: {  	_ =	shalt  }
0x4e: {  	_ =	shalt  }
0x4f: {  	_ =	shalt  }
0x50: {  	_ =	shalt  }
0x51: {  	_ =	shalt  }
0x52: {  	_ =	shalt  }
0x53: {  	_ =	shalt  }
0x54: {  	_ =	shalt  }
0x55: {  	_ =	shalt  }
0x56: {  	_ =	shalt  }
0x57: {  	_ =	shalt  }
0x58: {  	_ =	shalt  }
0x59: {  	_ =	shalt  }
0x5a: {  	_ =	shalt  }
0x5b: {  	_ =	shalt  }
0x5c: {  	_ =	shalt  }
0x5d: {  	_ =	shalt  }
0x5e: {  	_ =	shalt  }
0x5f: {  	_ =	shalt  }
0x60: {  	_ =	shalt  }
0x61: {  	_ =	shalt  }
0x62: {  	_ =	shalt  }
0x63: {  	_ =	shalt  }
0x64: {  	_ =	shalt  }
0x65: {  	_ =	shalt  }
0x66: {  	_ =	shalt  }
0x67: {  	_ =	shalt  }
0x68: {  	_ =	shalt  }
0x69: {  	_ =	shalt  }
0x6a: {  	_ =	shalt  }
0x6b: {  	_ =	shalt  }
0x6c: {  	_ =	shalt  }
0x6d: {  	_ =	shalt  }
0x6e: {  	_ =	shalt  }
0x6f: {  	_ =	shalt  }
0x70: {  	_ =	shalt  }
0x71: {  	_ =	shalt  }
0x72: {  	_ =	shalt  }
0x73: {  	_ =	shalt  }
0x74: {  	_ =	shalt  }
0x75: {  	_ =	shalt  }
0x76: {  	_ =	shalt  }
0x77: {  	_ =	shalt  }
0x78: {  	_ =	shalt  }
0x79: {  	_ =	shalt  }
0x7a: {  	_ =	shalt  }
0x7b: {  	_ =	shalt  }
0x7c: {  	_ =	shalt  }
0x7d: {  	_ =	shalt  }
0x7e: {  	_ =	shalt  }
0x7f: {  	_ =	shalt  }
0x80: {  	_ =	shalt  }
0x81: {  	_ =	shalt  }
0x82: {  	_ =	shalt  }
0x83: {  	_ =	shalt  }
0x84: {  	_ =	shalt  }
0x85: {  	_ =	shalt  }
0x86: {  	_ =	shalt  }
0x87: {  	_ =	shalt  }
.Lfunc_end0:
.L_simem_size_0:
called_computation.3_lowered:
.L_overlay_start_0:
0x88: {  	s2 =	sld [smem:$0x3FD9]  }
0x89: {  	s3 =	sld [smem:$0x3FFE];
	_ =	sdelay $0x1  }
0x8a: {  	s1 =	srdreg.scid  }
0x8b: {  	s0 =	sand.u32 $0x1, s1  }
0x8c: {  	s17 =	sshll.u32 s0, $0xA;
	s2 =	sadd.s32 s3, s2  }
0x8d: {  	s2 =	sadd.s32 s2, s17  }
0x8e: {  	[smem:$0x3FB2] =	sst s2  }
0x8f: {  	_ = 	snop  }
0x90: {  	s2 =	sld [smem:$0x3FD0];
	(tm) =	ssettm $0x1  }
0x91: {  	s18 =	sld [smem:$0x3FFB];
	_ =	sdelay $0x3  }
0x92: {  	_ =	strace s18  }
0x93: {  	s3 =	sld [smem:$0x3FFC];
	_ =	sdelay $0x3  }
0x94: {  	_ =	strace s3  }
0x95: {  	s3 =	sld [smem:$0x3FFD];
	_ =	sdelay $0x3  }
0x96: {  	_ =	strace s3  }
0x97: {  	_ =	strace $0x8FFFFFFF  }
0x98: {  	s19 =	sld [smem:$0x3FDB];
	_ =	sdelay $0x1  }
0x99: {  	s4 =	simm.s32 $_scs_section_size  }
0x9a: {  	s5 =	simm.s32 $_size__tile_overlayer_lowered;
	s6 =	simm.s32 $_tile_overlayer_lowered  }
0x9b: {  	s22 =	simm.s32 $0x1BFF;
	s21 =	sshll.u32 s6, $0x1;
	s3 =	sadd.s32 s4, s19  }
0x9c: {  	s7 =	simm.s32 $0x0;
	s20 =	sshll.u32 s5, $0x1;
	s5 =	sadd.s32 s21, s3  }
0x9d: {  	[timem:s7], [sflag:s22] =	dma.local [hbm:s5], s20  }
0x9e: {  	_ =	swait.ge [sflag:s22], s20  }
0x9f: {  	s4 =	ssub.s32 $0x0, s20;
	[sflag:s22] =	ssyncset.done $0x0  }
0xa0: {  	[sflag:s22] =	ssyncadd.s32 s4;
	_ =	sdelay $0x1  }
0xa1: {  	s23 =	simm.s32 $0x1B8B  }
0xa2: {  	_ =	swait.ge [sflag:s23], $0x1  }
0xa3: {  	[sflag:s23] =	ssyncset.done $0x0  }
0xa4: {  	s25 =	simm.s32 $0x1B8E;
	s24 =	sld [smem:$0x3FFE];
	[sflag:s23] =	ssyncadd.s32 $0xFFFFFFFF  }
0xa5: {  	s26 =	simm.s32 $execute0_lowered;
	[smem:$0x3FD2] =	sst s25  }
0xa6: {  	s5 =	sshll.u32 s26, $0x1;
	_ =	strace $0x8000004F;
	[dreg:$0x1] =	wrdreg $0xFFFFFFFF  }
0xa7: {  	s28 =	simm.s32 $_size_execute0_lowered;
	s3 =	sadd.s32 s3, s5;
	[dreg:$0x0] =	wrdreg $0x0  }
0xa8: {  	s5 =	sshll.u32 s28, $0x1;
	[dreg:$0x2] =	wrdreg s3  }
0xa9: {  	[dreg:$0x3] =	wrdreg s5  }
0xaa: {  	[dreg:$0x4] =	wrdreg $0xC0  }
0xab: {  	_ =	task [dreg:s7], $0x5FFFF  }
0xac: {  	[dreg:$0x1] =	wrdreg $0xFFFFFFFF  }
0xad: {  	[dreg:$0x0] =	wrdreg $0x60  }
0xae: {  	[dreg:$0x2] =	wrdreg s24  }
0xaf: {  	[dreg:$0x3] =	wrdreg s2  }
0xb0: {  	[dreg:$0x4] =	wrdreg $0xA8000  }
0xb1: {  	[dreg:$0x5] =	wrdreg $0x9  }
0xb2: {  	_ =	task.clear_ibuf [dreg:s7], $0x6FFFF;
	_ =	strace $0x9000004F  }
0xb3: {  	s29 =	simm.s32 $0x9;
	_ =	strace $0x80000051  }
0xb4: {  	_ =	swait.ge [sflag:s29], $0x1  }
0xb5: {  	[sflag:s29] =	ssyncadd.s32 $0xFFFFFFFF  }
0xb6: {  	_ =	strace $0x90000051  }
0xb7: {  	_ =	sfence  }
0xb8: {  	s30 =	sld [smem:$0x0];
	_ =	sdelay $0x2  }
0xb9: {  	s31 =	sshll.u32 s1, $0xD;
	s1 =	sshrl.u32 s1, $0x2  }
0xba: {  	s3 =	sand.u32 $0x4000, s31;
	s1 =	sadd.s32 s1, s30  }
0xbb: {  	s0 =	sor.u32 s3, s0;
	s1 =	sshll.u32 s1, $0x11  }
0xbc: {  	s0 =	sor.u32 s1, s0  }
0xbd: {  	s0 =	sadd.s32 $0x8F2B, s0  }
0xbe: {  	[sflag:s0] =	ssyncadd.remote.s32 $0x1  }
0xbf: {  	_ =	sfence.sel $0xFFFF  }
0xc0: {  	[dreg:$0x0] =	wrdreg $0xFFFFFFFF;
	(pc) =	sbr.abs _section_cstart, $3  }
0xc1: {  	[dreg:$0x1] =	wrdreg $0xFFFFFFFF  }
0xc2: {  	_ =	task.clear_ibuf [dreg:s7], $0x2FFFF;
	_ =	strace $0x9FFFFFFF  }
0xc3: {  	(tm) =	ssettm $0x7FFFFFFF  }
tec
execute0_lowered:
.L_overlay_start_1:
0x0: {  	(tag) =	ssettag $0x1  }
0x1: {  	s1 =	rddreg [dreg:$0x0]  }
0x2: {  	s3 =	srdreg.scid;
	s0 =	stileid.u32;
	s22 =	simm.s32 $0x80  }
0x3: {  	s23 =	simm.s32 $0x6800;
	s24 =	simm.s32 $0x1;
	s25 =	simm.s32 $0x2  }
0x4: {  	s26 =	simm.s32 $0x1380;
	s28 =	simm.s32 $0x2700;
	s29 =	simm.s32 $0x2780  }
0x5: {  	s30 =	simm.s32 $0x0;
	s8 =	sand.u32 $0x1, s3;
	s6 =	smul.u32 $0x50000, s0  }
0x6: {  	s4 =	sshll.u32 s0, $0x1;
	s3 =	rddreg [dreg:$0x2];
	s11 =	smul.u32 $0x14000, s0  }
0x7: {  	s5 =	sor.u32 s8, s4;
	s4 =	simm.s32 $0x0;
	s17 =	smul.u32 $0x140000, s8  }
0x8: {  	s7 =	ssub.s32 $0x2, s8;
	s5 =	smul.u32 $0x280, s5;
	[smem:$0x7FF] =	sst s4  }
0x9: {  	s9 =	sshrl.u32 s7, $0x1;
	s6 =	sshrl.u32 s6, $0x2;
	s13 =	sadd.s32 $0x4000, s11  }
0xa: {  	s15 =	sadd.s32 $0x8000, s11;
	s16 =	sadd.s32 $0xC000, s11;
	s19 =	sadd.s32 $0x10000, s11  }
0xb: {  	_ =	strace $0x80000050;
	s18 =	ssub.s32 s7, s9;
	s6 =	sadd.s32 s6, s3  }
0xc: {  	s7 =	sadd.s32 s13, s3;
	s8 =	sadd.s32 s15, s3;
	s9 =	sadd.s32 s16, s3  }
0xd: {  	s10 =	sadd.s32 s19, s3;
	s14 =	sadd.s32 s11, s17;
	s13 =	sadd.s32 s17, s13  }
0xe: {  	s15 =	sadd.s32 s17, s15;
	s16 =	sadd.s32 s17, s16;
	s17 =	sadd.s32 s17, s19  }
0xf: {  	s19 =	simm.s32 $0x2800;
	s12 =	sadd.s32 s5, s1;
	s5 =	sadd.s32 $0xFC00, s1  }
0x10: {  	s1 =	sadd.s32 $0x36E00, s1;
	s14 =	sshrl.u32 s14, $0x3;
	s20 =	sshrl.u32 s13, $0x3  }
0x11: {  	s15 =	sshrl.u32 s15, $0x3;
	s16 =	sshrl.u32 s16, $0x3;
	s17 =	sshrl.u32 s17, $0x3  }
0x12: {  	s18 =	smax.u32 s18, $0x1;
	s11 =	sadd.s32 $0x5C00, s12;
	s12 =	sadd.s32 $0xAC00, s12  }
0x13: {  	s13 =	sadd.s32 s1, s14;
	s14 =	sadd.s32 s1, s20;
	s15 =	sadd.s32 s1, s15  }
0x14: {  	s16 =	sadd.s32 s1, s16;
	s17 =	sadd.s32 s1, s17;
	s20 =	simm.s32 $0x3  }
.LBB2_1:
0x15: {  	s0 =	rddreg [dreg:$0x1]  }
0x16: {  	[tilespmem:s19], [sflag:$0x3] =	stream.linear.gather [hbm4b:s0+s4], $0x4000, $0x38;
	[tilespmem:$0x1E800] =	vst v63  }
0x17: {  	_ =	swait.ge [sflag:s20], $0x4000  }
0x18: {  	[sflag:s20] =	ssyncset.done $0x0  }
0x19: {  	[sflag:s20] =	ssyncadd.s32 $0xFFFFC000  }
0x1a: {  	[spmem:s6] =	stream.linear.scatter [tilespmem:s19], [sflag:$0x3], $0x4000, $0x38;
	[tilespmem:$0x1E800] =	vst v63  }
0x1b: {  	_ =	swait.ge [sflag:s20], $0x4000  }
0x1c: {  	[sflag:s20] =	ssyncset.done $0x0  }
0x1d: {  	[sflag:s20] =	ssyncadd.s32 $0xFFFFC000  }
0x1e: {  	[spmem:s7] =	stream.linear.scatter [tilespmem:s19], [sflag:$0x3], $0x4000, $0x38;
	[tilespmem:$0x1E800] =	vst v63  }
0x1f: {  	_ =	swait.ge [sflag:s20], $0x4000  }
0x20: {  	[sflag:s20] =	ssyncset.done $0x0  }
0x21: {  	[sflag:s20] =	ssyncadd.s32 $0xFFFFC000  }
0x22: {  	[spmem:s8] =	stream.linear.scatter [tilespmem:s19], [sflag:$0x3], $0x4000, $0x38;
	[tilespmem:$0x1E800] =	vst v63  }
0x23: {  	_ =	swait.ge [sflag:s20], $0x4000  }
0x24: {  	[sflag:s20] =	ssyncset.done $0x0  }
0x25: {  	[sflag:s20] =	ssyncadd.s32 $0xFFFFC000  }
0x26: {  	[spmem:s9] =	stream.linear.scatter [tilespmem:s19], [sflag:$0x3], $0x4000, $0x38;
	[tilespmem:$0x1E800] =	vst v63  }
0x27: {  	_ =	swait.ge [sflag:s20], $0x4000  }
0x28: {  	[sflag:s20] =	ssyncset.done $0x0  }
0x29: {  	[sflag:s20] =	ssyncadd.s32 $0xFFFFC000  }
0x2a: {  	[spmem:s10] =	stream.linear.scatter [tilespmem:s19], [sflag:$0x3], $0x4000, $0x38;
	[tilespmem:$0x1E800] =	vst v63  }
0x2b: {  	_ =	swait.ge [sflag:s20], $0x4000  }
0x2c: {  	[sflag:s20] =	ssyncset.done $0x0  }
0x2d: {  	[sflag:s20] =	ssyncadd.s32 $0xFFFFC000  }
0x2e: {  	[tilespmem:s4], [sflag:$0x3] =	stream.linear.gather [hbm4b:s11+s4], $0x1400, $0x38;
	[tilespmem:$0x1E800] =	vst v63  }
0x2f: {  	_ =	swait.ge [sflag:s20], $0x1400  }
0x30: {  	[sflag:s20] =	ssyncset.done $0x0  }
0x31: {  	s21 =	simm.s32 $0x1400;
	[sflag:s20] =	ssyncadd.s32 $0xFFFFEC00  }
0x32: {  	[tilespmem:s21], [sflag:$0x3] =	stream.linear.gather [hbm4b:s12+s4], $0x1400, $0x38;
	[tilespmem:$0x1E800] =	vst v63  }
0x33: {  	_ =	swait.ge [sflag:s20], $0x1400  }
0x34: {  	[sflag:s20] =	ssyncset.done $0x0  }
0x35: {  	[sflag:s20] =	ssyncadd.s32 $0xFFFFEC00  }
0x36: {  	[bflag:$0x0] =	sbarrier.arrive $0xFFFF  }
0x37: {  	[tilespmem:s19], [sflag:$0x1] =	stream.indirect.gather [hbm4b:s5+s22], $0x80, s4, s22, $0xb8;
	[tilespmem:$0x1E800] =	vst v63  }
0x38: {  	s1 =	simm.s32 $0x80  }
0x39: {  	[tilespmem:s23], [sflag:$0x2] =	stream.indirect.gather [hbm4b:s5+s22], $0x80, s1, s22, $0xb8;
	[tilespmem:$0x1E800] =	vst v63  }
0x3a: {  	_ =	swait.ge [sflag:s24], $0x4000  }
0x3b: {  	[sflag:s24] =	ssyncset.done $0x0  }
0x3c: {  	s0 =	simm.s32 $0x1400;
	[sflag:s24] =	ssyncadd.s32 $0xFFFFC000  }
0x3d: {  	[spmem:s3] =	stream.indirect.scatter.add.f32 [tilespmem:s19], [sflag:$0x3], $0x80, s0, s22, $0xb8;
	[tilespmem:$0x1E800] =	vst v63  }
0x3e: {  	_ =	swait.ge [sflag:s20], $0x4000  }
0x3f: {  	[sflag:s20] =	ssyncset.done $0x0  }
0x40: {  	s2 =	simm.s32 $0x100;
	[sflag:s20] =	ssyncadd.s32 $0xFFFFC000  }
0x41: {  	[tilespmem:s19], [sflag:$0x1] =	stream.indirect.gather [hbm4b:s5+s22], $0x80, s2, s22, $0xb8;
	[tilespmem:$0x1E800] =	vst v63  }
0x42: {  	_ =	swait.ge [sflag:s25], $0x4000  }
0x43: {  	[sflag:s25] =	ssyncset.done $0x0  }
0x44: {  	s21 =	simm.s32 $0x1480;
	[sflag:s25] =	ssyncadd.s32 $0xFFFFC000  }
0x45: {  	[spmem:s3] =	stream.indirect.scatter.add.f32 [tilespmem:s23], [sflag:$0x3], $0x80, s21, s22, $0xb8;
	[tilespmem:$0x1E800] =	vst v63  }
0x46: {  	_ =	swait.ge [sflag:s20], $0x4000  }
0x47: {  	s31 =	simm.s32 $0x100;
	s1 =	simm.s32 $0x800;
	[sflag:s20] =	ssyncset.done $0x0  }
.LBB2_2:
0x48: {  	s0 =	sadd.s32 $0x80, s31  }
0x49: {  	[sflag:s20] =	ssyncadd.s32 $0xFFFFC000;
	s2 =	smov.u32 s1;
	s21 =	sadd.s32 $0x400, s1  }
0x4a: {  	[tilespmem:s23], [sflag:$0x2] =	stream.indirect.gather [hbm4b:s5+s22], $0x80, s0, s22, $0xb8;
	[tilespmem:$0x1E800] =	vst v63  }
0x4b: {  	p0 =	sne.s32 s1, $0x4800;
	_ =	swait.ge [sflag:s24], $0x4000  }
0x4c: {  	[sflag:s24] =	ssyncset.done $0x0  }
0x4d: {  	s0 =	sadd.s32 $0x1400, s31;
	[sflag:s24] =	ssyncadd.s32 $0xFFFFC000  }
0x4e: {  	[spmem:s3] =	stream.indirect.scatter.add.f32 [tilespmem:s19], [sflag:$0x3], $0x80, s0, s22, $0xb8;
	[tilespmem:$0x1E800] =	vst v63  }
0x4f: {  	_ =	swait.ge [sflag:s20], $0x4000  }
0x50: {  	[sflag:s20] =	ssyncset.done $0x0  }
0x51: {  	s0 =	sadd.s32 $0x100, s31;
	[sflag:s20] =	ssyncadd.s32 $0xFFFFC000  }
0x52: {  	[tilespmem:s19], [sflag:$0x1] =	stream.indirect.gather [hbm4b:s5+s22], $0x80, s0, s22, $0xb8;
	[tilespmem:$0x1E800] =	vst v63  }
0x53: {  	_ =	swait.ge [sflag:s25], $0x4000  }
.Ltmp0:
0x54: {  	[sflag:s25] =	ssyncset.done $0x0;
	(pc) =	sbr.rel @p0 .LBB2_2-.Ltmp0, $4  }
0x55: {  	s0 =	sadd.s32 $0x1480, s31;
	[sflag:s25] =	ssyncadd.s32 $0xFFFFC000  }
0x56: {  	[spmem:s3] =	stream.indirect.scatter.add.f32 [tilespmem:s23], [sflag:$0x3], $0x80, s0, s22, $0xb8;
	[tilespmem:$0x1E800] =	vst v63  }
0x57: {  	_ =	swait.ge [sflag:s20], $0x4000  }
0x58: {  	s1 =	smov.u32 s21;
	s31 =	sshra.s32 s2, $0x2;
	[sflag:s20] =	ssyncset.done $0x0  }
0x59: {  	s0 =	sadd.s32 $0x80, s31;
	[sflag:s20] =	ssyncadd.s32 $0xFFFFC000  }
0x5a: {  	[tilespmem:s23], [sflag:$0x2] =	stream.indirect.gather [hbm4b:s5+s22], $0x80, s0, s22, $0xb8;
	[tilespmem:$0x1E800] =	vst v63  }
0x5b: {  	_ =	swait.ge [sflag:s24], $0x4000  }
0x5c: {  	[sflag:s24] =	ssyncset.done $0x0  }
0x5d: {  	s2 =	sadd.s32 $0x1400, s31;
	[sflag:s24] =	ssyncadd.s32 $0xFFFFC000  }
0x5e: {  	[spmem:s3] =	stream.indirect.scatter.add.f32 [tilespmem:s19], [sflag:$0x3], $0x80, s2, s22, $0xb8;
	[tilespmem:$0x1E800] =	vst v63  }
0x5f: {  	_ =	swait.ge [sflag:s20], $0x4000  }
0x60: {  	[sflag:s20] =	ssyncset.done $0x0  }
0x61: {  	s21 =	sadd.s32 $0x100, s31;
	[sflag:s20] =	ssyncadd.s32 $0xFFFFC000  }
0x62: {  	[tilespmem:s19], [sflag:$0x1] =	stream.indirect.gather [hbm4b:s5+s22], $0x80, s21, s22, $0xb8;
	[tilespmem:$0x1E800] =	vst v63  }
0x63: {  	_ =	swait.ge [sflag:s25], $0x4000  }
0x64: {  	[sflag:s25] =	ssyncset.done $0x0  }
0x65: {  	s31 =	sadd.s32 $0x1480, s31;
	[sflag:s25] =	ssyncadd.s32 $0xFFFFC000  }
0x66: {  	[spmem:s3] =	stream.indirect.scatter.add.f32 [tilespmem:s23], [sflag:$0x3], $0x80, s31, s22, $0xb8;
	[tilespmem:$0x1E800] =	vst v63  }
0x67: {  	_ =	swait.ge [sflag:s20], $0x4000  }
0x68: {  	[sflag:s20] =	ssyncset.done $0x0  }
0x69: {  	[sflag:s20] =	ssyncadd.s32 $0xFFFFC000  }
0x6a: {  	[tilespmem:s23], [sflag:$0x2] =	stream.indirect.gather [hbm4b:s5+s22], $0x80, s26, s22, $0xb8;
	[tilespmem:$0x1E800] =	vst v63  }
0x6b: {  	_ =	swait.ge [sflag:s24], $0x4000  }
0x6c: {  	[sflag:s24] =	ssyncset.done $0x0  }
0x6d: {  	[sflag:s24] =	ssyncadd.s32 $0xFFFFC000  }
0x6e: {  	[spmem:s3] =	stream.indirect.scatter.add.f32 [tilespmem:s19], [sflag:$0x3], $0x80, s28, s22, $0xb8;
	[tilespmem:$0x1E800] =	vst v63  }
0x6f: {  	_ =	swait.ge [sflag:s20], $0x4000  }
0x70: {  	[sflag:s20] =	ssyncset.done $0x0  }
0x71: {  	[sflag:s20] =	ssyncadd.s32 $0xFFFFC000  }
0x72: {  	_ =	swait.ge [sflag:s25], $0x4000  }
0x73: {  	[sflag:s25] =	ssyncset.done $0x0  }
0x74: {  	[sflag:s25] =	ssyncadd.s32 $0xFFFFC000  }
0x75: {  	[spmem:s3] =	stream.indirect.scatter.add.f32 [tilespmem:s23], [sflag:$0x3], $0x80, s29, s22, $0xb8;
	[tilespmem:$0x1E800] =	vst v63  }
0x76: {  	_ =	swait.ge [sflag:s20], $0x4000  }
0x77: {  	[sflag:s20] =	ssyncset.done $0x0  }
0x78: {  	[sflag:s20] =	ssyncadd.s32 $0xFFFFC000  }
0x79: {  	[bflag:$0x0] =	sbarrier.arrive $0xFFFF  }
0x7a: {  	[tilespmem:s19], [sflag:$0x3] =	stream.linear.gather [spmem:s6], $0x4000, $0x38;
	[tilespmem:$0x1E800] =	vst v63  }
0x7b: {  	_ =	swait.ge [sflag:s20], $0x4000  }
0x7c: {  	[sflag:s20] =	ssyncset.done $0x0  }
0x7d: {  	[sflag:s20] =	ssyncadd.s32 $0xFFFFC000  }
0x7e: {  	[hbm4b:s13+s4] =	stream.linear.scatter [tilespmem:s19], [sflag:$0x3], $0x4000, $0x38;
	[tilespmem:$0x1E800] =	vst v63  }
0x7f: {  	_ =	swait.ge [sflag:s20], $0x4000  }
0x80: {  	[sflag:s20] =	ssyncset.done $0x0  }
0x81: {  	[sflag:s20] =	ssyncadd.s32 $0xFFFFC000  }
0x82: {  	[tilespmem:s19], [sflag:$0x3] =	stream.linear.gather [spmem:s7], $0x4000, $0x38;
	[tilespmem:$0x1E800] =	vst v63  }
0x83: {  	_ =	swait.ge [sflag:s20], $0x4000  }
0x84: {  	[sflag:s20] =	ssyncset.done $0x0  }
0x85: {  	[sflag:s20] =	ssyncadd.s32 $0xFFFFC000  }
0x86: {  	[hbm4b:s14+s4] =	stream.linear.scatter [tilespmem:s19], [sflag:$0x3], $0x4000, $0x38;
	[tilespmem:$0x1E800] =	vst v63  }
0x87: {  	_ =	swait.ge [sflag:s20], $0x4000  }
0x88: {  	[sflag:s20] =	ssyncset.done $0x0  }
0x89: {  	[sflag:s20] =	ssyncadd.s32 $0xFFFFC000  }
0x8a: {  	[tilespmem:s19], [sflag:$0x3] =	stream.linear.gather [spmem:s8], $0x4000, $0x38;
	[tilespmem:$0x1E800] =	vst v63  }
0x8b: {  	_ =	swait.ge [sflag:s20], $0x4000  }
0x8c: {  	[sflag:s20] =	ssyncset.done $0x0  }
0x8d: {  	[sflag:s20] =	ssyncadd.s32 $0xFFFFC000  }
0x8e: {  	[hbm4b:s15+s4] =	stream.linear.scatter [tilespmem:s19], [sflag:$0x3], $0x4000, $0x38;
	[tilespmem:$0x1E800] =	vst v63  }
0x8f: {  	_ =	swait.ge [sflag:s20], $0x4000  }
0x90: {  	[sflag:s20] =	ssyncset.done $0x0  }
0x91: {  	[sflag:s20] =	ssyncadd.s32 $0xFFFFC000  }
0x92: {  	[tilespmem:s19], [sflag:$0x3] =	stream.linear.gather [spmem:s9], $0x4000, $0x38;
	[tilespmem:$0x1E800] =	vst v63  }
0x93: {  	_ =	swait.ge [sflag:s20], $0x4000  }
0x94: {  	[sflag:s20] =	ssyncset.done $0x0  }
0x95: {  	[sflag:s20] =	ssyncadd.s32 $0xFFFFC000  }
0x96: {  	[hbm4b:s16+s4] =	stream.linear.scatter [tilespmem:s19], [sflag:$0x3], $0x4000, $0x38;
	[tilespmem:$0x1E800] =	vst v63  }
0x97: {  	_ =	swait.ge [sflag:s20], $0x4000  }
0x98: {  	[sflag:s20] =	ssyncset.done $0x0  }
0x99: {  	[sflag:s20] =	ssyncadd.s32 $0xFFFFC000  }
0x9a: {  	[tilespmem:s19], [sflag:$0x3] =	stream.linear.gather [spmem:s10], $0x4000, $0x38;
	[tilespmem:$0x1E800] =	vst v63  }
0x9b: {  	s30 =	sadd.s32 $0x1, s30;
	_ =	swait.ge [sflag:s20], $0x4000  }
0x9c: {  	p0 =	sne.s32 s30, s18;
	[sflag:s20] =	ssyncset.done $0x0  }
.Ltmp1:
0x9d: {  	[sflag:s20] =	ssyncadd.s32 $0xFFFFC000;
	(pc) =	sbr.rel @p0 .LBB2_1-.Ltmp1, $4  }
0x9e: {  	[hbm4b:s17+s4] =	stream.linear.scatter [tilespmem:s19], [sflag:$0x3], $0x4000, $0x38;
	[tilespmem:$0x1E800] =	vst v63  }
0x9f: {  	_ =	swait.ge [sflag:s20], $0x4000  }
0xa0: {  	[sflag:s20] =	ssyncset.done $0x0  }
0xa1: {  	[sflag:s20] =	ssyncadd.s32 $0xFFFFC000  }
0xa2: {  	_ =	sfence.sel $0x180000  }
0xa3: {  	[bflag:$0x0] =	sbarrier.arrive $0xFFFF  }
0xa4: {  	_ =	strace $0x90000050  }
0xa5: {  	s0 =	stileid.u32;
	[bflag:$0x2] =	sbarrier.arrive $0xFFFF  }
0xa6: {  	p0 =	sne.s32 s0, $0x0;
	s0 =	rddreg [dreg:$0x3]  }
0xa7: {  	s0 =	sadd.s32 @!p0 $0x100000, s0  }
0xa8: {  	[sflag:s0] =	ssyncadd.tile.s32 @!p0 $0x1;
	_ =	shalt  }
.Lfunc_end2:
_tile_overlayer_lowered:
.L_overlay_start_2:
0xa9: {  	(tag) =	ssettag $0x2  }
0xaa: {  	s0 =	rddreg [dreg:$0x0];
	s2 =	stileid.u32  }
0xab: {  	s1 =	rddreg [dreg:$0x1];
	p0 =	sne.s32 s2, $0x0  }
0xac: {  	s3 =	rddreg [dreg:$0x2];
	[bflag:$0x3] =	sbarrier.arrive $0xFFFF;
	s2 =	simm.s32 @!p0 $0x1C03  }
0xad: {  	[timem:s3], [sflag:s2] =	dma.local @!p0 [hbm:s0], s1  }
0xae: {  	s0 =	simm.s32 @!p0 $0x3  }
0xaf: {  	_ =	swait.ge @!p0 [sflag:s0], s1  }
0xb0: {  	s1 =	ssub.s32 @!p0 $0x0, s1;
	[sflag:s0] =	ssyncset.done @!p0 $0x0  }
0xb1: {  	[sflag:s0] =	ssyncadd.s32 @!p0 s1  }
0xb2: {  	[bflag:$0x3] =	sbarrier.arrive $0xFFFF  }
0xb3: {  	_ =	shalt  }

// kernel: sc_agg.5.cloned.1.call-start
scs
__scs_entry_jumppad:
0x0: {  	(pc) =	sbr.rel $0x88, $3  }
0x1: {  	(tag) =	ssettag $0x0;
	lr =	simm.s32 $0x1  }
0x2: {  	[smem:$0x3F8B] =	sst lr;
	_ =	strace $0xD0000000  }
0x3: {  	_ = 	snop  }
0x4: {  	_ = 	snop  }
0x5: {  	_ = 	snop  }
0x6: {  	_ = 	snop  }
0x7: {  	_ = 	snop  }
__scs_overlays_trampoline_lowered:
0x8: {  	[smem:$0x3F9A] =	sst s0  }
0x9: {  	[smem:$0x3F9B] =	sst s1  }
0xa: {  	[smem:$0x3F9C] =	sst s2  }
0xb: {  	[smem:$0x3F9D] =	sst s3  }
0xc: {  	[smem:$0x3F9E] =	sst s4  }
0xd: {  	[smem:$0x3F9F] =	sst s5  }
0xe: {  	[smem:$0x3FA0] =	sst s6  }
0xf: {  	[smem:$0x3FA1] =	sst s7  }
0x10: {  	[smem:$0x3FA2] =	sst s8  }
0x11: {  	[smem:$0x3FA3] =	sst s9;
	s0 =	simm.s32 @!p0 $0x0  }
0x12: {  	s1 =	sld [smem:$0x3F89];
	s0 =	simm.s32 @p0 $0x1  }
0x13: {  	[smem:$0x3FA4] =	sst s0;
	s0 =	simm.s32 @!p1 $0x0  }
0x14: {  	s2 =	sld [smem:$0x3F88];
	s0 =	simm.s32 @p1 $0x1  }
0x15: {  	[smem:$0x3FA5] =	sst s0;
	s0 =	simm.s32 @!p2 $0x0  }
0x16: {  	s3 =	sld [smem:$0x3FDB];
	s0 =	simm.s32 @p2 $0x1  }
0x17: {  	s4 =	simm.s32 $0x1BF5;
	[smem:$0x3FA7] =	sst s0  }
0x18: {  	s0 =	sld [smem:$0x3F8A];
	_ =	swait.ge [sflag:s4], $0x0  }
0x19: {  	s7 =	sld [smem:$0x3F8B]  }
0x1a: {  	s8 =	sadd.s32 $0xFFFFE003, lr  }
0x1b: {  	s9 =	sadd.s32 $0xFFFFFEF7, lr;
	s5 =	simm.s32 $0xFFFFFFFF;
	p2 =	slt.u32 s8, $0xFFFFF086  }
0x1c: {  	p1 =	slt.u32 s9, $0xF7A;
	s5 =	simm.s32 @!p2 $0x0  }
0x1d: {  	s5 =	simm.s32 @p1 $0x1;
	p0 =	seq.s32 s7, s2  }
0x1e: {  	s7 =	smul.u32 @!p0 $0xF7A, s2;
	p2 =	seq.s32 @!p0 s5, $0x0  }
0x1f: {  	s9 =	smul.u32 $0xF7A, s1;
	s8 =	simm.s32 @!p0 $0x1BF5;
	p2 =	por !p2, p0  }
0x20: {  	[sflag:s8] =	ssyncset.s32 @!p0 $0xFFFFF086;
	s6 =	sadd.s32 @!p0 s3, s7;
	s7 =	simm.s32 @!p0 $0x108  }
0x21: {  	s3 =	sadd.s32 s3, s9;
	s6 =	sadd.s32 @!p0 $0x88, s6;
	s7 =	simm.s32 @p2 $0x1082  }
0x22: {  	[simem:s7], [sflag:s8] =	dma.local @!p0 [hbm:s6], $0xF7A  }
0x23: {  	s9 =	sor.u32 $0xD0000000, s2;
	s6 =	simm.s32 $0x108;
	_ =	swait.ge @!p0 [sflag:s8], $0x0  }
0x24: {  	s3 =	sadd.s32 $0x88, s3;
	s6 =	simm.s32 @!p1 $0x1082;
	[sflag:s4] =	ssyncset.s32 $0xFFFFF086  }
0x25: {  	[simem:s6], [sflag:s4] =	dma.local [hbm:s3], $0xF7A  }
0x26: {  	[smem:$0x3F8B] =	sst s1;
	(tag) =	ssettag s2;
	_ =	strace s9  }
0x27: {  	s1 =	sld [smem:$0x3F9B]  }
0x28: {  	s2 =	sld [smem:$0x3F9C]  }
0x29: {  	s4 =	sld [smem:$0x3F9E]  }
0x2a: {  	p0 =	seq.s32 s5, $0x0;
	s5 =	sld [smem:$0x3F9F]  }
0x2b: {  	s6 =	sld [smem:$0x3FA0]  }
0x2c: {  	s7 =	sld [smem:$0x3FA1]  }
0x2d: {  	s3 =	simm.s32 $0x108;
	s8 =	sld [smem:$0x3FA2]  }
0x2e: {  	s3 =	simm.s32 @!p0 $0x1082;
	s9 =	sld [smem:$0x3FA3]  }
0x2f: {  	lr =	sadd.s32 s0, s3;
	s0 =	sld [smem:$0x3F9A]  }
0x30: {  	s3 =	sld [smem:$0x3F9D]  }
0x31: {  	[smem:$0x3FA6] =	sst s10  }
0x32: {  	s10 =	sld [smem:$0x3FA4];
	_ =	sdelay $0x3  }
0x33: {  	p0 =	seq.s32 s10, $0x1;
	s10 =	sld [smem:$0x3FA6];
	_ =	sdelay $0x3  }
0x34: {  	[smem:$0x3FA6] =	sst s10  }
0x35: {  	s10 =	sld [smem:$0x3FA5];
	_ =	sdelay $0x3  }
0x36: {  	p1 =	seq.s32 s10, $0x1;
	s10 =	sld [smem:$0x3FA6];
	_ =	sdelay $0x3  }
0x37: {  	[smem:$0x3FA6] =	sst s10  }
0x38: {  	s10 =	sld [smem:$0x3FA7]  }
0x39: {  	_ = 	snop;
	(pc) =	sbr.ind lr, $3  }
0x3a: {  	_ = 	snop  }
0x3b: {  	_ = 	snop  }
0x3c: {  	p2 =	seq.s32 s10, $0x1;
	s10 =	sld [smem:$0x3FA6]  }
0x3d: {  	_ =	shalt  }
0x3e: {  	_ =	shalt  }
0x3f: {  	_ =	shalt  }
0x40: {  	_ =	shalt  }
0x41: {  	_ =	shalt  }
0x42: {  	_ =	shalt  }
0x43: {  	_ =	shalt  }
0x44: {  	_ =	shalt  }
0x45: {  	_ =	shalt  }
0x46: {  	_ =	shalt  }
0x47: {  	_ =	shalt  }
0x48: {  	_ =	shalt  }
0x49: {  	_ =	shalt  }
0x4a: {  	_ =	shalt  }
0x4b: {  	_ =	shalt  }
0x4c: {  	_ =	shalt  }
0x4d: {  	_ =	shalt  }
0x4e: {  	_ =	shalt  }
0x4f: {  	_ =	shalt  }
0x50: {  	_ =	shalt  }
0x51: {  	_ =	shalt  }
0x52: {  	_ =	shalt  }
0x53: {  	_ =	shalt  }
0x54: {  	_ =	shalt  }
0x55: {  	_ =	shalt  }
0x56: {  	_ =	shalt  }
0x57: {  	_ =	shalt  }
0x58: {  	_ =	shalt  }
0x59: {  	_ =	shalt  }
0x5a: {  	_ =	shalt  }
0x5b: {  	_ =	shalt  }
0x5c: {  	_ =	shalt  }
0x5d: {  	_ =	shalt  }
0x5e: {  	_ =	shalt  }
0x5f: {  	_ =	shalt  }
0x60: {  	_ =	shalt  }
0x61: {  	_ =	shalt  }
0x62: {  	_ =	shalt  }
0x63: {  	_ =	shalt  }
0x64: {  	_ =	shalt  }
0x65: {  	_ =	shalt  }
0x66: {  	_ =	shalt  }
0x67: {  	_ =	shalt  }
0x68: {  	_ =	shalt  }
0x69: {  	_ =	shalt  }
0x6a: {  	_ =	shalt  }
0x6b: {  	_ =	shalt  }
0x6c: {  	_ =	shalt  }
0x6d: {  	_ =	shalt  }
0x6e: {  	_ =	shalt  }
0x6f: {  	_ =	shalt  }
0x70: {  	_ =	shalt  }
0x71: {  	_ =	shalt  }
0x72: {  	_ =	shalt  }
0x73: {  	_ =	shalt  }
0x74: {  	_ =	shalt  }
0x75: {  	_ =	shalt  }
0x76: {  	_ =	shalt  }
0x77: {  	_ =	shalt  }
0x78: {  	_ =	shalt  }
0x79: {  	_ =	shalt  }
0x7a: {  	_ =	shalt  }
0x7b: {  	_ =	shalt  }
0x7c: {  	_ =	shalt  }
0x7d: {  	_ =	shalt  }
0x7e: {  	_ =	shalt  }
0x7f: {  	_ =	shalt  }
0x80: {  	_ =	shalt  }
0x81: {  	_ =	shalt  }
0x82: {  	_ =	shalt  }
0x83: {  	_ =	shalt  }
0x84: {  	_ =	shalt  }
0x85: {  	_ =	shalt  }
0x86: {  	_ =	shalt  }
0x87: {  	_ =	shalt  }
.Lfunc_end0:
.L_simem_size_0:
called_computation.1_lowered:
.L_overlay_start_0:
0x88: {  	s2 =	sld [smem:$0x3FD9]  }
0x89: {  	s3 =	sld [smem:$0x3FFE];
	_ =	sdelay $0x1  }
0x8a: {  	s1 =	srdreg.scid  }
0x8b: {  	s0 =	sand.u32 $0x1, s1  }
0x8c: {  	s17 =	sshll.u32 s0, $0xA;
	s2 =	sadd.s32 s3, s2  }
0x8d: {  	s2 =	sadd.s32 s2, s17  }
0x8e: {  	[smem:$0x3FB2] =	sst s2  }
0x8f: {  	_ = 	snop  }
0x90: {  	s2 =	sld [smem:$0x3FD0];
	(tm) =	ssettm $0x1  }
0x91: {  	s18 =	sld [smem:$0x3FFB];
	_ =	sdelay $0x3  }
0x92: {  	_ =	strace s18  }
0x93: {  	s3 =	sld [smem:$0x3FFC];
	_ =	sdelay $0x3  }
0x94: {  	_ =	strace s3  }
0x95: {  	s3 =	sld [smem:$0x3FFD];
	_ =	sdelay $0x3  }
0x96: {  	_ =	strace s3  }
0x97: {  	_ =	strace $0x8FFFFFFF  }
0x98: {  	s19 =	sld [smem:$0x3FDB];
	_ =	sdelay $0x1  }
0x99: {  	s4 =	simm.s32 $_scs_section_size  }
0x9a: {  	s5 =	simm.s32 $_size__tile_overlayer_lowered;
	s6 =	simm.s32 $_tile_overlayer_lowered  }
0x9b: {  	s22 =	simm.s32 $0x1BFF;
	s21 =	sshll.u32 s6, $0x1;
	s3 =	sadd.s32 s4, s19  }
0x9c: {  	s7 =	simm.s32 $0x0;
	s20 =	sshll.u32 s5, $0x1;
	s5 =	sadd.s32 s21, s3  }
0x9d: {  	[timem:s7], [sflag:s22] =	dma.local [hbm:s5], s20  }
0x9e: {  	_ =	swait.ge [sflag:s22], s20  }
0x9f: {  	s4 =	ssub.s32 $0x0, s20;
	[sflag:s22] =	ssyncset.done $0x0  }
0xa0: {  	[sflag:s22] =	ssyncadd.s32 s4;
	_ =	sdelay $0x1  }
0xa1: {  	s23 =	simm.s32 $0x1B8B  }
0xa2: {  	_ =	swait.ge [sflag:s23], $0x1  }
0xa3: {  	[sflag:s23] =	ssyncset.done $0x0  }
0xa4: {  	s25 =	simm.s32 $0x1B8E;
	s24 =	sld [smem:$0x3FFE];
	[sflag:s23] =	ssyncadd.s32 $0xFFFFFFFF  }
0xa5: {  	s26 =	simm.s32 $execute0_lowered;
	[smem:$0x3FD2] =	sst s25  }
0xa6: {  	s5 =	sshll.u32 s26, $0x1;
	_ =	strace $0x80000046;
	[dreg:$0x1] =	wrdreg $0xFFFFFFFF  }
0xa7: {  	s28 =	simm.s32 $_size_execute0_lowered;
	s3 =	sadd.s32 s3, s5;
	[dreg:$0x0] =	wrdreg $0x0  }
0xa8: {  	s5 =	sshll.u32 s28, $0x1;
	[dreg:$0x2] =	wrdreg s3  }
0xa9: {  	[dreg:$0x3] =	wrdreg s5  }
0xaa: {  	[dreg:$0x4] =	wrdreg $0xC0  }
0xab: {  	_ =	task [dreg:s7], $0x5FFFF  }
0xac: {  	[dreg:$0x1] =	wrdreg $0xFFFFFFFF  }
0xad: {  	[dreg:$0x0] =	wrdreg $0x60  }
0xae: {  	[dreg:$0x2] =	wrdreg s24  }
0xaf: {  	[dreg:$0x3] =	wrdreg s2  }
0xb0: {  	[dreg:$0x4] =	wrdreg $0xA8000  }
0xb1: {  	[dreg:$0x5] =	wrdreg $0xA  }
0xb2: {  	_ =	task.clear_ibuf [dreg:s7], $0x6FFFF;
	_ =	strace $0x90000046  }
0xb3: {  	s29 =	simm.s32 $0xA;
	_ =	strace $0x80000048  }
0xb4: {  	_ =	swait.ge [sflag:s29], $0x1  }
0xb5: {  	[sflag:s29] =	ssyncadd.s32 $0xFFFFFFFF  }
0xb6: {  	_ =	strace $0x90000048  }
0xb7: {  	_ =	sfence  }
0xb8: {  	s30 =	sld [smem:$0x0];
	_ =	sdelay $0x2  }
0xb9: {  	s31 =	sshll.u32 s1, $0xD;
	s1 =	sshrl.u32 s1, $0x2  }
0xba: {  	s3 =	sand.u32 $0x4000, s31;
	s1 =	sadd.s32 s1, s30  }
0xbb: {  	s0 =	sor.u32 s3, s0;
	s1 =	sshll.u32 s1, $0x11  }
0xbc: {  	s0 =	sor.u32 s1, s0  }
0xbd: {  	s0 =	sadd.s32 $0x8F2B, s0  }
0xbe: {  	[sflag:s0] =	ssyncadd.remote.s32 $0x1  }
0xbf: {  	_ =	sfence.sel $0xFFFF  }
0xc0: {  	[dreg:$0x0] =	wrdreg $0xFFFFFFFF;
	(pc) =	sbr.abs _section_cstart, $3  }
0xc1: {  	[dreg:$0x1] =	wrdreg $0xFFFFFFFF  }
0xc2: {  	_ =	task.clear_ibuf [dreg:s7], $0x2FFFF;
	_ =	strace $0x9FFFFFFF  }
0xc3: {  	(tm) =	ssettm $0x7FFFFFFF  }
tec
execute0_lowered:
.L_overlay_start_1:
0x0: {  	(tag) =	ssettag $0x1  }
0x1: {  	s1 =	rddreg [dreg:$0x0]  }
0x2: {  	s3 =	srdreg.scid;
	s0 =	stileid.u32;
	s22 =	simm.s32 $0x80  }
0x3: {  	s23 =	simm.s32 $0x6800;
	s24 =	simm.s32 $0x1;
	s25 =	simm.s32 $0x2  }
0x4: {  	s26 =	simm.s32 $0x1380;
	s28 =	simm.s32 $0x2700;
	s29 =	simm.s32 $0x2780  }
0x5: {  	s30 =	simm.s32 $0x0;
	s8 =	sand.u32 $0x1, s3;
	s6 =	smul.u32 $0x50000, s0  }
0x6: {  	s4 =	sshll.u32 s0, $0x1;
	s3 =	rddreg [dreg:$0x2];
	s11 =	smul.u32 $0x14000, s0  }
0x7: {  	s5 =	sor.u32 s8, s4;
	s4 =	simm.s32 $0x0;
	s17 =	smul.u32 $0x140000, s8  }
0x8: {  	s7 =	ssub.s32 $0x2, s8;
	s5 =	smul.u32 $0x280, s5;
	[smem:$0x7FF] =	sst s4  }
0x9: {  	s9 =	sshrl.u32 s7, $0x1;
	s6 =	sshrl.u32 s6, $0x2;
	s13 =	sadd.s32 $0x4000, s11  }
0xa: {  	s15 =	sadd.s32 $0x8000, s11;
	s16 =	sadd.s32 $0xC000, s11;
	s19 =	sadd.s32 $0x10000, s11  }
0xb: {  	_ =	strace $0x80000047;
	s18 =	ssub.s32 s7, s9;
	s6 =	sadd.s32 s6, s3  }
0xc: {  	s7 =	sadd.s32 s13, s3;
	s8 =	sadd.s32 s15, s3;
	s9 =	sadd.s32 s16, s3  }
0xd: {  	s10 =	sadd.s32 s19, s3;
	s14 =	sadd.s32 s11, s17;
	s13 =	sadd.s32 s17, s13  }
0xe: {  	s15 =	sadd.s32 s17, s15;
	s16 =	sadd.s32 s17, s16;
	s17 =	sadd.s32 s17, s19  }
0xf: {  	s19 =	simm.s32 $0x2800;
	s12 =	sadd.s32 s5, s1;
	s5 =	sadd.s32 $0xFC00, s1  }
0x10: {  	s1 =	sadd.s32 $0x36E00, s1;
	s14 =	sshrl.u32 s14, $0x3;
	s20 =	sshrl.u32 s13, $0x3  }
0x11: {  	s15 =	sshrl.u32 s15, $0x3;
	s16 =	sshrl.u32 s16, $0x3;
	s17 =	sshrl.u32 s17, $0x3  }
0x12: {  	s18 =	smax.u32 s18, $0x1;
	s11 =	sadd.s32 $0x5C00, s12;
	s12 =	sadd.s32 $0xAC00, s12  }
0x13: {  	s13 =	sadd.s32 s1, s14;
	s14 =	sadd.s32 s1, s20;
	s15 =	sadd.s32 s1, s15  }
0x14: {  	s16 =	sadd.s32 s1, s16;
	s17 =	sadd.s32 s1, s17;
	s20 =	simm.s32 $0x3  }
.LBB2_1:
0x15: {  	s0 =	rddreg [dreg:$0x1]  }
0x16: {  	[tilespmem:s19], [sflag:$0x3] =	stream.linear.gather [hbm4b:s0+s4], $0x4000, $0x38;
	[tilespmem:$0x1E800] =	vst v63  }
0x17: {  	_ =	swait.ge [sflag:s20], $0x4000  }
0x18: {  	[sflag:s20] =	ssyncset.done $0x0  }
0x19: {  	[sflag:s20] =	ssyncadd.s32 $0xFFFFC000  }
0x1a: {  	[spmem:s6] =	stream.linear.scatter [tilespmem:s19], [sflag:$0x3], $0x4000, $0x38;
	[tilespmem:$0x1E800] =	vst v63  }
0x1b: {  	_ =	swait.ge [sflag:s20], $0x4000  }
0x1c: {  	[sflag:s20] =	ssyncset.done $0x0  }
0x1d: {  	[sflag:s20] =	ssyncadd.s32 $0xFFFFC000  }
0x1e: {  	[spmem:s7] =	stream.linear.scatter [tilespmem:s19], [sflag:$0x3], $0x4000, $0x38;
	[tilespmem:$0x1E800] =	vst v63  }
0x1f: {  	_ =	swait.ge [sflag:s20], $0x4000  }
0x20: {  	[sflag:s20] =	ssyncset.done $0x0  }
0x21: {  	[sflag:s20] =	ssyncadd.s32 $0xFFFFC000  }
0x22: {  	[spmem:s8] =	stream.linear.scatter [tilespmem:s19], [sflag:$0x3], $0x4000, $0x38;
	[tilespmem:$0x1E800] =	vst v63  }
0x23: {  	_ =	swait.ge [sflag:s20], $0x4000  }
0x24: {  	[sflag:s20] =	ssyncset.done $0x0  }
0x25: {  	[sflag:s20] =	ssyncadd.s32 $0xFFFFC000  }
0x26: {  	[spmem:s9] =	stream.linear.scatter [tilespmem:s19], [sflag:$0x3], $0x4000, $0x38;
	[tilespmem:$0x1E800] =	vst v63  }
0x27: {  	_ =	swait.ge [sflag:s20], $0x4000  }
0x28: {  	[sflag:s20] =	ssyncset.done $0x0  }
0x29: {  	[sflag:s20] =	ssyncadd.s32 $0xFFFFC000  }
0x2a: {  	[spmem:s10] =	stream.linear.scatter [tilespmem:s19], [sflag:$0x3], $0x4000, $0x38;
	[tilespmem:$0x1E800] =	vst v63  }
0x2b: {  	_ =	swait.ge [sflag:s20], $0x4000  }
0x2c: {  	[sflag:s20] =	ssyncset.done $0x0  }
0x2d: {  	[sflag:s20] =	ssyncadd.s32 $0xFFFFC000  }
0x2e: {  	[tilespmem:s4], [sflag:$0x3] =	stream.linear.gather [hbm4b:s11+s4], $0x1400, $0x38;
	[tilespmem:$0x1E800] =	vst v63  }
0x2f: {  	_ =	swait.ge [sflag:s20], $0x1400  }
0x30: {  	[sflag:s20] =	ssyncset.done $0x0  }
0x31: {  	s21 =	simm.s32 $0x1400;
	[sflag:s20] =	ssyncadd.s32 $0xFFFFEC00  }
0x32: {  	[tilespmem:s21], [sflag:$0x3] =	stream.linear.gather [hbm4b:s12+s4], $0x1400, $0x38;
	[tilespmem:$0x1E800] =	vst v63  }
0x33: {  	_ =	swait.ge [sflag:s20], $0x1400  }
0x34: {  	[sflag:s20] =	ssyncset.done $0x0  }
0x35: {  	[sflag:s20] =	ssyncadd.s32 $0xFFFFEC00  }
0x36: {  	[bflag:$0x0] =	sbarrier.arrive $0xFFFF  }
0x37: {  	[tilespmem:s19], [sflag:$0x1] =	stream.indirect.gather [hbm4b:s5+s22], $0x80, s4, s22, $0xb8;
	[tilespmem:$0x1E800] =	vst v63  }
0x38: {  	s1 =	simm.s32 $0x80  }
0x39: {  	[tilespmem:s23], [sflag:$0x2] =	stream.indirect.gather [hbm4b:s5+s22], $0x80, s1, s22, $0xb8;
	[tilespmem:$0x1E800] =	vst v63  }
0x3a: {  	_ =	swait.ge [sflag:s24], $0x4000  }
0x3b: {  	[sflag:s24] =	ssyncset.done $0x0  }
0x3c: {  	s0 =	simm.s32 $0x1400;
	[sflag:s24] =	ssyncadd.s32 $0xFFFFC000  }
0x3d: {  	[spmem:s3] =	stream.indirect.scatter.add.f32 [tilespmem:s19], [sflag:$0x3], $0x80, s0, s22, $0xb8;
	[tilespmem:$0x1E800] =	vst v63  }
0x3e: {  	_ =	swait.ge [sflag:s20], $0x4000  }
0x3f: {  	[sflag:s20] =	ssyncset.done $0x0  }
0x40: {  	s2 =	simm.s32 $0x100;
	[sflag:s20] =	ssyncadd.s32 $0xFFFFC000  }
0x41: {  	[tilespmem:s19], [sflag:$0x1] =	stream.indirect.gather [hbm4b:s5+s22], $0x80, s2, s22, $0xb8;
	[tilespmem:$0x1E800] =	vst v63  }
0x42: {  	_ =	swait.ge [sflag:s25], $0x4000  }
0x43: {  	[sflag:s25] =	ssyncset.done $0x0  }
0x44: {  	s21 =	simm.s32 $0x1480;
	[sflag:s25] =	ssyncadd.s32 $0xFFFFC000  }
0x45: {  	[spmem:s3] =	stream.indirect.scatter.add.f32 [tilespmem:s23], [sflag:$0x3], $0x80, s21, s22, $0xb8;
	[tilespmem:$0x1E800] =	vst v63  }
0x46: {  	_ =	swait.ge [sflag:s20], $0x4000  }
0x47: {  	s31 =	simm.s32 $0x100;
	s1 =	simm.s32 $0x800;
	[sflag:s20] =	ssyncset.done $0x0  }
.LBB2_2:
0x48: {  	s0 =	sadd.s32 $0x80, s31  }
0x49: {  	[sflag:s20] =	ssyncadd.s32 $0xFFFFC000;
	s2 =	smov.u32 s1;
	s21 =	sadd.s32 $0x400, s1  }
0x4a: {  	[tilespmem:s23], [sflag:$0x2] =	stream.indirect.gather [hbm4b:s5+s22], $0x80, s0, s22, $0xb8;
	[tilespmem:$0x1E800] =	vst v63  }
0x4b: {  	p0 =	sne.s32 s1, $0x4800;
	_ =	swait.ge [sflag:s24], $0x4000  }
0x4c: {  	[sflag:s24] =	ssyncset.done $0x0  }
0x4d: {  	s0 =	sadd.s32 $0x1400, s31;
	[sflag:s24] =	ssyncadd.s32 $0xFFFFC000  }
0x4e: {  	[spmem:s3] =	stream.indirect.scatter.add.f32 [tilespmem:s19], [sflag:$0x3], $0x80, s0, s22, $0xb8;
	[tilespmem:$0x1E800] =	vst v63  }
0x4f: {  	_ =	swait.ge [sflag:s20], $0x4000  }
0x50: {  	[sflag:s20] =	ssyncset.done $0x0  }
0x51: {  	s0 =	sadd.s32 $0x100, s31;
	[sflag:s20] =	ssyncadd.s32 $0xFFFFC000  }
0x52: {  	[tilespmem:s19], [sflag:$0x1] =	stream.indirect.gather [hbm4b:s5+s22], $0x80, s0, s22, $0xb8;
	[tilespmem:$0x1E800] =	vst v63  }
0x53: {  	_ =	swait.ge [sflag:s25], $0x4000  }
.Ltmp0:
0x54: {  	[sflag:s25] =	ssyncset.done $0x0;
	(pc) =	sbr.rel @p0 .LBB2_2-.Ltmp0, $4  }
0x55: {  	s0 =	sadd.s32 $0x1480, s31;
	[sflag:s25] =	ssyncadd.s32 $0xFFFFC000  }
0x56: {  	[spmem:s3] =	stream.indirect.scatter.add.f32 [tilespmem:s23], [sflag:$0x3], $0x80, s0, s22, $0xb8;
	[tilespmem:$0x1E800] =	vst v63  }
0x57: {  	_ =	swait.ge [sflag:s20], $0x4000  }
0x58: {  	s1 =	smov.u32 s21;
	s31 =	sshra.s32 s2, $0x2;
	[sflag:s20] =	ssyncset.done $0x0  }
0x59: {  	s0 =	sadd.s32 $0x80, s31;
	[sflag:s20] =	ssyncadd.s32 $0xFFFFC000  }
0x5a: {  	[tilespmem:s23], [sflag:$0x2] =	stream.indirect.gather [hbm4b:s5+s22], $0x80, s0, s22, $0xb8;
	[tilespmem:$0x1E800] =	vst v63  }
0x5b: {  	_ =	swait.ge [sflag:s24], $0x4000  }
0x5c: {  	[sflag:s24] =	ssyncset.done $0x0  }
0x5d: {  	s2 =	sadd.s32 $0x1400, s31;
	[sflag:s24] =	ssyncadd.s32 $0xFFFFC000  }
0x5e: {  	[spmem:s3] =	stream.indirect.scatter.add.f32 [tilespmem:s19], [sflag:$0x3], $0x80, s2, s22, $0xb8;
	[tilespmem:$0x1E800] =	vst v63  }
0x5f: {  	_ =	swait.ge [sflag:s20], $0x4000  }
0x60: {  	[sflag:s20] =	ssyncset.done $0x0  }
0x61: {  	s21 =	sadd.s32 $0x100, s31;
	[sflag:s20] =	ssyncadd.s32 $0xFFFFC000  }
0x62: {  	[tilespmem:s19], [sflag:$0x1] =	stream.indirect.gather [hbm4b:s5+s22], $0x80, s21, s22, $0xb8;
	[tilespmem:$0x1E800] =	vst v63  }
0x63: {  	_ =	swait.ge [sflag:s25], $0x4000  }
0x64: {  	[sflag:s25] =	ssyncset.done $0x0  }
0x65: {  	s31 =	sadd.s32 $0x1480, s31;
	[sflag:s25] =	ssyncadd.s32 $0xFFFFC000  }
0x66: {  	[spmem:s3] =	stream.indirect.scatter.add.f32 [tilespmem:s23], [sflag:$0x3], $0x80, s31, s22, $0xb8;
	[tilespmem:$0x1E800] =	vst v63  }
0x67: {  	_ =	swait.ge [sflag:s20], $0x4000  }
0x68: {  	[sflag:s20] =	ssyncset.done $0x0  }
0x69: {  	[sflag:s20] =	ssyncadd.s32 $0xFFFFC000  }
0x6a: {  	[tilespmem:s23], [sflag:$0x2] =	stream.indirect.gather [hbm4b:s5+s22], $0x80, s26, s22, $0xb8;
	[tilespmem:$0x1E800] =	vst v63  }
0x6b: {  	_ =	swait.ge [sflag:s24], $0x4000  }
0x6c: {  	[sflag:s24] =	ssyncset.done $0x0  }
0x6d: {  	[sflag:s24] =	ssyncadd.s32 $0xFFFFC000  }
0x6e: {  	[spmem:s3] =	stream.indirect.scatter.add.f32 [tilespmem:s19], [sflag:$0x3], $0x80, s28, s22, $0xb8;
	[tilespmem:$0x1E800] =	vst v63  }
0x6f: {  	_ =	swait.ge [sflag:s20], $0x4000  }
0x70: {  	[sflag:s20] =	ssyncset.done $0x0  }
0x71: {  	[sflag:s20] =	ssyncadd.s32 $0xFFFFC000  }
0x72: {  	_ =	swait.ge [sflag:s25], $0x4000  }
0x73: {  	[sflag:s25] =	ssyncset.done $0x0  }
0x74: {  	[sflag:s25] =	ssyncadd.s32 $0xFFFFC000  }
0x75: {  	[spmem:s3] =	stream.indirect.scatter.add.f32 [tilespmem:s23], [sflag:$0x3], $0x80, s29, s22, $0xb8;
	[tilespmem:$0x1E800] =	vst v63  }
0x76: {  	_ =	swait.ge [sflag:s20], $0x4000  }
0x77: {  	[sflag:s20] =	ssyncset.done $0x0  }
0x78: {  	[sflag:s20] =	ssyncadd.s32 $0xFFFFC000  }
0x79: {  	[bflag:$0x0] =	sbarrier.arrive $0xFFFF  }
0x7a: {  	[tilespmem:s19], [sflag:$0x3] =	stream.linear.gather [spmem:s6], $0x4000, $0x38;
	[tilespmem:$0x1E800] =	vst v63  }
0x7b: {  	_ =	swait.ge [sflag:s20], $0x4000  }
0x7c: {  	[sflag:s20] =	ssyncset.done $0x0  }
0x7d: {  	[sflag:s20] =	ssyncadd.s32 $0xFFFFC000  }
0x7e: {  	[hbm4b:s13+s4] =	stream.linear.scatter [tilespmem:s19], [sflag:$0x3], $0x4000, $0x38;
	[tilespmem:$0x1E800] =	vst v63  }
0x7f: {  	_ =	swait.ge [sflag:s20], $0x4000  }
0x80: {  	[sflag:s20] =	ssyncset.done $0x0  }
0x81: {  	[sflag:s20] =	ssyncadd.s32 $0xFFFFC000  }
0x82: {  	[tilespmem:s19], [sflag:$0x3] =	stream.linear.gather [spmem:s7], $0x4000, $0x38;
	[tilespmem:$0x1E800] =	vst v63  }
0x83: {  	_ =	swait.ge [sflag:s20], $0x4000  }
0x84: {  	[sflag:s20] =	ssyncset.done $0x0  }
0x85: {  	[sflag:s20] =	ssyncadd.s32 $0xFFFFC000  }
0x86: {  	[hbm4b:s14+s4] =	stream.linear.scatter [tilespmem:s19], [sflag:$0x3], $0x4000, $0x38;
	[tilespmem:$0x1E800] =	vst v63  }
0x87: {  	_ =	swait.ge [sflag:s20], $0x4000  }
0x88: {  	[sflag:s20] =	ssyncset.done $0x0  }
0x89: {  	[sflag:s20] =	ssyncadd.s32 $0xFFFFC000  }
0x8a: {  	[tilespmem:s19], [sflag:$0x3] =	stream.linear.gather [spmem:s8], $0x4000, $0x38;
	[tilespmem:$0x1E800] =	vst v63  }
0x8b: {  	_ =	swait.ge [sflag:s20], $0x4000  }
0x8c: {  	[sflag:s20] =	ssyncset.done $0x0  }
0x8d: {  	[sflag:s20] =	ssyncadd.s32 $0xFFFFC000  }
0x8e: {  	[hbm4b:s15+s4] =	stream.linear.scatter [tilespmem:s19], [sflag:$0x3], $0x4000, $0x38;
	[tilespmem:$0x1E800] =	vst v63  }
0x8f: {  	_ =	swait.ge [sflag:s20], $0x4000  }
0x90: {  	[sflag:s20] =	ssyncset.done $0x0  }
0x91: {  	[sflag:s20] =	ssyncadd.s32 $0xFFFFC000  }
0x92: {  	[tilespmem:s19], [sflag:$0x3] =	stream.linear.gather [spmem:s9], $0x4000, $0x38;
	[tilespmem:$0x1E800] =	vst v63  }
0x93: {  	_ =	swait.ge [sflag:s20], $0x4000  }
0x94: {  	[sflag:s20] =	ssyncset.done $0x0  }
0x95: {  	[sflag:s20] =	ssyncadd.s32 $0xFFFFC000  }
0x96: {  	[hbm4b:s16+s4] =	stream.linear.scatter [tilespmem:s19], [sflag:$0x3], $0x4000, $0x38;
	[tilespmem:$0x1E800] =	vst v63  }
0x97: {  	_ =	swait.ge [sflag:s20], $0x4000  }
0x98: {  	[sflag:s20] =	ssyncset.done $0x0  }
0x99: {  	[sflag:s20] =	ssyncadd.s32 $0xFFFFC000  }
0x9a: {  	[tilespmem:s19], [sflag:$0x3] =	stream.linear.gather [spmem:s10], $0x4000, $0x38;
	[tilespmem:$0x1E800] =	vst v63  }
0x9b: {  	s30 =	sadd.s32 $0x1, s30;
	_ =	swait.ge [sflag:s20], $0x4000  }
0x9c: {  	p0 =	sne.s32 s30, s18;
	[sflag:s20] =	ssyncset.done $0x0  }
.Ltmp1:
0x9d: {  	[sflag:s20] =	ssyncadd.s32 $0xFFFFC000;
	(pc) =	sbr.rel @p0 .LBB2_1-.Ltmp1, $4  }
0x9e: {  	[hbm4b:s17+s4] =	stream.linear.scatter [tilespmem:s19], [sflag:$0x3], $0x4000, $0x38;
	[tilespmem:$0x1E800] =	vst v63  }
0x9f: {  	_ =	swait.ge [sflag:s20], $0x4000  }
0xa0: {  	[sflag:s20] =	ssyncset.done $0x0  }
0xa1: {  	[sflag:s20] =	ssyncadd.s32 $0xFFFFC000  }
0xa2: {  	_ =	sfence.sel $0x180000  }
0xa3: {  	[bflag:$0x0] =	sbarrier.arrive $0xFFFF  }
0xa4: {  	_ =	strace $0x90000047  }
0xa5: {  	s0 =	stileid.u32;
	[bflag:$0x2] =	sbarrier.arrive $0xFFFF  }
0xa6: {  	p0 =	sne.s32 s0, $0x0;
	s0 =	rddreg [dreg:$0x3]  }
0xa7: {  	s0 =	sadd.s32 @!p0 $0x100000, s0  }
0xa8: {  	[sflag:s0] =	ssyncadd.tile.s32 @!p0 $0x1;
	_ =	shalt  }
.Lfunc_end2:
_tile_overlayer_lowered:
.L_overlay_start_2:
0xa9: {  	(tag) =	ssettag $0x2  }
0xaa: {  	s0 =	rddreg [dreg:$0x0];
	s2 =	stileid.u32  }
0xab: {  	s1 =	rddreg [dreg:$0x1];
	p0 =	sne.s32 s2, $0x0  }
0xac: {  	s3 =	rddreg [dreg:$0x2];
	[bflag:$0x3] =	sbarrier.arrive $0xFFFF;
	s2 =	simm.s32 @!p0 $0x1C03  }
0xad: {  	[timem:s3], [sflag:s2] =	dma.local @!p0 [hbm:s0], s1  }
0xae: {  	s0 =	simm.s32 @!p0 $0x3  }
0xaf: {  	_ =	swait.ge @!p0 [sflag:s0], s1  }
0xb0: {  	s1 =	ssub.s32 @!p0 $0x0, s1;
	[sflag:s0] =	ssyncset.done @!p0 $0x0  }
0xb1: {  	[sflag:s0] =	ssyncadd.s32 @!p0 s1  }
0xb2: {  	[bflag:$0x3] =	sbarrier.arrive $0xFFFF  }
0xb3: {  	_ =	shalt  }

// kernel: sc_agg.8.cloned.1.call-start
scs
__scs_entry_jumppad:
0x0: {  	(pc) =	sbr.rel $0x88, $3  }
0x1: {  	(tag) =	ssettag $0x0;
	lr =	simm.s32 $0x1  }
0x2: {  	[smem:$0x3F8B] =	sst lr;
	_ =	strace $0xD0000000  }
0x3: {  	_ = 	snop  }
0x4: {  	_ = 	snop  }
0x5: {  	_ = 	snop  }
0x6: {  	_ = 	snop  }
0x7: {  	_ = 	snop  }
__scs_overlays_trampoline_lowered:
0x8: {  	[smem:$0x3F9A] =	sst s0  }
0x9: {  	[smem:$0x3F9B] =	sst s1  }
0xa: {  	[smem:$0x3F9C] =	sst s2  }
0xb: {  	[smem:$0x3F9D] =	sst s3  }
0xc: {  	[smem:$0x3F9E] =	sst s4  }
0xd: {  	[smem:$0x3F9F] =	sst s5  }
0xe: {  	[smem:$0x3FA0] =	sst s6  }
0xf: {  	[smem:$0x3FA1] =	sst s7  }
0x10: {  	[smem:$0x3FA2] =	sst s8  }
0x11: {  	[smem:$0x3FA3] =	sst s9;
	s0 =	simm.s32 @!p0 $0x0  }
0x12: {  	s1 =	sld [smem:$0x3F89];
	s0 =	simm.s32 @p0 $0x1  }
0x13: {  	[smem:$0x3FA4] =	sst s0;
	s0 =	simm.s32 @!p1 $0x0  }
0x14: {  	s2 =	sld [smem:$0x3F88];
	s0 =	simm.s32 @p1 $0x1  }
0x15: {  	[smem:$0x3FA5] =	sst s0;
	s0 =	simm.s32 @!p2 $0x0  }
0x16: {  	s3 =	sld [smem:$0x3FDB];
	s0 =	simm.s32 @p2 $0x1  }
0x17: {  	s4 =	simm.s32 $0x1BF5;
	[smem:$0x3FA7] =	sst s0  }
0x18: {  	s0 =	sld [smem:$0x3F8A];
	_ =	swait.ge [sflag:s4], $0x0  }
0x19: {  	s7 =	sld [smem:$0x3F8B]  }
0x1a: {  	s8 =	sadd.s32 $0xFFFFE003, lr  }
0x1b: {  	s9 =	sadd.s32 $0xFFFFFEF7, lr;
	s5 =	simm.s32 $0xFFFFFFFF;
	p2 =	slt.u32 s8, $0xFFFFF086  }
0x1c: {  	p1 =	slt.u32 s9, $0xF7A;
	s5 =	simm.s32 @!p2 $0x0  }
0x1d: {  	s5 =	simm.s32 @p1 $0x1;
	p0 =	seq.s32 s7, s2  }
0x1e: {  	s7 =	smul.u32 @!p0 $0xF7A, s2;
	p2 =	seq.s32 @!p0 s5, $0x0  }
0x1f: {  	s9 =	smul.u32 $0xF7A, s1;
	s8 =	simm.s32 @!p0 $0x1BF5;
	p2 =	por !p2, p0  }
0x20: {  	[sflag:s8] =	ssyncset.s32 @!p0 $0xFFFFF086;
	s6 =	sadd.s32 @!p0 s3, s7;
	s7 =	simm.s32 @!p0 $0x108  }
0x21: {  	s3 =	sadd.s32 s3, s9;
	s6 =	sadd.s32 @!p0 $0x88, s6;
	s7 =	simm.s32 @p2 $0x1082  }
0x22: {  	[simem:s7], [sflag:s8] =	dma.local @!p0 [hbm:s6], $0xF7A  }
0x23: {  	s9 =	sor.u32 $0xD0000000, s2;
	s6 =	simm.s32 $0x108;
	_ =	swait.ge @!p0 [sflag:s8], $0x0  }
0x24: {  	s3 =	sadd.s32 $0x88, s3;
	s6 =	simm.s32 @!p1 $0x1082;
	[sflag:s4] =	ssyncset.s32 $0xFFFFF086  }
0x25: {  	[simem:s6], [sflag:s4] =	dma.local [hbm:s3], $0xF7A  }
0x26: {  	[smem:$0x3F8B] =	sst s1;
	(tag) =	ssettag s2;
	_ =	strace s9  }
0x27: {  	s1 =	sld [smem:$0x3F9B]  }
0x28: {  	s2 =	sld [smem:$0x3F9C]  }
0x29: {  	s4 =	sld [smem:$0x3F9E]  }
0x2a: {  	p0 =	seq.s32 s5, $0x0;
	s5 =	sld [smem:$0x3F9F]  }
0x2b: {  	s6 =	sld [smem:$0x3FA0]  }
0x2c: {  	s7 =	sld [smem:$0x3FA1]  }
0x2d: {  	s3 =	simm.s32 $0x108;
	s8 =	sld [smem:$0x3FA2]  }
0x2e: {  	s3 =	simm.s32 @!p0 $0x1082;
	s9 =	sld [smem:$0x3FA3]  }
0x2f: {  	lr =	sadd.s32 s0, s3;
	s0 =	sld [smem:$0x3F9A]  }
0x30: {  	s3 =	sld [smem:$0x3F9D]  }
0x31: {  	[smem:$0x3FA6] =	sst s10  }
0x32: {  	s10 =	sld [smem:$0x3FA4];
	_ =	sdelay $0x3  }
0x33: {  	p0 =	seq.s32 s10, $0x1;
	s10 =	sld [smem:$0x3FA6];
	_ =	sdelay $0x3  }
0x34: {  	[smem:$0x3FA6] =	sst s10  }
0x35: {  	s10 =	sld [smem:$0x3FA5];
	_ =	sdelay $0x3  }
0x36: {  	p1 =	seq.s32 s10, $0x1;
	s10 =	sld [smem:$0x3FA6];
	_ =	sdelay $0x3  }
0x37: {  	[smem:$0x3FA6] =	sst s10  }
0x38: {  	s10 =	sld [smem:$0x3FA7]  }
0x39: {  	_ = 	snop;
	(pc) =	sbr.ind lr, $3  }
0x3a: {  	_ = 	snop  }
0x3b: {  	_ = 	snop  }
0x3c: {  	p2 =	seq.s32 s10, $0x1;
	s10 =	sld [smem:$0x3FA6]  }
0x3d: {  	_ =	shalt  }
0x3e: {  	_ =	shalt  }
0x3f: {  	_ =	shalt  }
0x40: {  	_ =	shalt  }
0x41: {  	_ =	shalt  }
0x42: {  	_ =	shalt  }
0x43: {  	_ =	shalt  }
0x44: {  	_ =	shalt  }
0x45: {  	_ =	shalt  }
0x46: {  	_ =	shalt  }
0x47: {  	_ =	shalt  }
0x48: {  	_ =	shalt  }
0x49: {  	_ =	shalt  }
0x4a: {  	_ =	shalt  }
0x4b: {  	_ =	shalt  }
0x4c: {  	_ =	shalt  }
0x4d: {  	_ =	shalt  }
0x4e: {  	_ =	shalt  }
0x4f: {  	_ =	shalt  }
0x50: {  	_ =	shalt  }
0x51: {  	_ =	shalt  }
0x52: {  	_ =	shalt  }
0x53: {  	_ =	shalt  }
0x54: {  	_ =	shalt  }
0x55: {  	_ =	shalt  }
0x56: {  	_ =	shalt  }
0x57: {  	_ =	shalt  }
0x58: {  	_ =	shalt  }
0x59: {  	_ =	shalt  }
0x5a: {  	_ =	shalt  }
0x5b: {  	_ =	shalt  }
0x5c: {  	_ =	shalt  }
0x5d: {  	_ =	shalt  }
0x5e: {  	_ =	shalt  }
0x5f: {  	_ =	shalt  }
0x60: {  	_ =	shalt  }
0x61: {  	_ =	shalt  }
0x62: {  	_ =	shalt  }
0x63: {  	_ =	shalt  }
0x64: {  	_ =	shalt  }
0x65: {  	_ =	shalt  }
0x66: {  	_ =	shalt  }
0x67: {  	_ =	shalt  }
0x68: {  	_ =	shalt  }
0x69: {  	_ =	shalt  }
0x6a: {  	_ =	shalt  }
0x6b: {  	_ =	shalt  }
0x6c: {  	_ =	shalt  }
0x6d: {  	_ =	shalt  }
0x6e: {  	_ =	shalt  }
0x6f: {  	_ =	shalt  }
0x70: {  	_ =	shalt  }
0x71: {  	_ =	shalt  }
0x72: {  	_ =	shalt  }
0x73: {  	_ =	shalt  }
0x74: {  	_ =	shalt  }
0x75: {  	_ =	shalt  }
0x76: {  	_ =	shalt  }
0x77: {  	_ =	shalt  }
0x78: {  	_ =	shalt  }
0x79: {  	_ =	shalt  }
0x7a: {  	_ =	shalt  }
0x7b: {  	_ =	shalt  }
0x7c: {  	_ =	shalt  }
0x7d: {  	_ =	shalt  }
0x7e: {  	_ =	shalt  }
0x7f: {  	_ =	shalt  }
0x80: {  	_ =	shalt  }
0x81: {  	_ =	shalt  }
0x82: {  	_ =	shalt  }
0x83: {  	_ =	shalt  }
0x84: {  	_ =	shalt  }
0x85: {  	_ =	shalt  }
0x86: {  	_ =	shalt  }
0x87: {  	_ =	shalt  }
.Lfunc_end0:
.L_simem_size_0:
called_computation.2_lowered:
.L_overlay_start_0:
0x88: {  	s2 =	sld [smem:$0x3FD9]  }
0x89: {  	s3 =	sld [smem:$0x3FFE];
	_ =	sdelay $0x1  }
0x8a: {  	s1 =	srdreg.scid  }
0x8b: {  	s0 =	sand.u32 $0x1, s1  }
0x8c: {  	s17 =	sshll.u32 s0, $0xA;
	s2 =	sadd.s32 s3, s2  }
0x8d: {  	s2 =	sadd.s32 s2, s17  }
0x8e: {  	[smem:$0x3FB2] =	sst s2  }
0x8f: {  	_ = 	snop  }
0x90: {  	s2 =	sld [smem:$0x3FD0];
	(tm) =	ssettm $0x1  }
0x91: {  	s18 =	sld [smem:$0x3FFB];
	_ =	sdelay $0x3  }
0x92: {  	_ =	strace s18  }
0x93: {  	s3 =	sld [smem:$0x3FFC];
	_ =	sdelay $0x3  }
0x94: {  	_ =	strace s3  }
0x95: {  	s3 =	sld [smem:$0x3FFD];
	_ =	sdelay $0x3  }
0x96: {  	_ =	strace s3  }
0x97: {  	_ =	strace $0x8FFFFFFF  }
0x98: {  	s19 =	sld [smem:$0x3FDB];
	_ =	sdelay $0x1  }
0x99: {  	s4 =	simm.s32 $_scs_section_size  }
0x9a: {  	s5 =	simm.s32 $_size__tile_overlayer_lowered;
	s6 =	simm.s32 $_tile_overlayer_lowered  }
0x9b: {  	s22 =	simm.s32 $0x1BFF;
	s21 =	sshll.u32 s6, $0x1;
	s3 =	sadd.s32 s4, s19  }
0x9c: {  	s7 =	simm.s32 $0x0;
	s20 =	sshll.u32 s5, $0x1;
	s5 =	sadd.s32 s21, s3  }
0x9d: {  	[timem:s7], [sflag:s22] =	dma.local [hbm:s5], s20  }
0x9e: {  	_ =	swait.ge [sflag:s22], s20  }
0x9f: {  	s4 =	ssub.s32 $0x0, s20;
	[sflag:s22] =	ssyncset.done $0x0  }
0xa0: {  	[sflag:s22] =	ssyncadd.s32 s4;
	_ =	sdelay $0x1  }
0xa1: {  	s23 =	simm.s32 $0x1B8B  }
0xa2: {  	_ =	swait.ge [sflag:s23], $0x1  }
0xa3: {  	[sflag:s23] =	ssyncset.done $0x0  }
0xa4: {  	s25 =	simm.s32 $0x1B8E;
	s24 =	sld [smem:$0x3FFE];
	[sflag:s23] =	ssyncadd.s32 $0xFFFFFFFF  }
0xa5: {  	s26 =	simm.s32 $execute0_lowered;
	[smem:$0x3FD2] =	sst s25  }
0xa6: {  	s5 =	sshll.u32 s26, $0x1;
	_ =	strace $0x8000004C;
	[dreg:$0x1] =	wrdreg $0xFFFFFFFF  }
0xa7: {  	s28 =	simm.s32 $_size_execute0_lowered;
	s3 =	sadd.s32 s3, s5;
	[dreg:$0x0] =	wrdreg $0x0  }
0xa8: {  	s5 =	sshll.u32 s28, $0x1;
	[dreg:$0x2] =	wrdreg s3  }
0xa9: {  	[dreg:$0x3] =	wrdreg s5  }
0xaa: {  	[dreg:$0x4] =	wrdreg $0xC0  }
0xab: {  	_ =	task [dreg:s7], $0x5FFFF  }
0xac: {  	[dreg:$0x1] =	wrdreg $0xFFFFFFFF  }
0xad: {  	[dreg:$0x0] =	wrdreg $0x60  }
0xae: {  	[dreg:$0x2] =	wrdreg s24  }
0xaf: {  	[dreg:$0x3] =	wrdreg s2  }
0xb0: {  	[dreg:$0x4] =	wrdreg $0xA8000  }
0xb1: {  	[dreg:$0x5] =	wrdreg $0x9  }
0xb2: {  	_ =	task.clear_ibuf [dreg:s7], $0x6FFFF;
	_ =	strace $0x9000004C  }
0xb3: {  	s29 =	simm.s32 $0x9;
	_ =	strace $0x8000004E  }
0xb4: {  	_ =	swait.ge [sflag:s29], $0x1  }
0xb5: {  	[sflag:s29] =	ssyncadd.s32 $0xFFFFFFFF  }
0xb6: {  	_ =	strace $0x9000004E  }
0xb7: {  	_ =	sfence  }
0xb8: {  	s30 =	sld [smem:$0x0];
	_ =	sdelay $0x2  }
0xb9: {  	s31 =	sshll.u32 s1, $0xD;
	s1 =	sshrl.u32 s1, $0x2  }
0xba: {  	s3 =	sand.u32 $0x4000, s31;
	s1 =	sadd.s32 s1, s30  }
0xbb: {  	s0 =	sor.u32 s3, s0;
	s1 =	sshll.u32 s1, $0x11  }
0xbc: {  	s0 =	sor.u32 s1, s0  }
0xbd: {  	s0 =	sadd.s32 $0x8F2B, s0  }
0xbe: {  	[sflag:s0] =	ssyncadd.remote.s32 $0x1  }
0xbf: {  	_ =	sfence.sel $0xFFFF  }
0xc0: {  	[dreg:$0x0] =	wrdreg $0xFFFFFFFF;
	(pc) =	sbr.abs _section_cstart, $3  }
0xc1: {  	[dreg:$0x1] =	wrdreg $0xFFFFFFFF  }
0xc2: {  	_ =	task.clear_ibuf [dreg:s7], $0x2FFFF;
	_ =	strace $0x9FFFFFFF  }
0xc3: {  	(tm) =	ssettm $0x7FFFFFFF  }
tec
execute0_lowered:
.L_overlay_start_1:
0x0: {  	(tag) =	ssettag $0x1  }
0x1: {  	s1 =	rddreg [dreg:$0x0]  }
0x2: {  	s3 =	srdreg.scid;
	s0 =	stileid.u32;
	s22 =	simm.s32 $0x80  }
0x3: {  	s23 =	simm.s32 $0x6800;
	s24 =	simm.s32 $0x1;
	s25 =	simm.s32 $0x2  }
0x4: {  	s26 =	simm.s32 $0x1380;
	s28 =	simm.s32 $0x2700;
	s29 =	simm.s32 $0x2780  }
0x5: {  	s30 =	simm.s32 $0x0;
	s8 =	sand.u32 $0x1, s3;
	s6 =	smul.u32 $0x50000, s0  }
0x6: {  	s4 =	sshll.u32 s0, $0x1;
	s3 =	rddreg [dreg:$0x2];
	s11 =	smul.u32 $0x14000, s0  }
0x7: {  	s5 =	sor.u32 s8, s4;
	s4 =	simm.s32 $0x0;
	s17 =	smul.u32 $0x140000, s8  }
0x8: {  	s7 =	ssub.s32 $0x2, s8;
	s5 =	smul.u32 $0x280, s5;
	[smem:$0x7FF] =	sst s4  }
0x9: {  	s9 =	sshrl.u32 s7, $0x1;
	s6 =	sshrl.u32 s6, $0x2;
	s13 =	sadd.s32 $0x4000, s11  }
0xa: {  	s15 =	sadd.s32 $0x8000, s11;
	s16 =	sadd.s32 $0xC000, s11;
	s19 =	sadd.s32 $0x10000, s11  }
0xb: {  	_ =	strace $0x8000004D;
	s18 =	ssub.s32 s7, s9;
	s6 =	sadd.s32 s6, s3  }
0xc: {  	s7 =	sadd.s32 s13, s3;
	s8 =	sadd.s32 s15, s3;
	s9 =	sadd.s32 s16, s3  }
0xd: {  	s10 =	sadd.s32 s19, s3;
	s14 =	sadd.s32 s11, s17;
	s13 =	sadd.s32 s17, s13  }
0xe: {  	s15 =	sadd.s32 s17, s15;
	s16 =	sadd.s32 s17, s16;
	s17 =	sadd.s32 s17, s19  }
0xf: {  	s19 =	simm.s32 $0x2800;
	s12 =	sadd.s32 s5, s1;
	s5 =	sadd.s32 $0xFC00, s1  }
0x10: {  	s1 =	sadd.s32 $0x36E00, s1;
	s14 =	sshrl.u32 s14, $0x3;
	s20 =	sshrl.u32 s13, $0x3  }
0x11: {  	s15 =	sshrl.u32 s15, $0x3;
	s16 =	sshrl.u32 s16, $0x3;
	s17 =	sshrl.u32 s17, $0x3  }
0x12: {  	s18 =	smax.u32 s18, $0x1;
	s11 =	sadd.s32 $0x5C00, s12;
	s12 =	sadd.s32 $0xAC00, s12  }
0x13: {  	s13 =	sadd.s32 s1, s14;
	s14 =	sadd.s32 s1, s20;
	s15 =	sadd.s32 s1, s15  }
0x14: {  	s16 =	sadd.s32 s1, s16;
	s17 =	sadd.s32 s1, s17;
	s20 =	simm.s32 $0x3  }
.LBB2_1:
0x15: {  	s0 =	rddreg [dreg:$0x1]  }
0x16: {  	[tilespmem:s19], [sflag:$0x3] =	stream.linear.gather [hbm4b:s0+s4], $0x4000, $0x38;
	[tilespmem:$0x1E800] =	vst v63  }
0x17: {  	_ =	swait.ge [sflag:s20], $0x4000  }
0x18: {  	[sflag:s20] =	ssyncset.done $0x0  }
0x19: {  	[sflag:s20] =	ssyncadd.s32 $0xFFFFC000  }
0x1a: {  	[spmem:s6] =	stream.linear.scatter [tilespmem:s19], [sflag:$0x3], $0x4000, $0x38;
	[tilespmem:$0x1E800] =	vst v63  }
0x1b: {  	_ =	swait.ge [sflag:s20], $0x4000  }
0x1c: {  	[sflag:s20] =	ssyncset.done $0x0  }
0x1d: {  	[sflag:s20] =	ssyncadd.s32 $0xFFFFC000  }
0x1e: {  	[spmem:s7] =	stream.linear.scatter [tilespmem:s19], [sflag:$0x3], $0x4000, $0x38;
	[tilespmem:$0x1E800] =	vst v63  }
0x1f: {  	_ =	swait.ge [sflag:s20], $0x4000  }
0x20: {  	[sflag:s20] =	ssyncset.done $0x0  }
0x21: {  	[sflag:s20] =	ssyncadd.s32 $0xFFFFC000  }
0x22: {  	[spmem:s8] =	stream.linear.scatter [tilespmem:s19], [sflag:$0x3], $0x4000, $0x38;
	[tilespmem:$0x1E800] =	vst v63  }
0x23: {  	_ =	swait.ge [sflag:s20], $0x4000  }
0x24: {  	[sflag:s20] =	ssyncset.done $0x0  }
0x25: {  	[sflag:s20] =	ssyncadd.s32 $0xFFFFC000  }
0x26: {  	[spmem:s9] =	stream.linear.scatter [tilespmem:s19], [sflag:$0x3], $0x4000, $0x38;
	[tilespmem:$0x1E800] =	vst v63  }
0x27: {  	_ =	swait.ge [sflag:s20], $0x4000  }
0x28: {  	[sflag:s20] =	ssyncset.done $0x0  }
0x29: {  	[sflag:s20] =	ssyncadd.s32 $0xFFFFC000  }
0x2a: {  	[spmem:s10] =	stream.linear.scatter [tilespmem:s19], [sflag:$0x3], $0x4000, $0x38;
	[tilespmem:$0x1E800] =	vst v63  }
0x2b: {  	_ =	swait.ge [sflag:s20], $0x4000  }
0x2c: {  	[sflag:s20] =	ssyncset.done $0x0  }
0x2d: {  	[sflag:s20] =	ssyncadd.s32 $0xFFFFC000  }
0x2e: {  	[tilespmem:s4], [sflag:$0x3] =	stream.linear.gather [hbm4b:s11+s4], $0x1400, $0x38;
	[tilespmem:$0x1E800] =	vst v63  }
0x2f: {  	_ =	swait.ge [sflag:s20], $0x1400  }
0x30: {  	[sflag:s20] =	ssyncset.done $0x0  }
0x31: {  	s21 =	simm.s32 $0x1400;
	[sflag:s20] =	ssyncadd.s32 $0xFFFFEC00  }
0x32: {  	[tilespmem:s21], [sflag:$0x3] =	stream.linear.gather [hbm4b:s12+s4], $0x1400, $0x38;
	[tilespmem:$0x1E800] =	vst v63  }
0x33: {  	_ =	swait.ge [sflag:s20], $0x1400  }
0x34: {  	[sflag:s20] =	ssyncset.done $0x0  }
0x35: {  	[sflag:s20] =	ssyncadd.s32 $0xFFFFEC00  }
0x36: {  	[bflag:$0x0] =	sbarrier.arrive $0xFFFF  }
0x37: {  	[tilespmem:s19], [sflag:$0x1] =	stream.indirect.gather [hbm4b:s5+s22], $0x80, s4, s22, $0xb8;
	[tilespmem:$0x1E800] =	vst v63  }
0x38: {  	s1 =	simm.s32 $0x80  }
0x39: {  	[tilespmem:s23], [sflag:$0x2] =	stream.indirect.gather [hbm4b:s5+s22], $0x80, s1, s22, $0xb8;
	[tilespmem:$0x1E800] =	vst v63  }
0x3a: {  	_ =	swait.ge [sflag:s24], $0x4000  }
0x3b: {  	[sflag:s24] =	ssyncset.done $0x0  }
0x3c: {  	s0 =	simm.s32 $0x1400;
	[sflag:s24] =	ssyncadd.s32 $0xFFFFC000  }
0x3d: {  	[spmem:s3] =	stream.indirect.scatter.add.f32 [tilespmem:s19], [sflag:$0x3], $0x80, s0, s22, $0xb8;
	[tilespmem:$0x1E800] =	vst v63  }
0x3e: {  	_ =	swait.ge [sflag:s20], $0x4000  }
0x3f: {  	[sflag:s20] =	ssyncset.done $0x0  }
0x40: {  	s2 =	simm.s32 $0x100;
	[sflag:s20] =	ssyncadd.s32 $0xFFFFC000  }
0x41: {  	[tilespmem:s19], [sflag:$0x1] =	stream.indirect.gather [hbm4b:s5+s22], $0x80, s2, s22, $0xb8;
	[tilespmem:$0x1E800] =	vst v63  }
0x42: {  	_ =	swait.ge [sflag:s25], $0x4000  }
0x43: {  	[sflag:s25] =	ssyncset.done $0x0  }
0x44: {  	s21 =	simm.s32 $0x1480;
	[sflag:s25] =	ssyncadd.s32 $0xFFFFC000  }
0x45: {  	[spmem:s3] =	stream.indirect.scatter.add.f32 [tilespmem:s23], [sflag:$0x3], $0x80, s21, s22, $0xb8;
	[tilespmem:$0x1E800] =	vst v63  }
0x46: {  	_ =	swait.ge [sflag:s20], $0x4000  }
0x47: {  	s31 =	simm.s32 $0x100;
	s1 =	simm.s32 $0x800;
	[sflag:s20] =	ssyncset.done $0x0  }
.LBB2_2:
0x48: {  	s0 =	sadd.s32 $0x80, s31  }
0x49: {  	[sflag:s20] =	ssyncadd.s32 $0xFFFFC000;
	s2 =	smov.u32 s1;
	s21 =	sadd.s32 $0x400, s1  }
0x4a: {  	[tilespmem:s23], [sflag:$0x2] =	stream.indirect.gather [hbm4b:s5+s22], $0x80, s0, s22, $0xb8;
	[tilespmem:$0x1E800] =	vst v63  }
0x4b: {  	p0 =	sne.s32 s1, $0x4800;
	_ =	swait.ge [sflag:s24], $0x4000  }
0x4c: {  	[sflag:s24] =	ssyncset.done $0x0  }
0x4d: {  	s0 =	sadd.s32 $0x1400, s31;
	[sflag:s24] =	ssyncadd.s32 $0xFFFFC000  }
0x4e: {  	[spmem:s3] =	stream.indirect.scatter.add.f32 [tilespmem:s19], [sflag:$0x3], $0x80, s0, s22, $0xb8;
	[tilespmem:$0x1E800] =	vst v63  }
0x4f: {  	_ =	swait.ge [sflag:s20], $0x4000  }
0x50: {  	[sflag:s20] =	ssyncset.done $0x0  }
0x51: {  	s0 =	sadd.s32 $0x100, s31;
	[sflag:s20] =	ssyncadd.s32 $0xFFFFC000  }
0x52: {  	[tilespmem:s19], [sflag:$0x1] =	stream.indirect.gather [hbm4b:s5+s22], $0x80, s0, s22, $0xb8;
	[tilespmem:$0x1E800] =	vst v63  }
0x53: {  	_ =	swait.ge [sflag:s25], $0x4000  }
.Ltmp0:
0x54: {  	[sflag:s25] =	ssyncset.done $0x0;
	(pc) =	sbr.rel @p0 .LBB2_2-.Ltmp0, $4  }
0x55: {  	s0 =	sadd.s32 $0x1480, s31;
	[sflag:s25] =	ssyncadd.s32 $0xFFFFC000  }
0x56: {  	[spmem:s3] =	stream.indirect.scatter.add.f32 [tilespmem:s23], [sflag:$0x3], $0x80, s0, s22, $0xb8;
	[tilespmem:$0x1E800] =	vst v63  }
0x57: {  	_ =	swait.ge [sflag:s20], $0x4000  }
0x58: {  	s1 =	smov.u32 s21;
	s31 =	sshra.s32 s2, $0x2;
	[sflag:s20] =	ssyncset.done $0x0  }
0x59: {  	s0 =	sadd.s32 $0x80, s31;
	[sflag:s20] =	ssyncadd.s32 $0xFFFFC000  }
0x5a: {  	[tilespmem:s23], [sflag:$0x2] =	stream.indirect.gather [hbm4b:s5+s22], $0x80, s0, s22, $0xb8;
	[tilespmem:$0x1E800] =	vst v63  }
0x5b: {  	_ =	swait.ge [sflag:s24], $0x4000  }
0x5c: {  	[sflag:s24] =	ssyncset.done $0x0  }
0x5d: {  	s2 =	sadd.s32 $0x1400, s31;
	[sflag:s24] =	ssyncadd.s32 $0xFFFFC000  }
0x5e: {  	[spmem:s3] =	stream.indirect.scatter.add.f32 [tilespmem:s19], [sflag:$0x3], $0x80, s2, s22, $0xb8;
	[tilespmem:$0x1E800] =	vst v63  }
0x5f: {  	_ =	swait.ge [sflag:s20], $0x4000  }
0x60: {  	[sflag:s20] =	ssyncset.done $0x0  }
0x61: {  	s21 =	sadd.s32 $0x100, s31;
	[sflag:s20] =	ssyncadd.s32 $0xFFFFC000  }
0x62: {  	[tilespmem:s19], [sflag:$0x1] =	stream.indirect.gather [hbm4b:s5+s22], $0x80, s21, s22, $0xb8;
	[tilespmem:$0x1E800] =	vst v63  }
0x63: {  	_ =	swait.ge [sflag:s25], $0x4000  }
0x64: {  	[sflag:s25] =	ssyncset.done $0x0  }
0x65: {  	s31 =	sadd.s32 $0x1480, s31;
	[sflag:s25] =	ssyncadd.s32 $0xFFFFC000  }
0x66: {  	[spmem:s3] =	stream.indirect.scatter.add.f32 [tilespmem:s23], [sflag:$0x3], $0x80, s31, s22, $0xb8;
	[tilespmem:$0x1E800] =	vst v63  }
0x67: {  	_ =	swait.ge [sflag:s20], $0x4000  }
0x68: {  	[sflag:s20] =	ssyncset.done $0x0  }
0x69: {  	[sflag:s20] =	ssyncadd.s32 $0xFFFFC000  }
0x6a: {  	[tilespmem:s23], [sflag:$0x2] =	stream.indirect.gather [hbm4b:s5+s22], $0x80, s26, s22, $0xb8;
	[tilespmem:$0x1E800] =	vst v63  }
0x6b: {  	_ =	swait.ge [sflag:s24], $0x4000  }
0x6c: {  	[sflag:s24] =	ssyncset.done $0x0  }
0x6d: {  	[sflag:s24] =	ssyncadd.s32 $0xFFFFC000  }
0x6e: {  	[spmem:s3] =	stream.indirect.scatter.add.f32 [tilespmem:s19], [sflag:$0x3], $0x80, s28, s22, $0xb8;
	[tilespmem:$0x1E800] =	vst v63  }
0x6f: {  	_ =	swait.ge [sflag:s20], $0x4000  }
0x70: {  	[sflag:s20] =	ssyncset.done $0x0  }
0x71: {  	[sflag:s20] =	ssyncadd.s32 $0xFFFFC000  }
0x72: {  	_ =	swait.ge [sflag:s25], $0x4000  }
0x73: {  	[sflag:s25] =	ssyncset.done $0x0  }
0x74: {  	[sflag:s25] =	ssyncadd.s32 $0xFFFFC000  }
0x75: {  	[spmem:s3] =	stream.indirect.scatter.add.f32 [tilespmem:s23], [sflag:$0x3], $0x80, s29, s22, $0xb8;
	[tilespmem:$0x1E800] =	vst v63  }
0x76: {  	_ =	swait.ge [sflag:s20], $0x4000  }
0x77: {  	[sflag:s20] =	ssyncset.done $0x0  }
0x78: {  	[sflag:s20] =	ssyncadd.s32 $0xFFFFC000  }
0x79: {  	[bflag:$0x0] =	sbarrier.arrive $0xFFFF  }
0x7a: {  	[tilespmem:s19], [sflag:$0x3] =	stream.linear.gather [spmem:s6], $0x4000, $0x38;
	[tilespmem:$0x1E800] =	vst v63  }
0x7b: {  	_ =	swait.ge [sflag:s20], $0x4000  }
0x7c: {  	[sflag:s20] =	ssyncset.done $0x0  }
0x7d: {  	[sflag:s20] =	ssyncadd.s32 $0xFFFFC000  }
0x7e: {  	[hbm4b:s13+s4] =	stream.linear.scatter [tilespmem:s19], [sflag:$0x3], $0x4000, $0x38;
	[tilespmem:$0x1E800] =	vst v63  }
0x7f: {  	_ =	swait.ge [sflag:s20], $0x4000  }
0x80: {  	[sflag:s20] =	ssyncset.done $0x0  }
0x81: {  	[sflag:s20] =	ssyncadd.s32 $0xFFFFC000  }
0x82: {  	[tilespmem:s19], [sflag:$0x3] =	stream.linear.gather [spmem:s7], $0x4000, $0x38;
	[tilespmem:$0x1E800] =	vst v63  }
0x83: {  	_ =	swait.ge [sflag:s20], $0x4000  }
0x84: {  	[sflag:s20] =	ssyncset.done $0x0  }
0x85: {  	[sflag:s20] =	ssyncadd.s32 $0xFFFFC000  }
0x86: {  	[hbm4b:s14+s4] =	stream.linear.scatter [tilespmem:s19], [sflag:$0x3], $0x4000, $0x38;
	[tilespmem:$0x1E800] =	vst v63  }
0x87: {  	_ =	swait.ge [sflag:s20], $0x4000  }
0x88: {  	[sflag:s20] =	ssyncset.done $0x0  }
0x89: {  	[sflag:s20] =	ssyncadd.s32 $0xFFFFC000  }
0x8a: {  	[tilespmem:s19], [sflag:$0x3] =	stream.linear.gather [spmem:s8], $0x4000, $0x38;
	[tilespmem:$0x1E800] =	vst v63  }
0x8b: {  	_ =	swait.ge [sflag:s20], $0x4000  }
0x8c: {  	[sflag:s20] =	ssyncset.done $0x0  }
0x8d: {  	[sflag:s20] =	ssyncadd.s32 $0xFFFFC000  }
0x8e: {  	[hbm4b:s15+s4] =	stream.linear.scatter [tilespmem:s19], [sflag:$0x3], $0x4000, $0x38;
	[tilespmem:$0x1E800] =	vst v63  }
0x8f: {  	_ =	swait.ge [sflag:s20], $0x4000  }
0x90: {  	[sflag:s20] =	ssyncset.done $0x0  }
0x91: {  	[sflag:s20] =	ssyncadd.s32 $0xFFFFC000  }
0x92: {  	[tilespmem:s19], [sflag:$0x3] =	stream.linear.gather [spmem:s9], $0x4000, $0x38;
	[tilespmem:$0x1E800] =	vst v63  }
0x93: {  	_ =	swait.ge [sflag:s20], $0x4000  }
0x94: {  	[sflag:s20] =	ssyncset.done $0x0  }
0x95: {  	[sflag:s20] =	ssyncadd.s32 $0xFFFFC000  }
0x96: {  	[hbm4b:s16+s4] =	stream.linear.scatter [tilespmem:s19], [sflag:$0x3], $0x4000, $0x38;
	[tilespmem:$0x1E800] =	vst v63  }
0x97: {  	_ =	swait.ge [sflag:s20], $0x4000  }
0x98: {  	[sflag:s20] =	ssyncset.done $0x0  }
0x99: {  	[sflag:s20] =	ssyncadd.s32 $0xFFFFC000  }
0x9a: {  	[tilespmem:s19], [sflag:$0x3] =	stream.linear.gather [spmem:s10], $0x4000, $0x38;
	[tilespmem:$0x1E800] =	vst v63  }
0x9b: {  	s30 =	sadd.s32 $0x1, s30;
	_ =	swait.ge [sflag:s20], $0x4000  }
0x9c: {  	p0 =	sne.s32 s30, s18;
	[sflag:s20] =	ssyncset.done $0x0  }
.Ltmp1:
0x9d: {  	[sflag:s20] =	ssyncadd.s32 $0xFFFFC000;
	(pc) =	sbr.rel @p0 .LBB2_1-.Ltmp1, $4  }
0x9e: {  	[hbm4b:s17+s4] =	stream.linear.scatter [tilespmem:s19], [sflag:$0x3], $0x4000, $0x38;
	[tilespmem:$0x1E800] =	vst v63  }
0x9f: {  	_ =	swait.ge [sflag:s20], $0x4000  }
0xa0: {  	[sflag:s20] =	ssyncset.done $0x0  }
0xa1: {  	[sflag:s20] =	ssyncadd.s32 $0xFFFFC000  }
0xa2: {  	_ =	sfence.sel $0x180000  }
0xa3: {  	[bflag:$0x0] =	sbarrier.arrive $0xFFFF  }
0xa4: {  	_ =	strace $0x9000004D  }
0xa5: {  	s0 =	stileid.u32;
	[bflag:$0x2] =	sbarrier.arrive $0xFFFF  }
0xa6: {  	p0 =	sne.s32 s0, $0x0;
	s0 =	rddreg [dreg:$0x3]  }
0xa7: {  	s0 =	sadd.s32 @!p0 $0x100000, s0  }
0xa8: {  	[sflag:s0] =	ssyncadd.tile.s32 @!p0 $0x1;
	_ =	shalt  }
.Lfunc_end2:
_tile_overlayer_lowered:
.L_overlay_start_2:
0xa9: {  	(tag) =	ssettag $0x2  }
0xaa: {  	s0 =	rddreg [dreg:$0x0];
	s2 =	stileid.u32  }
0xab: {  	s1 =	rddreg [dreg:$0x1];
	p0 =	sne.s32 s2, $0x0  }
0xac: {  	s3 =	rddreg [dreg:$0x2];
	[bflag:$0x3] =	sbarrier.arrive $0xFFFF;
	s2 =	simm.s32 @!p0 $0x1C03  }
0xad: {  	[timem:s3], [sflag:s2] =	dma.local @!p0 [hbm:s0], s1  }
0xae: {  	s0 =	simm.s32 @!p0 $0x3  }
0xaf: {  	_ =	swait.ge @!p0 [sflag:s0], s1  }
0xb0: {  	s1 =	ssub.s32 @!p0 $0x0, s1;
	[sflag:s0] =	ssyncset.done @!p0 $0x0  }
0xb1: {  	[sflag:s0] =	ssyncadd.s32 @!p0 s1  }
0xb2: {  	[bflag:$0x3] =	sbarrier.arrive $0xFFFF  }
0xb3: {  	_ =	shalt  }

// kernel: sc_deg.3.cloned.1.call-start
scs
__scs_entry_jumppad:
0x0: {  	(pc) =	sbr.rel $0x88, $3  }
0x1: {  	(tag) =	ssettag $0x0;
	lr =	simm.s32 $0x1  }
0x2: {  	[smem:$0x3F8B] =	sst lr;
	_ =	strace $0xD0000000  }
0x3: {  	_ = 	snop  }
0x4: {  	_ = 	snop  }
0x5: {  	_ = 	snop  }
0x6: {  	_ = 	snop  }
0x7: {  	_ = 	snop  }
__scs_overlays_trampoline_lowered:
0x8: {  	[smem:$0x3F9A] =	sst s0  }
0x9: {  	[smem:$0x3F9B] =	sst s1  }
0xa: {  	[smem:$0x3F9C] =	sst s2  }
0xb: {  	[smem:$0x3F9D] =	sst s3  }
0xc: {  	[smem:$0x3F9E] =	sst s4  }
0xd: {  	[smem:$0x3F9F] =	sst s5  }
0xe: {  	[smem:$0x3FA0] =	sst s6  }
0xf: {  	[smem:$0x3FA1] =	sst s7  }
0x10: {  	[smem:$0x3FA2] =	sst s8  }
0x11: {  	[smem:$0x3FA3] =	sst s9;
	s0 =	simm.s32 @!p0 $0x0  }
0x12: {  	s1 =	sld [smem:$0x3F89];
	s0 =	simm.s32 @p0 $0x1  }
0x13: {  	[smem:$0x3FA4] =	sst s0;
	s0 =	simm.s32 @!p1 $0x0  }
0x14: {  	s2 =	sld [smem:$0x3F88];
	s0 =	simm.s32 @p1 $0x1  }
0x15: {  	[smem:$0x3FA5] =	sst s0;
	s0 =	simm.s32 @!p2 $0x0  }
0x16: {  	s3 =	sld [smem:$0x3FDB];
	s0 =	simm.s32 @p2 $0x1  }
0x17: {  	s4 =	simm.s32 $0x1BF5;
	[smem:$0x3FA7] =	sst s0  }
0x18: {  	s0 =	sld [smem:$0x3F8A];
	_ =	swait.ge [sflag:s4], $0x0  }
0x19: {  	s7 =	sld [smem:$0x3F8B]  }
0x1a: {  	s8 =	sadd.s32 $0xFFFFE003, lr  }
0x1b: {  	s9 =	sadd.s32 $0xFFFFFEF7, lr;
	s5 =	simm.s32 $0xFFFFFFFF;
	p2 =	slt.u32 s8, $0xFFFFF086  }
0x1c: {  	p1 =	slt.u32 s9, $0xF7A;
	s5 =	simm.s32 @!p2 $0x0  }
0x1d: {  	s5 =	simm.s32 @p1 $0x1;
	p0 =	seq.s32 s7, s2  }
0x1e: {  	s7 =	smul.u32 @!p0 $0xF7A, s2;
	p2 =	seq.s32 @!p0 s5, $0x0  }
0x1f: {  	s9 =	smul.u32 $0xF7A, s1;
	s8 =	simm.s32 @!p0 $0x1BF5;
	p2 =	por !p2, p0  }
0x20: {  	[sflag:s8] =	ssyncset.s32 @!p0 $0xFFFFF086;
	s6 =	sadd.s32 @!p0 s3, s7;
	s7 =	simm.s32 @!p0 $0x108  }
0x21: {  	s3 =	sadd.s32 s3, s9;
	s6 =	sadd.s32 @!p0 $0x88, s6;
	s7 =	simm.s32 @p2 $0x1082  }
0x22: {  	[simem:s7], [sflag:s8] =	dma.local @!p0 [hbm:s6], $0xF7A  }
0x23: {  	s9 =	sor.u32 $0xD0000000, s2;
	s6 =	simm.s32 $0x108;
	_ =	swait.ge @!p0 [sflag:s8], $0x0  }
0x24: {  	s3 =	sadd.s32 $0x88, s3;
	s6 =	simm.s32 @!p1 $0x1082;
	[sflag:s4] =	ssyncset.s32 $0xFFFFF086  }
0x25: {  	[simem:s6], [sflag:s4] =	dma.local [hbm:s3], $0xF7A  }
0x26: {  	[smem:$0x3F8B] =	sst s1;
	(tag) =	ssettag s2;
	_ =	strace s9  }
0x27: {  	s1 =	sld [smem:$0x3F9B]  }
0x28: {  	s2 =	sld [smem:$0x3F9C]  }
0x29: {  	s4 =	sld [smem:$0x3F9E]  }
0x2a: {  	p0 =	seq.s32 s5, $0x0;
	s5 =	sld [smem:$0x3F9F]  }
0x2b: {  	s6 =	sld [smem:$0x3FA0]  }
0x2c: {  	s7 =	sld [smem:$0x3FA1]  }
0x2d: {  	s3 =	simm.s32 $0x108;
	s8 =	sld [smem:$0x3FA2]  }
0x2e: {  	s3 =	simm.s32 @!p0 $0x1082;
	s9 =	sld [smem:$0x3FA3]  }
0x2f: {  	lr =	sadd.s32 s0, s3;
	s0 =	sld [smem:$0x3F9A]  }
0x30: {  	s3 =	sld [smem:$0x3F9D]  }
0x31: {  	[smem:$0x3FA6] =	sst s10  }
0x32: {  	s10 =	sld [smem:$0x3FA4];
	_ =	sdelay $0x3  }
0x33: {  	p0 =	seq.s32 s10, $0x1;
	s10 =	sld [smem:$0x3FA6];
	_ =	sdelay $0x3  }
0x34: {  	[smem:$0x3FA6] =	sst s10  }
0x35: {  	s10 =	sld [smem:$0x3FA5];
	_ =	sdelay $0x3  }
0x36: {  	p1 =	seq.s32 s10, $0x1;
	s10 =	sld [smem:$0x3FA6];
	_ =	sdelay $0x3  }
0x37: {  	[smem:$0x3FA6] =	sst s10  }
0x38: {  	s10 =	sld [smem:$0x3FA7]  }
0x39: {  	_ = 	snop;
	(pc) =	sbr.ind lr, $3  }
0x3a: {  	_ = 	snop  }
0x3b: {  	_ = 	snop  }
0x3c: {  	p2 =	seq.s32 s10, $0x1;
	s10 =	sld [smem:$0x3FA6]  }
0x3d: {  	_ =	shalt  }
0x3e: {  	_ =	shalt  }
0x3f: {  	_ =	shalt  }
0x40: {  	_ =	shalt  }
0x41: {  	_ =	shalt  }
0x42: {  	_ =	shalt  }
0x43: {  	_ =	shalt  }
0x44: {  	_ =	shalt  }
0x45: {  	_ =	shalt  }
0x46: {  	_ =	shalt  }
0x47: {  	_ =	shalt  }
0x48: {  	_ =	shalt  }
0x49: {  	_ =	shalt  }
0x4a: {  	_ =	shalt  }
0x4b: {  	_ =	shalt  }
0x4c: {  	_ =	shalt  }
0x4d: {  	_ =	shalt  }
0x4e: {  	_ =	shalt  }
0x4f: {  	_ =	shalt  }
0x50: {  	_ =	shalt  }
0x51: {  	_ =	shalt  }
0x52: {  	_ =	shalt  }
0x53: {  	_ =	shalt  }
0x54: {  	_ =	shalt  }
0x55: {  	_ =	shalt  }
0x56: {  	_ =	shalt  }
0x57: {  	_ =	shalt  }
0x58: {  	_ =	shalt  }
0x59: {  	_ =	shalt  }
0x5a: {  	_ =	shalt  }
0x5b: {  	_ =	shalt  }
0x5c: {  	_ =	shalt  }
0x5d: {  	_ =	shalt  }
0x5e: {  	_ =	shalt  }
0x5f: {  	_ =	shalt  }
0x60: {  	_ =	shalt  }
0x61: {  	_ =	shalt  }
0x62: {  	_ =	shalt  }
0x63: {  	_ =	shalt  }
0x64: {  	_ =	shalt  }
0x65: {  	_ =	shalt  }
0x66: {  	_ =	shalt  }
0x67: {  	_ =	shalt  }
0x68: {  	_ =	shalt  }
0x69: {  	_ =	shalt  }
0x6a: {  	_ =	shalt  }
0x6b: {  	_ =	shalt  }
0x6c: {  	_ =	shalt  }
0x6d: {  	_ =	shalt  }
0x6e: {  	_ =	shalt  }
0x6f: {  	_ =	shalt  }
0x70: {  	_ =	shalt  }
0x71: {  	_ =	shalt  }
0x72: {  	_ =	shalt  }
0x73: {  	_ =	shalt  }
0x74: {  	_ =	shalt  }
0x75: {  	_ =	shalt  }
0x76: {  	_ =	shalt  }
0x77: {  	_ =	shalt  }
0x78: {  	_ =	shalt  }
0x79: {  	_ =	shalt  }
0x7a: {  	_ =	shalt  }
0x7b: {  	_ =	shalt  }
0x7c: {  	_ =	shalt  }
0x7d: {  	_ =	shalt  }
0x7e: {  	_ =	shalt  }
0x7f: {  	_ =	shalt  }
0x80: {  	_ =	shalt  }
0x81: {  	_ =	shalt  }
0x82: {  	_ =	shalt  }
0x83: {  	_ =	shalt  }
0x84: {  	_ =	shalt  }
0x85: {  	_ =	shalt  }
0x86: {  	_ =	shalt  }
0x87: {  	_ =	shalt  }
.Lfunc_end0:
.L_simem_size_0:
called_computation_lowered:
.L_overlay_start_0:
0x88: {  	s2 =	sld [smem:$0x3FD9]  }
0x89: {  	s3 =	sld [smem:$0x3FFE];
	_ =	sdelay $0x1  }
0x8a: {  	s1 =	srdreg.scid  }
0x8b: {  	s0 =	sand.u32 $0x1, s1  }
0x8c: {  	s17 =	sshll.u32 s0, $0xA;
	s2 =	sadd.s32 s3, s2  }
0x8d: {  	s2 =	sadd.s32 s2, s17  }
0x8e: {  	[smem:$0x3FB2] =	sst s2  }
0x8f: {  	_ = 	snop  }
0x90: {  	s18 =	sld [smem:$0x3FD0];
	(tm) =	ssettm $0x1  }
0x91: {  	s19 =	sld [smem:$0x3FFB];
	_ =	sdelay $0x3  }
0x92: {  	_ =	strace s19  }
0x93: {  	s2 =	sld [smem:$0x3FFC];
	_ =	sdelay $0x3  }
0x94: {  	_ =	strace s2  }
0x95: {  	s2 =	sld [smem:$0x3FFD];
	_ =	sdelay $0x3  }
0x96: {  	_ =	strace s2  }
0x97: {  	_ =	strace $0x8FFFFFFF  }
0x98: {  	s20 =	sld [smem:$0x3FDB];
	_ =	sdelay $0x1  }
0x99: {  	s4 =	simm.s32 $_scs_section_size  }
0x9a: {  	s5 =	simm.s32 $_size__tile_overlayer_lowered;
	s6 =	simm.s32 $_tile_overlayer_lowered  }
0x9b: {  	s7 =	simm.s32 $0x1BFF;
	s21 =	sshll.u32 s6, $0x1;
	s4 =	sadd.s32 s4, s20  }
0x9c: {  	s22 =	simm.s32 $0x0;
	s5 =	sshll.u32 s5, $0x1;
	s6 =	sadd.s32 s21, s4  }
0x9d: {  	[timem:s22], [sflag:s7] =	dma.local [hbm:s6], s5  }
0x9e: {  	_ =	swait.ge [sflag:s7], s5  }
0x9f: {  	s5 =	ssub.s32 $0x0, s5;
	[sflag:s7] =	ssyncset.done $0x0  }
0xa0: {  	[sflag:s7] =	ssyncadd.s32 s5;
	_ =	sdelay $0x1  }
0xa1: {  	s23 =	simm.s32 $0x1B8B  }
0xa2: {  	_ =	swait.ge [sflag:s23], $0x1  }
0xa3: {  	[sflag:s23] =	ssyncset.done $0x0  }
0xa4: {  	[sflag:s23] =	ssyncadd.s32 $0xFFFFFFFF  }
0xa5: {  	s5 =	sld [smem:$0x0]  }
0xa6: {  	s6 =	sand.u32 $0xFFFFFFFE, s1  }
0xa7: {  	p0 =	sne.s32 s1, s6  }
0xa8: {  	s6 =	sshll.u32 @p0 s6, $0xE  }
0xa9: {  	s6 =	sadd.s32 @p0 $0x11B8D, s6;
	s7 =	sshll.u32 @p0 s5, $0x11  }
0xaa: {  	s6 =	sor.u32 @p0 s7, s6  }
0xab: {  	[sflag:s6] =	ssyncadd.remote.s32 @p0 $0x1;
	_ =	sdelay $0x1  }
0xac: {  	s6 =	simm.s32 @p0 $0x1B8D  }
0xad: {  	_ =	swait.eq @p0 [sflag:s6], $0x1  }
0xae: {  	[sflag:s6] =	ssyncadd.s32 @p0 $0xFFFFFFFF  }
0xaf: {  	s7 =	sshll.u32 @!p0 s1, $0xE  }
0xb0: {  	s7 =	sor.u32 @!p0 $0x4000, s7;
	s6 =	simm.s32 @!p0 $0x1B8D  }
0xb1: {  	s5 =	sshll.u32 @!p0 s5, $0x11;
	s7 =	sadd.s32 @!p0 $0x11B8D, s7;
	_ =	swait.eq @!p0 [sflag:s6], $0x1  }
0xb2: {  	s5 =	sor.u32 @!p0 s5, s7;
	[sflag:s6] =	ssyncadd.s32 @!p0 $0xFFFFFFFF  }
0xb3: {  	s25 =	simm.s32 $0x1B8E;
	s24 =	sld [smem:$0x3FFE];
	[sflag:s5] =	ssyncadd.remote.s32 @!p0 $0x1  }
0xb4: {  	s26 =	simm.s32 $execute0_lowered;
	[smem:$0x3FD2] =	sst s25  }
0xb5: {  	s6 =	sshll.u32 s26, $0x1;
	_ =	strace $0x80000049;
	[dreg:$0x1] =	wrdreg $0xFFFFFFFF  }
0xb6: {  	s28 =	simm.s32 $_size_execute0_lowered;
	s4 =	sadd.s32 s4, s6;
	[dreg:$0x0] =	wrdreg $0x0  }
0xb7: {  	s6 =	sshll.u32 s28, $0x1;
	[dreg:$0x2] =	wrdreg s4  }
0xb8: {  	[dreg:$0x3] =	wrdreg s6  }
0xb9: {  	[dreg:$0x4] =	wrdreg $0xC0  }
0xba: {  	_ =	task [dreg:s22], $0x5FFFF  }
0xbb: {  	[dreg:$0x1] =	wrdreg $0xFFFFFFFF  }
0xbc: {  	[dreg:$0x0] =	wrdreg $0x60  }
0xbd: {  	[dreg:$0x2] =	wrdreg s24  }
0xbe: {  	[dreg:$0x3] =	wrdreg s18  }
0xbf: {  	[dreg:$0x4] =	wrdreg $0x94000  }
0xc0: {  	[dreg:$0x5] =	wrdreg $0x9  }
0xc1: {  	_ =	task.clear_ibuf [dreg:s22], $0x6FFFF;
	_ =	strace $0x90000049  }
0xc2: {  	s29 =	simm.s32 $0x9;
	_ =	strace $0x8000004B  }
0xc3: {  	_ =	swait.ge [sflag:s29], $0x1  }
0xc4: {  	[sflag:s29] =	ssyncadd.s32 $0xFFFFFFFF  }
0xc5: {  	_ =	strace $0x9000004B  }
0xc6: {  	_ =	sfence  }
0xc7: {  	s30 =	sld [smem:$0x0];
	_ =	sdelay $0x2  }
0xc8: {  	s31 =	sshll.u32 s1, $0xD;
	s1 =	sshrl.u32 s1, $0x2  }
0xc9: {  	s4 =	sand.u32 $0x4000, s31;
	s1 =	sadd.s32 s1, s30  }
0xca: {  	s0 =	sor.u32 s4, s0;
	s1 =	sshll.u32 s1, $0x11  }
0xcb: {  	s0 =	sor.u32 s1, s0  }
0xcc: {  	s0 =	sadd.s32 $0x8F2B, s0  }
0xcd: {  	[sflag:s0] =	ssyncadd.remote.s32 $0x1  }
0xce: {  	_ =	sfence.sel $0xFFFF  }
0xcf: {  	[dreg:$0x0] =	wrdreg $0xFFFFFFFF;
	(pc) =	sbr.abs _section_cstart, $3  }
0xd0: {  	[dreg:$0x1] =	wrdreg $0xFFFFFFFF  }
0xd1: {  	_ =	task.clear_ibuf [dreg:s22], $0x2FFFF;
	_ =	strace $0x9FFFFFFF  }
0xd2: {  	(tm) =	ssettm $0x7FFFFFFF  }
0xd3: {  	_ =	shalt  }
tec
execute0_lowered:
.L_overlay_start_1:
0x0: {  	(tag) =	ssettag $0x1  }
0x1: {  	s6 =	rddreg [dreg:$0x0]  }
0x2: {  	s1 =	srdreg.scid;
	s2 =	rddreg [dreg:$0x1]  }
0x3: {  	s0 =	stileid.u32;
	s3 =	rddreg [dreg:$0x2];
	s4 =	simm.s32 $0x0  }
0x4: {  	s21 =	simm.s32 $0x80;
	s22 =	simm.s32 $0x0;
	s7 =	sand.u32 $0x1, s1  }
0x5: {  	s30 =	sshll.u32 s0, $0x1;
	s1 =	rddreg [dreg:$0x3];
	s8 =	smul.u32 $0x50000, s0  }
0x6: {  	[smem:$0x7FF] =	sst s4;
	s10 =	smul.u32 $0x14000, s0;
	s16 =	sadd.s32 $0x87600, s6  }
0x7: {  	s5 =	sor.u32 s7, s30;
	s9 =	ssub.s32 $0x2, s7;
	s18 =	smul.u32 $0x140000, s7  }
0x8: {  	_ =	strace $0x8000004A;
	s5 =	smul.u32 $0x280, s5;
	s31 =	sshrl.u32 s9, $0x1  }
0x9: {  	s8 =	sshrl.u32 s8, $0x2;
	s12 =	sadd.s32 $0x4000, s10;
	s14 =	sadd.s32 $0x8000, s10  }
0xa: {  	s15 =	sadd.s32 $0xC000, s10;
	s19 =	sadd.s32 $0x10000, s10;
	s17 =	ssub.s32 s9, s31  }
0xb: {  	s7 =	sadd.s32 s12, s3;
	s9 =	sadd.s32 s15, s3;
	s13 =	sadd.s32 s10, s18  }
0xc: {  	s12 =	sadd.s32 s18, s12;
	s10 =	sadd.s32 s19, s3;
	s15 =	sadd.s32 s18, s15  }
0xd: {  	s11 =	sadd.s32 s5, s6;
	s5 =	sadd.s32 $0x86E00, s6;
	s6 =	sadd.s32 s8, s3  }
0xe: {  	s8 =	sadd.s32 s14, s3;
	s13 =	sshrl.u32 s13, $0x3;
	s20 =	sshrl.u32 s12, $0x3  }
0xf: {  	s14 =	sadd.s32 s18, s14;
	s18 =	sadd.s32 s18, s19;
	s15 =	sshrl.u32 s15, $0x3  }
0x10: {  	s17 =	smax.u32 s17, $0x1;
	s19 =	simm.s32 $0x1;
	s11 =	sadd.s32 $0xAC00, s11  }
0x11: {  	s12 =	sadd.s32 s16, s13;
	s13 =	sadd.s32 s16, s20;
	s14 =	sshrl.u32 s14, $0x3  }
0x12: {  	s18 =	sshrl.u32 s18, $0x3;
	s15 =	sadd.s32 s16, s15;
	s20 =	simm.s32 $0x5400  }
0x13: {  	s14 =	sadd.s32 s16, s14;
	s16 =	sadd.s32 s16, s18;
	s18 =	simm.s32 $0x1400  }
.LBB2_1:
0x14: {  	[tilespmem:s18], [sflag:$0x1] =	stream.linear.gather [hbm4b:s2+s4], $0x4000, $0x38;
	[tilespmem:$0x1D400] =	vst v63  }
0x15: {  	_ =	swait.ge [sflag:s19], $0x4000  }
0x16: {  	[sflag:s19] =	ssyncset.done $0x0  }
0x17: {  	[sflag:s19] =	ssyncadd.s32 $0xFFFFC000  }
0x18: {  	[spmem:s6] =	stream.linear.scatter [tilespmem:s18], [sflag:$0x1], $0x4000, $0x38;
	[tilespmem:$0x1D400] =	vst v63  }
0x19: {  	_ =	swait.ge [sflag:s19], $0x4000  }
0x1a: {  	[sflag:s19] =	ssyncset.done $0x0  }
0x1b: {  	[sflag:s19] =	ssyncadd.s32 $0xFFFFC000  }
0x1c: {  	[spmem:s7] =	stream.linear.scatter [tilespmem:s18], [sflag:$0x1], $0x4000, $0x38;
	[tilespmem:$0x1D400] =	vst v63  }
0x1d: {  	_ =	swait.ge [sflag:s19], $0x4000  }
0x1e: {  	[sflag:s19] =	ssyncset.done $0x0  }
0x1f: {  	[sflag:s19] =	ssyncadd.s32 $0xFFFFC000  }
0x20: {  	[spmem:s8] =	stream.linear.scatter [tilespmem:s18], [sflag:$0x1], $0x4000, $0x38;
	[tilespmem:$0x1D400] =	vst v63  }
0x21: {  	_ =	swait.ge [sflag:s19], $0x4000  }
0x22: {  	[sflag:s19] =	ssyncset.done $0x0  }
0x23: {  	[sflag:s19] =	ssyncadd.s32 $0xFFFFC000  }
0x24: {  	[spmem:s9] =	stream.linear.scatter [tilespmem:s18], [sflag:$0x1], $0x4000, $0x38;
	[tilespmem:$0x1D400] =	vst v63  }
0x25: {  	_ =	swait.ge [sflag:s19], $0x4000  }
0x26: {  	[sflag:s19] =	ssyncset.done $0x0  }
0x27: {  	[sflag:s19] =	ssyncadd.s32 $0xFFFFC000  }
0x28: {  	[spmem:s10] =	stream.linear.scatter [tilespmem:s18], [sflag:$0x1], $0x4000, $0x38;
	[tilespmem:$0x1D400] =	vst v63  }
0x29: {  	_ =	swait.ge [sflag:s19], $0x4000  }
0x2a: {  	[sflag:s19] =	ssyncset.done $0x0  }
0x2b: {  	[sflag:s19] =	ssyncadd.s32 $0xFFFFC000  }
0x2c: {  	[tilespmem:s20], [sflag:$0x1] =	stream.linear.gather [hbm4b:s5+s4], $0x4000, $0x38;
	[tilespmem:$0x1D400] =	vst v63  }
0x2d: {  	_ =	swait.ge [sflag:s19], $0x4000  }
0x2e: {  	[sflag:s19] =	ssyncset.done $0x0  }
0x2f: {  	[sflag:s19] =	ssyncadd.s32 $0xFFFFC000  }
0x30: {  	[tilespmem:s4], [sflag:$0x1] =	stream.linear.gather [hbm4b:s11+s4], $0x1400, $0x38;
	[tilespmem:$0x1D400] =	vst v63  }
0x31: {  	_ =	swait.ge [sflag:s19], $0x1400  }
0x32: {  	[sflag:s19] =	ssyncset.done $0x0  }
0x33: {  	[sflag:s19] =	ssyncadd.s32 $0xFFFFEC00  }
0x34: {  	s23 =	simm.s32 $0x0;
	[bflag:$0x0] =	sbarrier.arrive $0xFFFF  }
0x35: {  	[spmem:s3] =	stream.indirect.scatter.add.f32 [tilespmem:s20], [sflag:$0x1], $0x80, s23, s21, $0xb8;
	[tilespmem:$0x1D400] =	vst v63  }
0x36: {  	_ =	swait.ge [sflag:s19], $0x4000  }
0x37: {  	s23 =	simm.s32 $0x200;
	[sflag:s19] =	ssyncset.done $0x0  }
.LBB2_2:
0x38: {  	s24 =	sshra.s32 s23, $0x2;
	[sflag:s19] =	ssyncadd.s32 $0xFFFFC000;
	p0 =	sne.s32 s23, $0x4E00  }
0x39: {  	[spmem:s3] =	stream.indirect.scatter.add.f32 [tilespmem:s20], [sflag:$0x1], $0x80, s24, s21, $0xb8;
	[tilespmem:$0x1D400] =	vst v63  }
.Ltmp0:
0x3a: {  	_ = 	snop;
	(pc) =	sbr.rel @p0 .LBB2_2-.Ltmp0, $4  }
0x3b: {  	_ = 	snop  }
0x3c: {  	s23 =	sadd.s32 $0x200, s23  }
0x3d: {  	_ =	swait.ge [sflag:s19], $0x4000  }
0x3e: {  	[sflag:s19] =	ssyncset.done $0x0  }
0x3f: {  	[sflag:s19] =	ssyncadd.s32 $0xFFFFC000  }
0x40: {  	[bflag:$0x0] =	sbarrier.arrive $0xFFFF  }
0x41: {  	[tilespmem:s18], [sflag:$0x1] =	stream.linear.gather [spmem:s6], $0x4000, $0x38;
	[tilespmem:$0x1D400] =	vst v63  }
0x42: {  	_ =	swait.ge [sflag:s19], $0x4000  }
0x43: {  	[sflag:s19] =	ssyncset.done $0x0  }
0x44: {  	[sflag:s19] =	ssyncadd.s32 $0xFFFFC000  }
0x45: {  	[hbm4b:s12+s4] =	stream.linear.scatter [tilespmem:s18], [sflag:$0x1], $0x4000, $0x38;
	[tilespmem:$0x1D400] =	vst v63  }
0x46: {  	_ =	swait.ge [sflag:s19], $0x4000  }
0x47: {  	[sflag:s19] =	ssyncset.done $0x0  }
0x48: {  	[sflag:s19] =	ssyncadd.s32 $0xFFFFC000  }
0x49: {  	[tilespmem:s18], [sflag:$0x1] =	stream.linear.gather [spmem:s7], $0x4000, $0x38;
	[tilespmem:$0x1D400] =	vst v63  }
0x4a: {  	_ =	swait.ge [sflag:s19], $0x4000  }
0x4b: {  	[sflag:s19] =	ssyncset.done $0x0  }
0x4c: {  	[sflag:s19] =	ssyncadd.s32 $0xFFFFC000  }
0x4d: {  	[hbm4b:s13+s4] =	stream.linear.scatter [tilespmem:s18], [sflag:$0x1], $0x4000, $0x38;
	[tilespmem:$0x1D400] =	vst v63  }
0x4e: {  	_ =	swait.ge [sflag:s19], $0x4000  }
0x4f: {  	[sflag:s19] =	ssyncset.done $0x0  }
0x50: {  	[sflag:s19] =	ssyncadd.s32 $0xFFFFC000  }
0x51: {  	[tilespmem:s18], [sflag:$0x1] =	stream.linear.gather [spmem:s8], $0x4000, $0x38;
	[tilespmem:$0x1D400] =	vst v63  }
0x52: {  	_ =	swait.ge [sflag:s19], $0x4000  }
0x53: {  	[sflag:s19] =	ssyncset.done $0x0  }
0x54: {  	[sflag:s19] =	ssyncadd.s32 $0xFFFFC000  }
0x55: {  	[hbm4b:s14+s4] =	stream.linear.scatter [tilespmem:s18], [sflag:$0x1], $0x4000, $0x38;
	[tilespmem:$0x1D400] =	vst v63  }
0x56: {  	_ =	swait.ge [sflag:s19], $0x4000  }
0x57: {  	[sflag:s19] =	ssyncset.done $0x0  }
0x58: {  	[sflag:s19] =	ssyncadd.s32 $0xFFFFC000  }
0x59: {  	[tilespmem:s18], [sflag:$0x1] =	stream.linear.gather [spmem:s9], $0x4000, $0x38;
	[tilespmem:$0x1D400] =	vst v63  }
0x5a: {  	_ =	swait.ge [sflag:s19], $0x4000  }
0x5b: {  	[sflag:s19] =	ssyncset.done $0x0  }
0x5c: {  	[sflag:s19] =	ssyncadd.s32 $0xFFFFC000  }
0x5d: {  	[hbm4b:s15+s4] =	stream.linear.scatter [tilespmem:s18], [sflag:$0x1], $0x4000, $0x38;
	[tilespmem:$0x1D400] =	vst v63  }
0x5e: {  	_ =	swait.ge [sflag:s19], $0x4000  }
0x5f: {  	[sflag:s19] =	ssyncset.done $0x0  }
0x60: {  	[sflag:s19] =	ssyncadd.s32 $0xFFFFC000  }
0x61: {  	[tilespmem:s18], [sflag:$0x1] =	stream.linear.gather [spmem:s10], $0x4000, $0x38;
	[tilespmem:$0x1D400] =	vst v63  }
0x62: {  	s22 =	sadd.s32 $0x1, s22;
	_ =	swait.ge [sflag:s19], $0x4000  }
0x63: {  	p0 =	sne.s32 s22, s17;
	[sflag:s19] =	ssyncset.done $0x0  }
.Ltmp1:
0x64: {  	[sflag:s19] =	ssyncadd.s32 $0xFFFFC000;
	(pc) =	sbr.rel @p0 .LBB2_1-.Ltmp1, $4  }
0x65: {  	[hbm4b:s16+s4] =	stream.linear.scatter [tilespmem:s18], [sflag:$0x1], $0x4000, $0x38;
	[tilespmem:$0x1D400] =	vst v63  }
0x66: {  	_ =	swait.ge [sflag:s19], $0x4000  }
0x67: {  	[sflag:s19] =	ssyncset.done $0x0  }
0x68: {  	[sflag:s19] =	ssyncadd.s32 $0xFFFFC000  }
0x69: {  	_ =	sfence.sel $0x180000  }
0x6a: {  	[bflag:$0x0] =	sbarrier.arrive $0xFFFF  }
0x6b: {  	p0 =	sne.s32 s0, $0x0;
	_ =	strace $0x9000004A  }
0x6c: {  	s0 =	sadd.s32 @!p0 $0x100000, s1;
	[bflag:$0x2] =	sbarrier.arrive $0xFFFF  }
0x6d: {  	[sflag:s0] =	ssyncadd.tile.s32 @!p0 $0x1;
	_ =	shalt  }
.Lfunc_end2:
_tile_overlayer_lowered:
.L_overlay_start_2:
0x6e: {  	(tag) =	ssettag $0x2  }
0x6f: {  	s0 =	rddreg [dreg:$0x0];
	s2 =	stileid.u32  }
0x70: {  	s1 =	rddreg [dreg:$0x1];
	p0 =	sne.s32 s2, $0x0  }
0x71: {  	s3 =	rddreg [dreg:$0x2];
	[bflag:$0x3] =	sbarrier.arrive $0xFFFF;
	s2 =	simm.s32 @!p0 $0x1C01  }
0x72: {  	[timem:s3], [sflag:s2] =	dma.local @!p0 [hbm:s0], s1  }
0x73: {  	s0 =	simm.s32 @!p0 $0x1  }
0x74: {  	_ =	swait.ge @!p0 [sflag:s0], s1  }
0x75: {  	s1 =	ssub.s32 @!p0 $0x0, s1;
	[sflag:s0] =	ssyncset.done @!p0 $0x0  }
0x76: {  	[sflag:s0] =	ssyncadd.s32 @!p0 s1  }
0x77: {  	[bflag:$0x3] =	sbarrier.arrive $0xFFFF  }
0x78: {  	_ =	shalt  }

// kernel: sc_qgather.4.cloned.1.call-start
scs
__scs_entry_jumppad:
0x0: {  	(pc) =	sbr.rel $0x88, $3  }
0x1: {  	(tag) =	ssettag $0x0;
	lr =	simm.s32 $0x1  }
0x2: {  	[smem:$0x3F8B] =	sst lr;
	_ =	strace $0xD0000000  }
0x3: {  	_ = 	snop  }
0x4: {  	_ = 	snop  }
0x5: {  	_ = 	snop  }
0x6: {  	_ = 	snop  }
0x7: {  	_ = 	snop  }
__scs_overlays_trampoline_lowered:
0x8: {  	[smem:$0x3F9A] =	sst s0  }
0x9: {  	[smem:$0x3F9B] =	sst s1  }
0xa: {  	[smem:$0x3F9C] =	sst s2  }
0xb: {  	[smem:$0x3F9D] =	sst s3  }
0xc: {  	[smem:$0x3F9E] =	sst s4  }
0xd: {  	[smem:$0x3F9F] =	sst s5  }
0xe: {  	[smem:$0x3FA0] =	sst s6  }
0xf: {  	[smem:$0x3FA1] =	sst s7  }
0x10: {  	[smem:$0x3FA2] =	sst s8  }
0x11: {  	[smem:$0x3FA3] =	sst s9;
	s0 =	simm.s32 @!p0 $0x0  }
0x12: {  	s1 =	sld [smem:$0x3F89];
	s0 =	simm.s32 @p0 $0x1  }
0x13: {  	[smem:$0x3FA4] =	sst s0;
	s0 =	simm.s32 @!p1 $0x0  }
0x14: {  	s2 =	sld [smem:$0x3F88];
	s0 =	simm.s32 @p1 $0x1  }
0x15: {  	[smem:$0x3FA5] =	sst s0;
	s0 =	simm.s32 @!p2 $0x0  }
0x16: {  	s3 =	sld [smem:$0x3FDB];
	s0 =	simm.s32 @p2 $0x1  }
0x17: {  	s4 =	simm.s32 $0x1BF5;
	[smem:$0x3FA7] =	sst s0  }
0x18: {  	s0 =	sld [smem:$0x3F8A];
	_ =	swait.ge [sflag:s4], $0x0  }
0x19: {  	s7 =	sld [smem:$0x3F8B]  }
0x1a: {  	s8 =	sadd.s32 $0xFFFFE003, lr  }
0x1b: {  	s9 =	sadd.s32 $0xFFFFFEF7, lr;
	s5 =	simm.s32 $0xFFFFFFFF;
	p2 =	slt.u32 s8, $0xFFFFF086  }
0x1c: {  	p1 =	slt.u32 s9, $0xF7A;
	s5 =	simm.s32 @!p2 $0x0  }
0x1d: {  	s5 =	simm.s32 @p1 $0x1;
	p0 =	seq.s32 s7, s2  }
0x1e: {  	s7 =	smul.u32 @!p0 $0xF7A, s2;
	p2 =	seq.s32 @!p0 s5, $0x0  }
0x1f: {  	s9 =	smul.u32 $0xF7A, s1;
	s8 =	simm.s32 @!p0 $0x1BF5;
	p2 =	por !p2, p0  }
0x20: {  	[sflag:s8] =	ssyncset.s32 @!p0 $0xFFFFF086;
	s6 =	sadd.s32 @!p0 s3, s7;
	s7 =	simm.s32 @!p0 $0x108  }
0x21: {  	s3 =	sadd.s32 s3, s9;
	s6 =	sadd.s32 @!p0 $0x88, s6;
	s7 =	simm.s32 @p2 $0x1082  }
0x22: {  	[simem:s7], [sflag:s8] =	dma.local @!p0 [hbm:s6], $0xF7A  }
0x23: {  	s9 =	sor.u32 $0xD0000000, s2;
	s6 =	simm.s32 $0x108;
	_ =	swait.ge @!p0 [sflag:s8], $0x0  }
0x24: {  	s3 =	sadd.s32 $0x88, s3;
	s6 =	simm.s32 @!p1 $0x1082;
	[sflag:s4] =	ssyncset.s32 $0xFFFFF086  }
0x25: {  	[simem:s6], [sflag:s4] =	dma.local [hbm:s3], $0xF7A  }
0x26: {  	[smem:$0x3F8B] =	sst s1;
	(tag) =	ssettag s2;
	_ =	strace s9  }
0x27: {  	s1 =	sld [smem:$0x3F9B]  }
0x28: {  	s2 =	sld [smem:$0x3F9C]  }
0x29: {  	s4 =	sld [smem:$0x3F9E]  }
0x2a: {  	p0 =	seq.s32 s5, $0x0;
	s5 =	sld [smem:$0x3F9F]  }
0x2b: {  	s6 =	sld [smem:$0x3FA0]  }
0x2c: {  	s7 =	sld [smem:$0x3FA1]  }
0x2d: {  	s3 =	simm.s32 $0x108;
	s8 =	sld [smem:$0x3FA2]  }
0x2e: {  	s3 =	simm.s32 @!p0 $0x1082;
	s9 =	sld [smem:$0x3FA3]  }
0x2f: {  	lr =	sadd.s32 s0, s3;
	s0 =	sld [smem:$0x3F9A]  }
0x30: {  	s3 =	sld [smem:$0x3F9D]  }
0x31: {  	[smem:$0x3FA6] =	sst s10  }
0x32: {  	s10 =	sld [smem:$0x3FA4];
	_ =	sdelay $0x3  }
0x33: {  	p0 =	seq.s32 s10, $0x1;
	s10 =	sld [smem:$0x3FA6];
	_ =	sdelay $0x3  }
0x34: {  	[smem:$0x3FA6] =	sst s10  }
0x35: {  	s10 =	sld [smem:$0x3FA5];
	_ =	sdelay $0x3  }
0x36: {  	p1 =	seq.s32 s10, $0x1;
	s10 =	sld [smem:$0x3FA6];
	_ =	sdelay $0x3  }
0x37: {  	[smem:$0x3FA6] =	sst s10  }
0x38: {  	s10 =	sld [smem:$0x3FA7]  }
0x39: {  	_ = 	snop;
	(pc) =	sbr.ind lr, $3  }
0x3a: {  	_ = 	snop  }
0x3b: {  	_ = 	snop  }
0x3c: {  	p2 =	seq.s32 s10, $0x1;
	s10 =	sld [smem:$0x3FA6]  }
0x3d: {  	_ =	shalt  }
0x3e: {  	_ =	shalt  }
0x3f: {  	_ =	shalt  }
0x40: {  	_ =	shalt  }
0x41: {  	_ =	shalt  }
0x42: {  	_ =	shalt  }
0x43: {  	_ =	shalt  }
0x44: {  	_ =	shalt  }
0x45: {  	_ =	shalt  }
0x46: {  	_ =	shalt  }
0x47: {  	_ =	shalt  }
0x48: {  	_ =	shalt  }
0x49: {  	_ =	shalt  }
0x4a: {  	_ =	shalt  }
0x4b: {  	_ =	shalt  }
0x4c: {  	_ =	shalt  }
0x4d: {  	_ =	shalt  }
0x4e: {  	_ =	shalt  }
0x4f: {  	_ =	shalt  }
0x50: {  	_ =	shalt  }
0x51: {  	_ =	shalt  }
0x52: {  	_ =	shalt  }
0x53: {  	_ =	shalt  }
0x54: {  	_ =	shalt  }
0x55: {  	_ =	shalt  }
0x56: {  	_ =	shalt  }
0x57: {  	_ =	shalt  }
0x58: {  	_ =	shalt  }
0x59: {  	_ =	shalt  }
0x5a: {  	_ =	shalt  }
0x5b: {  	_ =	shalt  }
0x5c: {  	_ =	shalt  }
0x5d: {  	_ =	shalt  }
0x5e: {  	_ =	shalt  }
0x5f: {  	_ =	shalt  }
0x60: {  	_ =	shalt  }
0x61: {  	_ =	shalt  }
0x62: {  	_ =	shalt  }
0x63: {  	_ =	shalt  }
0x64: {  	_ =	shalt  }
0x65: {  	_ =	shalt  }
0x66: {  	_ =	shalt  }
0x67: {  	_ =	shalt  }
0x68: {  	_ =	shalt  }
0x69: {  	_ =	shalt  }
0x6a: {  	_ =	shalt  }
0x6b: {  	_ =	shalt  }
0x6c: {  	_ =	shalt  }
0x6d: {  	_ =	shalt  }
0x6e: {  	_ =	shalt  }
0x6f: {  	_ =	shalt  }
0x70: {  	_ =	shalt  }
0x71: {  	_ =	shalt  }
0x72: {  	_ =	shalt  }
0x73: {  	_ =	shalt  }
0x74: {  	_ =	shalt  }
0x75: {  	_ =	shalt  }
0x76: {  	_ =	shalt  }
0x77: {  	_ =	shalt  }
0x78: {  	_ =	shalt  }
0x79: {  	_ =	shalt  }
0x7a: {  	_ =	shalt  }
0x7b: {  	_ =	shalt  }
0x7c: {  	_ =	shalt  }
0x7d: {  	_ =	shalt  }
0x7e: {  	_ =	shalt  }
0x7f: {  	_ =	shalt  }
0x80: {  	_ =	shalt  }
0x81: {  	_ =	shalt  }
0x82: {  	_ =	shalt  }
0x83: {  	_ =	shalt  }
0x84: {  	_ =	shalt  }
0x85: {  	_ =	shalt  }
0x86: {  	_ =	shalt  }
0x87: {  	_ =	shalt  }
.Lfunc_end0:
.L_simem_size_0:
called_computation.4_lowered:
.L_overlay_start_0:
0x88: {  	s2 =	sld [smem:$0x3FD9]  }
0x89: {  	s3 =	sld [smem:$0x3FFE];
	_ =	sdelay $0x1  }
0x8a: {  	s1 =	srdreg.scid  }
0x8b: {  	s0 =	sand.u32 $0x1, s1  }
0x8c: {  	s16 =	sshll.u32 s0, $0xA;
	s2 =	sadd.s32 s3, s2  }
0x8d: {  	s2 =	sadd.s32 s2, s16  }
0x8e: {  	[smem:$0x3FB2] =	sst s2  }
0x8f: {  	_ = 	snop  }
0x90: {  	(tm) =	ssettm $0x1  }
0x91: {  	s17 =	sld [smem:$0x3FFB];
	_ =	sdelay $0x3  }
0x92: {  	_ =	strace s17  }
0x93: {  	s2 =	sld [smem:$0x3FFC];
	_ =	sdelay $0x3  }
0x94: {  	_ =	strace s2  }
0x95: {  	s2 =	sld [smem:$0x3FFD];
	_ =	sdelay $0x3  }
0x96: {  	_ =	strace s2  }
0x97: {  	_ =	strace $0x8FFFFFFF  }
0x98: {  	s18 =	sld [smem:$0x3FDB];
	_ =	sdelay $0x1  }
0x99: {  	s19 =	simm.s32 $_scs_section_size  }
0x9a: {  	s4 =	simm.s32 $_size__tile_overlayer_lowered;
	s5 =	simm.s32 $_tile_overlayer_lowered  }
0x9b: {  	s22 =	simm.s32 $0x1BFF;
	s21 =	sshll.u32 s5, $0x1;
	s2 =	sadd.s32 s19, s18  }
0x9c: {  	s6 =	simm.s32 $0x0;
	s20 =	sshll.u32 s4, $0x1;
	s4 =	sadd.s32 s21, s2  }
0x9d: {  	[timem:s6], [sflag:s22] =	dma.local [hbm:s4], s20  }
0x9e: {  	_ =	swait.ge [sflag:s22], s20  }
0x9f: {  	s3 =	ssub.s32 $0x0, s20;
	[sflag:s22] =	ssyncset.done $0x0  }
0xa0: {  	[sflag:s22] =	ssyncadd.s32 s3;
	_ =	sdelay $0x1  }
0xa1: {  	s23 =	simm.s32 $0x1B8B  }
0xa2: {  	_ =	swait.ge [sflag:s23], $0x1  }
0xa3: {  	[sflag:s23] =	ssyncset.done $0x0  }
0xa4: {  	s25 =	simm.s32 $0x1B8E;
	s24 =	sld [smem:$0x3FFE];
	[sflag:s23] =	ssyncadd.s32 $0xFFFFFFFF  }
0xa5: {  	s26 =	simm.s32 $execute0_lowered;
	[smem:$0x3FD2] =	sst s25  }
0xa6: {  	s4 =	sshll.u32 s26, $0x1;
	_ =	strace $0x80000052;
	[dreg:$0x1] =	wrdreg $0xFFFFFFFF  }
0xa7: {  	s28 =	simm.s32 $_size_execute0_lowered;
	s2 =	sadd.s32 s2, s4;
	[dreg:$0x0] =	wrdreg $0x0  }
0xa8: {  	s4 =	sshll.u32 s28, $0x1;
	[dreg:$0x2] =	wrdreg s2  }
0xa9: {  	[dreg:$0x3] =	wrdreg s4  }
0xaa: {  	[dreg:$0x4] =	wrdreg $0xC0  }
0xab: {  	_ =	task [dreg:s6], $0x5FFFF  }
0xac: {  	[dreg:$0x1] =	wrdreg $0xFFFFFFFF  }
0xad: {  	[dreg:$0x0] =	wrdreg $0x60  }
0xae: {  	[dreg:$0x2] =	wrdreg s24  }
0xaf: {  	[dreg:$0x3] =	wrdreg $0x9  }
0xb0: {  	_ =	task.clear_ibuf [dreg:s6], $0x4FFFF;
	_ =	strace $0x90000052  }
0xb1: {  	s29 =	simm.s32 $0x9;
	_ =	strace $0x80000054  }
0xb2: {  	_ =	swait.ge [sflag:s29], $0x1  }
0xb3: {  	[sflag:s29] =	ssyncadd.s32 $0xFFFFFFFF  }
0xb4: {  	_ =	strace $0x90000054  }
0xb5: {  	_ =	sfence  }
0xb6: {  	s30 =	sld [smem:$0x0];
	_ =	sdelay $0x2  }
0xb7: {  	s31 =	sshll.u32 s1, $0xD;
	s1 =	sshrl.u32 s1, $0x2  }
0xb8: {  	s3 =	sand.u32 $0x4000, s31;
	s1 =	sadd.s32 s1, s30  }
0xb9: {  	s0 =	sor.u32 s3, s0;
	s1 =	sshll.u32 s1, $0x11  }
0xba: {  	s0 =	sor.u32 s1, s0  }
0xbb: {  	s0 =	sadd.s32 $0x8F2B, s0  }
0xbc: {  	[sflag:s0] =	ssyncadd.remote.s32 $0x1  }
0xbd: {  	_ =	sfence.sel $0xFFFF  }
0xbe: {  	[dreg:$0x0] =	wrdreg $0xFFFFFFFF;
	(pc) =	sbr.abs _section_cstart, $3  }
0xbf: {  	[dreg:$0x1] =	wrdreg $0xFFFFFFFF  }
0xc0: {  	_ =	task.clear_ibuf [dreg:s6], $0x2FFFF;
	_ =	strace $0x9FFFFFFF  }
0xc1: {  	(tm) =	ssettm $0x7FFFFFFF  }
tec
execute0_lowered:
.L_overlay_start_1:
0x0: {  	(tag) =	ssettag $0x1  }
0x1: {  	s1 =	srdreg.scid  }
0x2: {  	s0 =	stileid.u32;
	s14 =	sand.u32 $0x1, s1  }
0x3: {  	s12 =	rddreg [dreg:$0x0];
	s3 =	sshll.u32 s0, $0x9;
	s4 =	sshll.u32 s14, $0x8  }
0x4: {  	s2 =	simm.s32 $0x0;
	s1 =	rddreg [dreg:$0x1];
	s9 =	sor.u32 s4, s3  }
0x5: {  	[smem:$0x7FF] =	sst s2;
	s10 =	sadd.s32 $0x87200, s12;
	s11 =	sshrl.u32 s9, $0x3  }
0x6: {  	_ =	strace $0x80000053;
	s3 =	simm.s32 $0x2;
	s4 =	sadd.s32 s10, s11  }
0x7: {  	[tilespmem:s2], [sflag:$0x2] =	stream.linear.gather [hbm4b:s4+s2], $0x80, $0x38;
	[tilespmem:$0x4080] =	vst v63  }
0x8: {  	_ =	swait.ge [sflag:s3], $0x80  }
0x9: {  	s6 =	simm.s32 $0x80;
	[sflag:s3] =	ssyncset.done $0x0  }
0xa: {  	s7 =	simm.s32 $0x1;
	s5 =	sadd.s32 $0x87600, s12;
	[sflag:s3] =	ssyncadd.s32 $0xFFFFFF80  }
0xb: {  	[tilespmem:s6], [sflag:$0x1] =	stream.indirect.gather [hbm4b:s5+s6], $0x80, s2, s6, $0xb8;
	[tilespmem:$0x4080] =	vst v63  }
0xc: {  	_ =	swait.ge [sflag:s7], $0x4000  }
0xd: {  	s13 =	sadd.s32 $0xAE800, s12;
	s15 =	sshll.u32 s9, $0x4;
	[sflag:s7] =	ssyncset.done $0x0  }
0xe: {  	s8 =	sadd.s32 s13, s15;
	[sflag:s7] =	ssyncadd.s32 $0xFFFFC000  }
0xf: {  	[hbm4b:s8+s2] =	stream.linear.scatter [tilespmem:s6], [sflag:$0x2], $0x4000, $0x38;
	[tilespmem:$0x4080] =	vst v63  }
0x10: {  	s16 =	sor.u32 $0x80, s9;
	_ =	swait.ge [sflag:s3], $0x4000  }
0x11: {  	s17 =	sshrl.u32 s16, $0x3;
	[sflag:s3] =	ssyncset.done $0x0  }
0x12: {  	s9 =	sadd.s32 s10, s17;
	[sflag:s3] =	ssyncadd.s32 $0xFFFFC000  }
0x13: {  	[tilespmem:s2], [sflag:$0x2] =	stream.linear.gather [hbm4b:s9+s2], $0x80, $0x38;
	[tilespmem:$0x4080] =	vst v63  }
0x14: {  	_ =	swait.ge [sflag:s3], $0x80  }
0x15: {  	[sflag:s3] =	ssyncset.done $0x0  }
0x16: {  	[sflag:s3] =	ssyncadd.s32 $0xFFFFFF80  }
0x17: {  	[tilespmem:s6], [sflag:$0x1] =	stream.indirect.gather [hbm4b:s5+s6], $0x80, s2, s6, $0xb8;
	[tilespmem:$0x4080] =	vst v63  }
0x18: {  	_ =	swait.ge [sflag:s7], $0x4000  }
0x19: {  	s16 =	sshll.u32 s16, $0x4;
	[sflag:s7] =	ssyncset.done $0x0  }
0x1a: {  	s10 =	sadd.s32 s13, s16;
	[sflag:s7] =	ssyncadd.s32 $0xFFFFC000  }
0x1b: {  	[hbm4b:s10+s2] =	stream.linear.scatter [tilespmem:s6], [sflag:$0x2], $0x4000, $0x38;
	[tilespmem:$0x4080] =	vst v63  }
0x1c: {  	_ =	swait.ge [sflag:s3], $0x4000  }
0x1d: {  	s30 =	sadd.s32 $0x86E00, s12;
	[sflag:s3] =	ssyncset.done $0x0  }
0x1e: {  	s11 =	sadd.s32 s30, s11;
	[sflag:s3] =	ssyncadd.s32 $0xFFFFC000  }
0x1f: {  	[tilespmem:s2], [sflag:$0x2] =	stream.linear.gather [hbm4b:s11+s2], $0x80, $0x38;
	[tilespmem:$0x4080] =	vst v63  }
0x20: {  	_ =	swait.ge [sflag:s3], $0x80  }
0x21: {  	[sflag:s3] =	ssyncset.done $0x0  }
0x22: {  	[sflag:s3] =	ssyncadd.s32 $0xFFFFFF80  }
0x23: {  	[tilespmem:s6], [sflag:$0x1] =	stream.indirect.gather [hbm4b:s5+s6], $0x80, s2, s6, $0xb8;
	[tilespmem:$0x4080] =	vst v63  }
0x24: {  	_ =	swait.ge [sflag:s7], $0x4000  }
0x25: {  	s18 =	sadd.s32 $0x5C00, s12;
	[sflag:s7] =	ssyncset.done $0x0  }
0x26: {  	s12 =	sadd.s32 s18, s15;
	[sflag:s7] =	ssyncadd.s32 $0xFFFFC000  }
0x27: {  	[hbm4b:s12+s2] =	stream.linear.scatter [tilespmem:s6], [sflag:$0x2], $0x4000, $0x38;
	[tilespmem:$0x4080] =	vst v63  }
0x28: {  	_ =	swait.ge [sflag:s3], $0x4000  }
0x29: {  	[sflag:s3] =	ssyncset.done $0x0  }
0x2a: {  	s14 =	ssub.s32 $0x2, s14;
	s13 =	sadd.s32 s30, s17;
	[sflag:s3] =	ssyncadd.s32 $0xFFFFC000  }
0x2b: {  	[tilespmem:s2], [sflag:$0x2] =	stream.linear.gather [hbm4b:s13+s2], $0x80, $0x38;
	[tilespmem:$0x4080] =	vst v63  }
0x2c: {  	s31 =	sshrl.u32 s14, $0x1;
	_ =	swait.ge [sflag:s3], $0x80  }
0x2d: {  	s15 =	ssub.s32 s14, s31;
	[sflag:s3] =	ssyncset.done $0x0  }
0x2e: {  	s15 =	smax.u32 s15, $0x1;
	[sflag:s3] =	ssyncadd.s32 $0xFFFFFF80  }
0x2f: {  	[tilespmem:s6], [sflag:$0x1] =	stream.indirect.gather [hbm4b:s5+s6], $0x80, s2, s6, $0xb8;
	[tilespmem:$0x4080] =	vst v63  }
0x30: {  	p0 =	sne.s32 s15, $0x1;
	_ =	swait.ge [sflag:s7], $0x4000  }
.Ltmp0:
0x31: {  	[sflag:s7] =	ssyncset.done $0x0;
	(pc) =	sbr.rel @!p0 .LBB2_2-.Ltmp0, $4  }
0x32: {  	s14 =	sadd.s32 s18, s16;
	[sflag:s7] =	ssyncadd.s32 $0xFFFFC000  }
0x33: {  	[hbm4b:s14+s2] =	stream.linear.scatter [tilespmem:s6], [sflag:$0x2], $0x4000, $0x38;
	[tilespmem:$0x4080] =	vst v63  }
0x34: {  	_ =	swait.ge [sflag:s3], $0x4000  }
0x35: {  	s15 =	sadd.s32 $0xFFFFFFFF, s15;
	[sflag:s3] =	ssyncset.done $0x0  }
.LBB2_1:
0x36: {  	p0 =	sne.s32 s15, $0x1;
	s15 =	sadd.s32 $0xFFFFFFFF, s15;
	[sflag:s3] =	ssyncadd.s32 $0xFFFFC000  }
0x37: {  	[tilespmem:s2], [sflag:$0x2] =	stream.linear.gather [hbm4b:s4+s2], $0x80, $0x38;
	[tilespmem:$0x4080] =	vst v63  }
0x38: {  	_ =	swait.ge [sflag:s3], $0x80  }
0x39: {  	[sflag:s3] =	ssyncset.done $0x0  }
0x3a: {  	[sflag:s3] =	ssyncadd.s32 $0xFFFFFF80  }
0x3b: {  	[tilespmem:s6], [sflag:$0x1] =	stream.indirect.gather [hbm4b:s5+s6], $0x80, s2, s6, $0xb8;
	[tilespmem:$0x4080] =	vst v63  }
0x3c: {  	_ =	swait.ge [sflag:s7], $0x4000  }
0x3d: {  	[sflag:s7] =	ssyncset.done $0x0  }
0x3e: {  	[sflag:s7] =	ssyncadd.s32 $0xFFFFC000  }
0x3f: {  	[hbm4b:s8+s2] =	stream.linear.scatter [tilespmem:s6], [sflag:$0x2], $0x4000, $0x38;
	[tilespmem:$0x4080] =	vst v63  }
0x40: {  	_ =	swait.ge [sflag:s3], $0x4000  }
0x41: {  	[sflag:s3] =	ssyncset.done $0x0  }
0x42: {  	[sflag:s3] =	ssyncadd.s32 $0xFFFFC000  }
0x43: {  	[tilespmem:s2], [sflag:$0x2] =	stream.linear.gather [hbm4b:s9+s2], $0x80, $0x38;
	[tilespmem:$0x4080] =	vst v63  }
0x44: {  	_ =	swait.ge [sflag:s3], $0x80  }
0x45: {  	[sflag:s3] =	ssyncset.done $0x0  }
0x46: {  	[sflag:s3] =	ssyncadd.s32 $0xFFFFFF80  }
0x47: {  	[tilespmem:s6], [sflag:$0x1] =	stream.indirect.gather [hbm4b:s5+s6], $0x80, s2, s6, $0xb8;
	[tilespmem:$0x4080] =	vst v63  }
0x48: {  	_ =	swait.ge [sflag:s7], $0x4000  }
0x49: {  	[sflag:s7] =	ssyncset.done $0x0  }
0x4a: {  	[sflag:s7] =	ssyncadd.s32 $0xFFFFC000  }
0x4b: {  	[hbm4b:s10+s2] =	stream.linear.scatter [tilespmem:s6], [sflag:$0x2], $0x4000, $0x38;
	[tilespmem:$0x4080] =	vst v63  }
0x4c: {  	_ =	swait.ge [sflag:s3], $0x4000  }
0x4d: {  	[sflag:s3] =	ssyncset.done $0x0  }
0x4e: {  	[sflag:s3] =	ssyncadd.s32 $0xFFFFC000  }
0x4f: {  	[tilespmem:s2], [sflag:$0x2] =	stream.linear.gather [hbm4b:s11+s2], $0x80, $0x38;
	[tilespmem:$0x4080] =	vst v63  }
0x50: {  	_ =	swait.ge [sflag:s3], $0x80  }
0x51: {  	[sflag:s3] =	ssyncset.done $0x0  }
0x52: {  	[sflag:s3] =	ssyncadd.s32 $0xFFFFFF80  }
0x53: {  	[tilespmem:s6], [sflag:$0x1] =	stream.indirect.gather [hbm4b:s5+s6], $0x80, s2, s6, $0xb8;
	[tilespmem:$0x4080] =	vst v63  }
0x54: {  	_ =	swait.ge [sflag:s7], $0x4000  }
0x55: {  	[sflag:s7] =	ssyncset.done $0x0  }
0x56: {  	[sflag:s7] =	ssyncadd.s32 $0xFFFFC000  }
0x57: {  	[hbm4b:s12+s2] =	stream.linear.scatter [tilespmem:s6], [sflag:$0x2], $0x4000, $0x38;
	[tilespmem:$0x4080] =	vst v63  }
0x58: {  	_ =	swait.ge [sflag:s3], $0x4000  }
0x59: {  	[sflag:s3] =	ssyncset.done $0x0  }
0x5a: {  	[sflag:s3] =	ssyncadd.s32 $0xFFFFC000  }
0x5b: {  	[tilespmem:s2], [sflag:$0x2] =	stream.linear.gather [hbm4b:s13+s2], $0x80, $0x38;
	[tilespmem:$0x4080] =	vst v63  }
0x5c: {  	_ =	swait.ge [sflag:s3], $0x80  }
0x5d: {  	[sflag:s3] =	ssyncset.done $0x0  }
0x5e: {  	[sflag:s3] =	ssyncadd.s32 $0xFFFFFF80  }
0x5f: {  	[tilespmem:s6], [sflag:$0x1] =	stream.indirect.gather [hbm4b:s5+s6], $0x80, s2, s6, $0xb8;
	[tilespmem:$0x4080] =	vst v63  }
0x60: {  	_ =	swait.ge [sflag:s7], $0x4000  }
.Ltmp1:
0x61: {  	[sflag:s7] =	ssyncset.done $0x0;
	(pc) =	sbr.rel @p0 .LBB2_1-.Ltmp1, $4  }
0x62: {  	[sflag:s7] =	ssyncadd.s32 $0xFFFFC000  }
0x63: {  	[hbm4b:s14+s2] =	stream.linear.scatter [tilespmem:s6], [sflag:$0x2], $0x4000, $0x38;
	[tilespmem:$0x4080] =	vst v63  }
0x64: {  	_ =	swait.ge [sflag:s3], $0x4000  }
0x65: {  	[sflag:s3] =	ssyncset.done $0x0  }
.LBB2_2:
0x66: {  	[sflag:s3] =	ssyncadd.s32 $0xFFFFC000  }
0x67: {  	_ =	sfence.sel $0x180000  }
0x68: {  	[bflag:$0x0] =	sbarrier.arrive $0xFFFF  }
0x69: {  	p0 =	sne.s32 s0, $0x0;
	_ =	strace $0x90000053  }
0x6a: {  	s0 =	sadd.s32 @!p0 $0x100000, s1;
	[bflag:$0x2] =	sbarrier.arrive $0xFFFF  }
0x6b: {  	[sflag:s0] =	ssyncadd.tile.s32 @!p0 $0x1;
	_ =	shalt  }
.Lfunc_end2:
_tile_overlayer_lowered:
.L_overlay_start_2:
0x6c: {  	(tag) =	ssettag $0x2  }
0x6d: {  	s0 =	rddreg [dreg:$0x0];
	s2 =	stileid.u32  }
0x6e: {  	s1 =	rddreg [dreg:$0x1];
	p0 =	sne.s32 s2, $0x0  }
0x6f: {  	s3 =	rddreg [dreg:$0x2];
	[bflag:$0x3] =	sbarrier.arrive $0xFFFF;
	s2 =	simm.s32 @!p0 $0x1C02  }
0x70: {  	[timem:s3], [sflag:s2] =	dma.local @!p0 [hbm:s0], s1  }
0x71: {  	s0 =	simm.s32 @!p0 $0x2  }
0x72: {  	_ =	swait.ge @!p0 [sflag:s0], s1  }
0x73: {  	s1 =	ssub.s32 @!p0 $0x0, s1;
	[sflag:s0] =	ssyncset.done @!p0 $0x0  }
0x74: {  	[sflag:s0] =	ssyncadd.s32 @!p0 s1  }
0x75: {  	[bflag:$0x3] =	sbarrier.arrive $0xFFFF  }
0x76: {  	_ =	shalt  }

// kernel: sc_qgather.7.cloned.1.call-start
scs
__scs_entry_jumppad:
0x0: {  	(pc) =	sbr.rel $0x88, $3  }
0x1: {  	(tag) =	ssettag $0x0;
	lr =	simm.s32 $0x1  }
0x2: {  	[smem:$0x3F8B] =	sst lr;
	_ =	strace $0xD0000000  }
0x3: {  	_ = 	snop  }
0x4: {  	_ = 	snop  }
0x5: {  	_ = 	snop  }
0x6: {  	_ = 	snop  }
0x7: {  	_ = 	snop  }
__scs_overlays_trampoline_lowered:
0x8: {  	[smem:$0x3F9A] =	sst s0  }
0x9: {  	[smem:$0x3F9B] =	sst s1  }
0xa: {  	[smem:$0x3F9C] =	sst s2  }
0xb: {  	[smem:$0x3F9D] =	sst s3  }
0xc: {  	[smem:$0x3F9E] =	sst s4  }
0xd: {  	[smem:$0x3F9F] =	sst s5  }
0xe: {  	[smem:$0x3FA0] =	sst s6  }
0xf: {  	[smem:$0x3FA1] =	sst s7  }
0x10: {  	[smem:$0x3FA2] =	sst s8  }
0x11: {  	[smem:$0x3FA3] =	sst s9;
	s0 =	simm.s32 @!p0 $0x0  }
0x12: {  	s1 =	sld [smem:$0x3F89];
	s0 =	simm.s32 @p0 $0x1  }
0x13: {  	[smem:$0x3FA4] =	sst s0;
	s0 =	simm.s32 @!p1 $0x0  }
0x14: {  	s2 =	sld [smem:$0x3F88];
	s0 =	simm.s32 @p1 $0x1  }
0x15: {  	[smem:$0x3FA5] =	sst s0;
	s0 =	simm.s32 @!p2 $0x0  }
0x16: {  	s3 =	sld [smem:$0x3FDB];
	s0 =	simm.s32 @p2 $0x1  }
0x17: {  	s4 =	simm.s32 $0x1BF5;
	[smem:$0x3FA7] =	sst s0  }
0x18: {  	s0 =	sld [smem:$0x3F8A];
	_ =	swait.ge [sflag:s4], $0x0  }
0x19: {  	s7 =	sld [smem:$0x3F8B]  }
0x1a: {  	s8 =	sadd.s32 $0xFFFFE003, lr  }
0x1b: {  	s9 =	sadd.s32 $0xFFFFFEF7, lr;
	s5 =	simm.s32 $0xFFFFFFFF;
	p2 =	slt.u32 s8, $0xFFFFF086  }
0x1c: {  	p1 =	slt.u32 s9, $0xF7A;
	s5 =	simm.s32 @!p2 $0x0  }
0x1d: {  	s5 =	simm.s32 @p1 $0x1;
	p0 =	seq.s32 s7, s2  }
0x1e: {  	s7 =	smul.u32 @!p0 $0xF7A, s2;
	p2 =	seq.s32 @!p0 s5, $0x0  }
0x1f: {  	s9 =	smul.u32 $0xF7A, s1;
	s8 =	simm.s32 @!p0 $0x1BF5;
	p2 =	por !p2, p0  }
0x20: {  	[sflag:s8] =	ssyncset.s32 @!p0 $0xFFFFF086;
	s6 =	sadd.s32 @!p0 s3, s7;
	s7 =	simm.s32 @!p0 $0x108  }
0x21: {  	s3 =	sadd.s32 s3, s9;
	s6 =	sadd.s32 @!p0 $0x88, s6;
	s7 =	simm.s32 @p2 $0x1082  }
0x22: {  	[simem:s7], [sflag:s8] =	dma.local @!p0 [hbm:s6], $0xF7A  }
0x23: {  	s9 =	sor.u32 $0xD0000000, s2;
	s6 =	simm.s32 $0x108;
	_ =	swait.ge @!p0 [sflag:s8], $0x0  }
0x24: {  	s3 =	sadd.s32 $0x88, s3;
	s6 =	simm.s32 @!p1 $0x1082;
	[sflag:s4] =	ssyncset.s32 $0xFFFFF086  }
0x25: {  	[simem:s6], [sflag:s4] =	dma.local [hbm:s3], $0xF7A  }
0x26: {  	[smem:$0x3F8B] =	sst s1;
	(tag) =	ssettag s2;
	_ =	strace s9  }
0x27: {  	s1 =	sld [smem:$0x3F9B]  }
0x28: {  	s2 =	sld [smem:$0x3F9C]  }
0x29: {  	s4 =	sld [smem:$0x3F9E]  }
0x2a: {  	p0 =	seq.s32 s5, $0x0;
	s5 =	sld [smem:$0x3F9F]  }
0x2b: {  	s6 =	sld [smem:$0x3FA0]  }
0x2c: {  	s7 =	sld [smem:$0x3FA1]  }
0x2d: {  	s3 =	simm.s32 $0x108;
	s8 =	sld [smem:$0x3FA2]  }
0x2e: {  	s3 =	simm.s32 @!p0 $0x1082;
	s9 =	sld [smem:$0x3FA3]  }
0x2f: {  	lr =	sadd.s32 s0, s3;
	s0 =	sld [smem:$0x3F9A]  }
0x30: {  	s3 =	sld [smem:$0x3F9D]  }
0x31: {  	[smem:$0x3FA6] =	sst s10  }
0x32: {  	s10 =	sld [smem:$0x3FA4];
	_ =	sdelay $0x3  }
0x33: {  	p0 =	seq.s32 s10, $0x1;
	s10 =	sld [smem:$0x3FA6];
	_ =	sdelay $0x3  }
0x34: {  	[smem:$0x3FA6] =	sst s10  }
0x35: {  	s10 =	sld [smem:$0x3FA5];
	_ =	sdelay $0x3  }
0x36: {  	p1 =	seq.s32 s10, $0x1;
	s10 =	sld [smem:$0x3FA6];
	_ =	sdelay $0x3  }
0x37: {  	[smem:$0x3FA6] =	sst s10  }
0x38: {  	s10 =	sld [smem:$0x3FA7]  }
0x39: {  	_ = 	snop;
	(pc) =	sbr.ind lr, $3  }
0x3a: {  	_ = 	snop  }
0x3b: {  	_ = 	snop  }
0x3c: {  	p2 =	seq.s32 s10, $0x1;
	s10 =	sld [smem:$0x3FA6]  }
0x3d: {  	_ =	shalt  }
0x3e: {  	_ =	shalt  }
0x3f: {  	_ =	shalt  }
0x40: {  	_ =	shalt  }
0x41: {  	_ =	shalt  }
0x42: {  	_ =	shalt  }
0x43: {  	_ =	shalt  }
0x44: {  	_ =	shalt  }
0x45: {  	_ =	shalt  }
0x46: {  	_ =	shalt  }
0x47: {  	_ =	shalt  }
0x48: {  	_ =	shalt  }
0x49: {  	_ =	shalt  }
0x4a: {  	_ =	shalt  }
0x4b: {  	_ =	shalt  }
0x4c: {  	_ =	shalt  }
0x4d: {  	_ =	shalt  }
0x4e: {  	_ =	shalt  }
0x4f: {  	_ =	shalt  }
0x50: {  	_ =	shalt  }
0x51: {  	_ =	shalt  }
0x52: {  	_ =	shalt  }
0x53: {  	_ =	shalt  }
0x54: {  	_ =	shalt  }
0x55: {  	_ =	shalt  }
0x56: {  	_ =	shalt  }
0x57: {  	_ =	shalt  }
0x58: {  	_ =	shalt  }
0x59: {  	_ =	shalt  }
0x5a: {  	_ =	shalt  }
0x5b: {  	_ =	shalt  }
0x5c: {  	_ =	shalt  }
0x5d: {  	_ =	shalt  }
0x5e: {  	_ =	shalt  }
0x5f: {  	_ =	shalt  }
0x60: {  	_ =	shalt  }
0x61: {  	_ =	shalt  }
0x62: {  	_ =	shalt  }
0x63: {  	_ =	shalt  }
0x64: {  	_ =	shalt  }
0x65: {  	_ =	shalt  }
0x66: {  	_ =	shalt  }
0x67: {  	_ =	shalt  }
0x68: {  	_ =	shalt  }
0x69: {  	_ =	shalt  }
0x6a: {  	_ =	shalt  }
0x6b: {  	_ =	shalt  }
0x6c: {  	_ =	shalt  }
0x6d: {  	_ =	shalt  }
0x6e: {  	_ =	shalt  }
0x6f: {  	_ =	shalt  }
0x70: {  	_ =	shalt  }
0x71: {  	_ =	shalt  }
0x72: {  	_ =	shalt  }
0x73: {  	_ =	shalt  }
0x74: {  	_ =	shalt  }
0x75: {  	_ =	shalt  }
0x76: {  	_ =	shalt  }
0x77: {  	_ =	shalt  }
0x78: {  	_ =	shalt  }
0x79: {  	_ =	shalt  }
0x7a: {  	_ =	shalt  }
0x7b: {  	_ =	shalt  }
0x7c: {  	_ =	shalt  }
0x7d: {  	_ =	shalt  }
0x7e: {  	_ =	shalt  }
0x7f: {  	_ =	shalt  }
0x80: {  	_ =	shalt  }
0x81: {  	_ =	shalt  }
0x82: {  	_ =	shalt  }
0x83: {  	_ =	shalt  }
0x84: {  	_ =	shalt  }
0x85: {  	_ =	shalt  }
0x86: {  	_ =	shalt  }
0x87: {  	_ =	shalt  }
.Lfunc_end0:
.L_simem_size_0:
called_computation.5_lowered:
.L_overlay_start_0:
0x88: {  	s2 =	sld [smem:$0x3FD9]  }
0x89: {  	s3 =	sld [smem:$0x3FFE];
	_ =	sdelay $0x1  }
0x8a: {  	s1 =	srdreg.scid  }
0x8b: {  	s0 =	sand.u32 $0x1, s1  }
0x8c: {  	s17 =	sshll.u32 s0, $0xA;
	s2 =	sadd.s32 s3, s2  }
0x8d: {  	s2 =	sadd.s32 s2, s17  }
0x8e: {  	[smem:$0x3FB2] =	sst s2  }
0x8f: {  	_ = 	snop  }
0x90: {  	(tm) =	ssettm $0x1  }
0x91: {  	s18 =	sld [smem:$0x3FFB];
	_ =	sdelay $0x3  }
0x92: {  	_ =	strace s18  }
0x93: {  	s2 =	sld [smem:$0x3FFC];
	_ =	sdelay $0x3  }
0x94: {  	_ =	strace s2  }
0x95: {  	s2 =	sld [smem:$0x3FFD];
	_ =	sdelay $0x3  }
0x96: {  	_ =	strace s2  }
0x97: {  	_ =	strace $0x8FFFFFFF  }
0x98: {  	s19 =	sld [smem:$0x3FDB];
	_ =	sdelay $0x1  }
0x99: {  	s20 =	simm.s32 $_scs_section_size  }
0x9a: {  	s4 =	simm.s32 $_size__tile_overlayer_lowered;
	s5 =	simm.s32 $_tile_overlayer_lowered  }
0x9b: {  	s6 =	simm.s32 $0x1BFF;
	s21 =	sshll.u32 s5, $0x1;
	s3 =	sadd.s32 s20, s19  }
0x9c: {  	s22 =	simm.s32 $0x0;
	s4 =	sshll.u32 s4, $0x1;
	s5 =	sadd.s32 s21, s3  }
0x9d: {  	[timem:s22], [sflag:s6] =	dma.local [hbm:s5], s4  }
0x9e: {  	_ =	swait.ge [sflag:s6], s4  }
0x9f: {  	s4 =	ssub.s32 $0x0, s4;
	[sflag:s6] =	ssyncset.done $0x0  }
0xa0: {  	[sflag:s6] =	ssyncadd.s32 s4;
	_ =	sdelay $0x1  }
0xa1: {  	s23 =	simm.s32 $0x1B8B  }
0xa2: {  	_ =	swait.ge [sflag:s23], $0x1  }
0xa3: {  	[sflag:s23] =	ssyncset.done $0x0  }
0xa4: {  	[sflag:s23] =	ssyncadd.s32 $0xFFFFFFFF  }
0xa5: {  	s4 =	sld [smem:$0x0]  }
0xa6: {  	s5 =	sand.u32 $0xFFFFFFFE, s1  }
0xa7: {  	p0 =	sne.s32 s1, s5  }
0xa8: {  	s5 =	sshll.u32 @p0 s5, $0xE  }
0xa9: {  	s5 =	sadd.s32 @p0 $0x11B8D, s5;
	s6 =	sshll.u32 @p0 s4, $0x11  }
0xaa: {  	s5 =	sor.u32 @p0 s6, s5  }
0xab: {  	[sflag:s5] =	ssyncadd.remote.s32 @p0 $0x1;
	_ =	sdelay $0x1  }
0xac: {  	s5 =	simm.s32 @p0 $0x1B8D  }
0xad: {  	_ =	swait.eq @p0 [sflag:s5], $0x1  }
0xae: {  	[sflag:s5] =	ssyncadd.s32 @p0 $0xFFFFFFFF  }
0xaf: {  	s6 =	sshll.u32 @!p0 s1, $0xE  }
0xb0: {  	s6 =	sor.u32 @!p0 $0x4000, s6;
	s5 =	simm.s32 @!p0 $0x1B8D  }
0xb1: {  	s4 =	sshll.u32 @!p0 s4, $0x11;
	s6 =	sadd.s32 @!p0 $0x11B8D, s6;
	_ =	swait.eq @!p0 [sflag:s5], $0x1  }
0xb2: {  	s4 =	sor.u32 @!p0 s4, s6;
	[sflag:s5] =	ssyncadd.s32 @!p0 $0xFFFFFFFF  }
0xb3: {  	s25 =	simm.s32 $0x1B8E;
	s24 =	sld [smem:$0x3FFE];
	[sflag:s4] =	ssyncadd.remote.s32 @!p0 $0x1  }
0xb4: {  	s26 =	simm.s32 $execute0_lowered;
	[smem:$0x3FD2] =	sst s25  }
0xb5: {  	s5 =	sshll.u32 s26, $0x1;
	_ =	strace $0x80000055;
	[dreg:$0x1] =	wrdreg $0xFFFFFFFF  }
0xb6: {  	s28 =	simm.s32 $_size_execute0_lowered;
	s3 =	sadd.s32 s3, s5;
	[dreg:$0x0] =	wrdreg $0x0  }
0xb7: {  	s5 =	sshll.u32 s28, $0x1;
	[dreg:$0x2] =	wrdreg s3  }
0xb8: {  	[dreg:$0x3] =	wrdreg s5  }
0xb9: {  	[dreg:$0x4] =	wrdreg $0xC0  }
0xba: {  	_ =	task [dreg:s22], $0x5FFFF  }
0xbb: {  	[dreg:$0x1] =	wrdreg $0xFFFFFFFF  }
0xbc: {  	[dreg:$0x0] =	wrdreg $0x60  }
0xbd: {  	[dreg:$0x2] =	wrdreg s24  }
0xbe: {  	[dreg:$0x3] =	wrdreg $0xA  }
0xbf: {  	_ =	task.clear_ibuf [dreg:s22], $0x4FFFF;
	_ =	strace $0x90000055  }
0xc0: {  	s29 =	simm.s32 $0xA;
	_ =	strace $0x80000057  }
0xc1: {  	_ =	swait.ge [sflag:s29], $0x1  }
0xc2: {  	[sflag:s29] =	ssyncadd.s32 $0xFFFFFFFF  }
0xc3: {  	_ =	strace $0x90000057  }
0xc4: {  	_ =	sfence  }
0xc5: {  	s30 =	sld [smem:$0x0];
	_ =	sdelay $0x2  }
0xc6: {  	s31 =	sshll.u32 s1, $0xD;
	s1 =	sshrl.u32 s1, $0x2  }
0xc7: {  	s4 =	sand.u32 $0x4000, s31;
	s1 =	sadd.s32 s1, s30  }
0xc8: {  	s0 =	sor.u32 s4, s0;
	s1 =	sshll.u32 s1, $0x11  }
0xc9: {  	s0 =	sor.u32 s1, s0  }
0xca: {  	s0 =	sadd.s32 $0x8F2B, s0  }
0xcb: {  	[sflag:s0] =	ssyncadd.remote.s32 $0x1  }
0xcc: {  	_ =	sfence.sel $0xFFFF  }
0xcd: {  	[dreg:$0x0] =	wrdreg $0xFFFFFFFF;
	(pc) =	sbr.abs _section_cstart, $3  }
0xce: {  	[dreg:$0x1] =	wrdreg $0xFFFFFFFF  }
0xcf: {  	_ =	task.clear_ibuf [dreg:s22], $0x2FFFF;
	_ =	strace $0x9FFFFFFF  }
0xd0: {  	(tm) =	ssettm $0x7FFFFFFF  }
0xd1: {  	_ =	shalt  }
tec
execute0_lowered:
.L_overlay_start_1:
0x0: {  	(tag) =	ssettag $0x1  }
0x1: {  	s1 =	srdreg.scid  }
0x2: {  	s0 =	stileid.u32;
	s14 =	sand.u32 $0x1, s1  }
0x3: {  	s12 =	rddreg [dreg:$0x0];
	s3 =	sshll.u32 s0, $0x9;
	s4 =	sshll.u32 s14, $0x8  }
0x4: {  	s2 =	simm.s32 $0x0;
	s1 =	rddreg [dreg:$0x1];
	s9 =	sor.u32 s4, s3  }
0x5: {  	[smem:$0x7FF] =	sst s2;
	s10 =	sadd.s32 $0xD7A00, s12;
	s11 =	sshrl.u32 s9, $0x3  }
0x6: {  	_ =	strace $0x80000056;
	s3 =	simm.s32 $0x2;
	s4 =	sadd.s32 s10, s11  }
0x7: {  	[tilespmem:s2], [sflag:$0x2] =	stream.linear.gather [hbm4b:s4+s2], $0x80, $0x38;
	[tilespmem:$0x4080] =	vst v63  }
0x8: {  	_ =	swait.ge [sflag:s3], $0x80  }
0x9: {  	s6 =	simm.s32 $0x80;
	[sflag:s3] =	ssyncset.done $0x0  }
0xa: {  	s7 =	simm.s32 $0x1;
	s5 =	sadd.s32 $0x87600, s12;
	[sflag:s3] =	ssyncadd.s32 $0xFFFFFF80  }
0xb: {  	[tilespmem:s6], [sflag:$0x1] =	stream.indirect.gather [hbm4b:s5+s6], $0x80, s2, s6, $0xb8;
	[tilespmem:$0x4080] =	vst v63  }
0xc: {  	_ =	swait.ge [sflag:s7], $0x4000  }
0xd: {  	s13 =	sadd.s32 $0x25C00, s12;
	s15 =	sshll.u32 s9, $0x4;
	[sflag:s7] =	ssyncset.done $0x0  }
0xe: {  	s8 =	sadd.s32 s13, s15;
	[sflag:s7] =	ssyncadd.s32 $0xFFFFC000  }
0xf: {  	[hbm4b:s8+s2] =	stream.linear.scatter [tilespmem:s6], [sflag:$0x2], $0x4000, $0x38;
	[tilespmem:$0x4080] =	vst v63  }
0x10: {  	s16 =	sor.u32 $0x80, s9;
	_ =	swait.ge [sflag:s3], $0x4000  }
0x11: {  	s17 =	sshrl.u32 s16, $0x3;
	[sflag:s3] =	ssyncset.done $0x0  }
0x12: {  	s9 =	sadd.s32 s10, s17;
	[sflag:s3] =	ssyncadd.s32 $0xFFFFC000  }
0x13: {  	[tilespmem:s2], [sflag:$0x2] =	stream.linear.gather [hbm4b:s9+s2], $0x80, $0x38;
	[tilespmem:$0x4080] =	vst v63  }
0x14: {  	_ =	swait.ge [sflag:s3], $0x80  }
0x15: {  	[sflag:s3] =	ssyncset.done $0x0  }
0x16: {  	[sflag:s3] =	ssyncadd.s32 $0xFFFFFF80  }
0x17: {  	[tilespmem:s6], [sflag:$0x1] =	stream.indirect.gather [hbm4b:s5+s6], $0x80, s2, s6, $0xb8;
	[tilespmem:$0x4080] =	vst v63  }
0x18: {  	_ =	swait.ge [sflag:s7], $0x4000  }
0x19: {  	s16 =	sshll.u32 s16, $0x4;
	[sflag:s7] =	ssyncset.done $0x0  }
0x1a: {  	s10 =	sadd.s32 s13, s16;
	[sflag:s7] =	ssyncadd.s32 $0xFFFFC000  }
0x1b: {  	[hbm4b:s10+s2] =	stream.linear.scatter [tilespmem:s6], [sflag:$0x2], $0x4000, $0x38;
	[tilespmem:$0x4080] =	vst v63  }
0x1c: {  	_ =	swait.ge [sflag:s3], $0x4000  }
0x1d: {  	s30 =	sadd.s32 $0xD7600, s12;
	[sflag:s3] =	ssyncset.done $0x0  }
0x1e: {  	s11 =	sadd.s32 s30, s11;
	[sflag:s3] =	ssyncadd.s32 $0xFFFFC000  }
0x1f: {  	[tilespmem:s2], [sflag:$0x2] =	stream.linear.gather [hbm4b:s11+s2], $0x80, $0x38;
	[tilespmem:$0x4080] =	vst v63  }
0x20: {  	_ =	swait.ge [sflag:s3], $0x80  }
0x21: {  	[sflag:s3] =	ssyncset.done $0x0  }
0x22: {  	[sflag:s3] =	ssyncadd.s32 $0xFFFFFF80  }
0x23: {  	[tilespmem:s6], [sflag:$0x1] =	stream.indirect.gather [hbm4b:s5+s6], $0x80, s2, s6, $0xb8;
	[tilespmem:$0x4080] =	vst v63  }
0x24: {  	_ =	swait.ge [sflag:s7], $0x4000  }
0x25: {  	s18 =	sadd.s32 $0x45C00, s12;
	[sflag:s7] =	ssyncset.done $0x0  }
0x26: {  	s12 =	sadd.s32 s18, s15;
	[sflag:s7] =	ssyncadd.s32 $0xFFFFC000  }
0x27: {  	[hbm4b:s12+s2] =	stream.linear.scatter [tilespmem:s6], [sflag:$0x2], $0x4000, $0x38;
	[tilespmem:$0x4080] =	vst v63  }
0x28: {  	_ =	swait.ge [sflag:s3], $0x4000  }
0x29: {  	[sflag:s3] =	ssyncset.done $0x0  }
0x2a: {  	s14 =	ssub.s32 $0x2, s14;
	s13 =	sadd.s32 s30, s17;
	[sflag:s3] =	ssyncadd.s32 $0xFFFFC000  }
0x2b: {  	[tilespmem:s2], [sflag:$0x2] =	stream.linear.gather [hbm4b:s13+s2], $0x80, $0x38;
	[tilespmem:$0x4080] =	vst v63  }
0x2c: {  	s31 =	sshrl.u32 s14, $0x1;
	_ =	swait.ge [sflag:s3], $0x80  }
0x2d: {  	s15 =	ssub.s32 s14, s31;
	[sflag:s3] =	ssyncset.done $0x0  }
0x2e: {  	s15 =	smax.u32 s15, $0x1;
	[sflag:s3] =	ssyncadd.s32 $0xFFFFFF80  }
0x2f: {  	[tilespmem:s6], [sflag:$0x1] =	stream.indirect.gather [hbm4b:s5+s6], $0x80, s2, s6, $0xb8;
	[tilespmem:$0x4080] =	vst v63  }
0x30: {  	p0 =	sne.s32 s15, $0x1;
	_ =	swait.ge [sflag:s7], $0x4000  }
.Ltmp0:
0x31: {  	[sflag:s7] =	ssyncset.done $0x0;
	(pc) =	sbr.rel @!p0 .LBB2_2-.Ltmp0, $4  }
0x32: {  	s14 =	sadd.s32 s18, s16;
	[sflag:s7] =	ssyncadd.s32 $0xFFFFC000  }
0x33: {  	[hbm4b:s14+s2] =	stream.linear.scatter [tilespmem:s6], [sflag:$0x2], $0x4000, $0x38;
	[tilespmem:$0x4080] =	vst v63  }
0x34: {  	_ =	swait.ge [sflag:s3], $0x4000  }
0x35: {  	s15 =	sadd.s32 $0xFFFFFFFF, s15;
	[sflag:s3] =	ssyncset.done $0x0  }
.LBB2_1:
0x36: {  	p0 =	sne.s32 s15, $0x1;
	s15 =	sadd.s32 $0xFFFFFFFF, s15;
	[sflag:s3] =	ssyncadd.s32 $0xFFFFC000  }
0x37: {  	[tilespmem:s2], [sflag:$0x2] =	stream.linear.gather [hbm4b:s4+s2], $0x80, $0x38;
	[tilespmem:$0x4080] =	vst v63  }
0x38: {  	_ =	swait.ge [sflag:s3], $0x80  }
0x39: {  	[sflag:s3] =	ssyncset.done $0x0  }
0x3a: {  	[sflag:s3] =	ssyncadd.s32 $0xFFFFFF80  }
0x3b: {  	[tilespmem:s6], [sflag:$0x1] =	stream.indirect.gather [hbm4b:s5+s6], $0x80, s2, s6, $0xb8;
	[tilespmem:$0x4080] =	vst v63  }
0x3c: {  	_ =	swait.ge [sflag:s7], $0x4000  }
0x3d: {  	[sflag:s7] =	ssyncset.done $0x0  }
0x3e: {  	[sflag:s7] =	ssyncadd.s32 $0xFFFFC000  }
0x3f: {  	[hbm4b:s8+s2] =	stream.linear.scatter [tilespmem:s6], [sflag:$0x2], $0x4000, $0x38;
	[tilespmem:$0x4080] =	vst v63  }
0x40: {  	_ =	swait.ge [sflag:s3], $0x4000  }
0x41: {  	[sflag:s3] =	ssyncset.done $0x0  }
0x42: {  	[sflag:s3] =	ssyncadd.s32 $0xFFFFC000  }
0x43: {  	[tilespmem:s2], [sflag:$0x2] =	stream.linear.gather [hbm4b:s9+s2], $0x80, $0x38;
	[tilespmem:$0x4080] =	vst v63  }
0x44: {  	_ =	swait.ge [sflag:s3], $0x80  }
0x45: {  	[sflag:s3] =	ssyncset.done $0x0  }
0x46: {  	[sflag:s3] =	ssyncadd.s32 $0xFFFFFF80  }
0x47: {  	[tilespmem:s6], [sflag:$0x1] =	stream.indirect.gather [hbm4b:s5+s6], $0x80, s2, s6, $0xb8;
	[tilespmem:$0x4080] =	vst v63  }
0x48: {  	_ =	swait.ge [sflag:s7], $0x4000  }
0x49: {  	[sflag:s7] =	ssyncset.done $0x0  }
0x4a: {  	[sflag:s7] =	ssyncadd.s32 $0xFFFFC000  }
0x4b: {  	[hbm4b:s10+s2] =	stream.linear.scatter [tilespmem:s6], [sflag:$0x2], $0x4000, $0x38;
	[tilespmem:$0x4080] =	vst v63  }
0x4c: {  	_ =	swait.ge [sflag:s3], $0x4000  }
0x4d: {  	[sflag:s3] =	ssyncset.done $0x0  }
0x4e: {  	[sflag:s3] =	ssyncadd.s32 $0xFFFFC000  }
0x4f: {  	[tilespmem:s2], [sflag:$0x2] =	stream.linear.gather [hbm4b:s11+s2], $0x80, $0x38;
	[tilespmem:$0x4080] =	vst v63  }
0x50: {  	_ =	swait.ge [sflag:s3], $0x80  }
0x51: {  	[sflag:s3] =	ssyncset.done $0x0  }
0x52: {  	[sflag:s3] =	ssyncadd.s32 $0xFFFFFF80  }
0x53: {  	[tilespmem:s6], [sflag:$0x1] =	stream.indirect.gather [hbm4b:s5+s6], $0x80, s2, s6, $0xb8;
	[tilespmem:$0x4080] =	vst v63  }
0x54: {  	_ =	swait.ge [sflag:s7], $0x4000  }
0x55: {  	[sflag:s7] =	ssyncset.done $0x0  }
0x56: {  	[sflag:s7] =	ssyncadd.s32 $0xFFFFC000  }
0x57: {  	[hbm4b:s12+s2] =	stream.linear.scatter [tilespmem:s6], [sflag:$0x2], $0x4000, $0x38;
	[tilespmem:$0x4080] =	vst v63  }
0x58: {  	_ =	swait.ge [sflag:s3], $0x4000  }
0x59: {  	[sflag:s3] =	ssyncset.done $0x0  }
0x5a: {  	[sflag:s3] =	ssyncadd.s32 $0xFFFFC000  }
0x5b: {  	[tilespmem:s2], [sflag:$0x2] =	stream.linear.gather [hbm4b:s13+s2], $0x80, $0x38;
	[tilespmem:$0x4080] =	vst v63  }
0x5c: {  	_ =	swait.ge [sflag:s3], $0x80  }
0x5d: {  	[sflag:s3] =	ssyncset.done $0x0  }
0x5e: {  	[sflag:s3] =	ssyncadd.s32 $0xFFFFFF80  }
0x5f: {  	[tilespmem:s6], [sflag:$0x1] =	stream.indirect.gather [hbm4b:s5+s6], $0x80, s2, s6, $0xb8;
	[tilespmem:$0x4080] =	vst v63  }
0x60: {  	_ =	swait.ge [sflag:s7], $0x4000  }
.Ltmp1:
0x61: {  	[sflag:s7] =	ssyncset.done $0x0;
	(pc) =	sbr.rel @p0 .LBB2_1-.Ltmp1, $4  }
0x62: {  	[sflag:s7] =	ssyncadd.s32 $0xFFFFC000  }
0x63: {  	[hbm4b:s14+s2] =	stream.linear.scatter [tilespmem:s6], [sflag:$0x2], $0x4000, $0x38;
	[tilespmem:$0x4080] =	vst v63  }
0x64: {  	_ =	swait.ge [sflag:s3], $0x4000  }
0x65: {  	[sflag:s3] =	ssyncset.done $0x0  }
.LBB2_2:
0x66: {  	[sflag:s3] =	ssyncadd.s32 $0xFFFFC000  }
0x67: {  	_ =	sfence.sel $0x180000  }
0x68: {  	[bflag:$0x0] =	sbarrier.arrive $0xFFFF  }
0x69: {  	p0 =	sne.s32 s0, $0x0;
	_ =	strace $0x90000056  }
0x6a: {  	s0 =	sadd.s32 @!p0 $0x100000, s1;
	[bflag:$0x2] =	sbarrier.arrive $0xFFFF  }
0x6b: {  	[sflag:s0] =	ssyncadd.tile.s32 @!p0 $0x1;
	_ =	shalt  }
.Lfunc_end2:
_tile_overlayer_lowered:
.L_overlay_start_2:
0x6c: {  	(tag) =	ssettag $0x2  }
0x6d: {  	s0 =	rddreg [dreg:$0x0];
	s2 =	stileid.u32  }
0x6e: {  	s1 =	rddreg [dreg:$0x1];
	p0 =	sne.s32 s2, $0x0  }
0x6f: {  	s3 =	rddreg [dreg:$0x2];
	[bflag:$0x3] =	sbarrier.arrive $0xFFFF;
	s2 =	simm.s32 @!p0 $0x1C02  }
0x70: {  	[timem:s3], [sflag:s2] =	dma.local @!p0 [hbm:s0], s1  }
0x71: {  	s0 =	simm.s32 @!p0 $0x2  }
0x72: {  	_ =	swait.ge @!p0 [sflag:s0], s1  }
0x73: {  	s1 =	ssub.s32 @!p0 $0x0, s1;
	[sflag:s0] =	ssyncset.done @!p0 $0x0  }
0x74: {  	[sflag:s0] =	ssyncadd.s32 @!p0 s1  }
0x75: {  	[bflag:$0x3] =	sbarrier.arrive $0xFFFF  }
0x76: {  	_ =	shalt  }

</sc_bundles>
